<compile_context>
chip_gen: v7x
topology: tpu7x:2x2x1
jax: 0.10.2.dev20260603
libtpu: 0.0.44.dev20260713+nightly
codegen_flags: <defaults>
</compile_context>

<pallas_src>
import functools

import jax
import jax.numpy as jnp
from jax import lax
from jax.experimental import pallas as pl
from jax.experimental.pallas import tpu as pltpu
from jax.experimental.pallas import tpu_sc as plsc

N = 50000
E = 800000
B = 64
HIDDEN = 128
G = 64
T = 3

NP = 51200
NPQ = NP // 4

_NC = 2
_NS = 16
_NW = _NC * _NS

_SC_MESH = dict(core_axis_name="c", subcore_axis_name="s")



_GCHUNK = 256
_GSUB = 128


def _gather_rows(table, idx, n_idx):
    per_w = n_idx // _NW
    n_full = per_w // _GCHUNK
    has_tail = per_w % _GCHUNK != 0

    mesh = plsc.VectorSubcoreMesh(**_SC_MESH)

    @functools.partial(
        pl.kernel,
        out_type=jax.ShapeDtypeStruct((n_idx, 2 * B), jnp.float32),
        mesh=mesh,
        scratch_types=[
            pltpu.VMEM((_GCHUNK,), jnp.int32),
            pltpu.VMEM((_GCHUNK, 2 * B), jnp.float32),
            pltpu.SemaphoreType.DMA,
        ],
    )
    def k(table_hbm, idx_hbm, out_hbm, idx_v, rows_v, sem):
        wid = lax.axis_index("s") * _NC + lax.axis_index("c")
        base_w = wid * per_w

        def do_chunk(off):
            pltpu.sync_copy(idx_hbm.at[pl.ds(off, _GCHUNK)], idx_v)
            descs = []
            for j in range(_GCHUNK // _GSUB):
                descs.append(pltpu.async_copy(
                    table_hbm.at[idx_v.at[pl.ds(j * _GSUB, _GSUB)]],
                    rows_v.at[pl.ds(j * _GSUB, _GSUB)], sem))
            for d in descs:
                d.wait()
            pltpu.sync_copy(rows_v, out_hbm.at[pl.ds(off, _GCHUNK)])

        def body(i, carry):
            do_chunk(base_w + i * _GCHUNK)
            return carry

        lax.fori_loop(0, n_full, body, 0)
        if has_tail:
            do_chunk(base_w + per_w - _GCHUNK)

    return k(table, idx)



_SCHUNK = 64
_NCH = E // _SCHUNK
_NCH_PAD = 12512
_CH_TILE = _NCH_PAD // _NS
EP = _NCH_PAD * _SCHUNK
_STCH = 80


def _scatter_add_c(m, sel, c_in):
    mesh = plsc.VectorSubcoreMesh(**_SC_MESH)

    @functools.partial(
        pl.kernel,
        out_type=jax.ShapeDtypeStruct((NP, 2 * B), jnp.float32),
        mesh=mesh,
        scratch_types=[
            pltpu.VMEM((_SCHUNK,), jnp.int32),
            pltpu.VMEM((_STCH, 2 * B), jnp.float32),
            pltpu.VMEM_SHARED((NPQ + 8, 2 * B), jnp.float32),
        ],
    )
    def k(m_hbm, sel_hbm, cin_hbm, cout_hbm, idx_v, rows_v, acc_sh):
        c = lax.axis_index("c")
        s = lax.axis_index("s")

        for p in range(2):
            qq = 2 * p + c
            node_base = qq * NPQ

            def stage_in(j, carry):
                r = (s + j * _NS) * _STCH
                pltpu.sync_copy(cin_hbm.at[pl.ds(node_base + r, _STCH)],
                                rows_v)
                pltpu.sync_copy(rows_v, acc_sh.at[pl.ds(r, _STCH)])
                return carry

            lax.fori_loop(0, 10, stage_in, 0)
            plsc.subcore_barrier()

            def body(i, carry):
                ch = s + i * _NS
                ch_m = jnp.minimum(ch, _NCH - 1)
                pltpu.sync_copy(
                    sel_hbm.at[pl.ds(qq * EP + ch * _SCHUNK, _SCHUNK)],
                    idx_v)
                pltpu.sync_copy(
                    m_hbm.at[pl.ds(ch_m * _SCHUNK, _SCHUNK)],
                    rows_v.at[pl.ds(0, _SCHUNK)])
                pltpu.sync_copy(rows_v.at[pl.ds(0, _SCHUNK)],
                                acc_sh.at[idx_v], add=True)
                return carry

            lax.fori_loop(0, _CH_TILE, body, 0)
            plsc.subcore_barrier()

            def stage_out(j, carry):
                r = (s + j * _NS) * _STCH
                pltpu.sync_copy(acc_sh.at[pl.ds(r, _STCH)], rows_v)
                pltpu.sync_copy(rows_v,
                                cout_hbm.at[pl.ds(node_base + r, _STCH)])
                return carry

            lax.fori_loop(0, 10, stage_out, 0)
            plsc.subcore_barrier()

    return k(m, sel, c_in)


def _selidx_kernel(d_ref, o_ref):
    d = d_ref[...]
    for qq in range(4):
        lo = qq * NPQ
        o_ref[qq] = jnp.where((d >= lo) & (d < lo + NPQ), d - lo, NPQ)


def _sel_indices(dst):
    d_pad = jnp.concatenate(
        [dst, jnp.full((EP - E,), NP, jnp.int32)]).reshape(EP // 128, 128)
    out = pl.pallas_call(
        _selidx_kernel,
        in_specs=[pl.BlockSpec(d_pad.shape, lambda: (0, 0))],
        out_specs=pl.BlockSpec((4,) + d_pad.shape, lambda: (0, 0, 0)),
        out_shape=jax.ShapeDtypeStruct((4,) + d_pad.shape, jnp.int32),
    )(d_pad)
    return out.reshape(4 * EP)



def _linear_kernel(x_ref, w_ref, b_ref, o_ref):
    x = x_ref[...][:, :B]
    o_ref[...] = lax.dot_general(
        x, w_ref[...], (((1,), (1,)), ((), ())),
        preferred_element_type=jnp.float32) + b_ref[...]


def _linear(x, w, b, blk):
    n = x.shape[0]
    return pl.pallas_call(
        _linear_kernel,
        grid=(n // blk,),
        in_specs=[
            pl.BlockSpec((blk, x.shape[1]), lambda i: (i, 0)),
            pl.BlockSpec(w.shape, lambda i: (0, 0)),
            pl.BlockSpec((1, b.shape[0]), lambda i: (0, 0)),
        ],
        out_specs=pl.BlockSpec((blk, w.shape[0]), lambda i: (i, 0)),
        out_shape=jax.ShapeDtypeStruct((n, w.shape[0]), jnp.float32),
    )(x, w, b.reshape(1, -1))


def _msg_kernel(g_ref, d_ref, w_ref, o_ref):
    cd = g_ref[:, :B] * d_ref[...]
    o_ref[...] = jnp.tanh(lax.dot_general(
        cd, w_ref[...], (((1,), (1,)), ((), ())),
        preferred_element_type=jnp.float32))


def _msg(g, d, fc_W128, blk=8000):
    return pl.pallas_call(
        _msg_kernel,
        grid=(E // blk,),
        in_specs=[
            pl.BlockSpec((blk, 2 * B), lambda i: (i, 0)),
            pl.BlockSpec((blk, B), lambda i: (i, 0)),
            pl.BlockSpec((2 * B, B), lambda i: (0, 0)),
        ],
        out_specs=pl.BlockSpec((blk, 2 * B), lambda i: (i, 0)),
        out_shape=jax.ShapeDtypeStruct((E, 2 * B), jnp.float32),
    )(g, d, fc_W128)


_RBLK = 400


def _readout_kernel(c_ref, batch_ref, w1_ref, b1_ref, w2_ref, b2_ref, o_ref):
    i = pl.program_id(0)
    h = jnp.tanh(lax.dot_general(
        c_ref[...][:, :B], w1_ref[...], (((1,), (1,)), ((), ())),
        preferred_element_type=jnp.float32) + b1_ref[...])
    out = lax.dot_general(
        h, w2_ref[...], (((1,), (1,)), ((), ())),
        preferred_element_type=jnp.float32) + b2_ref[...]
    seg = batch_ref[0, 0, :]
    onehot = (seg[:, None] == lax.broadcasted_iota(
        jnp.int32, (_RBLK, G), 1)).astype(jnp.float32)
    pooled = lax.dot_general(
        onehot, out, (((0,), (0,)), ((), ())),
        preferred_element_type=jnp.float32)

    @pl.when(i == 0)
    def _():
        o_ref[...] = jnp.zeros_like(o_ref)

    o_ref[...] += pooled


def _readout(c_pad, batch, w1, b1, w2, b2):
    batch3 = batch.astype(jnp.int32).reshape(N // _RBLK, 1, _RBLK)
    return pl.pallas_call(
        _readout_kernel,
        grid=(N // _RBLK,),
        in_specs=[
            pl.BlockSpec((_RBLK, 2 * B), lambda i: (i, 0)),
            pl.BlockSpec((1, 1, _RBLK), lambda i: (i, 0, 0)),
            pl.BlockSpec((HIDDEN, B), lambda i: (0, 0)),
            pl.BlockSpec((1, HIDDEN), lambda i: (0, 0)),
            pl.BlockSpec((4, HIDDEN), lambda i: (0, 0)),
            pl.BlockSpec((1, 4), lambda i: (0, 0)),
        ],
        out_specs=pl.BlockSpec((G, 4), lambda i: (0, 0)),
        out_shape=jax.ShapeDtypeStruct((G, 4), jnp.float32),
    )(c_pad, batch3, w1, b1.reshape(1, -1), w2, b2.reshape(1, -1))



def kernel(Z, edge_index, edge_attr, batch, embed, cf_W, cf_b, df_W, df_b,
           fc_W, mlp1_W, mlp1_b, mlp2_W, mlp2_b):
    src = edge_index[0].astype(jnp.int32)
    dst = edge_index[1].astype(jnp.int32)
    z_pad = jnp.concatenate(
        [Z.astype(jnp.int32), jnp.zeros((NP - N,), jnp.int32)])

    embed128 = jnp.pad(embed, ((0, 0), (0, B)))
    c = _gather_rows(embed128, z_pad, NP)

    d = _linear(edge_attr, df_W, df_b, blk=8000)

    cf_W128 = jnp.pad(cf_W, ((0, B), (0, 0)))
    cf_b128 = jnp.pad(cf_b, (0, B))
    fc_W128 = jnp.pad(fc_W, ((0, B), (0, 0)))

    sel = _sel_indices(dst)

    for _ in range(T):
        cc = _linear(c, cf_W128, cf_b128, blk=6400)
        g = _gather_rows(cc, src, E)
        m = _msg(g, d, fc_W128)
        c = _scatter_add_c(m, sel, c)

    return _readout(c, batch, mlp1_W, mlp1_b, mlp2_W, mlp2_b)

# --- scband reference (transcript-rebuilt; emitter-appended) ---
"""Pipeline reference for scband-dtnn-4587025072491 (READ-ONLY COPY).

The authoritative reference and input builder live on the scoring server;
editing this copy changes nothing except your own understanding.
"""

import jax, jax.numpy as jnp
import numpy as np

N = 50000
E = 800000
BASIS = 64
HIDDEN = 128
G = 64
T = 3


def setup_inputs(seed: int = 0) -> dict:
    key = jax.random.key(seed)
    ks = jax.random.split(key, 16)
    Z = jax.random.randint(ks[0], (N,), 0, 10)
    edge_index = jax.random.randint(ks[1], (2, E), 0, N)
    edge_attr = jax.random.normal(ks[2], (E, BASIS), dtype=jnp.float32)
    batch = jnp.sort(jax.random.randint(ks[3], (N,), 0, G))
    # learned parameters
    embed = jax.random.normal(ks[4], (10, BASIS), dtype=jnp.float32) * 0.1
    cf_W = jax.random.normal(ks[5], (BASIS, BASIS), dtype=jnp.float32) * 0.05
    cf_b = jnp.zeros((BASIS,), dtype=jnp.float32)
    df_W = jax.random.normal(ks[6], (BASIS, BASIS), dtype=jnp.float32) * 0.05
    df_b = jnp.zeros((BASIS,), dtype=jnp.float32)
    fc_W = jax.random.normal(ks[7], (BASIS, BASIS), dtype=jnp.float32) * 0.05
    mlp1_W = jax.random.normal(ks[8], (HIDDEN, BASIS), dtype=jnp.float32) * 0.05
    mlp1_b = jnp.zeros((HIDDEN,), dtype=jnp.float32)
    mlp2_W = jax.random.normal(ks[9], (4, HIDDEN), dtype=jnp.float32) * 0.05
    mlp2_b = jnp.zeros((4,), dtype=jnp.float32)
    return {
        "Z": Z, "edge_index": edge_index, "edge_attr": edge_attr, "batch": batch,
        "embed": embed, "cf_W": cf_W, "cf_b": cf_b, "df_W": df_W, "df_b": df_b,
        "fc_W": fc_W, "mlp1_W": mlp1_W, "mlp1_b": mlp1_b,
        "mlp2_W": mlp2_W, "mlp2_b": mlp2_b,
    }


def reference(Z, edge_index, edge_attr, batch, embed, cf_W, cf_b, df_W, df_b,
              fc_W, mlp1_W, mlp1_b, mlp2_W, mlp2_b):
    # DTNN forward
    C = jnp.take(embed, Z, axis=0)                      # embedding lookup [N, basis]
    src = edge_index[0]
    dst = edge_index[1]
    for _ in range(T):
        x_j = jnp.take(C, src, axis=0)                  # gather source node features [E, basis]
        c = x_j @ cf_W.T + cf_b                         # cf linear
        d = edge_attr @ df_W.T + df_b                   # df linear
        m = jnp.tanh((c * d) @ fc_W.T)                  # fc linear (no bias) + tanh
        agg = jax.ops.segment_sum(m, dst, num_segments=N)  # scatter-add to dst
        C = C + agg
    h = jnp.tanh(C @ mlp1_W.T + mlp1_b)                 # readout MLP
    out = h @ mlp2_W.T + mlp2_b                         # [N, 4]
    pooled = jax.ops.segment_sum(out, batch, num_segments=G)  # global_add_pool [G, 4]
    return pooled

if __name__ == "__main__":
    import jax
    _d = setup_inputs()
    print(jax.jit(kernel)(*tuple(_d.values())))

</pallas_src>

<mosaic_0001>
#map = affine_map<(d0, d1) -> (0, 0)>
#map1 = affine_map<(d0, d1) -> (0)>
module attributes {stable_mosaic.version = 14 : i64} {
  func.func @k(%arg0: i32, %arg1: i32, %arg2: memref<51200x128xf32, #tpu.memory_space<hbm>>, %arg3: memref<800000xi32, #tpu.memory_space<hbm>>, %arg4: memref<800000x128xf32, #tpu.memory_space<hbm>>, %arg5: memref<256xi32, #tpu.memory_space<vmem>>, %arg6: memref<256x128xf32, #tpu.memory_space<vmem>>, %arg7: memref<!tpu.dma_semaphore, #tpu.memory_space<semaphore_mem>>) attributes {dimension_semantics = [#tpu.dimension_semantics<core_parallel>, #tpu.dimension_semantics<subcore_parallel>], iteration_bounds = array<i64: 2, 16>, scalar_prefetch = 0 : i64, scratch_operands = 3 : i64, tpu.core_type = #tpu.core_type<sc_vector_subcore>, window_params = [{transform_indices = #map}, {transform_indices = #map1}, {transform_indices = #map}]} {
    %mul3A = arith.constant 2 : i32
    %mul3A_0 = arith.muli %arg1, %mul3A : i32
    %add3A = arith.addi %mul3A_0, %arg0 : i32
    %mul3A_1 = arith.constant 25000 : i32
    %mul3A_2 = arith.muli %add3A, %mul3A_1 : i32
    %scan3A = arith.constant 0 : i32
    %scan3A_3 = arith.constant 0 : i32
    %scan3A_4 = arith.constant 97 : i32
    %scan3A_5 = arith.addi %scan3A_3, %scan3A_4 : i32
    %scan3A_6 = arith.constant 1 : i32
    scf.for %scan3A_41 = %scan3A_3 to %scan3A_5 step %scan3A_6  : i32 {
      %mul3A_42 = arith.constant 256 : i32
      %mul3A_43 = arith.muli %scan3A_41, %mul3A_42 : i32
      %add3A_44 = arith.addi %mul3A_2, %mul3A_43 : i32
      "tpu.region"() ({
        %run_scoped3A = tpu.sem_alloc : memref<!tpu.dma_semaphore, #tpu.memory_space<semaphore_mem>>
        %dma_start3A_77 = tpu.memref_slice %arg3[%add3A_44] : memref<800000xi32, #tpu.memory_space<hbm>> -> memref<256xi32, #tpu.memory_space<hbm>>
        %dma_start3A_78 = tpu.memref_slice %arg3[%add3A_44] : memref<800000xi32, #tpu.memory_space<hbm>> -> memref<256xi32, #tpu.memory_space<hbm>>
        tpu.enqueue_dma source(%dma_start3A_78 : memref<256xi32, #tpu.memory_space<hbm>>) target(%arg5 : memref<256xi32, #tpu.memory_space<vmem>>) target_semaphore(%run_scoped3A : memref<!tpu.dma_semaphore, #tpu.memory_space<semaphore_mem>>)
        %dma_wait3A_79 = tpu.memref_slice %arg3[%add3A_44] : memref<800000xi32, #tpu.memory_space<hbm>> -> memref<256xi32, #tpu.memory_space<hbm>>
        %dma_wait3A_80 = tpu.memref_slice %arg3[%add3A_44] : memref<800000xi32, #tpu.memory_space<hbm>> -> memref<256xi32, #tpu.memory_space<hbm>>
        tpu.wait_dma2 semaphore(%run_scoped3A : memref<!tpu.dma_semaphore, #tpu.memory_space<semaphore_mem>>) src(%dma_wait3A_80 : memref<256xi32, #tpu.memory_space<hbm>>) dst(%arg5 : memref<256xi32, #tpu.memory_space<vmem>>)
        tpu.yield
      }) : () -> ()
      %dma_start3A_45 = arith.constant 0 : i32
      %dma_start3A_46 = arith.constant 0 : i32
      %dma_start3A_47 = tpu.memref_slice %arg6[%dma_start3A_45, %dma_start3A_46] : memref<256x128xf32, #tpu.memory_space<vmem>> -> memref<128x128xf32, #tpu.memory_space<vmem>>
      %dma_start3A_48 = arith.constant 0 : i32
      %dma_start3A_49 = tpu.memref_slice %arg5[%dma_start3A_48] : memref<256xi32, #tpu.memory_space<vmem>> -> memref<128xi32, #tpu.memory_space<vmem>>
      %dma_start3A_50 = arith.constant 0 : i32
      %dma_start3A_51 = arith.constant 0 : i32
      %dma_start3A_52 = tpu.memref_slice %arg2[%dma_start3A_50, %dma_start3A_51] : memref<51200x128xf32, #tpu.memory_space<hbm>> -> memref<51200x128xf32, #tpu.memory_space<hbm>>
      tpu.enqueue_indirect_dma source(%dma_start3A_52 : memref<51200x128xf32, #tpu.memory_space<hbm>>) target(%dma_start3A_47 : memref<128x128xf32, #tpu.memory_space<vmem>>) offsets(%dma_start3A_49 : memref<128xi32, #tpu.memory_space<vmem>>) semaphore(%arg7 : memref<!tpu.dma_semaphore, #tpu.memory_space<semaphore_mem>>)
      %dma_start3A_53 = arith.constant 128 : i32
      %dma_start3A_54 = arith.constant 0 : i32
      %dma_start3A_55 = tpu.memref_slice %arg6[%dma_start3A_53, %dma_start3A_54] : memref<256x128xf32, #tpu.memory_space<vmem>> -> memref<128x128xf32, #tpu.memory_space<vmem>>
      %dma_start3A_56 = arith.constant 128 : i32
      %dma_start3A_57 = tpu.memref_slice %arg5[%dma_start3A_56] : memref<256xi32, #tpu.memory_space<vmem>> -> memref<128xi32, #tpu.memory_space<vmem>>
      %dma_start3A_58 = arith.constant 0 : i32
      %dma_start3A_59 = arith.constant 0 : i32
      %dma_start3A_60 = tpu.memref_slice %arg2[%dma_start3A_58, %dma_start3A_59] : memref<51200x128xf32, #tpu.memory_space<hbm>> -> memref<51200x128xf32, #tpu.memory_space<hbm>>
      tpu.enqueue_indirect_dma source(%dma_start3A_60 : memref<51200x128xf32, #tpu.memory_space<hbm>>) target(%dma_start3A_55 : memref<128x128xf32, #tpu.memory_space<vmem>>) offsets(%dma_start3A_57 : memref<128xi32, #tpu.memory_space<vmem>>) semaphore(%arg7 : memref<!tpu.dma_semaphore, #tpu.memory_space<semaphore_mem>>)
      %dma_wait3A_61 = arith.constant 0 : i32
      %dma_wait3A_62 = arith.constant 0 : i32
      %dma_wait3A_63 = tpu.memref_slice %arg6[%dma_wait3A_61, %dma_wait3A_62] : memref<256x128xf32, #tpu.memory_space<vmem>> -> memref<128x128xf32, #tpu.memory_space<vmem>>
      %dma_wait3A_64 = arith.constant 0 : i32
      %dma_wait3A_65 = tpu.memref_slice %arg5[%dma_wait3A_64] : memref<256xi32, #tpu.memory_space<vmem>> -> memref<128xi32, #tpu.memory_space<vmem>>
      %dma_wait3A_66 = arith.constant 0 : i32
      %dma_wait3A_67 = arith.constant 0 : i32
      %dma_wait3A_68 = tpu.memref_slice %arg2[%dma_wait3A_66, %dma_wait3A_67] : memref<51200x128xf32, #tpu.memory_space<hbm>> -> memref<51200x128xf32, #tpu.memory_space<hbm>>
      tpu.wait_indirect_dma semaphore(%arg7 : memref<!tpu.dma_semaphore, #tpu.memory_space<semaphore_mem>>) src(%dma_wait3A_68 : memref<51200x128xf32, #tpu.memory_space<hbm>>) dst(%dma_wait3A_63 : memref<128x128xf32, #tpu.memory_space<vmem>>)
      %dma_wait3A_69 = arith.constant 128 : i32
      %dma_wait3A_70 = arith.constant 0 : i32
      %dma_wait3A_71 = tpu.memref_slice %arg6[%dma_wait3A_69, %dma_wait3A_70] : memref<256x128xf32, #tpu.memory_space<vmem>> -> memref<128x128xf32, #tpu.memory_space<vmem>>
      %dma_wait3A_72 = arith.constant 128 : i32
      %dma_wait3A_73 = tpu.memref_slice %arg5[%dma_wait3A_72] : memref<256xi32, #tpu.memory_space<vmem>> -> memref<128xi32, #tpu.memory_space<vmem>>
      %dma_wait3A_74 = arith.constant 0 : i32
      %dma_wait3A_75 = arith.constant 0 : i32
      %dma_wait3A_76 = tpu.memref_slice %arg2[%dma_wait3A_74, %dma_wait3A_75] : memref<51200x128xf32, #tpu.memory_space<hbm>> -> memref<51200x128xf32, #tpu.memory_space<hbm>>
      tpu.wait_indirect_dma semaphore(%arg7 : memref<!tpu.dma_semaphore, #tpu.memory_space<semaphore_mem>>) src(%dma_wait3A_76 : memref<51200x128xf32, #tpu.memory_space<hbm>>) dst(%dma_wait3A_71 : memref<128x128xf32, #tpu.memory_space<vmem>>)
      "tpu.region"() ({
        %run_scoped3A = tpu.sem_alloc : memref<!tpu.dma_semaphore, #tpu.memory_space<semaphore_mem>>
        %dma_start3A_77 = arith.constant 0 : i32
        %dma_start3A_78 = tpu.memref_slice %arg4[%add3A_44, %dma_start3A_77] : memref<800000x128xf32, #tpu.memory_space<hbm>> -> memref<256x128xf32, #tpu.memory_space<hbm>>
        %dma_start3A_79 = arith.constant 0 : i32
        %dma_start3A_80 = tpu.memref_slice %arg4[%add3A_44, %dma_start3A_79] : memref<800000x128xf32, #tpu.memory_space<hbm>> -> memref<256x128xf32, #tpu.memory_space<hbm>>
        tpu.enqueue_dma source(%arg6 : memref<256x128xf32, #tpu.memory_space<vmem>>) target(%dma_start3A_80 : memref<256x128xf32, #tpu.memory_space<hbm>>) target_semaphore(%run_scoped3A : memref<!tpu.dma_semaphore, #tpu.memory_space<semaphore_mem>>)
        %dma_wait3A_81 = arith.constant 0 : i32
        %dma_wait3A_82 = tpu.memref_slice %arg4[%add3A_44, %dma_wait3A_81] : memref<800000x128xf32, #tpu.memory_space<hbm>> -> memref<256x128xf32, #tpu.memory_space<hbm>>
        %dma_wait3A_83 = arith.constant 0 : i32
        %dma_wait3A_84 = tpu.memref_slice %arg4[%add3A_44, %dma_wait3A_83] : memref<800000x128xf32, #tpu.memory_space<hbm>> -> memref<256x128xf32, #tpu.memory_space<hbm>>
        tpu.wait_dma2 semaphore(%run_scoped3A : memref<!tpu.dma_semaphore, #tpu.memory_space<semaphore_mem>>) src(%arg6 : memref<256x128xf32, #tpu.memory_space<vmem>>) dst(%dma_wait3A_84 : memref<256x128xf32, #tpu.memory_space<hbm>>)
        tpu.yield
      }) : () -> ()
    }
    %scan3A_7 = arith.constant 97 : i32
    %add3A_8 = arith.constant 25000 : i32
    %add3A_9 = arith.addi %mul3A_2, %add3A_8 : i32
    %sub3A = arith.constant 256 : i32
    %sub3A_10 = arith.subi %add3A_9, %sub3A : i32
    "tpu.region"() ({
      %run_scoped3A = tpu.sem_alloc : memref<!tpu.dma_semaphore, #tpu.memory_space<semaphore_mem>>
      %dma_start3A_41 = tpu.memref_slice %arg3[%sub3A_10] : memref<800000xi32, #tpu.memory_space<hbm>> -> memref<256xi32, #tpu.memory_space<hbm>>
      %dma_start3A_42 = tpu.memref_slice %arg3[%sub3A_10] : memref<800000xi32, #tpu.memory_space<hbm>> -> memref<256xi32, #tpu.memory_space<hbm>>
      tpu.enqueue_dma source(%dma_start3A_42 : memref<256xi32, #tpu.memory_space<hbm>>) target(%arg5 : memref<256xi32, #tpu.memory_space<vmem>>) target_semaphore(%run_scoped3A : memref<!tpu.dma_semaphore, #tpu.memory_space<semaphore_mem>>)
      %dma_wait3A_43 = tpu.memref_slice %arg3[%sub3A_10] : memref<800000xi32, #tpu.memory_space<hbm>> -> memref<256xi32, #tpu.memory_space<hbm>>
      %dma_wait3A_44 = tpu.memref_slice %arg3[%sub3A_10] : memref<800000xi32, #tpu.memory_space<hbm>> -> memref<256xi32, #tpu.memory_space<hbm>>
      tpu.wait_dma2 semaphore(%run_scoped3A : memref<!tpu.dma_semaphore, #tpu.memory_space<semaphore_mem>>) src(%dma_wait3A_44 : memref<256xi32, #tpu.memory_space<hbm>>) dst(%arg5 : memref<256xi32, #tpu.memory_space<vmem>>)
      tpu.yield
    }) : () -> ()
    %dma_start3A = arith.constant 0 : i32
    %dma_start3A_11 = arith.constant 0 : i32
    %dma_start3A_12 = tpu.memref_slice %arg6[%dma_start3A, %dma_start3A_11] : memref<256x128xf32, #tpu.memory_space<vmem>> -> memref<128x128xf32, #tpu.memory_space<vmem>>
    %dma_start3A_13 = arith.constant 0 : i32
    %dma_start3A_14 = tpu.memref_slice %arg5[%dma_start3A_13] : memref<256xi32, #tpu.memory_space<vmem>> -> memref<128xi32, #tpu.memory_space<vmem>>
    %dma_start3A_15 = arith.constant 0 : i32
    %dma_start3A_16 = arith.constant 0 : i32
    %dma_start3A_17 = tpu.memref_slice %arg2[%dma_start3A_15, %dma_start3A_16] : memref<51200x128xf32, #tpu.memory_space<hbm>> -> memref<51200x128xf32, #tpu.memory_space<hbm>>
    tpu.enqueue_indirect_dma source(%dma_start3A_17 : memref<51200x128xf32, #tpu.memory_space<hbm>>) target(%dma_start3A_12 : memref<128x128xf32, #tpu.memory_space<vmem>>) offsets(%dma_start3A_14 : memref<128xi32, #tpu.memory_space<vmem>>) semaphore(%arg7 : memref<!tpu.dma_semaphore, #tpu.memory_space<semaphore_mem>>)
    %dma_start3A_18 = arith.constant 128 : i32
    %dma_start3A_19 = arith.constant 0 : i32
    %dma_start3A_20 = tpu.memref_slice %arg6[%dma_start3A_18, %dma_start3A_19] : memref<256x128xf32, #tpu.memory_space<vmem>> -> memref<128x128xf32, #tpu.memory_space<vmem>>
    %dma_start3A_21 = arith.constant 128 : i32
    %dma_start3A_22 = tpu.memref_slice %arg5[%dma_start3A_21] : memref<256xi32, #tpu.memory_space<vmem>> -> memref<128xi32, #tpu.memory_space<vmem>>
    %dma_start3A_23 = arith.constant 0 : i32
    %dma_start3A_24 = arith.constant 0 : i32
    %dma_start3A_25 = tpu.memref_slice %arg2[%dma_start3A_23, %dma_start3A_24] : memref<51200x128xf32, #tpu.memory_space<hbm>> -> memref<51200x128xf32, #tpu.memory_space<hbm>>
    tpu.enqueue_indirect_dma source(%dma_start3A_25 : memref<51200x128xf32, #tpu.memory_space<hbm>>) target(%dma_start3A_20 : memref<128x128xf32, #tpu.memory_space<vmem>>) offsets(%dma_start3A_22 : memref<128xi32, #tpu.memory_space<vmem>>) semaphore(%arg7 : memref<!tpu.dma_semaphore, #tpu.memory_space<semaphore_mem>>)
    %dma_wait3A = arith.constant 0 : i32
    %dma_wait3A_26 = arith.constant 0 : i32
    %dma_wait3A_27 = tpu.memref_slice %arg6[%dma_wait3A, %dma_wait3A_26] : memref<256x128xf32, #tpu.memory_space<vmem>> -> memref<128x128xf32, #tpu.memory_space<vmem>>
    %dma_wait3A_28 = arith.constant 0 : i32
    %dma_wait3A_29 = tpu.memref_slice %arg5[%dma_wait3A_28] : memref<256xi32, #tpu.memory_space<vmem>> -> memref<128xi32, #tpu.memory_space<vmem>>
    %dma_wait3A_30 = arith.constant 0 : i32
    %dma_wait3A_31 = arith.constant 0 : i32
    %dma_wait3A_32 = tpu.memref_slice %arg2[%dma_wait3A_30, %dma_wait3A_31] : memref<51200x128xf32, #tpu.memory_space<hbm>> -> memref<51200x128xf32, #tpu.memory_space<hbm>>
    tpu.wait_indirect_dma semaphore(%arg7 : memref<!tpu.dma_semaphore, #tpu.memory_space<semaphore_mem>>) src(%dma_wait3A_32 : memref<51200x128xf32, #tpu.memory_space<hbm>>) dst(%dma_wait3A_27 : memref<128x128xf32, #tpu.memory_space<vmem>>)
    %dma_wait3A_33 = arith.constant 128 : i32
    %dma_wait3A_34 = arith.constant 0 : i32
    %dma_wait3A_35 = tpu.memref_slice %arg6[%dma_wait3A_33, %dma_wait3A_34] : memref<256x128xf32, #tpu.memory_space<vmem>> -> memref<128x128xf32, #tpu.memory_space<vmem>>
    %dma_wait3A_36 = arith.constant 128 : i32
    %dma_wait3A_37 = tpu.memref_slice %arg5[%dma_wait3A_36] : memref<256xi32, #tpu.memory_space<vmem>> -> memref<128xi32, #tpu.memory_space<vmem>>
    %dma_wait3A_38 = arith.constant 0 : i32
    %dma_wait3A_39 = arith.constant 0 : i32
    %dma_wait3A_40 = tpu.memref_slice %arg2[%dma_wait3A_38, %dma_wait3A_39] : memref<51200x128xf32, #tpu.memory_space<hbm>> -> memref<51200x128xf32, #tpu.memory_space<hbm>>
    tpu.wait_indirect_dma semaphore(%arg7 : memref<!tpu.dma_semaphore, #tpu.memory_space<semaphore_mem>>) src(%dma_wait3A_40 : memref<51200x128xf32, #tpu.memory_space<hbm>>) dst(%dma_wait3A_35 : memref<128x128xf32, #tpu.memory_space<vmem>>)
    "tpu.region"() ({
      %run_scoped3A = tpu.sem_alloc : memref<!tpu.dma_semaphore, #tpu.memory_space<semaphore_mem>>
      %dma_start3A_41 = arith.constant 0 : i32
      %dma_start3A_42 = tpu.memref_slice %arg4[%sub3A_10, %dma_start3A_41] : memref<800000x128xf32, #tpu.memory_space<hbm>> -> memref<256x128xf32, #tpu.memory_space<hbm>>
      %dma_start3A_43 = arith.constant 0 : i32
      %dma_start3A_44 = tpu.memref_slice %arg4[%sub3A_10, %dma_start3A_43] : memref<800000x128xf32, #tpu.memory_space<hbm>> -> memref<256x128xf32, #tpu.memory_space<hbm>>
      tpu.enqueue_dma source(%arg6 : memref<256x128xf32, #tpu.memory_space<vmem>>) target(%dma_start3A_44 : memref<256x128xf32, #tpu.memory_space<hbm>>) target_semaphore(%run_scoped3A : memref<!tpu.dma_semaphore, #tpu.memory_space<semaphore_mem>>)
      %dma_wait3A_45 = arith.constant 0 : i32
      %dma_wait3A_46 = tpu.memref_slice %arg4[%sub3A_10, %dma_wait3A_45] : memref<800000x128xf32, #tpu.memory_space<hbm>> -> memref<256x128xf32, #tpu.memory_space<hbm>>
      %dma_wait3A_47 = arith.constant 0 : i32
      %dma_wait3A_48 = tpu.memref_slice %arg4[%sub3A_10, %dma_wait3A_47] : memref<800000x128xf32, #tpu.memory_space<hbm>> -> memref<256x128xf32, #tpu.memory_space<hbm>>
      tpu.wait_dma2 semaphore(%run_scoped3A : memref<!tpu.dma_semaphore, #tpu.memory_space<semaphore_mem>>) src(%arg6 : memref<256x128xf32, #tpu.memory_space<vmem>>) dst(%dma_wait3A_48 : memref<256x128xf32, #tpu.memory_space<hbm>>)
      tpu.yield
    }) : () -> ()
    return
  }
}

#map = affine_map<(d0, d1) -> (0, 0)>
#map1 = affine_map<(d0, d1) -> (0)>
module attributes {stable_mosaic.version = 14 : i64} {
  func.func @k(%arg0: i32, %arg1: i32, %arg2: memref<51200x128xf32, #tpu.memory_space<hbm>>, %arg3: memref<800000xi32, #tpu.memory_space<hbm>>, %arg4: memref<800000x128xf32, #tpu.memory_space<hbm>>, %arg5: memref<256xi32, #tpu.memory_space<vmem>>, %arg6: memref<256x128xf32, #tpu.memory_space<vmem>>, %arg7: memref<!tpu.dma_semaphore, #tpu.memory_space<semaphore_mem>>) attributes {dimension_semantics = [#tpu.dimension_semantics<core_parallel>, #tpu.dimension_semantics<subcore_parallel>], iteration_bounds = array<i64: 2, 16>, scalar_prefetch = 0 : i64, scratch_operands = 3 : i64, tpu.core_type = #tpu.core_type<sc_vector_subcore>, window_params = [{transform_indices = #map}, {transform_indices = #map1}, {transform_indices = #map}]} {
    %mul3A = arith.constant 2 : i32
    %mul3A_0 = arith.muli %arg1, %mul3A : i32
    %add3A = arith.addi %mul3A_0, %arg0 : i32
    %mul3A_1 = arith.constant 25000 : i32
    %mul3A_2 = arith.muli %add3A, %mul3A_1 : i32
    %scan3A = arith.constant 0 : i32
    %scan3A_3 = arith.constant 0 : i32
    %scan3A_4 = arith.constant 97 : i32
    %scan3A_5 = arith.addi %scan3A_3, %scan3A_4 : i32
    %scan3A_6 = arith.constant 1 : i32
    scf.for %scan3A_41 = %scan3A_3 to %scan3A_5 step %scan3A_6  : i32 {
      %mul3A_42 = arith.constant 256 : i32
      %mul3A_43 = arith.muli %scan3A_41, %mul3A_42 : i32
      %add3A_44 = arith.addi %mul3A_2, %mul3A_43 : i32
      "tpu.region"() ({
        %run_scoped3A = tpu.sem_alloc : memref<!tpu.dma_semaphore, #tpu.memory_space<semaphore_mem>>
        %dma_start3A_77 = tpu.memref_slice %arg3[%add3A_44] : memref<800000xi32, #tpu.memory_space<hbm>> -> memref<256xi32, #tpu.memory_space<hbm>>
        %dma_start3A_78 = tpu.memref_slice %arg3[%add3A_44] : memref<800000xi32, #tpu.memory_space<hbm>> -> memref<256xi32, #tpu.memory_space<hbm>>
        tpu.enqueue_dma source(%dma_start3A_78 : memref<256xi32, #tpu.memory_space<hbm>>) target(%arg5 : memref<256xi32, #tpu.memory_space<vmem>>) target_semaphore(%run_scoped3A : memref<!tpu.dma_semaphore, #tpu.memory_space<semaphore_mem>>)
        %dma_wait3A_79 = tpu.memref_slice %arg3[%add3A_44] : memref<800000xi32, #tpu.memory_space<hbm>> -> memref<256xi32, #tpu.memory_space<hbm>>
        %dma_wait3A_80 = tpu.memref_slice %arg3[%add3A_44] : memref<800000xi32, #tpu.memory_space<hbm>> -> memref<256xi32, #tpu.memory_space<hbm>>
        tpu.wait_dma2 semaphore(%run_scoped3A : memref<!tpu.dma_semaphore, #tpu.memory_space<semaphore_mem>>) src(%dma_wait3A_80 : memref<256xi32, #tpu.memory_space<hbm>>) dst(%arg5 : memref<256xi32, #tpu.memory_space<vmem>>)
        tpu.yield
      }) : () -> ()
      %dma_start3A_45 = arith.constant 0 : i32
      %dma_start3A_46 = arith.constant 0 : i32
      %dma_start3A_47 = tpu.memref_slice %arg6[%dma_start3A_45, %dma_start3A_46] : memref<256x128xf32, #tpu.memory_space<vmem>> -> memref<128x128xf32, #tpu.memory_space<vmem>>
      %dma_start3A_48 = arith.constant 0 : i32
      %dma_start3A_49 = tpu.memref_slice %arg5[%dma_start3A_48] : memref<256xi32, #tpu.memory_space<vmem>> -> memref<128xi32, #tpu.memory_space<vmem>>
      %dma_start3A_50 = arith.constant 0 : i32
      %dma_start3A_51 = arith.constant 0 : i32
      %dma_start3A_52 = tpu.memref_slice %arg2[%dma_start3A_50, %dma_start3A_51] : memref<51200x128xf32, #tpu.memory_space<hbm>> -> memref<51200x128xf32, #tpu.memory_space<hbm>>
      tpu.enqueue_indirect_dma source(%dma_start3A_52 : memref<51200x128xf32, #tpu.memory_space<hbm>>) target(%dma_start3A_47 : memref<128x128xf32, #tpu.memory_space<vmem>>) offsets(%dma_start3A_49 : memref<128xi32, #tpu.memory_space<vmem>>) semaphore(%arg7 : memref<!tpu.dma_semaphore, #tpu.memory_space<semaphore_mem>>)
      %dma_start3A_53 = arith.constant 128 : i32
      %dma_start3A_54 = arith.constant 0 : i32
      %dma_start3A_55 = tpu.memref_slice %arg6[%dma_start3A_53, %dma_start3A_54] : memref<256x128xf32, #tpu.memory_space<vmem>> -> memref<128x128xf32, #tpu.memory_space<vmem>>
      %dma_start3A_56 = arith.constant 128 : i32
      %dma_start3A_57 = tpu.memref_slice %arg5[%dma_start3A_56] : memref<256xi32, #tpu.memory_space<vmem>> -> memref<128xi32, #tpu.memory_space<vmem>>
      %dma_start3A_58 = arith.constant 0 : i32
      %dma_start3A_59 = arith.constant 0 : i32
      %dma_start3A_60 = tpu.memref_slice %arg2[%dma_start3A_58, %dma_start3A_59] : memref<51200x128xf32, #tpu.memory_space<hbm>> -> memref<51200x128xf32, #tpu.memory_space<hbm>>
      tpu.enqueue_indirect_dma source(%dma_start3A_60 : memref<51200x128xf32, #tpu.memory_space<hbm>>) target(%dma_start3A_55 : memref<128x128xf32, #tpu.memory_space<vmem>>) offsets(%dma_start3A_57 : memref<128xi32, #tpu.memory_space<vmem>>) semaphore(%arg7 : memref<!tpu.dma_semaphore, #tpu.memory_space<semaphore_mem>>)
      %dma_wait3A_61 = arith.constant 0 : i32
      %dma_wait3A_62 = arith.constant 0 : i32
      %dma_wait3A_63 = tpu.memref_slice %arg6[%dma_wait3A_61, %dma_wait3A_62] : memref<256x128xf32, #tpu.memory_space<vmem>> -> memref<128x128xf32, #tpu.memory_space<vmem>>
      %dma_wait3A_64 = arith.constant 0 : i32
      %dma_wait3A_65 = tpu.memref_slice %arg5[%dma_wait3A_64] : memref<256xi32, #tpu.memory_space<vmem>> -> memref<128xi32, #tpu.memory_space<vmem>>
      %dma_wait3A_66 = arith.constant 0 : i32
      %dma_wait3A_67 = arith.constant 0 : i32
      %dma_wait3A_68 = tpu.memref_slice %arg2[%dma_wait3A_66, %dma_wait3A_67] : memref<51200x128xf32, #tpu.memory_space<hbm>> -> memref<51200x128xf32, #tpu.memory_space<hbm>>
      tpu.wait_indirect_dma semaphore(%arg7 : memref<!tpu.dma_semaphore, #tpu.memory_space<semaphore_mem>>) src(%dma_wait3A_68 : memref<51200x128xf32, #tpu.memory_space<hbm>>) dst(%dma_wait3A_63 : memref<128x128xf32, #tpu.memory_space<vmem>>)
      %dma_wait3A_69 = arith.constant 128 : i32
      %dma_wait3A_70 = arith.constant 0 : i32
      %dma_wait3A_71 = tpu.memref_slice %arg6[%dma_wait3A_69, %dma_wait3A_70] : memref<256x128xf32, #tpu.memory_space<vmem>> -> memref<128x128xf32, #tpu.memory_space<vmem>>
      %dma_wait3A_72 = arith.constant 128 : i32
      %dma_wait3A_73 = tpu.memref_slice %arg5[%dma_wait3A_72] : memref<256xi32, #tpu.memory_space<vmem>> -> memref<128xi32, #tpu.memory_space<vmem>>
      %dma_wait3A_74 = arith.constant 0 : i32
      %dma_wait3A_75 = arith.constant 0 : i32
      %dma_wait3A_76 = tpu.memref_slice %arg2[%dma_wait3A_74, %dma_wait3A_75] : memref<51200x128xf32, #tpu.memory_space<hbm>> -> memref<51200x128xf32, #tpu.memory_space<hbm>>
      tpu.wait_indirect_dma semaphore(%arg7 : memref<!tpu.dma_semaphore, #tpu.memory_space<semaphore_mem>>) src(%dma_wait3A_76 : memref<51200x128xf32, #tpu.memory_space<hbm>>) dst(%dma_wait3A_71 : memref<128x128xf32, #tpu.memory_space<vmem>>)
      "tpu.region"() ({
        %run_scoped3A = tpu.sem_alloc : memref<!tpu.dma_semaphore, #tpu.memory_space<semaphore_mem>>
        %dma_start3A_77 = arith.constant 0 : i32
        %dma_start3A_78 = tpu.memref_slice %arg4[%add3A_44, %dma_start3A_77] : memref<800000x128xf32, #tpu.memory_space<hbm>> -> memref<256x128xf32, #tpu.memory_space<hbm>>
        %dma_start3A_79 = arith.constant 0 : i32
        %dma_start3A_80 = tpu.memref_slice %arg4[%add3A_44, %dma_start3A_79] : memref<800000x128xf32, #tpu.memory_space<hbm>> -> memref<256x128xf32, #tpu.memory_space<hbm>>
        tpu.enqueue_dma source(%arg6 : memref<256x128xf32, #tpu.memory_space<vmem>>) target(%dma_start3A_80 : memref<256x128xf32, #tpu.memory_space<hbm>>) target_semaphore(%run_scoped3A : memref<!tpu.dma_semaphore, #tpu.memory_space<semaphore_mem>>)
        %dma_wait3A_81 = arith.constant 0 : i32
        %dma_wait3A_82 = tpu.memref_slice %arg4[%add3A_44, %dma_wait3A_81] : memref<800000x128xf32, #tpu.memory_space<hbm>> -> memref<256x128xf32, #tpu.memory_space<hbm>>
        %dma_wait3A_83 = arith.constant 0 : i32
        %dma_wait3A_84 = tpu.memref_slice %arg4[%add3A_44, %dma_wait3A_83] : memref<800000x128xf32, #tpu.memory_space<hbm>> -> memref<256x128xf32, #tpu.memory_space<hbm>>
        tpu.wait_dma2 semaphore(%run_scoped3A : memref<!tpu.dma_semaphore, #tpu.memory_space<semaphore_mem>>) src(%arg6 : memref<256x128xf32, #tpu.memory_space<vmem>>) dst(%dma_wait3A_84 : memref<256x128xf32, #tpu.memory_space<hbm>>)
        tpu.yield
      }) : () -> ()
    }
    %scan3A_7 = arith.constant 97 : i32
    %add3A_8 = arith.constant 25000 : i32
    %add3A_9 = arith.addi %mul3A_2, %add3A_8 : i32
    %sub3A = arith.constant 256 : i32
    %sub3A_10 = arith.subi %add3A_9, %sub3A : i32
    "tpu.region"() ({
      %run_scoped3A = tpu.sem_alloc : memref<!tpu.dma_semaphore, #tpu.memory_space<semaphore_mem>>
      %dma_start3A_41 = tpu.memref_slice %arg3[%sub3A_10] : memref<800000xi32, #tpu.memory_space<hbm>> -> memref<256xi32, #tpu.memory_space<hbm>>
      %dma_start3A_42 = tpu.memref_slice %arg3[%sub3A_10] : memref<800000xi32, #tpu.memory_space<hbm>> -> memref<256xi32, #tpu.memory_space<hbm>>
      tpu.enqueue_dma source(%dma_start3A_42 : memref<256xi32, #tpu.memory_space<hbm>>) target(%arg5 : memref<256xi32, #tpu.memory_space<vmem>>) target_semaphore(%run_scoped3A : memref<!tpu.dma_semaphore, #tpu.memory_space<semaphore_mem>>)
      %dma_wait3A_43 = tpu.memref_slice %arg3[%sub3A_10] : memref<800000xi32, #tpu.memory_space<hbm>> -> memref<256xi32, #tpu.memory_space<hbm>>
      %dma_wait3A_44 = tpu.memref_slice %arg3[%sub3A_10] : memref<800000xi32, #tpu.memory_space<hbm>> -> memref<256xi32, #tpu.memory_space<hbm>>
      tpu.wait_dma2 semaphore(%run_scoped3A : memref<!tpu.dma_semaphore, #tpu.memory_space<semaphore_mem>>) src(%dma_wait3A_44 : memref<256xi32, #tpu.memory_space<hbm>>) dst(%arg5 : memref<256xi32, #tpu.memory_space<vmem>>)
      tpu.yield
    }) : () -> ()
    %dma_start3A = arith.constant 0 : i32
    %dma_start3A_11 = arith.constant 0 : i32
    %dma_start3A_12 = tpu.memref_slice %arg6[%dma_start3A, %dma_start3A_11] : memref<256x128xf32, #tpu.memory_space<vmem>> -> memref<128x128xf32, #tpu.memory_space<vmem>>
    %dma_start3A_13 = arith.constant 0 : i32
    %dma_start3A_14 = tpu.memref_slice %arg5[%dma_start3A_13] : memref<256xi32, #tpu.memory_space<vmem>> -> memref<128xi32, #tpu.memory_space<vmem>>
    %dma_start3A_15 = arith.constant 0 : i32
    %dma_start3A_16 = arith.constant 0 : i32
    %dma_start3A_17 = tpu.memref_slice %arg2[%dma_start3A_15, %dma_start3A_16] : memref<51200x128xf32, #tpu.memory_space<hbm>> -> memref<51200x128xf32, #tpu.memory_space<hbm>>
    tpu.enqueue_indirect_dma source(%dma_start3A_17 : memref<51200x128xf32, #tpu.memory_space<hbm>>) target(%dma_start3A_12 : memref<128x128xf32, #tpu.memory_space<vmem>>) offsets(%dma_start3A_14 : memref<128xi32, #tpu.memory_space<vmem>>) semaphore(%arg7 : memref<!tpu.dma_semaphore, #tpu.memory_space<semaphore_mem>>)
    %dma_start3A_18 = arith.constant 128 : i32
    %dma_start3A_19 = arith.constant 0 : i32
    %dma_start3A_20 = tpu.memref_slice %arg6[%dma_start3A_18, %dma_start3A_19] : memref<256x128xf32, #tpu.memory_space<vmem>> -> memref<128x128xf32, #tpu.memory_space<vmem>>
    %dma_start3A_21 = arith.constant 128 : i32
    %dma_start3A_22 = tpu.memref_slice %arg5[%dma_start3A_21] : memref<256xi32, #tpu.memory_space<vmem>> -> memref<128xi32, #tpu.memory_space<vmem>>
    %dma_start3A_23 = arith.constant 0 : i32
    %dma_start3A_24 = arith.constant 0 : i32
    %dma_start3A_25 = tpu.memref_slice %arg2[%dma_start3A_23, %dma_start3A_24] : memref<51200x128xf32, #tpu.memory_space<hbm>> -> memref<51200x128xf32, #tpu.memory_space<hbm>>
    tpu.enqueue_indirect_dma source(%dma_start3A_25 : memref<51200x128xf32, #tpu.memory_space<hbm>>) target(%dma_start3A_20 : memref<128x128xf32, #tpu.memory_space<vmem>>) offsets(%dma_start3A_22 : memref<128xi32, #tpu.memory_space<vmem>>) semaphore(%arg7 : memref<!tpu.dma_semaphore, #tpu.memory_space<semaphore_mem>>)
    %dma_wait3A = arith.constant 0 : i32
    %dma_wait3A_26 = arith.constant 0 : i32
    %dma_wait3A_27 = tpu.memref_slice %arg6[%dma_wait3A, %dma_wait3A_26] : memref<256x128xf32, #tpu.memory_space<vmem>> -> memref<128x128xf32, #tpu.memory_space<vmem>>
    %dma_wait3A_28 = arith.constant 0 : i32
    %dma_wait3A_29 = tpu.memref_slice %arg5[%dma_wait3A_28] : memref<256xi32, #tpu.memory_space<vmem>> -> memref<128xi32, #tpu.memory_space<vmem>>
    %dma_wait3A_30 = arith.constant 0 : i32
    %dma_wait3A_31 = arith.constant 0 : i32
    %dma_wait3A_32 = tpu.memref_slice %arg2[%dma_wait3A_30, %dma_wait3A_31] : memref<51200x128xf32, #tpu.memory_space<hbm>> -> memref<51200x128xf32, #tpu.memory_space<hbm>>
    tpu.wait_indirect_dma semaphore(%arg7 : memref<!tpu.dma_semaphore, #tpu.memory_space<semaphore_mem>>) src(%dma_wait3A_32 : memref<51200x128xf32, #tpu.memory_space<hbm>>) dst(%dma_wait3A_27 : memref<128x128xf32, #tpu.memory_space<vmem>>)
    %dma_wait3A_33 = arith.constant 128 : i32
    %dma_wait3A_34 = arith.constant 0 : i32
    %dma_wait3A_35 = tpu.memref_slice %arg6[%dma_wait3A_33, %dma_wait3A_34] : memref<256x128xf32, #tpu.memory_space<vmem>> -> memref<128x128xf32, #tpu.memory_space<vmem>>
    %dma_wait3A_36 = arith.constant 128 : i32
    %dma_wait3A_37 = tpu.memref_slice %arg5[%dma_wait3A_36] : memref<256xi32, #tpu.memory_space<vmem>> -> memref<128xi32, #tpu.memory_space<vmem>>
    %dma_wait3A_38 = arith.constant 0 : i32
    %dma_wait3A_39 = arith.constant 0 : i32
    %dma_wait3A_40 = tpu.memref_slice %arg2[%dma_wait3A_38, %dma_wait3A_39] : memref<51200x128xf32, #tpu.memory_space<hbm>> -> memref<51200x128xf32, #tpu.memory_space<hbm>>
    tpu.wait_indirect_dma semaphore(%arg7 : memref<!tpu.dma_semaphore, #tpu.memory_space<semaphore_mem>>) src(%dma_wait3A_40 : memref<51200x128xf32, #tpu.memory_space<hbm>>) dst(%dma_wait3A_35 : memref<128x128xf32, #tpu.memory_space<vmem>>)
    "tpu.region"() ({
      %run_scoped3A = tpu.sem_alloc : memref<!tpu.dma_semaphore, #tpu.memory_space<semaphore_mem>>
      %dma_start3A_41 = arith.constant 0 : i32
      %dma_start3A_42 = tpu.memref_slice %arg4[%sub3A_10, %dma_start3A_41] : memref<800000x128xf32, #tpu.memory_space<hbm>> -> memref<256x128xf32, #tpu.memory_space<hbm>>
      %dma_start3A_43 = arith.constant 0 : i32
      %dma_start3A_44 = tpu.memref_slice %arg4[%sub3A_10, %dma_start3A_43] : memref<800000x128xf32, #tpu.memory_space<hbm>> -> memref<256x128xf32, #tpu.memory_space<hbm>>
      tpu.enqueue_dma source(%arg6 : memref<256x128xf32, #tpu.memory_space<vmem>>) target(%dma_start3A_44 : memref<256x128xf32, #tpu.memory_space<hbm>>) target_semaphore(%run_scoped3A : memref<!tpu.dma_semaphore, #tpu.memory_space<semaphore_mem>>)
      %dma_wait3A_45 = arith.constant 0 : i32
      %dma_wait3A_46 = tpu.memref_slice %arg4[%sub3A_10, %dma_wait3A_45] : memref<800000x128xf32, #tpu.memory_space<hbm>> -> memref<256x128xf32, #tpu.memory_space<hbm>>
      %dma_wait3A_47 = arith.constant 0 : i32
      %dma_wait3A_48 = tpu.memref_slice %arg4[%sub3A_10, %dma_wait3A_47] : memref<800000x128xf32, #tpu.memory_space<hbm>> -> memref<256x128xf32, #tpu.memory_space<hbm>>
      tpu.wait_dma2 semaphore(%run_scoped3A : memref<!tpu.dma_semaphore, #tpu.memory_space<semaphore_mem>>) src(%arg6 : memref<256x128xf32, #tpu.memory_space<vmem>>) dst(%dma_wait3A_48 : memref<256x128xf32, #tpu.memory_space<hbm>>)
      tpu.yield
    }) : () -> ()
    return
  }
}

#map = affine_map<(d0, d1) -> (0, 0)>
#map1 = affine_map<(d0, d1) -> (0)>
module attributes {stable_mosaic.version = 14 : i64} {
  func.func @k(%arg0: i32, %arg1: i32, %arg2: memref<800000x128xf32, #tpu.memory_space<hbm>>, %arg3: memref<3203072xi32, #tpu.memory_space<hbm>>, %arg4: memref<51200x128xf32, #tpu.memory_space<hbm>>, %arg5: memref<51200x128xf32, #tpu.memory_space<hbm>>, %arg6: memref<64xi32, #tpu.memory_space<vmem>>, %arg7: memref<80x128xf32, #tpu.memory_space<vmem>>, %arg8: memref<12808x128xf32, #tpu.memory_space<vmem_shared>>) attributes {dimension_semantics = [#tpu.dimension_semantics<core_parallel>, #tpu.dimension_semantics<subcore_parallel>], iteration_bounds = array<i64: 2, 16>, scalar_prefetch = 0 : i64, scratch_operands = 3 : i64, tpu.core_type = #tpu.core_type<sc_vector_subcore>, window_params = [{transform_indices = #map}, {transform_indices = #map1}, {transform_indices = #map}, {transform_indices = #map}]} {
    %add3A = arith.constant 0 : i32
    %add3A_0 = arith.addi %add3A, %arg0 : i32
    %mul3A = arith.constant 12800 : i32
    %mul3A_1 = arith.muli %add3A_0, %mul3A : i32
    %scan3A = arith.constant 0 : i32
    %scan3A_2 = arith.constant 0 : i32
    %scan3A_3 = arith.constant 10 : i32
    %scan3A_4 = arith.addi %scan3A_2, %scan3A_3 : i32
    %scan3A_5 = arith.constant 1 : i32
    scf.for %scan3A_46 = %scan3A_2 to %scan3A_4 step %scan3A_5  : i32 {
      %mul3A_47 = arith.constant 16 : i32
      %mul3A_48 = arith.muli %scan3A_46, %mul3A_47 : i32
      %add3A_49 = arith.addi %arg1, %mul3A_48 : i32
      %mul3A_50 = arith.constant 80 : i32
      %mul3A_51 = arith.muli %add3A_49, %mul3A_50 : i32
      %add3A_52 = arith.addi %mul3A_1, %mul3A_51 : i32
      "tpu.region"() ({
        %run_scoped3A = tpu.sem_alloc : memref<!tpu.dma_semaphore, #tpu.memory_space<semaphore_mem>>
        %dma_start3A = arith.constant 0 : i32
        %dma_start3A_53 = tpu.memref_slice %arg4[%add3A_52, %dma_start3A] : memref<51200x128xf32, #tpu.memory_space<hbm>> -> memref<80x128xf32, #tpu.memory_space<hbm>>
        %dma_start3A_54 = arith.constant 0 : i32
        %dma_start3A_55 = tpu.memref_slice %arg4[%add3A_52, %dma_start3A_54] : memref<51200x128xf32, #tpu.memory_space<hbm>> -> memref<80x128xf32, #tpu.memory_space<hbm>>
        tpu.enqueue_dma source(%dma_start3A_55 : memref<80x128xf32, #tpu.memory_space<hbm>>) target(%arg7 : memref<80x128xf32, #tpu.memory_space<vmem>>) target_semaphore(%run_scoped3A : memref<!tpu.dma_semaphore, #tpu.memory_space<semaphore_mem>>)
        %dma_wait3A = arith.constant 0 : i32
        %dma_wait3A_56 = tpu.memref_slice %arg4[%add3A_52, %dma_wait3A] : memref<51200x128xf32, #tpu.memory_space<hbm>> -> memref<80x128xf32, #tpu.memory_space<hbm>>
        %dma_wait3A_57 = arith.constant 0 : i32
        %dma_wait3A_58 = tpu.memref_slice %arg4[%add3A_52, %dma_wait3A_57] : memref<51200x128xf32, #tpu.memory_space<hbm>> -> memref<80x128xf32, #tpu.memory_space<hbm>>
        tpu.wait_dma2 semaphore(%run_scoped3A : memref<!tpu.dma_semaphore, #tpu.memory_space<semaphore_mem>>) src(%dma_wait3A_58 : memref<80x128xf32, #tpu.memory_space<hbm>>) dst(%arg7 : memref<80x128xf32, #tpu.memory_space<vmem>>)
        tpu.yield
      }) : () -> ()
      "tpu.region"() ({
        %run_scoped3A = tpu.sem_alloc : memref<!tpu.dma_semaphore, #tpu.memory_space<semaphore_mem>>
        %dma_start3A = arith.constant 0 : i32
        %dma_start3A_53 = tpu.memref_slice %arg8[%mul3A_51, %dma_start3A] : memref<12808x128xf32, #tpu.memory_space<vmem_shared>> -> memref<80x128xf32, #tpu.memory_space<vmem_shared>>
        %dma_start3A_54 = arith.constant 0 : i32
        %dma_start3A_55 = tpu.memref_slice %arg8[%mul3A_51, %dma_start3A_54] : memref<12808x128xf32, #tpu.memory_space<vmem_shared>> -> memref<80x128xf32, #tpu.memory_space<vmem_shared>>
        tpu.enqueue_dma source(%arg7 : memref<80x128xf32, #tpu.memory_space<vmem>>) target(%dma_start3A_55 : memref<80x128xf32, #tpu.memory_space<vmem_shared>>) target_semaphore(%run_scoped3A : memref<!tpu.dma_semaphore, #tpu.memory_space<semaphore_mem>>)
        %dma_wait3A = arith.constant 0 : i32
        %dma_wait3A_56 = tpu.memref_slice %arg8[%mul3A_51, %dma_wait3A] : memref<12808x128xf32, #tpu.memory_space<vmem_shared>> -> memref<80x128xf32, #tpu.memory_space<vmem_shared>>
        %dma_wait3A_57 = arith.constant 0 : i32
        %dma_wait3A_58 = tpu.memref_slice %arg8[%mul3A_51, %dma_wait3A_57] : memref<12808x128xf32, #tpu.memory_space<vmem_shared>> -> memref<80x128xf32, #tpu.memory_space<vmem_shared>>
        tpu.wait_dma2 semaphore(%run_scoped3A : memref<!tpu.dma_semaphore, #tpu.memory_space<semaphore_mem>>) src(%arg7 : memref<80x128xf32, #tpu.memory_space<vmem>>) dst(%dma_wait3A_58 : memref<80x128xf32, #tpu.memory_space<vmem_shared>>)
        tpu.yield
      }) : () -> ()
    }
    %scan3A_6 = arith.constant 10 : i32
    %barrier3A = arith.constant 0 : index
    tpu.barrier barrier_id(%barrier3A)
    %scan3A_7 = arith.constant 0 : i32
    %scan3A_8 = arith.constant 0 : i32
    %scan3A_9 = arith.constant 782 : i32
    %scan3A_10 = arith.addi %scan3A_8, %scan3A_9 : i32
    %scan3A_11 = arith.constant 1 : i32
    scf.for %scan3A_46 = %scan3A_8 to %scan3A_10 step %scan3A_11  : i32 {
      %mul3A_47 = arith.constant 16 : i32
      %mul3A_48 = arith.muli %scan3A_46, %mul3A_47 : i32
      %add3A_49 = arith.addi %arg1, %mul3A_48 : i32
      %min3A = arith.constant 12499 : i32
      %min3A_50 = arith.minsi %add3A_49, %min3A : i32
      %mul3A_51 = arith.constant 800768 : i32
      %mul3A_52 = arith.muli %add3A_0, %mul3A_51 : i32
      %mul3A_53 = arith.constant 64 : i32
      %mul3A_54 = arith.muli %add3A_49, %mul3A_53 : i32
      %add3A_55 = arith.addi %mul3A_52, %mul3A_54 : i32
      "tpu.region"() ({
        %run_scoped3A = tpu.sem_alloc : memref<!tpu.dma_semaphore, #tpu.memory_space<semaphore_mem>>
        %dma_start3A = tpu.memref_slice %arg3[%add3A_55] : memref<3203072xi32, #tpu.memory_space<hbm>> -> memref<64xi32, #tpu.memory_space<hbm>>
        %dma_start3A_58 = tpu.memref_slice %arg3[%add3A_55] : memref<3203072xi32, #tpu.memory_space<hbm>> -> memref<64xi32, #tpu.memory_space<hbm>>
        tpu.enqueue_dma source(%dma_start3A_58 : memref<64xi32, #tpu.memory_space<hbm>>) target(%arg6 : memref<64xi32, #tpu.memory_space<vmem>>) target_semaphore(%run_scoped3A : memref<!tpu.dma_semaphore, #tpu.memory_space<semaphore_mem>>)
        %dma_wait3A = tpu.memref_slice %arg3[%add3A_55] : memref<3203072xi32, #tpu.memory_space<hbm>> -> memref<64xi32, #tpu.memory_space<hbm>>
        %dma_wait3A_59 = tpu.memref_slice %arg3[%add3A_55] : memref<3203072xi32, #tpu.memory_space<hbm>> -> memref<64xi32, #tpu.memory_space<hbm>>
        tpu.wait_dma2 semaphore(%run_scoped3A : memref<!tpu.dma_semaphore, #tpu.memory_space<semaphore_mem>>) src(%dma_wait3A_59 : memref<64xi32, #tpu.memory_space<hbm>>) dst(%arg6 : memref<64xi32, #tpu.memory_space<vmem>>)
        tpu.yield
      }) : () -> ()
      %mul3A_56 = arith.constant 64 : i32
      %mul3A_57 = arith.muli %min3A_50, %mul3A_56 : i32
      "tpu.region"() ({
        %run_scoped3A = tpu.sem_alloc : memref<!tpu.dma_semaphore, #tpu.memory_space<semaphore_mem>>
        %dma_start3A = arith.constant 0 : i32
        %dma_start3A_58 = arith.constant 0 : i32
        %dma_start3A_59 = tpu.memref_slice %arg7[%dma_start3A, %dma_start3A_58] : memref<80x128xf32, #tpu.memory_space<vmem>> -> memref<64x128xf32, #tpu.memory_space<vmem>>
        %dma_start3A_60 = arith.constant 0 : i32
        %dma_start3A_61 = tpu.memref_slice %arg2[%mul3A_57, %dma_start3A_60] : memref<800000x128xf32, #tpu.memory_space<hbm>> -> memref<64x128xf32, #tpu.memory_space<hbm>>
        %dma_start3A_62 = arith.constant 0 : i32
        %dma_start3A_63 = arith.constant 0 : i32
        %dma_start3A_64 = tpu.memref_slice %arg7[%dma_start3A_62, %dma_start3A_63] : memref<80x128xf32, #tpu.memory_space<vmem>> -> memref<64x128xf32, #tpu.memory_space<vmem>>
        %dma_start3A_65 = arith.constant 0 : i32
        %dma_start3A_66 = tpu.memref_slice %arg2[%mul3A_57, %dma_start3A_65] : memref<800000x128xf32, #tpu.memory_space<hbm>> -> memref<64x128xf32, #tpu.memory_space<hbm>>
        tpu.enqueue_dma source(%dma_start3A_66 : memref<64x128xf32, #tpu.memory_space<hbm>>) target(%dma_start3A_64 : memref<64x128xf32, #tpu.memory_space<vmem>>) target_semaphore(%run_scoped3A : memref<!tpu.dma_semaphore, #tpu.memory_space<semaphore_mem>>)
        %dma_wait3A = arith.constant 0 : i32
        %dma_wait3A_67 = arith.constant 0 : i32
        %dma_wait3A_68 = tpu.memref_slice %arg7[%dma_wait3A, %dma_wait3A_67] : memref<80x128xf32, #tpu.memory_space<vmem>> -> memref<64x128xf32, #tpu.memory_space<vmem>>
        %dma_wait3A_69 = arith.constant 0 : i32
        %dma_wait3A_70 = tpu.memref_slice %arg2[%mul3A_57, %dma_wait3A_69] : memref<800000x128xf32, #tpu.memory_space<hbm>> -> memref<64x128xf32, #tpu.memory_space<hbm>>
        %dma_wait3A_71 = arith.constant 0 : i32
        %dma_wait3A_72 = arith.constant 0 : i32
        %dma_wait3A_73 = tpu.memref_slice %arg7[%dma_wait3A_71, %dma_wait3A_72] : memref<80x128xf32, #tpu.memory_space<vmem>> -> memref<64x128xf32, #tpu.memory_space<vmem>>
        %dma_wait3A_74 = arith.constant 0 : i32
        %dma_wait3A_75 = tpu.memref_slice %arg2[%mul3A_57, %dma_wait3A_74] : memref<800000x128xf32, #tpu.memory_space<hbm>> -> memref<64x128xf32, #tpu.memory_space<hbm>>
        tpu.wait_dma2 semaphore(%run_scoped3A : memref<!tpu.dma_semaphore, #tpu.memory_space<semaphore_mem>>) src(%dma_wait3A_75 : memref<64x128xf32, #tpu.memory_space<hbm>>) dst(%dma_wait3A_73 : memref<64x128xf32, #tpu.memory_space<vmem>>)
        tpu.yield
      }) : () -> ()
      "tpu.region"() ({
        %run_scoped3A = tpu.sem_alloc : memref<!tpu.dma_semaphore, #tpu.memory_space<semaphore_mem>>
        %dma_start3A = arith.constant 0 : i32
        %dma_start3A_58 = arith.constant 0 : i32
        %dma_start3A_59 = tpu.memref_slice %arg7[%dma_start3A, %dma_start3A_58] : memref<80x128xf32, #tpu.memory_space<vmem>> -> memref<64x128xf32, #tpu.memory_space<vmem>>
        %dma_start3A_60 = arith.constant 0 : i32
        %dma_start3A_61 = arith.constant 0 : i32
        %dma_start3A_62 = tpu.memref_slice %arg8[%dma_start3A_60, %dma_start3A_61] : memref<12808x128xf32, #tpu.memory_space<vmem_shared>> -> memref<12808x128xf32, #tpu.memory_space<vmem_shared>>
        tpu.enqueue_indirect_dma source(%dma_start3A_59 : memref<64x128xf32, #tpu.memory_space<vmem>>) target(%dma_start3A_62 : memref<12808x128xf32, #tpu.memory_space<vmem_shared>>) offsets(%arg6 : memref<64xi32, #tpu.memory_space<vmem>>) semaphore(%run_scoped3A : memref<!tpu.dma_semaphore, #tpu.memory_space<semaphore_mem>>) {add = true}
        %dma_wait3A = arith.constant 0 : i32
        %dma_wait3A_63 = arith.constant 0 : i32
        %dma_wait3A_64 = tpu.memref_slice %arg7[%dma_wait3A, %dma_wait3A_63] : memref<80x128xf32, #tpu.memory_space<vmem>> -> memref<64x128xf32, #tpu.memory_space<vmem>>
        %dma_wait3A_65 = arith.constant 0 : i32
        %dma_wait3A_66 = arith.constant 0 : i32
        %dma_wait3A_67 = tpu.memref_slice %arg8[%dma_wait3A_65, %dma_wait3A_66] : memref<12808x128xf32, #tpu.memory_space<vmem_shared>> -> memref<12808x128xf32, #tpu.memory_space<vmem_shared>>
        tpu.wait_indirect_dma semaphore(%run_scoped3A : memref<!tpu.dma_semaphore, #tpu.memory_space<semaphore_mem>>) src(%dma_wait3A_64 : memref<64x128xf32, #tpu.memory_space<vmem>>) dst(%dma_wait3A_67 : memref<12808x128xf32, #tpu.memory_space<vmem_shared>>)
        tpu.yield
      }) : () -> ()
    }
    %scan3A_12 = arith.constant 782 : i32
    %barrier3A_13 = arith.constant 0 : index
    tpu.barrier barrier_id(%barrier3A_13)
    %scan3A_14 = arith.constant 0 : i32
    %scan3A_15 = arith.constant 0 : i32
    %scan3A_16 = arith.constant 10 : i32
    %scan3A_17 = arith.addi %scan3A_15, %scan3A_16 : i32
    %scan3A_18 = arith.constant 1 : i32
    scf.for %scan3A_46 = %scan3A_15 to %scan3A_17 step %scan3A_18  : i32 {
      %mul3A_47 = arith.constant 16 : i32
      %mul3A_48 = arith.muli %scan3A_46, %mul3A_47 : i32
      %add3A_49 = arith.addi %arg1, %mul3A_48 : i32
      %mul3A_50 = arith.constant 80 : i32
      %mul3A_51 = arith.muli %add3A_49, %mul3A_50 : i32
      "tpu.region"() ({
        %run_scoped3A = tpu.sem_alloc : memref<!tpu.dma_semaphore, #tpu.memory_space<semaphore_mem>>
        %dma_start3A = arith.constant 0 : i32
        %dma_start3A_53 = tpu.memref_slice %arg8[%mul3A_51, %dma_start3A] : memref<12808x128xf32, #tpu.memory_space<vmem_shared>> -> memref<80x128xf32, #tpu.memory_space<vmem_shared>>
        %dma_start3A_54 = arith.constant 0 : i32
        %dma_start3A_55 = tpu.memref_slice %arg8[%mul3A_51, %dma_start3A_54] : memref<12808x128xf32, #tpu.memory_space<vmem_shared>> -> memref<80x128xf32, #tpu.memory_space<vmem_shared>>
        tpu.enqueue_dma source(%dma_start3A_55 : memref<80x128xf32, #tpu.memory_space<vmem_shared>>) target(%arg7 : memref<80x128xf32, #tpu.memory_space<vmem>>) target_semaphore(%run_scoped3A : memref<!tpu.dma_semaphore, #tpu.memory_space<semaphore_mem>>)
        %dma_wait3A = arith.constant 0 : i32
        %dma_wait3A_56 = tpu.memref_slice %arg8[%mul3A_51, %dma_wait3A] : memref<12808x128xf32, #tpu.memory_space<vmem_shared>> -> memref<80x128xf32, #tpu.memory_space<vmem_shared>>
        %dma_wait3A_57 = arith.constant 0 : i32
        %dma_wait3A_58 = tpu.memref_slice %arg8[%mul3A_51, %dma_wait3A_57] : memref<12808x128xf32, #tpu.memory_space<vmem_shared>> -> memref<80x128xf32, #tpu.memory_space<vmem_shared>>
        tpu.wait_dma2 semaphore(%run_scoped3A : memref<!tpu.dma_semaphore, #tpu.memory_space<semaphore_mem>>) src(%dma_wait3A_58 : memref<80x128xf32, #tpu.memory_space<vmem_shared>>) dst(%arg7 : memref<80x128xf32, #tpu.memory_space<vmem>>)
        tpu.yield
      }) : () -> ()
      %add3A_52 = arith.addi %mul3A_1, %mul3A_51 : i32
      "tpu.region"() ({
        %run_scoped3A = tpu.sem_alloc : memref<!tpu.dma_semaphore, #tpu.memory_space<semaphore_mem>>
        %dma_start3A = arith.constant 0 : i32
        %dma_start3A_53 = tpu.memref_slice %arg5[%add3A_52, %dma_start3A] : memref<51200x128xf32, #tpu.memory_space<hbm>> -> memref<80x128xf32, #tpu.memory_space<hbm>>
        %dma_start3A_54 = arith.constant 0 : i32
        %dma_start3A_55 = tpu.memref_slice %arg5[%add3A_52, %dma_start3A_54] : memref<51200x128xf32, #tpu.memory_space<hbm>> -> memref<80x128xf32, #tpu.memory_space<hbm>>
        tpu.enqueue_dma source(%arg7 : memref<80x128xf32, #tpu.memory_space<vmem>>) target(%dma_start3A_55 : memref<80x128xf32, #tpu.memory_space<hbm>>) target_semaphore(%run_scoped3A : memref<!tpu.dma_semaphore, #tpu.memory_space<semaphore_mem>>)
        %dma_wait3A = arith.constant 0 : i32
        %dma_wait3A_56 = tpu.memref_slice %arg5[%add3A_52, %dma_wait3A] : memref<51200x128xf32, #tpu.memory_space<hbm>> -> memref<80x128xf32, #tpu.memory_space<hbm>>
        %dma_wait3A_57 = arith.constant 0 : i32
        %dma_wait3A_58 = tpu.memref_slice %arg5[%add3A_52, %dma_wait3A_57] : memref<51200x128xf32, #tpu.memory_space<hbm>> -> memref<80x128xf32, #tpu.memory_space<hbm>>
        tpu.wait_dma2 semaphore(%run_scoped3A : memref<!tpu.dma_semaphore, #tpu.memory_space<semaphore_mem>>) src(%arg7 : memref<80x128xf32, #tpu.memory_space<vmem>>) dst(%dma_wait3A_58 : memref<80x128xf32, #tpu.memory_space<hbm>>)
        tpu.yield
      }) : () -> ()
    }
    %scan3A_19 = arith.constant 10 : i32
    %barrier3A_20 = arith.constant 0 : index
    tpu.barrier barrier_id(%barrier3A_20)
    %add3A_21 = arith.constant 2 : i32
    %add3A_22 = arith.addi %add3A_21, %arg0 : i32
    %mul3A_23 = arith.constant 12800 : i32
    %mul3A_24 = arith.muli %add3A_22, %mul3A_23 : i32
    %scan3A_25 = arith.constant 0 : i32
    %scan3A_26 = arith.constant 0 : i32
    %scan3A_27 = arith.constant 10 : i32
    %scan3A_28 = arith.addi %scan3A_26, %scan3A_27 : i32
    %scan3A_29 = arith.constant 1 : i32
    scf.for %scan3A_46 = %scan3A_26 to %scan3A_28 step %scan3A_29  : i32 {
      %mul3A_47 = arith.constant 16 : i32
      %mul3A_48 = arith.muli %scan3A_46, %mul3A_47 : i32
      %add3A_49 = arith.addi %arg1, %mul3A_48 : i32
      %mul3A_50 = arith.constant 80 : i32
      %mul3A_51 = arith.muli %add3A_49, %mul3A_50 : i32
      %add3A_52 = arith.addi %mul3A_24, %mul3A_51 : i32
      "tpu.region"() ({
        %run_scoped3A = tpu.sem_alloc : memref<!tpu.dma_semaphore, #tpu.memory_space<semaphore_mem>>
        %dma_start3A = arith.constant 0 : i32
        %dma_start3A_53 = tpu.memref_slice %arg4[%add3A_52, %dma_start3A] : memref<51200x128xf32, #tpu.memory_space<hbm>> -> memref<80x128xf32, #tpu.memory_space<hbm>>
        %dma_start3A_54 = arith.constant 0 : i32
        %dma_start3A_55 = tpu.memref_slice %arg4[%add3A_52, %dma_start3A_54] : memref<51200x128xf32, #tpu.memory_space<hbm>> -> memref<80x128xf32, #tpu.memory_space<hbm>>
        tpu.enqueue_dma source(%dma_start3A_55 : memref<80x128xf32, #tpu.memory_space<hbm>>) target(%arg7 : memref<80x128xf32, #tpu.memory_space<vmem>>) target_semaphore(%run_scoped3A : memref<!tpu.dma_semaphore, #tpu.memory_space<semaphore_mem>>)
        %dma_wait3A = arith.constant 0 : i32
        %dma_wait3A_56 = tpu.memref_slice %arg4[%add3A_52, %dma_wait3A] : memref<51200x128xf32, #tpu.memory_space<hbm>> -> memref<80x128xf32, #tpu.memory_space<hbm>>
        %dma_wait3A_57 = arith.constant 0 : i32
        %dma_wait3A_58 = tpu.memref_slice %arg4[%add3A_52, %dma_wait3A_57] : memref<51200x128xf32, #tpu.memory_space<hbm>> -> memref<80x128xf32, #tpu.memory_space<hbm>>
        tpu.wait_dma2 semaphore(%run_scoped3A : memref<!tpu.dma_semaphore, #tpu.memory_space<semaphore_mem>>) src(%dma_wait3A_58 : memref<80x128xf32, #tpu.memory_space<hbm>>) dst(%arg7 : memref<80x128xf32, #tpu.memory_space<vmem>>)
        tpu.yield
      }) : () -> ()
      "tpu.region"() ({
        %run_scoped3A = tpu.sem_alloc : memref<!tpu.dma_semaphore, #tpu.memory_space<semaphore_mem>>
        %dma_start3A = arith.constant 0 : i32
        %dma_start3A_53 = tpu.memref_slice %arg8[%mul3A_51, %dma_start3A] : memref<12808x128xf32, #tpu.memory_space<vmem_shared>> -> memref<80x128xf32, #tpu.memory_space<vmem_shared>>
        %dma_start3A_54 = arith.constant 0 : i32
        %dma_start3A_55 = tpu.memref_slice %arg8[%mul3A_51, %dma_start3A_54] : memref<12808x128xf32, #tpu.memory_space<vmem_shared>> -> memref<80x128xf32, #tpu.memory_space<vmem_shared>>
        tpu.enqueue_dma source(%arg7 : memref<80x128xf32, #tpu.memory_space<vmem>>) target(%dma_start3A_55 : memref<80x128xf32, #tpu.memory_space<vmem_shared>>) target_semaphore(%run_scoped3A : memref<!tpu.dma_semaphore, #tpu.memory_space<semaphore_mem>>)
        %dma_wait3A = arith.constant 0 : i32
        %dma_wait3A_56 = tpu.memref_slice %arg8[%mul3A_51, %dma_wait3A] : memref<12808x128xf32, #tpu.memory_space<vmem_shared>> -> memref<80x128xf32, #tpu.memory_space<vmem_shared>>
        %dma_wait3A_57 = arith.constant 0 : i32
        %dma_wait3A_58 = tpu.memref_slice %arg8[%mul3A_51, %dma_wait3A_57] : memref<12808x128xf32, #tpu.memory_space<vmem_shared>> -> memref<80x128xf32, #tpu.memory_space<vmem_shared>>
        tpu.wait_dma2 semaphore(%run_scoped3A : memref<!tpu.dma_semaphore, #tpu.memory_space<semaphore_mem>>) src(%arg7 : memref<80x128xf32, #tpu.memory_space<vmem>>) dst(%dma_wait3A_58 : memref<80x128xf32, #tpu.memory_space<vmem_shared>>)
        tpu.yield
      }) : () -> ()
    }
    %scan3A_30 = arith.constant 10 : i32
    %barrier3A_31 = arith.constant 0 : index
    tpu.barrier barrier_id(%barrier3A_31)
    %scan3A_32 = arith.constant 0 : i32
    %scan3A_33 = arith.constant 0 : i32
    %scan3A_34 = arith.constant 782 : i32
    %scan3A_35 = arith.addi %scan3A_33, %scan3A_34 : i32
    %scan3A_36 = arith.constant 1 : i32
    scf.for %scan3A_46 = %scan3A_33 to %scan3A_35 step %scan3A_36  : i32 {
      %mul3A_47 = arith.constant 16 : i32
      %mul3A_48 = arith.muli %scan3A_46, %mul3A_47 : i32
      %add3A_49 = arith.addi %arg1, %mul3A_48 : i32
      %min3A = arith.constant 12499 : i32
      %min3A_50 = arith.minsi %add3A_49, %min3A : i32
      %mul3A_51 = arith.constant 800768 : i32
      %mul3A_52 = arith.muli %add3A_22, %mul3A_51 : i32
      %mul3A_53 = arith.constant 64 : i32
      %mul3A_54 = arith.muli %add3A_49, %mul3A_53 : i32
      %add3A_55 = arith.addi %mul3A_52, %mul3A_54 : i32
      "tpu.region"() ({
        %run_scoped3A = tpu.sem_alloc : memref<!tpu.dma_semaphore, #tpu.memory_space<semaphore_mem>>
        %dma_start3A = tpu.memref_slice %arg3[%add3A_55] : memref<3203072xi32, #tpu.memory_space<hbm>> -> memref<64xi32, #tpu.memory_space<hbm>>
        %dma_start3A_58 = tpu.memref_slice %arg3[%add3A_55] : memref<3203072xi32, #tpu.memory_space<hbm>> -> memref<64xi32, #tpu.memory_space<hbm>>
        tpu.enqueue_dma source(%dma_start3A_58 : memref<64xi32, #tpu.memory_space<hbm>>) target(%arg6 : memref<64xi32, #tpu.memory_space<vmem>>) target_semaphore(%run_scoped3A : memref<!tpu.dma_semaphore, #tpu.memory_space<semaphore_mem>>)
        %dma_wait3A = tpu.memref_slice %arg3[%add3A_55] : memref<3203072xi32, #tpu.memory_space<hbm>> -> memref<64xi32, #tpu.memory_space<hbm>>
        %dma_wait3A_59 = tpu.memref_slice %arg3[%add3A_55] : memref<3203072xi32, #tpu.memory_space<hbm>> -> memref<64xi32, #tpu.memory_space<hbm>>
        tpu.wait_dma2 semaphore(%run_scoped3A : memref<!tpu.dma_semaphore, #tpu.memory_space<semaphore_mem>>) src(%dma_wait3A_59 : memref<64xi32, #tpu.memory_space<hbm>>) dst(%arg6 : memref<64xi32, #tpu.memory_space<vmem>>)
        tpu.yield
      }) : () -> ()
      %mul3A_56 = arith.constant 64 : i32
      %mul3A_57 = arith.muli %min3A_50, %mul3A_56 : i32
      "tpu.region"() ({
        %run_scoped3A = tpu.sem_alloc : memref<!tpu.dma_semaphore, #tpu.memory_space<semaphore_mem>>
        %dma_start3A = arith.constant 0 : i32
        %dma_start3A_58 = arith.constant 0 : i32
        %dma_start3A_59 = tpu.memref_slice %arg7[%dma_start3A, %dma_start3A_58] : memref<80x128xf32, #tpu.memory_space<vmem>> -> memref<64x128xf32, #tpu.memory_space<vmem>>
        %dma_start3A_60 = arith.constant 0 : i32
        %dma_start3A_61 = tpu.memref_slice %arg2[%mul3A_57, %dma_start3A_60] : memref<800000x128xf32, #tpu.memory_space<hbm>> -> memref<64x128xf32, #tpu.memory_space<hbm>>
        %dma_start3A_62 = arith.constant 0 : i32
        %dma_start3A_63 = arith.constant 0 : i32
        %dma_start3A_64 = tpu.memref_slice %arg7[%dma_start3A_62, %dma_start3A_63] : memref<80x128xf32, #tpu.memory_space<vmem>> -> memref<64x128xf32, #tpu.memory_space<vmem>>
        %dma_start3A_65 = arith.constant 0 : i32
        %dma_start3A_66 = tpu.memref_slice %arg2[%mul3A_57, %dma_start3A_65] : memref<800000x128xf32, #tpu.memory_space<hbm>> -> memref<64x128xf32, #tpu.memory_space<hbm>>
        tpu.enqueue_dma source(%dma_start3A_66 : memref<64x128xf32, #tpu.memory_space<hbm>>) target(%dma_start3A_64 : memref<64x128xf32, #tpu.memory_space<vmem>>) target_semaphore(%run_scoped3A : memref<!tpu.dma_semaphore, #tpu.memory_space<semaphore_mem>>)
        %dma_wait3A = arith.constant 0 : i32
        %dma_wait3A_67 = arith.constant 0 : i32
        %dma_wait3A_68 = tpu.memref_slice %arg7[%dma_wait3A, %dma_wait3A_67] : memref<80x128xf32, #tpu.memory_space<vmem>> -> memref<64x128xf32, #tpu.memory_space<vmem>>
        %dma_wait3A_69 = arith.constant 0 : i32
        %dma_wait3A_70 = tpu.memref_slice %arg2[%mul3A_57, %dma_wait3A_69] : memref<800000x128xf32, #tpu.memory_space<hbm>> -> memref<64x128xf32, #tpu.memory_space<hbm>>
        %dma_wait3A_71 = arith.constant 0 : i32
        %dma_wait3A_72 = arith.constant 0 : i32
        %dma_wait3A_73 = tpu.memref_slice %arg7[%dma_wait3A_71, %dma_wait3A_72] : memref<80x128xf32, #tpu.memory_space<vmem>> -> memref<64x128xf32, #tpu.memory_space<vmem>>
        %dma_wait3A_74 = arith.constant 0 : i32
        %dma_wait3A_75 = tpu.memref_slice %arg2[%mul3A_57, %dma_wait3A_74] : memref<800000x128xf32, #tpu.memory_space<hbm>> -> memref<64x128xf32, #tpu.memory_space<hbm>>
        tpu.wait_dma2 semaphore(%run_scoped3A : memref<!tpu.dma_semaphore, #tpu.memory_space<semaphore_mem>>) src(%dma_wait3A_75 : memref<64x128xf32, #tpu.memory_space<hbm>>) dst(%dma_wait3A_73 : memref<64x128xf32, #tpu.memory_space<vmem>>)
        tpu.yield
      }) : () -> ()
      "tpu.region"() ({
        %run_scoped3A = tpu.sem_alloc : memref<!tpu.dma_semaphore, #tpu.memory_space<semaphore_mem>>
        %dma_start3A = arith.constant 0 : i32
        %dma_start3A_58 = arith.constant 0 : i32
        %dma_start3A_59 = tpu.memref_slice %arg7[%dma_start3A, %dma_start3A_58] : memref<80x128xf32, #tpu.memory_space<vmem>> -> memref<64x128xf32, #tpu.memory_space<vmem>>
        %dma_start3A_60 = arith.constant 0 : i32
        %dma_start3A_61 = arith.constant 0 : i32
        %dma_start3A_62 = tpu.memref_slice %arg8[%dma_start3A_60, %dma_start3A_61] : memref<12808x128xf32, #tpu.memory_space<vmem_shared>> -> memref<12808x128xf32, #tpu.memory_space<vmem_shared>>
        tpu.enqueue_indirect_dma source(%dma_start3A_59 : memref<64x128xf32, #tpu.memory_space<vmem>>) target(%dma_start3A_62 : memref<12808x128xf32, #tpu.memory_space<vmem_shared>>) offsets(%arg6 : memref<64xi32, #tpu.memory_space<vmem>>) semaphore(%run_scoped3A : memref<!tpu.dma_semaphore, #tpu.memory_space<semaphore_mem>>) {add = true}
        %dma_wait3A = arith.constant 0 : i32
        %dma_wait3A_63 = arith.constant 0 : i32
        %dma_wait3A_64 = tpu.memref_slice %arg7[%dma_wait3A, %dma_wait3A_63] : memref<80x128xf32, #tpu.memory_space<vmem>> -> memref<64x128xf32, #tpu.memory_space<vmem>>
        %dma_wait3A_65 = arith.constant 0 : i32
        %dma_wait3A_66 = arith.constant 0 : i32
        %dma_wait3A_67 = tpu.memref_slice %arg8[%dma_wait3A_65, %dma_wait3A_66] : memref<12808x128xf32, #tpu.memory_space<vmem_shared>> -> memref<12808x128xf32, #tpu.memory_space<vmem_shared>>
        tpu.wait_indirect_dma semaphore(%run_scoped3A : memref<!tpu.dma_semaphore, #tpu.memory_space<semaphore_mem>>) src(%dma_wait3A_64 : memref<64x128xf32, #tpu.memory_space<vmem>>) dst(%dma_wait3A_67 : memref<12808x128xf32, #tpu.memory_space<vmem_shared>>)
        tpu.yield
      }) : () -> ()
    }
    %scan3A_37 = arith.constant 782 : i32
    %barrier3A_38 = arith.constant 0 : index
    tpu.barrier barrier_id(%barrier3A_38)
    %scan3A_39 = arith.constant 0 : i32
    %scan3A_40 = arith.constant 0 : i32
    %scan3A_41 = arith.constant 10 : i32
    %scan3A_42 = arith.addi %scan3A_40, %scan3A_41 : i32
    %scan3A_43 = arith.constant 1 : i32
    scf.for %scan3A_46 = %scan3A_40 to %scan3A_42 step %scan3A_43  : i32 {
      %mul3A_47 = arith.constant 16 : i32
      %mul3A_48 = arith.muli %scan3A_46, %mul3A_47 : i32
      %add3A_49 = arith.addi %arg1, %mul3A_48 : i32
      %mul3A_50 = arith.constant 80 : i32
      %mul3A_51 = arith.muli %add3A_49, %mul3A_50 : i32
      "tpu.region"() ({
        %run_scoped3A = tpu.sem_alloc : memref<!tpu.dma_semaphore, #tpu.memory_space<semaphore_mem>>
        %dma_start3A = arith.constant 0 : i32
        %dma_start3A_53 = tpu.memref_slice %arg8[%mul3A_51, %dma_start3A] : memref<12808x128xf32, #tpu.memory_space<vmem_shared>> -> memref<80x128xf32, #tpu.memory_space<vmem_shared>>
        %dma_start3A_54 = arith.constant 0 : i32
        %dma_start3A_55 = tpu.memref_slice %arg8[%mul3A_51, %dma_start3A_54] : memref<12808x128xf32, #tpu.memory_space<vmem_shared>> -> memref<80x128xf32, #tpu.memory_space<vmem_shared>>
        tpu.enqueue_dma source(%dma_start3A_55 : memref<80x128xf32, #tpu.memory_space<vmem_shared>>) target(%arg7 : memref<80x128xf32, #tpu.memory_space<vmem>>) target_semaphore(%run_scoped3A : memref<!tpu.dma_semaphore, #tpu.memory_space<semaphore_mem>>)
        %dma_wait3A = arith.constant 0 : i32
        %dma_wait3A_56 = tpu.memref_slice %arg8[%mul3A_51, %dma_wait3A] : memref<12808x128xf32, #tpu.memory_space<vmem_shared>> -> memref<80x128xf32, #tpu.memory_space<vmem_shared>>
        %dma_wait3A_57 = arith.constant 0 : i32
        %dma_wait3A_58 = tpu.memref_slice %arg8[%mul3A_51, %dma_wait3A_57] : memref<12808x128xf32, #tpu.memory_space<vmem_shared>> -> memref<80x128xf32, #tpu.memory_space<vmem_shared>>
        tpu.wait_dma2 semaphore(%run_scoped3A : memref<!tpu.dma_semaphore, #tpu.memory_space<semaphore_mem>>) src(%dma_wait3A_58 : memref<80x128xf32, #tpu.memory_space<vmem_shared>>) dst(%arg7 : memref<80x128xf32, #tpu.memory_space<vmem>>)
        tpu.yield
      }) : () -> ()
      %add3A_52 = arith.addi %mul3A_24, %mul3A_51 : i32
      "tpu.region"() ({
        %run_scoped3A = tpu.sem_alloc : memref<!tpu.dma_semaphore, #tpu.memory_space<semaphore_mem>>
        %dma_start3A = arith.constant 0 : i32
        %dma_start3A_53 = tpu.memref_slice %arg5[%add3A_52, %dma_start3A] : memref<51200x128xf32, #tpu.memory_space<hbm>> -> memref<80x128xf32, #tpu.memory_space<hbm>>
        %dma_start3A_54 = arith.constant 0 : i32
        %dma_start3A_55 = tpu.memref_slice %arg5[%add3A_52, %dma_start3A_54] : memref<51200x128xf32, #tpu.memory_space<hbm>> -> memref<80x128xf32, #tpu.memory_space<hbm>>
        tpu.enqueue_dma source(%arg7 : memref<80x128xf32, #tpu.memory_space<vmem>>) target(%dma_start3A_55 : memref<80x128xf32, #tpu.memory_space<hbm>>) target_semaphore(%run_scoped3A : memref<!tpu.dma_semaphore, #tpu.memory_space<semaphore_mem>>)
        %dma_wait3A = arith.constant 0 : i32
        %dma_wait3A_56 = tpu.memref_slice %arg5[%add3A_52, %dma_wait3A] : memref<51200x128xf32, #tpu.memory_space<hbm>> -> memref<80x128xf32, #tpu.memory_space<hbm>>
        %dma_wait3A_57 = arith.constant 0 : i32
        %dma_wait3A_58 = tpu.memref_slice %arg5[%add3A_52, %dma_wait3A_57] : memref<51200x128xf32, #tpu.memory_space<hbm>> -> memref<80x128xf32, #tpu.memory_space<hbm>>
        tpu.wait_dma2 semaphore(%run_scoped3A : memref<!tpu.dma_semaphore, #tpu.memory_space<semaphore_mem>>) src(%arg7 : memref<80x128xf32, #tpu.memory_space<vmem>>) dst(%dma_wait3A_58 : memref<80x128xf32, #tpu.memory_space<hbm>>)
        tpu.yield
      }) : () -> ()
    }
    %scan3A_44 = arith.constant 10 : i32
    %barrier3A_45 = arith.constant 0 : index
    tpu.barrier barrier_id(%barrier3A_45)
    return
  }
}

#map = affine_map<(d0, d1) -> (0, 0)>
#map1 = affine_map<(d0, d1) -> (0)>
module attributes {stable_mosaic.version = 14 : i64} {
  func.func @k(%arg0: i32, %arg1: i32, %arg2: memref<10x128xf32, #tpu.memory_space<hbm>>, %arg3: memref<51200xi32, #tpu.memory_space<hbm>>, %arg4: memref<51200x128xf32, #tpu.memory_space<hbm>>, %arg5: memref<256xi32, #tpu.memory_space<vmem>>, %arg6: memref<256x128xf32, #tpu.memory_space<vmem>>, %arg7: memref<!tpu.dma_semaphore, #tpu.memory_space<semaphore_mem>>) attributes {dimension_semantics = [#tpu.dimension_semantics<core_parallel>, #tpu.dimension_semantics<subcore_parallel>], iteration_bounds = array<i64: 2, 16>, scalar_prefetch = 0 : i64, scratch_operands = 3 : i64, tpu.core_type = #tpu.core_type<sc_vector_subcore>, window_params = [{transform_indices = #map}, {transform_indices = #map1}, {transform_indices = #map}]} {
    %mul3A = arith.constant 2 : i32
    %mul3A_0 = arith.muli %arg1, %mul3A : i32
    %add3A = arith.addi %mul3A_0, %arg0 : i32
    %mul3A_1 = arith.constant 1600 : i32
    %mul3A_2 = arith.muli %add3A, %mul3A_1 : i32
    %scan3A = arith.constant 0 : i32
    %scan3A_3 = arith.constant 0 : i32
    %scan3A_4 = arith.constant 6 : i32
    %scan3A_5 = arith.addi %scan3A_3, %scan3A_4 : i32
    %scan3A_6 = arith.constant 1 : i32
    scf.for %scan3A_41 = %scan3A_3 to %scan3A_5 step %scan3A_6  : i32 {
      %mul3A_42 = arith.constant 256 : i32
      %mul3A_43 = arith.muli %scan3A_41, %mul3A_42 : i32
      %add3A_44 = arith.addi %mul3A_2, %mul3A_43 : i32
      "tpu.region"() ({
        %run_scoped3A = tpu.sem_alloc : memref<!tpu.dma_semaphore, #tpu.memory_space<semaphore_mem>>
        %dma_start3A_77 = tpu.memref_slice %arg3[%add3A_44] : memref<51200xi32, #tpu.memory_space<hbm>> -> memref<256xi32, #tpu.memory_space<hbm>>
        %dma_start3A_78 = tpu.memref_slice %arg3[%add3A_44] : memref<51200xi32, #tpu.memory_space<hbm>> -> memref<256xi32, #tpu.memory_space<hbm>>
        tpu.enqueue_dma source(%dma_start3A_78 : memref<256xi32, #tpu.memory_space<hbm>>) target(%arg5 : memref<256xi32, #tpu.memory_space<vmem>>) target_semaphore(%run_scoped3A : memref<!tpu.dma_semaphore, #tpu.memory_space<semaphore_mem>>)
        %dma_wait3A_79 = tpu.memref_slice %arg3[%add3A_44] : memref<51200xi32, #tpu.memory_space<hbm>> -> memref<256xi32, #tpu.memory_space<hbm>>
        %dma_wait3A_80 = tpu.memref_slice %arg3[%add3A_44] : memref<51200xi32, #tpu.memory_space<hbm>> -> memref<256xi32, #tpu.memory_space<hbm>>
        tpu.wait_dma2 semaphore(%run_scoped3A : memref<!tpu.dma_semaphore, #tpu.memory_space<semaphore_mem>>) src(%dma_wait3A_80 : memref<256xi32, #tpu.memory_space<hbm>>) dst(%arg5 : memref<256xi32, #tpu.memory_space<vmem>>)
        tpu.yield
      }) : () -> ()
      %dma_start3A_45 = arith.constant 0 : i32
      %dma_start3A_46 = arith.constant 0 : i32
      %dma_start3A_47 = tpu.memref_slice %arg6[%dma_start3A_45, %dma_start3A_46] : memref<256x128xf32, #tpu.memory_space<vmem>> -> memref<128x128xf32, #tpu.memory_space<vmem>>
      %dma_start3A_48 = arith.constant 0 : i32
      %dma_start3A_49 = tpu.memref_slice %arg5[%dma_start3A_48] : memref<256xi32, #tpu.memory_space<vmem>> -> memref<128xi32, #tpu.memory_space<vmem>>
      %dma_start3A_50 = arith.constant 0 : i32
      %dma_start3A_51 = arith.constant 0 : i32
      %dma_start3A_52 = tpu.memref_slice %arg2[%dma_start3A_50, %dma_start3A_51] : memref<10x128xf32, #tpu.memory_space<hbm>> -> memref<10x128xf32, #tpu.memory_space<hbm>>
      tpu.enqueue_indirect_dma source(%dma_start3A_52 : memref<10x128xf32, #tpu.memory_space<hbm>>) target(%dma_start3A_47 : memref<128x128xf32, #tpu.memory_space<vmem>>) offsets(%dma_start3A_49 : memref<128xi32, #tpu.memory_space<vmem>>) semaphore(%arg7 : memref<!tpu.dma_semaphore, #tpu.memory_space<semaphore_mem>>)
      %dma_start3A_53 = arith.constant 128 : i32
      %dma_start3A_54 = arith.constant 0 : i32
      %dma_start3A_55 = tpu.memref_slice %arg6[%dma_start3A_53, %dma_start3A_54] : memref<256x128xf32, #tpu.memory_space<vmem>> -> memref<128x128xf32, #tpu.memory_space<vmem>>
      %dma_start3A_56 = arith.constant 128 : i32
      %dma_start3A_57 = tpu.memref_slice %arg5[%dma_start3A_56] : memref<256xi32, #tpu.memory_space<vmem>> -> memref<128xi32, #tpu.memory_space<vmem>>
      %dma_start3A_58 = arith.constant 0 : i32
      %dma_start3A_59 = arith.constant 0 : i32
      %dma_start3A_60 = tpu.memref_slice %arg2[%dma_start3A_58, %dma_start3A_59] : memref<10x128xf32, #tpu.memory_space<hbm>> -> memref<10x128xf32, #tpu.memory_space<hbm>>
      tpu.enqueue_indirect_dma source(%dma_start3A_60 : memref<10x128xf32, #tpu.memory_space<hbm>>) target(%dma_start3A_55 : memref<128x128xf32, #tpu.memory_space<vmem>>) offsets(%dma_start3A_57 : memref<128xi32, #tpu.memory_space<vmem>>) semaphore(%arg7 : memref<!tpu.dma_semaphore, #tpu.memory_space<semaphore_mem>>)
      %dma_wait3A_61 = arith.constant 0 : i32
      %dma_wait3A_62 = arith.constant 0 : i32
      %dma_wait3A_63 = tpu.memref_slice %arg6[%dma_wait3A_61, %dma_wait3A_62] : memref<256x128xf32, #tpu.memory_space<vmem>> -> memref<128x128xf32, #tpu.memory_space<vmem>>
      %dma_wait3A_64 = arith.constant 0 : i32
      %dma_wait3A_65 = tpu.memref_slice %arg5[%dma_wait3A_64] : memref<256xi32, #tpu.memory_space<vmem>> -> memref<128xi32, #tpu.memory_space<vmem>>
      %dma_wait3A_66 = arith.constant 0 : i32
      %dma_wait3A_67 = arith.constant 0 : i32
      %dma_wait3A_68 = tpu.memref_slice %arg2[%dma_wait3A_66, %dma_wait3A_67] : memref<10x128xf32, #tpu.memory_space<hbm>> -> memref<10x128xf32, #tpu.memory_space<hbm>>
      tpu.wait_indirect_dma semaphore(%arg7 : memref<!tpu.dma_semaphore, #tpu.memory_space<semaphore_mem>>) src(%dma_wait3A_68 : memref<10x128xf32, #tpu.memory_space<hbm>>) dst(%dma_wait3A_63 : memref<128x128xf32, #tpu.memory_space<vmem>>)
      %dma_wait3A_69 = arith.constant 128 : i32
      %dma_wait3A_70 = arith.constant 0 : i32
      %dma_wait3A_71 = tpu.memref_slice %arg6[%dma_wait3A_69, %dma_wait3A_70] : memref<256x128xf32, #tpu.memory_space<vmem>> -> memref<128x128xf32, #tpu.memory_space<vmem>>
      %dma_wait3A_72 = arith.constant 128 : i32
      %dma_wait3A_73 = tpu.memref_slice %arg5[%dma_wait3A_72] : memref<256xi32, #tpu.memory_space<vmem>> -> memref<128xi32, #tpu.memory_space<vmem>>
      %dma_wait3A_74 = arith.constant 0 : i32
      %dma_wait3A_75 = arith.constant 0 : i32
      %dma_wait3A_76 = tpu.memref_slice %arg2[%dma_wait3A_74, %dma_wait3A_75] : memref<10x128xf32, #tpu.memory_space<hbm>> -> memref<10x128xf32, #tpu.memory_space<hbm>>
      tpu.wait_indirect_dma semaphore(%arg7 : memref<!tpu.dma_semaphore, #tpu.memory_space<semaphore_mem>>) src(%dma_wait3A_76 : memref<10x128xf32, #tpu.memory_space<hbm>>) dst(%dma_wait3A_71 : memref<128x128xf32, #tpu.memory_space<vmem>>)
      "tpu.region"() ({
        %run_scoped3A = tpu.sem_alloc : memref<!tpu.dma_semaphore, #tpu.memory_space<semaphore_mem>>
        %dma_start3A_77 = arith.constant 0 : i32
        %dma_start3A_78 = tpu.memref_slice %arg4[%add3A_44, %dma_start3A_77] : memref<51200x128xf32, #tpu.memory_space<hbm>> -> memref<256x128xf32, #tpu.memory_space<hbm>>
        %dma_start3A_79 = arith.constant 0 : i32
        %dma_start3A_80 = tpu.memref_slice %arg4[%add3A_44, %dma_start3A_79] : memref<51200x128xf32, #tpu.memory_space<hbm>> -> memref<256x128xf32, #tpu.memory_space<hbm>>
        tpu.enqueue_dma source(%arg6 : memref<256x128xf32, #tpu.memory_space<vmem>>) target(%dma_start3A_80 : memref<256x128xf32, #tpu.memory_space<hbm>>) target_semaphore(%run_scoped3A : memref<!tpu.dma_semaphore, #tpu.memory_space<semaphore_mem>>)
        %dma_wait3A_81 = arith.constant 0 : i32
        %dma_wait3A_82 = tpu.memref_slice %arg4[%add3A_44, %dma_wait3A_81] : memref<51200x128xf32, #tpu.memory_space<hbm>> -> memref<256x128xf32, #tpu.memory_space<hbm>>
        %dma_wait3A_83 = arith.constant 0 : i32
        %dma_wait3A_84 = tpu.memref_slice %arg4[%add3A_44, %dma_wait3A_83] : memref<51200x128xf32, #tpu.memory_space<hbm>> -> memref<256x128xf32, #tpu.memory_space<hbm>>
        tpu.wait_dma2 semaphore(%run_scoped3A : memref<!tpu.dma_semaphore, #tpu.memory_space<semaphore_mem>>) src(%arg6 : memref<256x128xf32, #tpu.memory_space<vmem>>) dst(%dma_wait3A_84 : memref<256x128xf32, #tpu.memory_space<hbm>>)
        tpu.yield
      }) : () -> ()
    }
    %scan3A_7 = arith.constant 6 : i32
    %add3A_8 = arith.constant 1600 : i32
    %add3A_9 = arith.addi %mul3A_2, %add3A_8 : i32
    %sub3A = arith.constant 256 : i32
    %sub3A_10 = arith.subi %add3A_9, %sub3A : i32
    "tpu.region"() ({
      %run_scoped3A = tpu.sem_alloc : memref<!tpu.dma_semaphore, #tpu.memory_space<semaphore_mem>>
      %dma_start3A_41 = tpu.memref_slice %arg3[%sub3A_10] : memref<51200xi32, #tpu.memory_space<hbm>> -> memref<256xi32, #tpu.memory_space<hbm>>
      %dma_start3A_42 = tpu.memref_slice %arg3[%sub3A_10] : memref<51200xi32, #tpu.memory_space<hbm>> -> memref<256xi32, #tpu.memory_space<hbm>>
      tpu.enqueue_dma source(%dma_start3A_42 : memref<256xi32, #tpu.memory_space<hbm>>) target(%arg5 : memref<256xi32, #tpu.memory_space<vmem>>) target_semaphore(%run_scoped3A : memref<!tpu.dma_semaphore, #tpu.memory_space<semaphore_mem>>)
      %dma_wait3A_43 = tpu.memref_slice %arg3[%sub3A_10] : memref<51200xi32, #tpu.memory_space<hbm>> -> memref<256xi32, #tpu.memory_space<hbm>>
      %dma_wait3A_44 = tpu.memref_slice %arg3[%sub3A_10] : memref<51200xi32, #tpu.memory_space<hbm>> -> memref<256xi32, #tpu.memory_space<hbm>>
      tpu.wait_dma2 semaphore(%run_scoped3A : memref<!tpu.dma_semaphore, #tpu.memory_space<semaphore_mem>>) src(%dma_wait3A_44 : memref<256xi32, #tpu.memory_space<hbm>>) dst(%arg5 : memref<256xi32, #tpu.memory_space<vmem>>)
      tpu.yield
    }) : () -> ()
    %dma_start3A = arith.constant 0 : i32
    %dma_start3A_11 = arith.constant 0 : i32
    %dma_start3A_12 = tpu.memref_slice %arg6[%dma_start3A, %dma_start3A_11] : memref<256x128xf32, #tpu.memory_space<vmem>> -> memref<128x128xf32, #tpu.memory_space<vmem>>
    %dma_start3A_13 = arith.constant 0 : i32
    %dma_start3A_14 = tpu.memref_slice %arg5[%dma_start3A_13] : memref<256xi32, #tpu.memory_space<vmem>> -> memref<128xi32, #tpu.memory_space<vmem>>
    %dma_start3A_15 = arith.constant 0 : i32
    %dma_start3A_16 = arith.constant 0 : i32
    %dma_start3A_17 = tpu.memref_slice %arg2[%dma_start3A_15, %dma_start3A_16] : memref<10x128xf32, #tpu.memory_space<hbm>> -> memref<10x128xf32, #tpu.memory_space<hbm>>
    tpu.enqueue_indirect_dma source(%dma_start3A_17 : memref<10x128xf32, #tpu.memory_space<hbm>>) target(%dma_start3A_12 : memref<128x128xf32, #tpu.memory_space<vmem>>) offsets(%dma_start3A_14 : memref<128xi32, #tpu.memory_space<vmem>>) semaphore(%arg7 : memref<!tpu.dma_semaphore, #tpu.memory_space<semaphore_mem>>)
    %dma_start3A_18 = arith.constant 128 : i32
    %dma_start3A_19 = arith.constant 0 : i32
    %dma_start3A_20 = tpu.memref_slice %arg6[%dma_start3A_18, %dma_start3A_19] : memref<256x128xf32, #tpu.memory_space<vmem>> -> memref<128x128xf32, #tpu.memory_space<vmem>>
    %dma_start3A_21 = arith.constant 128 : i32
    %dma_start3A_22 = tpu.memref_slice %arg5[%dma_start3A_21] : memref<256xi32, #tpu.memory_space<vmem>> -> memref<128xi32, #tpu.memory_space<vmem>>
    %dma_start3A_23 = arith.constant 0 : i32
    %dma_start3A_24 = arith.constant 0 : i32
    %dma_start3A_25 = tpu.memref_slice %arg2[%dma_start3A_23, %dma_start3A_24] : memref<10x128xf32, #tpu.memory_space<hbm>> -> memref<10x128xf32, #tpu.memory_space<hbm>>
    tpu.enqueue_indirect_dma source(%dma_start3A_25 : memref<10x128xf32, #tpu.memory_space<hbm>>) target(%dma_start3A_20 : memref<128x128xf32, #tpu.memory_space<vmem>>) offsets(%dma_start3A_22 : memref<128xi32, #tpu.memory_space<vmem>>) semaphore(%arg7 : memref<!tpu.dma_semaphore, #tpu.memory_space<semaphore_mem>>)
    %dma_wait3A = arith.constant 0 : i32
    %dma_wait3A_26 = arith.constant 0 : i32
    %dma_wait3A_27 = tpu.memref_slice %arg6[%dma_wait3A, %dma_wait3A_26] : memref<256x128xf32, #tpu.memory_space<vmem>> -> memref<128x128xf32, #tpu.memory_space<vmem>>
    %dma_wait3A_28 = arith.constant 0 : i32
    %dma_wait3A_29 = tpu.memref_slice %arg5[%dma_wait3A_28] : memref<256xi32, #tpu.memory_space<vmem>> -> memref<128xi32, #tpu.memory_space<vmem>>
    %dma_wait3A_30 = arith.constant 0 : i32
    %dma_wait3A_31 = arith.constant 0 : i32
    %dma_wait3A_32 = tpu.memref_slice %arg2[%dma_wait3A_30, %dma_wait3A_31] : memref<10x128xf32, #tpu.memory_space<hbm>> -> memref<10x128xf32, #tpu.memory_space<hbm>>
    tpu.wait_indirect_dma semaphore(%arg7 : memref<!tpu.dma_semaphore, #tpu.memory_space<semaphore_mem>>) src(%dma_wait3A_32 : memref<10x128xf32, #tpu.memory_space<hbm>>) dst(%dma_wait3A_27 : memref<128x128xf32, #tpu.memory_space<vmem>>)
    %dma_wait3A_33 = arith.constant 128 : i32
    %dma_wait3A_34 = arith.constant 0 : i32
    %dma_wait3A_35 = tpu.memref_slice %arg6[%dma_wait3A_33, %dma_wait3A_34] : memref<256x128xf32, #tpu.memory_space<vmem>> -> memref<128x128xf32, #tpu.memory_space<vmem>>
    %dma_wait3A_36 = arith.constant 128 : i32
    %dma_wait3A_37 = tpu.memref_slice %arg5[%dma_wait3A_36] : memref<256xi32, #tpu.memory_space<vmem>> -> memref<128xi32, #tpu.memory_space<vmem>>
    %dma_wait3A_38 = arith.constant 0 : i32
    %dma_wait3A_39 = arith.constant 0 : i32
    %dma_wait3A_40 = tpu.memref_slice %arg2[%dma_wait3A_38, %dma_wait3A_39] : memref<10x128xf32, #tpu.memory_space<hbm>> -> memref<10x128xf32, #tpu.memory_space<hbm>>
    tpu.wait_indirect_dma semaphore(%arg7 : memref<!tpu.dma_semaphore, #tpu.memory_space<semaphore_mem>>) src(%dma_wait3A_40 : memref<10x128xf32, #tpu.memory_space<hbm>>) dst(%dma_wait3A_35 : memref<128x128xf32, #tpu.memory_space<vmem>>)
    "tpu.region"() ({
      %run_scoped3A = tpu.sem_alloc : memref<!tpu.dma_semaphore, #tpu.memory_space<semaphore_mem>>
      %dma_start3A_41 = arith.constant 0 : i32
      %dma_start3A_42 = tpu.memref_slice %arg4[%sub3A_10, %dma_start3A_41] : memref<51200x128xf32, #tpu.memory_space<hbm>> -> memref<256x128xf32, #tpu.memory_space<hbm>>
      %dma_start3A_43 = arith.constant 0 : i32
      %dma_start3A_44 = tpu.memref_slice %arg4[%sub3A_10, %dma_start3A_43] : memref<51200x128xf32, #tpu.memory_space<hbm>> -> memref<256x128xf32, #tpu.memory_space<hbm>>
      tpu.enqueue_dma source(%arg6 : memref<256x128xf32, #tpu.memory_space<vmem>>) target(%dma_start3A_44 : memref<256x128xf32, #tpu.memory_space<hbm>>) target_semaphore(%run_scoped3A : memref<!tpu.dma_semaphore, #tpu.memory_space<semaphore_mem>>)
      %dma_wait3A_45 = arith.constant 0 : i32
      %dma_wait3A_46 = tpu.memref_slice %arg4[%sub3A_10, %dma_wait3A_45] : memref<51200x128xf32, #tpu.memory_space<hbm>> -> memref<256x128xf32, #tpu.memory_space<hbm>>
      %dma_wait3A_47 = arith.constant 0 : i32
      %dma_wait3A_48 = tpu.memref_slice %arg4[%sub3A_10, %dma_wait3A_47] : memref<51200x128xf32, #tpu.memory_space<hbm>> -> memref<256x128xf32, #tpu.memory_space<hbm>>
      tpu.wait_dma2 semaphore(%run_scoped3A : memref<!tpu.dma_semaphore, #tpu.memory_space<semaphore_mem>>) src(%arg6 : memref<256x128xf32, #tpu.memory_space<vmem>>) dst(%dma_wait3A_48 : memref<256x128xf32, #tpu.memory_space<hbm>>)
      tpu.yield
    }) : () -> ()
    return
  }
}

#map = affine_map<(d0, d1) -> (0, 0)>
#map1 = affine_map<(d0, d1) -> (0)>
module attributes {stable_mosaic.version = 14 : i64} {
  func.func @k(%arg0: i32, %arg1: i32, %arg2: memref<800000x128xf32, #tpu.memory_space<hbm>>, %arg3: memref<3203072xi32, #tpu.memory_space<hbm>>, %arg4: memref<51200x128xf32, #tpu.memory_space<hbm>>, %arg5: memref<51200x128xf32, #tpu.memory_space<hbm>>, %arg6: memref<64xi32, #tpu.memory_space<vmem>>, %arg7: memref<80x128xf32, #tpu.memory_space<vmem>>, %arg8: memref<12808x128xf32, #tpu.memory_space<vmem_shared>>) attributes {dimension_semantics = [#tpu.dimension_semantics<core_parallel>, #tpu.dimension_semantics<subcore_parallel>], iteration_bounds = array<i64: 2, 16>, scalar_prefetch = 0 : i64, scratch_operands = 3 : i64, tpu.core_type = #tpu.core_type<sc_vector_subcore>, window_params = [{transform_indices = #map}, {transform_indices = #map1}, {transform_indices = #map}, {transform_indices = #map}]} {
    %add3A = arith.constant 0 : i32
    %add3A_0 = arith.addi %add3A, %arg0 : i32
    %mul3A = arith.constant 12800 : i32
    %mul3A_1 = arith.muli %add3A_0, %mul3A : i32
    %scan3A = arith.constant 0 : i32
    %scan3A_2 = arith.constant 0 : i32
    %scan3A_3 = arith.constant 10 : i32
    %scan3A_4 = arith.addi %scan3A_2, %scan3A_3 : i32
    %scan3A_5 = arith.constant 1 : i32
    scf.for %scan3A_46 = %scan3A_2 to %scan3A_4 step %scan3A_5  : i32 {
      %mul3A_47 = arith.constant 16 : i32
      %mul3A_48 = arith.muli %scan3A_46, %mul3A_47 : i32
      %add3A_49 = arith.addi %arg1, %mul3A_48 : i32
      %mul3A_50 = arith.constant 80 : i32
      %mul3A_51 = arith.muli %add3A_49, %mul3A_50 : i32
      %add3A_52 = arith.addi %mul3A_1, %mul3A_51 : i32
      "tpu.region"() ({
        %run_scoped3A = tpu.sem_alloc : memref<!tpu.dma_semaphore, #tpu.memory_space<semaphore_mem>>
        %dma_start3A = arith.constant 0 : i32
        %dma_start3A_53 = tpu.memref_slice %arg4[%add3A_52, %dma_start3A] : memref<51200x128xf32, #tpu.memory_space<hbm>> -> memref<80x128xf32, #tpu.memory_space<hbm>>
        %dma_start3A_54 = arith.constant 0 : i32
        %dma_start3A_55 = tpu.memref_slice %arg4[%add3A_52, %dma_start3A_54] : memref<51200x128xf32, #tpu.memory_space<hbm>> -> memref<80x128xf32, #tpu.memory_space<hbm>>
        tpu.enqueue_dma source(%dma_start3A_55 : memref<80x128xf32, #tpu.memory_space<hbm>>) target(%arg7 : memref<80x128xf32, #tpu.memory_space<vmem>>) target_semaphore(%run_scoped3A : memref<!tpu.dma_semaphore, #tpu.memory_space<semaphore_mem>>)
        %dma_wait3A = arith.constant 0 : i32
        %dma_wait3A_56 = tpu.memref_slice %arg4[%add3A_52, %dma_wait3A] : memref<51200x128xf32, #tpu.memory_space<hbm>> -> memref<80x128xf32, #tpu.memory_space<hbm>>
        %dma_wait3A_57 = arith.constant 0 : i32
        %dma_wait3A_58 = tpu.memref_slice %arg4[%add3A_52, %dma_wait3A_57] : memref<51200x128xf32, #tpu.memory_space<hbm>> -> memref<80x128xf32, #tpu.memory_space<hbm>>
        tpu.wait_dma2 semaphore(%run_scoped3A : memref<!tpu.dma_semaphore, #tpu.memory_space<semaphore_mem>>) src(%dma_wait3A_58 : memref<80x128xf32, #tpu.memory_space<hbm>>) dst(%arg7 : memref<80x128xf32, #tpu.memory_space<vmem>>)
        tpu.yield
      }) : () -> ()
      "tpu.region"() ({
        %run_scoped3A = tpu.sem_alloc : memref<!tpu.dma_semaphore, #tpu.memory_space<semaphore_mem>>
        %dma_start3A = arith.constant 0 : i32
        %dma_start3A_53 = tpu.memref_slice %arg8[%mul3A_51, %dma_start3A] : memref<12808x128xf32, #tpu.memory_space<vmem_shared>> -> memref<80x128xf32, #tpu.memory_space<vmem_shared>>
        %dma_start3A_54 = arith.constant 0 : i32
        %dma_start3A_55 = tpu.memref_slice %arg8[%mul3A_51, %dma_start3A_54] : memref<12808x128xf32, #tpu.memory_space<vmem_shared>> -> memref<80x128xf32, #tpu.memory_space<vmem_shared>>
        tpu.enqueue_dma source(%arg7 : memref<80x128xf32, #tpu.memory_space<vmem>>) target(%dma_start3A_55 : memref<80x128xf32, #tpu.memory_space<vmem_shared>>) target_semaphore(%run_scoped3A : memref<!tpu.dma_semaphore, #tpu.memory_space<semaphore_mem>>)
        %dma_wait3A = arith.constant 0 : i32
        %dma_wait3A_56 = tpu.memref_slice %arg8[%mul3A_51, %dma_wait3A] : memref<12808x128xf32, #tpu.memory_space<vmem_shared>> -> memref<80x128xf32, #tpu.memory_space<vmem_shared>>
        %dma_wait3A_57 = arith.constant 0 : i32
        %dma_wait3A_58 = tpu.memref_slice %arg8[%mul3A_51, %dma_wait3A_57] : memref<12808x128xf32, #tpu.memory_space<vmem_shared>> -> memref<80x128xf32, #tpu.memory_space<vmem_shared>>
        tpu.wait_dma2 semaphore(%run_scoped3A : memref<!tpu.dma_semaphore, #tpu.memory_space<semaphore_mem>>) src(%arg7 : memref<80x128xf32, #tpu.memory_space<vmem>>) dst(%dma_wait3A_58 : memref<80x128xf32, #tpu.memory_space<vmem_shared>>)
        tpu.yield
      }) : () -> ()
    }
    %scan3A_6 = arith.constant 10 : i32
    %barrier3A = arith.constant 0 : index
    tpu.barrier barrier_id(%barrier3A)
    %scan3A_7 = arith.constant 0 : i32
    %scan3A_8 = arith.constant 0 : i32
    %scan3A_9 = arith.constant 782 : i32
    %scan3A_10 = arith.addi %scan3A_8, %scan3A_9 : i32
    %scan3A_11 = arith.constant 1 : i32
    scf.for %scan3A_46 = %scan3A_8 to %scan3A_10 step %scan3A_11  : i32 {
      %mul3A_47 = arith.constant 16 : i32
      %mul3A_48 = arith.muli %scan3A_46, %mul3A_47 : i32
      %add3A_49 = arith.addi %arg1, %mul3A_48 : i32
      %min3A = arith.constant 12499 : i32
      %min3A_50 = arith.minsi %add3A_49, %min3A : i32
      %mul3A_51 = arith.constant 800768 : i32
      %mul3A_52 = arith.muli %add3A_0, %mul3A_51 : i32
      %mul3A_53 = arith.constant 64 : i32
      %mul3A_54 = arith.muli %add3A_49, %mul3A_53 : i32
      %add3A_55 = arith.addi %mul3A_52, %mul3A_54 : i32
      "tpu.region"() ({
        %run_scoped3A = tpu.sem_alloc : memref<!tpu.dma_semaphore, #tpu.memory_space<semaphore_mem>>
        %dma_start3A = tpu.memref_slice %arg3[%add3A_55] : memref<3203072xi32, #tpu.memory_space<hbm>> -> memref<64xi32, #tpu.memory_space<hbm>>
        %dma_start3A_58 = tpu.memref_slice %arg3[%add3A_55] : memref<3203072xi32, #tpu.memory_space<hbm>> -> memref<64xi32, #tpu.memory_space<hbm>>
        tpu.enqueue_dma source(%dma_start3A_58 : memref<64xi32, #tpu.memory_space<hbm>>) target(%arg6 : memref<64xi32, #tpu.memory_space<vmem>>) target_semaphore(%run_scoped3A : memref<!tpu.dma_semaphore, #tpu.memory_space<semaphore_mem>>)
        %dma_wait3A = tpu.memref_slice %arg3[%add3A_55] : memref<3203072xi32, #tpu.memory_space<hbm>> -> memref<64xi32, #tpu.memory_space<hbm>>
        %dma_wait3A_59 = tpu.memref_slice %arg3[%add3A_55] : memref<3203072xi32, #tpu.memory_space<hbm>> -> memref<64xi32, #tpu.memory_space<hbm>>
        tpu.wait_dma2 semaphore(%run_scoped3A : memref<!tpu.dma_semaphore, #tpu.memory_space<semaphore_mem>>) src(%dma_wait3A_59 : memref<64xi32, #tpu.memory_space<hbm>>) dst(%arg6 : memref<64xi32, #tpu.memory_space<vmem>>)
        tpu.yield
      }) : () -> ()
      %mul3A_56 = arith.constant 64 : i32
      %mul3A_57 = arith.muli %min3A_50, %mul3A_56 : i32
      "tpu.region"() ({
        %run_scoped3A = tpu.sem_alloc : memref<!tpu.dma_semaphore, #tpu.memory_space<semaphore_mem>>
        %dma_start3A = arith.constant 0 : i32
        %dma_start3A_58 = arith.constant 0 : i32
        %dma_start3A_59 = tpu.memref_slice %arg7[%dma_start3A, %dma_start3A_58] : memref<80x128xf32, #tpu.memory_space<vmem>> -> memref<64x128xf32, #tpu.memory_space<vmem>>
        %dma_start3A_60 = arith.constant 0 : i32
        %dma_start3A_61 = tpu.memref_slice %arg2[%mul3A_57, %dma_start3A_60] : memref<800000x128xf32, #tpu.memory_space<hbm>> -> memref<64x128xf32, #tpu.memory_space<hbm>>
        %dma_start3A_62 = arith.constant 0 : i32
        %dma_start3A_63 = arith.constant 0 : i32
        %dma_start3A_64 = tpu.memref_slice %arg7[%dma_start3A_62, %dma_start3A_63] : memref<80x128xf32, #tpu.memory_space<vmem>> -> memref<64x128xf32, #tpu.memory_space<vmem>>
        %dma_start3A_65 = arith.constant 0 : i32
        %dma_start3A_66 = tpu.memref_slice %arg2[%mul3A_57, %dma_start3A_65] : memref<800000x128xf32, #tpu.memory_space<hbm>> -> memref<64x128xf32, #tpu.memory_space<hbm>>
        tpu.enqueue_dma source(%dma_start3A_66 : memref<64x128xf32, #tpu.memory_space<hbm>>) target(%dma_start3A_64 : memref<64x128xf32, #tpu.memory_space<vmem>>) target_semaphore(%run_scoped3A : memref<!tpu.dma_semaphore, #tpu.memory_space<semaphore_mem>>)
        %dma_wait3A = arith.constant 0 : i32
        %dma_wait3A_67 = arith.constant 0 : i32
        %dma_wait3A_68 = tpu.memref_slice %arg7[%dma_wait3A, %dma_wait3A_67] : memref<80x128xf32, #tpu.memory_space<vmem>> -> memref<64x128xf32, #tpu.memory_space<vmem>>
        %dma_wait3A_69 = arith.constant 0 : i32
        %dma_wait3A_70 = tpu.memref_slice %arg2[%mul3A_57, %dma_wait3A_69] : memref<800000x128xf32, #tpu.memory_space<hbm>> -> memref<64x128xf32, #tpu.memory_space<hbm>>
        %dma_wait3A_71 = arith.constant 0 : i32
        %dma_wait3A_72 = arith.constant 0 : i32
        %dma_wait3A_73 = tpu.memref_slice %arg7[%dma_wait3A_71, %dma_wait3A_72] : memref<80x128xf32, #tpu.memory_space<vmem>> -> memref<64x128xf32, #tpu.memory_space<vmem>>
        %dma_wait3A_74 = arith.constant 0 : i32
        %dma_wait3A_75 = tpu.memref_slice %arg2[%mul3A_57, %dma_wait3A_74] : memref<800000x128xf32, #tpu.memory_space<hbm>> -> memref<64x128xf32, #tpu.memory_space<hbm>>
        tpu.wait_dma2 semaphore(%run_scoped3A : memref<!tpu.dma_semaphore, #tpu.memory_space<semaphore_mem>>) src(%dma_wait3A_75 : memref<64x128xf32, #tpu.memory_space<hbm>>) dst(%dma_wait3A_73 : memref<64x128xf32, #tpu.memory_space<vmem>>)
        tpu.yield
      }) : () -> ()
      "tpu.region"() ({
        %run_scoped3A = tpu.sem_alloc : memref<!tpu.dma_semaphore, #tpu.memory_space<semaphore_mem>>
        %dma_start3A = arith.constant 0 : i32
        %dma_start3A_58 = arith.constant 0 : i32
        %dma_start3A_59 = tpu.memref_slice %arg7[%dma_start3A, %dma_start3A_58] : memref<80x128xf32, #tpu.memory_space<vmem>> -> memref<64x128xf32, #tpu.memory_space<vmem>>
        %dma_start3A_60 = arith.constant 0 : i32
        %dma_start3A_61 = arith.constant 0 : i32
        %dma_start3A_62 = tpu.memref_slice %arg8[%dma_start3A_60, %dma_start3A_61] : memref<12808x128xf32, #tpu.memory_space<vmem_shared>> -> memref<12808x128xf32, #tpu.memory_space<vmem_shared>>
        tpu.enqueue_indirect_dma source(%dma_start3A_59 : memref<64x128xf32, #tpu.memory_space<vmem>>) target(%dma_start3A_62 : memref<12808x128xf32, #tpu.memory_space<vmem_shared>>) offsets(%arg6 : memref<64xi32, #tpu.memory_space<vmem>>) semaphore(%run_scoped3A : memref<!tpu.dma_semaphore, #tpu.memory_space<semaphore_mem>>) {add = true}
        %dma_wait3A = arith.constant 0 : i32
        %dma_wait3A_63 = arith.constant 0 : i32
        %dma_wait3A_64 = tpu.memref_slice %arg7[%dma_wait3A, %dma_wait3A_63] : memref<80x128xf32, #tpu.memory_space<vmem>> -> memref<64x128xf32, #tpu.memory_space<vmem>>
        %dma_wait3A_65 = arith.constant 0 : i32
        %dma_wait3A_66 = arith.constant 0 : i32
        %dma_wait3A_67 = tpu.memref_slice %arg8[%dma_wait3A_65, %dma_wait3A_66] : memref<12808x128xf32, #tpu.memory_space<vmem_shared>> -> memref<12808x128xf32, #tpu.memory_space<vmem_shared>>
        tpu.wait_indirect_dma semaphore(%run_scoped3A : memref<!tpu.dma_semaphore, #tpu.memory_space<semaphore_mem>>) src(%dma_wait3A_64 : memref<64x128xf32, #tpu.memory_space<vmem>>) dst(%dma_wait3A_67 : memref<12808x128xf32, #tpu.memory_space<vmem_shared>>)
        tpu.yield
      }) : () -> ()
    }
    %scan3A_12 = arith.constant 782 : i32
    %barrier3A_13 = arith.constant 0 : index
    tpu.barrier barrier_id(%barrier3A_13)
    %scan3A_14 = arith.constant 0 : i32
    %scan3A_15 = arith.constant 0 : i32
    %scan3A_16 = arith.constant 10 : i32
    %scan3A_17 = arith.addi %scan3A_15, %scan3A_16 : i32
    %scan3A_18 = arith.constant 1 : i32
    scf.for %scan3A_46 = %scan3A_15 to %scan3A_17 step %scan3A_18  : i32 {
      %mul3A_47 = arith.constant 16 : i32
      %mul3A_48 = arith.muli %scan3A_46, %mul3A_47 : i32
      %add3A_49 = arith.addi %arg1, %mul3A_48 : i32
      %mul3A_50 = arith.constant 80 : i32
      %mul3A_51 = arith.muli %add3A_49, %mul3A_50 : i32
      "tpu.region"() ({
        %run_scoped3A = tpu.sem_alloc : memref<!tpu.dma_semaphore, #tpu.memory_space<semaphore_mem>>
        %dma_start3A = arith.constant 0 : i32
        %dma_start3A_53 = tpu.memref_slice %arg8[%mul3A_51, %dma_start3A] : memref<12808x128xf32, #tpu.memory_space<vmem_shared>> -> memref<80x128xf32, #tpu.memory_space<vmem_shared>>
        %dma_start3A_54 = arith.constant 0 : i32
        %dma_start3A_55 = tpu.memref_slice %arg8[%mul3A_51, %dma_start3A_54] : memref<12808x128xf32, #tpu.memory_space<vmem_shared>> -> memref<80x128xf32, #tpu.memory_space<vmem_shared>>
        tpu.enqueue_dma source(%dma_start3A_55 : memref<80x128xf32, #tpu.memory_space<vmem_shared>>) target(%arg7 : memref<80x128xf32, #tpu.memory_space<vmem>>) target_semaphore(%run_scoped3A : memref<!tpu.dma_semaphore, #tpu.memory_space<semaphore_mem>>)
        %dma_wait3A = arith.constant 0 : i32
        %dma_wait3A_56 = tpu.memref_slice %arg8[%mul3A_51, %dma_wait3A] : memref<12808x128xf32, #tpu.memory_space<vmem_shared>> -> memref<80x128xf32, #tpu.memory_space<vmem_shared>>
        %dma_wait3A_57 = arith.constant 0 : i32
        %dma_wait3A_58 = tpu.memref_slice %arg8[%mul3A_51, %dma_wait3A_57] : memref<12808x128xf32, #tpu.memory_space<vmem_shared>> -> memref<80x128xf32, #tpu.memory_space<vmem_shared>>
        tpu.wait_dma2 semaphore(%run_scoped3A : memref<!tpu.dma_semaphore, #tpu.memory_space<semaphore_mem>>) src(%dma_wait3A_58 : memref<80x128xf32, #tpu.memory_space<vmem_shared>>) dst(%arg7 : memref<80x128xf32, #tpu.memory_space<vmem>>)
        tpu.yield
      }) : () -> ()
      %add3A_52 = arith.addi %mul3A_1, %mul3A_51 : i32
      "tpu.region"() ({
        %run_scoped3A = tpu.sem_alloc : memref<!tpu.dma_semaphore, #tpu.memory_space<semaphore_mem>>
        %dma_start3A = arith.constant 0 : i32
        %dma_start3A_53 = tpu.memref_slice %arg5[%add3A_52, %dma_start3A] : memref<51200x128xf32, #tpu.memory_space<hbm>> -> memref<80x128xf32, #tpu.memory_space<hbm>>
        %dma_start3A_54 = arith.constant 0 : i32
        %dma_start3A_55 = tpu.memref_slice %arg5[%add3A_52, %dma_start3A_54] : memref<51200x128xf32, #tpu.memory_space<hbm>> -> memref<80x128xf32, #tpu.memory_space<hbm>>
        tpu.enqueue_dma source(%arg7 : memref<80x128xf32, #tpu.memory_space<vmem>>) target(%dma_start3A_55 : memref<80x128xf32, #tpu.memory_space<hbm>>) target_semaphore(%run_scoped3A : memref<!tpu.dma_semaphore, #tpu.memory_space<semaphore_mem>>)
        %dma_wait3A = arith.constant 0 : i32
        %dma_wait3A_56 = tpu.memref_slice %arg5[%add3A_52, %dma_wait3A] : memref<51200x128xf32, #tpu.memory_space<hbm>> -> memref<80x128xf32, #tpu.memory_space<hbm>>
        %dma_wait3A_57 = arith.constant 0 : i32
        %dma_wait3A_58 = tpu.memref_slice %arg5[%add3A_52, %dma_wait3A_57] : memref<51200x128xf32, #tpu.memory_space<hbm>> -> memref<80x128xf32, #tpu.memory_space<hbm>>
        tpu.wait_dma2 semaphore(%run_scoped3A : memref<!tpu.dma_semaphore, #tpu.memory_space<semaphore_mem>>) src(%arg7 : memref<80x128xf32, #tpu.memory_space<vmem>>) dst(%dma_wait3A_58 : memref<80x128xf32, #tpu.memory_space<hbm>>)
        tpu.yield
      }) : () -> ()
    }
    %scan3A_19 = arith.constant 10 : i32
    %barrier3A_20 = arith.constant 0 : index
    tpu.barrier barrier_id(%barrier3A_20)
    %add3A_21 = arith.constant 2 : i32
    %add3A_22 = arith.addi %add3A_21, %arg0 : i32
    %mul3A_23 = arith.constant 12800 : i32
    %mul3A_24 = arith.muli %add3A_22, %mul3A_23 : i32
    %scan3A_25 = arith.constant 0 : i32
    %scan3A_26 = arith.constant 0 : i32
    %scan3A_27 = arith.constant 10 : i32
    %scan3A_28 = arith.addi %scan3A_26, %scan3A_27 : i32
    %scan3A_29 = arith.constant 1 : i32
    scf.for %scan3A_46 = %scan3A_26 to %scan3A_28 step %scan3A_29  : i32 {
      %mul3A_47 = arith.constant 16 : i32
      %mul3A_48 = arith.muli %scan3A_46, %mul3A_47 : i32
      %add3A_49 = arith.addi %arg1, %mul3A_48 : i32
      %mul3A_50 = arith.constant 80 : i32
      %mul3A_51 = arith.muli %add3A_49, %mul3A_50 : i32
      %add3A_52 = arith.addi %mul3A_24, %mul3A_51 : i32
      "tpu.region"() ({
        %run_scoped3A = tpu.sem_alloc : memref<!tpu.dma_semaphore, #tpu.memory_space<semaphore_mem>>
        %dma_start3A = arith.constant 0 : i32
        %dma_start3A_53 = tpu.memref_slice %arg4[%add3A_52, %dma_start3A] : memref<51200x128xf32, #tpu.memory_space<hbm>> -> memref<80x128xf32, #tpu.memory_space<hbm>>
        %dma_start3A_54 = arith.constant 0 : i32
        %dma_start3A_55 = tpu.memref_slice %arg4[%add3A_52, %dma_start3A_54] : memref<51200x128xf32, #tpu.memory_space<hbm>> -> memref<80x128xf32, #tpu.memory_space<hbm>>
        tpu.enqueue_dma source(%dma_start3A_55 : memref<80x128xf32, #tpu.memory_space<hbm>>) target(%arg7 : memref<80x128xf32, #tpu.memory_space<vmem>>) target_semaphore(%run_scoped3A : memref<!tpu.dma_semaphore, #tpu.memory_space<semaphore_mem>>)
        %dma_wait3A = arith.constant 0 : i32
        %dma_wait3A_56 = tpu.memref_slice %arg4[%add3A_52, %dma_wait3A] : memref<51200x128xf32, #tpu.memory_space<hbm>> -> memref<80x128xf32, #tpu.memory_space<hbm>>
        %dma_wait3A_57 = arith.constant 0 : i32
        %dma_wait3A_58 = tpu.memref_slice %arg4[%add3A_52, %dma_wait3A_57] : memref<51200x128xf32, #tpu.memory_space<hbm>> -> memref<80x128xf32, #tpu.memory_space<hbm>>
        tpu.wait_dma2 semaphore(%run_scoped3A : memref<!tpu.dma_semaphore, #tpu.memory_space<semaphore_mem>>) src(%dma_wait3A_58 : memref<80x128xf32, #tpu.memory_space<hbm>>) dst(%arg7 : memref<80x128xf32, #tpu.memory_space<vmem>>)
        tpu.yield
      }) : () -> ()
      "tpu.region"() ({
        %run_scoped3A = tpu.sem_alloc : memref<!tpu.dma_semaphore, #tpu.memory_space<semaphore_mem>>
        %dma_start3A = arith.constant 0 : i32
        %dma_start3A_53 = tpu.memref_slice %arg8[%mul3A_51, %dma_start3A] : memref<12808x128xf32, #tpu.memory_space<vmem_shared>> -> memref<80x128xf32, #tpu.memory_space<vmem_shared>>
        %dma_start3A_54 = arith.constant 0 : i32
        %dma_start3A_55 = tpu.memref_slice %arg8[%mul3A_51, %dma_start3A_54] : memref<12808x128xf32, #tpu.memory_space<vmem_shared>> -> memref<80x128xf32, #tpu.memory_space<vmem_shared>>
        tpu.enqueue_dma source(%arg7 : memref<80x128xf32, #tpu.memory_space<vmem>>) target(%dma_start3A_55 : memref<80x128xf32, #tpu.memory_space<vmem_shared>>) target_semaphore(%run_scoped3A : memref<!tpu.dma_semaphore, #tpu.memory_space<semaphore_mem>>)
        %dma_wait3A = arith.constant 0 : i32
        %dma_wait3A_56 = tpu.memref_slice %arg8[%mul3A_51, %dma_wait3A] : memref<12808x128xf32, #tpu.memory_space<vmem_shared>> -> memref<80x128xf32, #tpu.memory_space<vmem_shared>>
        %dma_wait3A_57 = arith.constant 0 : i32
        %dma_wait3A_58 = tpu.memref_slice %arg8[%mul3A_51, %dma_wait3A_57] : memref<12808x128xf32, #tpu.memory_space<vmem_shared>> -> memref<80x128xf32, #tpu.memory_space<vmem_shared>>
        tpu.wait_dma2 semaphore(%run_scoped3A : memref<!tpu.dma_semaphore, #tpu.memory_space<semaphore_mem>>) src(%arg7 : memref<80x128xf32, #tpu.memory_space<vmem>>) dst(%dma_wait3A_58 : memref<80x128xf32, #tpu.memory_space<vmem_shared>>)
        tpu.yield
      }) : () -> ()
    }
    %scan3A_30 = arith.constant 10 : i32
    %barrier3A_31 = arith.constant 0 : index
    tpu.barrier barrier_id(%barrier3A_31)
    %scan3A_32 = arith.constant 0 : i32
    %scan3A_33 = arith.constant 0 : i32
    %scan3A_34 = arith.constant 782 : i32
    %scan3A_35 = arith.addi %scan3A_33, %scan3A_34 : i32
    %scan3A_36 = arith.constant 1 : i32
    scf.for %scan3A_46 = %scan3A_33 to %scan3A_35 step %scan3A_36  : i32 {
      %mul3A_47 = arith.constant 16 : i32
      %mul3A_48 = arith.muli %scan3A_46, %mul3A_47 : i32
      %add3A_49 = arith.addi %arg1, %mul3A_48 : i32
      %min3A = arith.constant 12499 : i32
      %min3A_50 = arith.minsi %add3A_49, %min3A : i32
      %mul3A_51 = arith.constant 800768 : i32
      %mul3A_52 = arith.muli %add3A_22, %mul3A_51 : i32
      %mul3A_53 = arith.constant 64 : i32
      %mul3A_54 = arith.muli %add3A_49, %mul3A_53 : i32
      %add3A_55 = arith.addi %mul3A_52, %mul3A_54 : i32
      "tpu.region"() ({
        %run_scoped3A = tpu.sem_alloc : memref<!tpu.dma_semaphore, #tpu.memory_space<semaphore_mem>>
        %dma_start3A = tpu.memref_slice %arg3[%add3A_55] : memref<3203072xi32, #tpu.memory_space<hbm>> -> memref<64xi32, #tpu.memory_space<hbm>>
        %dma_start3A_58 = tpu.memref_slice %arg3[%add3A_55] : memref<3203072xi32, #tpu.memory_space<hbm>> -> memref<64xi32, #tpu.memory_space<hbm>>
        tpu.enqueue_dma source(%dma_start3A_58 : memref<64xi32, #tpu.memory_space<hbm>>) target(%arg6 : memref<64xi32, #tpu.memory_space<vmem>>) target_semaphore(%run_scoped3A : memref<!tpu.dma_semaphore, #tpu.memory_space<semaphore_mem>>)
        %dma_wait3A = tpu.memref_slice %arg3[%add3A_55] : memref<3203072xi32, #tpu.memory_space<hbm>> -> memref<64xi32, #tpu.memory_space<hbm>>
        %dma_wait3A_59 = tpu.memref_slice %arg3[%add3A_55] : memref<3203072xi32, #tpu.memory_space<hbm>> -> memref<64xi32, #tpu.memory_space<hbm>>
        tpu.wait_dma2 semaphore(%run_scoped3A : memref<!tpu.dma_semaphore, #tpu.memory_space<semaphore_mem>>) src(%dma_wait3A_59 : memref<64xi32, #tpu.memory_space<hbm>>) dst(%arg6 : memref<64xi32, #tpu.memory_space<vmem>>)
        tpu.yield
      }) : () -> ()
      %mul3A_56 = arith.constant 64 : i32
      %mul3A_57 = arith.muli %min3A_50, %mul3A_56 : i32
      "tpu.region"() ({
        %run_scoped3A = tpu.sem_alloc : memref<!tpu.dma_semaphore, #tpu.memory_space<semaphore_mem>>
        %dma_start3A = arith.constant 0 : i32
        %dma_start3A_58 = arith.constant 0 : i32
        %dma_start3A_59 = tpu.memref_slice %arg7[%dma_start3A, %dma_start3A_58] : memref<80x128xf32, #tpu.memory_space<vmem>> -> memref<64x128xf32, #tpu.memory_space<vmem>>
        %dma_start3A_60 = arith.constant 0 : i32
        %dma_start3A_61 = tpu.memref_slice %arg2[%mul3A_57, %dma_start3A_60] : memref<800000x128xf32, #tpu.memory_space<hbm>> -> memref<64x128xf32, #tpu.memory_space<hbm>>
        %dma_start3A_62 = arith.constant 0 : i32
        %dma_start3A_63 = arith.constant 0 : i32
        %dma_start3A_64 = tpu.memref_slice %arg7[%dma_start3A_62, %dma_start3A_63] : memref<80x128xf32, #tpu.memory_space<vmem>> -> memref<64x128xf32, #tpu.memory_space<vmem>>
        %dma_start3A_65 = arith.constant 0 : i32
        %dma_start3A_66 = tpu.memref_slice %arg2[%mul3A_57, %dma_start3A_65] : memref<800000x128xf32, #tpu.memory_space<hbm>> -> memref<64x128xf32, #tpu.memory_space<hbm>>
        tpu.enqueue_dma source(%dma_start3A_66 : memref<64x128xf32, #tpu.memory_space<hbm>>) target(%dma_start3A_64 : memref<64x128xf32, #tpu.memory_space<vmem>>) target_semaphore(%run_scoped3A : memref<!tpu.dma_semaphore, #tpu.memory_space<semaphore_mem>>)
        %dma_wait3A = arith.constant 0 : i32
        %dma_wait3A_67 = arith.constant 0 : i32
        %dma_wait3A_68 = tpu.memref_slice %arg7[%dma_wait3A, %dma_wait3A_67] : memref<80x128xf32, #tpu.memory_space<vmem>> -> memref<64x128xf32, #tpu.memory_space<vmem>>
        %dma_wait3A_69 = arith.constant 0 : i32
        %dma_wait3A_70 = tpu.memref_slice %arg2[%mul3A_57, %dma_wait3A_69] : memref<800000x128xf32, #tpu.memory_space<hbm>> -> memref<64x128xf32, #tpu.memory_space<hbm>>
        %dma_wait3A_71 = arith.constant 0 : i32
        %dma_wait3A_72 = arith.constant 0 : i32
        %dma_wait3A_73 = tpu.memref_slice %arg7[%dma_wait3A_71, %dma_wait3A_72] : memref<80x128xf32, #tpu.memory_space<vmem>> -> memref<64x128xf32, #tpu.memory_space<vmem>>
        %dma_wait3A_74 = arith.constant 0 : i32
        %dma_wait3A_75 = tpu.memref_slice %arg2[%mul3A_57, %dma_wait3A_74] : memref<800000x128xf32, #tpu.memory_space<hbm>> -> memref<64x128xf32, #tpu.memory_space<hbm>>
        tpu.wait_dma2 semaphore(%run_scoped3A : memref<!tpu.dma_semaphore, #tpu.memory_space<semaphore_mem>>) src(%dma_wait3A_75 : memref<64x128xf32, #tpu.memory_space<hbm>>) dst(%dma_wait3A_73 : memref<64x128xf32, #tpu.memory_space<vmem>>)
        tpu.yield
      }) : () -> ()
      "tpu.region"() ({
        %run_scoped3A = tpu.sem_alloc : memref<!tpu.dma_semaphore, #tpu.memory_space<semaphore_mem>>
        %dma_start3A = arith.constant 0 : i32
        %dma_start3A_58 = arith.constant 0 : i32
        %dma_start3A_59 = tpu.memref_slice %arg7[%dma_start3A, %dma_start3A_58] : memref<80x128xf32, #tpu.memory_space<vmem>> -> memref<64x128xf32, #tpu.memory_space<vmem>>
        %dma_start3A_60 = arith.constant 0 : i32
        %dma_start3A_61 = arith.constant 0 : i32
        %dma_start3A_62 = tpu.memref_slice %arg8[%dma_start3A_60, %dma_start3A_61] : memref<12808x128xf32, #tpu.memory_space<vmem_shared>> -> memref<12808x128xf32, #tpu.memory_space<vmem_shared>>
        tpu.enqueue_indirect_dma source(%dma_start3A_59 : memref<64x128xf32, #tpu.memory_space<vmem>>) target(%dma_start3A_62 : memref<12808x128xf32, #tpu.memory_space<vmem_shared>>) offsets(%arg6 : memref<64xi32, #tpu.memory_space<vmem>>) semaphore(%run_scoped3A : memref<!tpu.dma_semaphore, #tpu.memory_space<semaphore_mem>>) {add = true}
        %dma_wait3A = arith.constant 0 : i32
        %dma_wait3A_63 = arith.constant 0 : i32
        %dma_wait3A_64 = tpu.memref_slice %arg7[%dma_wait3A, %dma_wait3A_63] : memref<80x128xf32, #tpu.memory_space<vmem>> -> memref<64x128xf32, #tpu.memory_space<vmem>>
        %dma_wait3A_65 = arith.constant 0 : i32
        %dma_wait3A_66 = arith.constant 0 : i32
        %dma_wait3A_67 = tpu.memref_slice %arg8[%dma_wait3A_65, %dma_wait3A_66] : memref<12808x128xf32, #tpu.memory_space<vmem_shared>> -> memref<12808x128xf32, #tpu.memory_space<vmem_shared>>
        tpu.wait_indirect_dma semaphore(%run_scoped3A : memref<!tpu.dma_semaphore, #tpu.memory_space<semaphore_mem>>) src(%dma_wait3A_64 : memref<64x128xf32, #tpu.memory_space<vmem>>) dst(%dma_wait3A_67 : memref<12808x128xf32, #tpu.memory_space<vmem_shared>>)
        tpu.yield
      }) : () -> ()
    }
    %scan3A_37 = arith.constant 782 : i32
    %barrier3A_38 = arith.constant 0 : index
    tpu.barrier barrier_id(%barrier3A_38)
    %scan3A_39 = arith.constant 0 : i32
    %scan3A_40 = arith.constant 0 : i32
    %scan3A_41 = arith.constant 10 : i32
    %scan3A_42 = arith.addi %scan3A_40, %scan3A_41 : i32
    %scan3A_43 = arith.constant 1 : i32
    scf.for %scan3A_46 = %scan3A_40 to %scan3A_42 step %scan3A_43  : i32 {
      %mul3A_47 = arith.constant 16 : i32
      %mul3A_48 = arith.muli %scan3A_46, %mul3A_47 : i32
      %add3A_49 = arith.addi %arg1, %mul3A_48 : i32
      %mul3A_50 = arith.constant 80 : i32
      %mul3A_51 = arith.muli %add3A_49, %mul3A_50 : i32
      "tpu.region"() ({
        %run_scoped3A = tpu.sem_alloc : memref<!tpu.dma_semaphore, #tpu.memory_space<semaphore_mem>>
        %dma_start3A = arith.constant 0 : i32
        %dma_start3A_53 = tpu.memref_slice %arg8[%mul3A_51, %dma_start3A] : memref<12808x128xf32, #tpu.memory_space<vmem_shared>> -> memref<80x128xf32, #tpu.memory_space<vmem_shared>>
        %dma_start3A_54 = arith.constant 0 : i32
        %dma_start3A_55 = tpu.memref_slice %arg8[%mul3A_51, %dma_start3A_54] : memref<12808x128xf32, #tpu.memory_space<vmem_shared>> -> memref<80x128xf32, #tpu.memory_space<vmem_shared>>
        tpu.enqueue_dma source(%dma_start3A_55 : memref<80x128xf32, #tpu.memory_space<vmem_shared>>) target(%arg7 : memref<80x128xf32, #tpu.memory_space<vmem>>) target_semaphore(%run_scoped3A : memref<!tpu.dma_semaphore, #tpu.memory_space<semaphore_mem>>)
        %dma_wait3A = arith.constant 0 : i32
        %dma_wait3A_56 = tpu.memref_slice %arg8[%mul3A_51, %dma_wait3A] : memref<12808x128xf32, #tpu.memory_space<vmem_shared>> -> memref<80x128xf32, #tpu.memory_space<vmem_shared>>
        %dma_wait3A_57 = arith.constant 0 : i32
        %dma_wait3A_58 = tpu.memref_slice %arg8[%mul3A_51, %dma_wait3A_57] : memref<12808x128xf32, #tpu.memory_space<vmem_shared>> -> memref<80x128xf32, #tpu.memory_space<vmem_shared>>
        tpu.wait_dma2 semaphore(%run_scoped3A : memref<!tpu.dma_semaphore, #tpu.memory_space<semaphore_mem>>) src(%dma_wait3A_58 : memref<80x128xf32, #tpu.memory_space<vmem_shared>>) dst(%arg7 : memref<80x128xf32, #tpu.memory_space<vmem>>)
        tpu.yield
      }) : () -> ()
      %add3A_52 = arith.addi %mul3A_24, %mul3A_51 : i32
      "tpu.region"() ({
        %run_scoped3A = tpu.sem_alloc : memref<!tpu.dma_semaphore, #tpu.memory_space<semaphore_mem>>
        %dma_start3A = arith.constant 0 : i32
        %dma_start3A_53 = tpu.memref_slice %arg5[%add3A_52, %dma_start3A] : memref<51200x128xf32, #tpu.memory_space<hbm>> -> memref<80x128xf32, #tpu.memory_space<hbm>>
        %dma_start3A_54 = arith.constant 0 : i32
        %dma_start3A_55 = tpu.memref_slice %arg5[%add3A_52, %dma_start3A_54] : memref<51200x128xf32, #tpu.memory_space<hbm>> -> memref<80x128xf32, #tpu.memory_space<hbm>>
        tpu.enqueue_dma source(%arg7 : memref<80x128xf32, #tpu.memory_space<vmem>>) target(%dma_start3A_55 : memref<80x128xf32, #tpu.memory_space<hbm>>) target_semaphore(%run_scoped3A : memref<!tpu.dma_semaphore, #tpu.memory_space<semaphore_mem>>)
        %dma_wait3A = arith.constant 0 : i32
        %dma_wait3A_56 = tpu.memref_slice %arg5[%add3A_52, %dma_wait3A] : memref<51200x128xf32, #tpu.memory_space<hbm>> -> memref<80x128xf32, #tpu.memory_space<hbm>>
        %dma_wait3A_57 = arith.constant 0 : i32
        %dma_wait3A_58 = tpu.memref_slice %arg5[%add3A_52, %dma_wait3A_57] : memref<51200x128xf32, #tpu.memory_space<hbm>> -> memref<80x128xf32, #tpu.memory_space<hbm>>
        tpu.wait_dma2 semaphore(%run_scoped3A : memref<!tpu.dma_semaphore, #tpu.memory_space<semaphore_mem>>) src(%arg7 : memref<80x128xf32, #tpu.memory_space<vmem>>) dst(%dma_wait3A_58 : memref<80x128xf32, #tpu.memory_space<hbm>>)
        tpu.yield
      }) : () -> ()
    }
    %scan3A_44 = arith.constant 10 : i32
    %barrier3A_45 = arith.constant 0 : index
    tpu.barrier barrier_id(%barrier3A_45)
    return
  }
}

#map = affine_map<(d0, d1) -> (0, 0)>
#map1 = affine_map<(d0, d1) -> (0)>
module attributes {stable_mosaic.version = 14 : i64} {
  func.func @k(%arg0: i32, %arg1: i32, %arg2: memref<51200x128xf32, #tpu.memory_space<hbm>>, %arg3: memref<800000xi32, #tpu.memory_space<hbm>>, %arg4: memref<800000x128xf32, #tpu.memory_space<hbm>>, %arg5: memref<256xi32, #tpu.memory_space<vmem>>, %arg6: memref<256x128xf32, #tpu.memory_space<vmem>>, %arg7: memref<!tpu.dma_semaphore, #tpu.memory_space<semaphore_mem>>) attributes {dimension_semantics = [#tpu.dimension_semantics<core_parallel>, #tpu.dimension_semantics<subcore_parallel>], iteration_bounds = array<i64: 2, 16>, scalar_prefetch = 0 : i64, scratch_operands = 3 : i64, tpu.core_type = #tpu.core_type<sc_vector_subcore>, window_params = [{transform_indices = #map}, {transform_indices = #map1}, {transform_indices = #map}]} {
    %mul3A = arith.constant 2 : i32
    %mul3A_0 = arith.muli %arg1, %mul3A : i32
    %add3A = arith.addi %mul3A_0, %arg0 : i32
    %mul3A_1 = arith.constant 25000 : i32
    %mul3A_2 = arith.muli %add3A, %mul3A_1 : i32
    %scan3A = arith.constant 0 : i32
    %scan3A_3 = arith.constant 0 : i32
    %scan3A_4 = arith.constant 97 : i32
    %scan3A_5 = arith.addi %scan3A_3, %scan3A_4 : i32
    %scan3A_6 = arith.constant 1 : i32
    scf.for %scan3A_41 = %scan3A_3 to %scan3A_5 step %scan3A_6  : i32 {
      %mul3A_42 = arith.constant 256 : i32
      %mul3A_43 = arith.muli %scan3A_41, %mul3A_42 : i32
      %add3A_44 = arith.addi %mul3A_2, %mul3A_43 : i32
      "tpu.region"() ({
        %run_scoped3A = tpu.sem_alloc : memref<!tpu.dma_semaphore, #tpu.memory_space<semaphore_mem>>
        %dma_start3A_77 = tpu.memref_slice %arg3[%add3A_44] : memref<800000xi32, #tpu.memory_space<hbm>> -> memref<256xi32, #tpu.memory_space<hbm>>
        %dma_start3A_78 = tpu.memref_slice %arg3[%add3A_44] : memref<800000xi32, #tpu.memory_space<hbm>> -> memref<256xi32, #tpu.memory_space<hbm>>
        tpu.enqueue_dma source(%dma_start3A_78 : memref<256xi32, #tpu.memory_space<hbm>>) target(%arg5 : memref<256xi32, #tpu.memory_space<vmem>>) target_semaphore(%run_scoped3A : memref<!tpu.dma_semaphore, #tpu.memory_space<semaphore_mem>>)
        %dma_wait3A_79 = tpu.memref_slice %arg3[%add3A_44] : memref<800000xi32, #tpu.memory_space<hbm>> -> memref<256xi32, #tpu.memory_space<hbm>>
        %dma_wait3A_80 = tpu.memref_slice %arg3[%add3A_44] : memref<800000xi32, #tpu.memory_space<hbm>> -> memref<256xi32, #tpu.memory_space<hbm>>
        tpu.wait_dma2 semaphore(%run_scoped3A : memref<!tpu.dma_semaphore, #tpu.memory_space<semaphore_mem>>) src(%dma_wait3A_80 : memref<256xi32, #tpu.memory_space<hbm>>) dst(%arg5 : memref<256xi32, #tpu.memory_space<vmem>>)
        tpu.yield
      }) : () -> ()
      %dma_start3A_45 = arith.constant 0 : i32
      %dma_start3A_46 = arith.constant 0 : i32
      %dma_start3A_47 = tpu.memref_slice %arg6[%dma_start3A_45, %dma_start3A_46] : memref<256x128xf32, #tpu.memory_space<vmem>> -> memref<128x128xf32, #tpu.memory_space<vmem>>
      %dma_start3A_48 = arith.constant 0 : i32
      %dma_start3A_49 = tpu.memref_slice %arg5[%dma_start3A_48] : memref<256xi32, #tpu.memory_space<vmem>> -> memref<128xi32, #tpu.memory_space<vmem>>
      %dma_start3A_50 = arith.constant 0 : i32
      %dma_start3A_51 = arith.constant 0 : i32
      %dma_start3A_52 = tpu.memref_slice %arg2[%dma_start3A_50, %dma_start3A_51] : memref<51200x128xf32, #tpu.memory_space<hbm>> -> memref<51200x128xf32, #tpu.memory_space<hbm>>
      tpu.enqueue_indirect_dma source(%dma_start3A_52 : memref<51200x128xf32, #tpu.memory_space<hbm>>) target(%dma_start3A_47 : memref<128x128xf32, #tpu.memory_space<vmem>>) offsets(%dma_start3A_49 : memref<128xi32, #tpu.memory_space<vmem>>) semaphore(%arg7 : memref<!tpu.dma_semaphore, #tpu.memory_space<semaphore_mem>>)
      %dma_start3A_53 = arith.constant 128 : i32
      %dma_start3A_54 = arith.constant 0 : i32
      %dma_start3A_55 = tpu.memref_slice %arg6[%dma_start3A_53, %dma_start3A_54] : memref<256x128xf32, #tpu.memory_space<vmem>> -> memref<128x128xf32, #tpu.memory_space<vmem>>
      %dma_start3A_56 = arith.constant 128 : i32
      %dma_start3A_57 = tpu.memref_slice %arg5[%dma_start3A_56] : memref<256xi32, #tpu.memory_space<vmem>> -> memref<128xi32, #tpu.memory_space<vmem>>
      %dma_start3A_58 = arith.constant 0 : i32
      %dma_start3A_59 = arith.constant 0 : i32
      %dma_start3A_60 = tpu.memref_slice %arg2[%dma_start3A_58, %dma_start3A_59] : memref<51200x128xf32, #tpu.memory_space<hbm>> -> memref<51200x128xf32, #tpu.memory_space<hbm>>
      tpu.enqueue_indirect_dma source(%dma_start3A_60 : memref<51200x128xf32, #tpu.memory_space<hbm>>) target(%dma_start3A_55 : memref<128x128xf32, #tpu.memory_space<vmem>>) offsets(%dma_start3A_57 : memref<128xi32, #tpu.memory_space<vmem>>) semaphore(%arg7 : memref<!tpu.dma_semaphore, #tpu.memory_space<semaphore_mem>>)
      %dma_wait3A_61 = arith.constant 0 : i32
      %dma_wait3A_62 = arith.constant 0 : i32
      %dma_wait3A_63 = tpu.memref_slice %arg6[%dma_wait3A_61, %dma_wait3A_62] : memref<256x128xf32, #tpu.memory_space<vmem>> -> memref<128x128xf32, #tpu.memory_space<vmem>>
      %dma_wait3A_64 = arith.constant 0 : i32
      %dma_wait3A_65 = tpu.memref_slice %arg5[%dma_wait3A_64] : memref<256xi32, #tpu.memory_space<vmem>> -> memref<128xi32, #tpu.memory_space<vmem>>
      %dma_wait3A_66 = arith.constant 0 : i32
      %dma_wait3A_67 = arith.constant 0 : i32
      %dma_wait3A_68 = tpu.memref_slice %arg2[%dma_wait3A_66, %dma_wait3A_67] : memref<51200x128xf32, #tpu.memory_space<hbm>> -> memref<51200x128xf32, #tpu.memory_space<hbm>>
      tpu.wait_indirect_dma semaphore(%arg7 : memref<!tpu.dma_semaphore, #tpu.memory_space<semaphore_mem>>) src(%dma_wait3A_68 : memref<51200x128xf32, #tpu.memory_space<hbm>>) dst(%dma_wait3A_63 : memref<128x128xf32, #tpu.memory_space<vmem>>)
      %dma_wait3A_69 = arith.constant 128 : i32
      %dma_wait3A_70 = arith.constant 0 : i32
      %dma_wait3A_71 = tpu.memref_slice %arg6[%dma_wait3A_69, %dma_wait3A_70] : memref<256x128xf32, #tpu.memory_space<vmem>> -> memref<128x128xf32, #tpu.memory_space<vmem>>
      %dma_wait3A_72 = arith.constant 128 : i32
      %dma_wait3A_73 = tpu.memref_slice %arg5[%dma_wait3A_72] : memref<256xi32, #tpu.memory_space<vmem>> -> memref<128xi32, #tpu.memory_space<vmem>>
      %dma_wait3A_74 = arith.constant 0 : i32
      %dma_wait3A_75 = arith.constant 0 : i32
      %dma_wait3A_76 = tpu.memref_slice %arg2[%dma_wait3A_74, %dma_wait3A_75] : memref<51200x128xf32, #tpu.memory_space<hbm>> -> memref<51200x128xf32, #tpu.memory_space<hbm>>
      tpu.wait_indirect_dma semaphore(%arg7 : memref<!tpu.dma_semaphore, #tpu.memory_space<semaphore_mem>>) src(%dma_wait3A_76 : memref<51200x128xf32, #tpu.memory_space<hbm>>) dst(%dma_wait3A_71 : memref<128x128xf32, #tpu.memory_space<vmem>>)
      "tpu.region"() ({
        %run_scoped3A = tpu.sem_alloc : memref<!tpu.dma_semaphore, #tpu.memory_space<semaphore_mem>>
        %dma_start3A_77 = arith.constant 0 : i32
        %dma_start3A_78 = tpu.memref_slice %arg4[%add3A_44, %dma_start3A_77] : memref<800000x128xf32, #tpu.memory_space<hbm>> -> memref<256x128xf32, #tpu.memory_space<hbm>>
        %dma_start3A_79 = arith.constant 0 : i32
        %dma_start3A_80 = tpu.memref_slice %arg4[%add3A_44, %dma_start3A_79] : memref<800000x128xf32, #tpu.memory_space<hbm>> -> memref<256x128xf32, #tpu.memory_space<hbm>>
        tpu.enqueue_dma source(%arg6 : memref<256x128xf32, #tpu.memory_space<vmem>>) target(%dma_start3A_80 : memref<256x128xf32, #tpu.memory_space<hbm>>) target_semaphore(%run_scoped3A : memref<!tpu.dma_semaphore, #tpu.memory_space<semaphore_mem>>)
        %dma_wait3A_81 = arith.constant 0 : i32
        %dma_wait3A_82 = tpu.memref_slice %arg4[%add3A_44, %dma_wait3A_81] : memref<800000x128xf32, #tpu.memory_space<hbm>> -> memref<256x128xf32, #tpu.memory_space<hbm>>
        %dma_wait3A_83 = arith.constant 0 : i32
        %dma_wait3A_84 = tpu.memref_slice %arg4[%add3A_44, %dma_wait3A_83] : memref<800000x128xf32, #tpu.memory_space<hbm>> -> memref<256x128xf32, #tpu.memory_space<hbm>>
        tpu.wait_dma2 semaphore(%run_scoped3A : memref<!tpu.dma_semaphore, #tpu.memory_space<semaphore_mem>>) src(%arg6 : memref<256x128xf32, #tpu.memory_space<vmem>>) dst(%dma_wait3A_84 : memref<256x128xf32, #tpu.memory_space<hbm>>)
        tpu.yield
      }) : () -> ()
    }
    %scan3A_7 = arith.constant 97 : i32
    %add3A_8 = arith.constant 25000 : i32
    %add3A_9 = arith.addi %mul3A_2, %add3A_8 : i32
    %sub3A = arith.constant 256 : i32
    %sub3A_10 = arith.subi %add3A_9, %sub3A : i32
    "tpu.region"() ({
      %run_scoped3A = tpu.sem_alloc : memref<!tpu.dma_semaphore, #tpu.memory_space<semaphore_mem>>
      %dma_start3A_41 = tpu.memref_slice %arg3[%sub3A_10] : memref<800000xi32, #tpu.memory_space<hbm>> -> memref<256xi32, #tpu.memory_space<hbm>>
      %dma_start3A_42 = tpu.memref_slice %arg3[%sub3A_10] : memref<800000xi32, #tpu.memory_space<hbm>> -> memref<256xi32, #tpu.memory_space<hbm>>
      tpu.enqueue_dma source(%dma_start3A_42 : memref<256xi32, #tpu.memory_space<hbm>>) target(%arg5 : memref<256xi32, #tpu.memory_space<vmem>>) target_semaphore(%run_scoped3A : memref<!tpu.dma_semaphore, #tpu.memory_space<semaphore_mem>>)
      %dma_wait3A_43 = tpu.memref_slice %arg3[%sub3A_10] : memref<800000xi32, #tpu.memory_space<hbm>> -> memref<256xi32, #tpu.memory_space<hbm>>
      %dma_wait3A_44 = tpu.memref_slice %arg3[%sub3A_10] : memref<800000xi32, #tpu.memory_space<hbm>> -> memref<256xi32, #tpu.memory_space<hbm>>
      tpu.wait_dma2 semaphore(%run_scoped3A : memref<!tpu.dma_semaphore, #tpu.memory_space<semaphore_mem>>) src(%dma_wait3A_44 : memref<256xi32, #tpu.memory_space<hbm>>) dst(%arg5 : memref<256xi32, #tpu.memory_space<vmem>>)
      tpu.yield
    }) : () -> ()
    %dma_start3A = arith.constant 0 : i32
    %dma_start3A_11 = arith.constant 0 : i32
    %dma_start3A_12 = tpu.memref_slice %arg6[%dma_start3A, %dma_start3A_11] : memref<256x128xf32, #tpu.memory_space<vmem>> -> memref<128x128xf32, #tpu.memory_space<vmem>>
    %dma_start3A_13 = arith.constant 0 : i32
    %dma_start3A_14 = tpu.memref_slice %arg5[%dma_start3A_13] : memref<256xi32, #tpu.memory_space<vmem>> -> memref<128xi32, #tpu.memory_space<vmem>>
    %dma_start3A_15 = arith.constant 0 : i32
    %dma_start3A_16 = arith.constant 0 : i32
    %dma_start3A_17 = tpu.memref_slice %arg2[%dma_start3A_15, %dma_start3A_16] : memref<51200x128xf32, #tpu.memory_space<hbm>> -> memref<51200x128xf32, #tpu.memory_space<hbm>>
    tpu.enqueue_indirect_dma source(%dma_start3A_17 : memref<51200x128xf32, #tpu.memory_space<hbm>>) target(%dma_start3A_12 : memref<128x128xf32, #tpu.memory_space<vmem>>) offsets(%dma_start3A_14 : memref<128xi32, #tpu.memory_space<vmem>>) semaphore(%arg7 : memref<!tpu.dma_semaphore, #tpu.memory_space<semaphore_mem>>)
    %dma_start3A_18 = arith.constant 128 : i32
    %dma_start3A_19 = arith.constant 0 : i32
    %dma_start3A_20 = tpu.memref_slice %arg6[%dma_start3A_18, %dma_start3A_19] : memref<256x128xf32, #tpu.memory_space<vmem>> -> memref<128x128xf32, #tpu.memory_space<vmem>>
    %dma_start3A_21 = arith.constant 128 : i32
    %dma_start3A_22 = tpu.memref_slice %arg5[%dma_start3A_21] : memref<256xi32, #tpu.memory_space<vmem>> -> memref<128xi32, #tpu.memory_space<vmem>>
    %dma_start3A_23 = arith.constant 0 : i32
    %dma_start3A_24 = arith.constant 0 : i32
    %dma_start3A_25 = tpu.memref_slice %arg2[%dma_start3A_23, %dma_start3A_24] : memref<51200x128xf32, #tpu.memory_space<hbm>> -> memref<51200x128xf32, #tpu.memory_space<hbm>>
    tpu.enqueue_indirect_dma source(%dma_start3A_25 : memref<51200x128xf32, #tpu.memory_space<hbm>>) target(%dma_start3A_20 : memref<128x128xf32, #tpu.memory_space<vmem>>) offsets(%dma_start3A_22 : memref<128xi32, #tpu.memory_space<vmem>>) semaphore(%arg7 : memref<!tpu.dma_semaphore, #tpu.memory_space<semaphore_mem>>)
    %dma_wait3A = arith.constant 0 : i32
    %dma_wait3A_26 = arith.constant 0 : i32
    %dma_wait3A_27 = tpu.memref_slice %arg6[%dma_wait3A, %dma_wait3A_26] : memref<256x128xf32, #tpu.memory_space<vmem>> -> memref<128x128xf32, #tpu.memory_space<vmem>>
    %dma_wait3A_28 = arith.constant 0 : i32
    %dma_wait3A_29 = tpu.memref_slice %arg5[%dma_wait3A_28] : memref<256xi32, #tpu.memory_space<vmem>> -> memref<128xi32, #tpu.memory_space<vmem>>
    %dma_wait3A_30 = arith.constant 0 : i32
    %dma_wait3A_31 = arith.constant 0 : i32
    %dma_wait3A_32 = tpu.memref_slice %arg2[%dma_wait3A_30, %dma_wait3A_31] : memref<51200x128xf32, #tpu.memory_space<hbm>> -> memref<51200x128xf32, #tpu.memory_space<hbm>>
    tpu.wait_indirect_dma semaphore(%arg7 : memref<!tpu.dma_semaphore, #tpu.memory_space<semaphore_mem>>) src(%dma_wait3A_32 : memref<51200x128xf32, #tpu.memory_space<hbm>>) dst(%dma_wait3A_27 : memref<128x128xf32, #tpu.memory_space<vmem>>)
    %dma_wait3A_33 = arith.constant 128 : i32
    %dma_wait3A_34 = arith.constant 0 : i32
    %dma_wait3A_35 = tpu.memref_slice %arg6[%dma_wait3A_33, %dma_wait3A_34] : memref<256x128xf32, #tpu.memory_space<vmem>> -> memref<128x128xf32, #tpu.memory_space<vmem>>
    %dma_wait3A_36 = arith.constant 128 : i32
    %dma_wait3A_37 = tpu.memref_slice %arg5[%dma_wait3A_36] : memref<256xi32, #tpu.memory_space<vmem>> -> memref<128xi32, #tpu.memory_space<vmem>>
    %dma_wait3A_38 = arith.constant 0 : i32
    %dma_wait3A_39 = arith.constant 0 : i32
    %dma_wait3A_40 = tpu.memref_slice %arg2[%dma_wait3A_38, %dma_wait3A_39] : memref<51200x128xf32, #tpu.memory_space<hbm>> -> memref<51200x128xf32, #tpu.memory_space<hbm>>
    tpu.wait_indirect_dma semaphore(%arg7 : memref<!tpu.dma_semaphore, #tpu.memory_space<semaphore_mem>>) src(%dma_wait3A_40 : memref<51200x128xf32, #tpu.memory_space<hbm>>) dst(%dma_wait3A_35 : memref<128x128xf32, #tpu.memory_space<vmem>>)
    "tpu.region"() ({
      %run_scoped3A = tpu.sem_alloc : memref<!tpu.dma_semaphore, #tpu.memory_space<semaphore_mem>>
      %dma_start3A_41 = arith.constant 0 : i32
      %dma_start3A_42 = tpu.memref_slice %arg4[%sub3A_10, %dma_start3A_41] : memref<800000x128xf32, #tpu.memory_space<hbm>> -> memref<256x128xf32, #tpu.memory_space<hbm>>
      %dma_start3A_43 = arith.constant 0 : i32
      %dma_start3A_44 = tpu.memref_slice %arg4[%sub3A_10, %dma_start3A_43] : memref<800000x128xf32, #tpu.memory_space<hbm>> -> memref<256x128xf32, #tpu.memory_space<hbm>>
      tpu.enqueue_dma source(%arg6 : memref<256x128xf32, #tpu.memory_space<vmem>>) target(%dma_start3A_44 : memref<256x128xf32, #tpu.memory_space<hbm>>) target_semaphore(%run_scoped3A : memref<!tpu.dma_semaphore, #tpu.memory_space<semaphore_mem>>)
      %dma_wait3A_45 = arith.constant 0 : i32
      %dma_wait3A_46 = tpu.memref_slice %arg4[%sub3A_10, %dma_wait3A_45] : memref<800000x128xf32, #tpu.memory_space<hbm>> -> memref<256x128xf32, #tpu.memory_space<hbm>>
      %dma_wait3A_47 = arith.constant 0 : i32
      %dma_wait3A_48 = tpu.memref_slice %arg4[%sub3A_10, %dma_wait3A_47] : memref<800000x128xf32, #tpu.memory_space<hbm>> -> memref<256x128xf32, #tpu.memory_space<hbm>>
      tpu.wait_dma2 semaphore(%run_scoped3A : memref<!tpu.dma_semaphore, #tpu.memory_space<semaphore_mem>>) src(%arg6 : memref<256x128xf32, #tpu.memory_space<vmem>>) dst(%dma_wait3A_48 : memref<256x128xf32, #tpu.memory_space<hbm>>)
      tpu.yield
    }) : () -> ()
    return
  }
}

#map = affine_map<(d0, d1) -> (0, 0)>
#map1 = affine_map<(d0, d1) -> (0)>
module attributes {stable_mosaic.version = 14 : i64} {
  func.func @k(%arg0: i32, %arg1: i32, %arg2: memref<800000x128xf32, #tpu.memory_space<hbm>>, %arg3: memref<3203072xi32, #tpu.memory_space<hbm>>, %arg4: memref<51200x128xf32, #tpu.memory_space<hbm>>, %arg5: memref<51200x128xf32, #tpu.memory_space<hbm>>, %arg6: memref<64xi32, #tpu.memory_space<vmem>>, %arg7: memref<80x128xf32, #tpu.memory_space<vmem>>, %arg8: memref<12808x128xf32, #tpu.memory_space<vmem_shared>>) attributes {dimension_semantics = [#tpu.dimension_semantics<core_parallel>, #tpu.dimension_semantics<subcore_parallel>], iteration_bounds = array<i64: 2, 16>, scalar_prefetch = 0 : i64, scratch_operands = 3 : i64, tpu.core_type = #tpu.core_type<sc_vector_subcore>, window_params = [{transform_indices = #map}, {transform_indices = #map1}, {transform_indices = #map}, {transform_indices = #map}]} {
    %add3A = arith.constant 0 : i32
    %add3A_0 = arith.addi %add3A, %arg0 : i32
    %mul3A = arith.constant 12800 : i32
    %mul3A_1 = arith.muli %add3A_0, %mul3A : i32
    %scan3A = arith.constant 0 : i32
    %scan3A_2 = arith.constant 0 : i32
    %scan3A_3 = arith.constant 10 : i32
    %scan3A_4 = arith.addi %scan3A_2, %scan3A_3 : i32
    %scan3A_5 = arith.constant 1 : i32
    scf.for %scan3A_46 = %scan3A_2 to %scan3A_4 step %scan3A_5  : i32 {
      %mul3A_47 = arith.constant 16 : i32
      %mul3A_48 = arith.muli %scan3A_46, %mul3A_47 : i32
      %add3A_49 = arith.addi %arg1, %mul3A_48 : i32
      %mul3A_50 = arith.constant 80 : i32
      %mul3A_51 = arith.muli %add3A_49, %mul3A_50 : i32
      %add3A_52 = arith.addi %mul3A_1, %mul3A_51 : i32
      "tpu.region"() ({
        %run_scoped3A = tpu.sem_alloc : memref<!tpu.dma_semaphore, #tpu.memory_space<semaphore_mem>>
        %dma_start3A = arith.constant 0 : i32
        %dma_start3A_53 = tpu.memref_slice %arg4[%add3A_52, %dma_start3A] : memref<51200x128xf32, #tpu.memory_space<hbm>> -> memref<80x128xf32, #tpu.memory_space<hbm>>
        %dma_start3A_54 = arith.constant 0 : i32
        %dma_start3A_55 = tpu.memref_slice %arg4[%add3A_52, %dma_start3A_54] : memref<51200x128xf32, #tpu.memory_space<hbm>> -> memref<80x128xf32, #tpu.memory_space<hbm>>
        tpu.enqueue_dma source(%dma_start3A_55 : memref<80x128xf32, #tpu.memory_space<hbm>>) target(%arg7 : memref<80x128xf32, #tpu.memory_space<vmem>>) target_semaphore(%run_scoped3A : memref<!tpu.dma_semaphore, #tpu.memory_space<semaphore_mem>>)
        %dma_wait3A = arith.constant 0 : i32
        %dma_wait3A_56 = tpu.memref_slice %arg4[%add3A_52, %dma_wait3A] : memref<51200x128xf32, #tpu.memory_space<hbm>> -> memref<80x128xf32, #tpu.memory_space<hbm>>
        %dma_wait3A_57 = arith.constant 0 : i32
        %dma_wait3A_58 = tpu.memref_slice %arg4[%add3A_52, %dma_wait3A_57] : memref<51200x128xf32, #tpu.memory_space<hbm>> -> memref<80x128xf32, #tpu.memory_space<hbm>>
        tpu.wait_dma2 semaphore(%run_scoped3A : memref<!tpu.dma_semaphore, #tpu.memory_space<semaphore_mem>>) src(%dma_wait3A_58 : memref<80x128xf32, #tpu.memory_space<hbm>>) dst(%arg7 : memref<80x128xf32, #tpu.memory_space<vmem>>)
        tpu.yield
      }) : () -> ()
      "tpu.region"() ({
        %run_scoped3A = tpu.sem_alloc : memref<!tpu.dma_semaphore, #tpu.memory_space<semaphore_mem>>
        %dma_start3A = arith.constant 0 : i32
        %dma_start3A_53 = tpu.memref_slice %arg8[%mul3A_51, %dma_start3A] : memref<12808x128xf32, #tpu.memory_space<vmem_shared>> -> memref<80x128xf32, #tpu.memory_space<vmem_shared>>
        %dma_start3A_54 = arith.constant 0 : i32
        %dma_start3A_55 = tpu.memref_slice %arg8[%mul3A_51, %dma_start3A_54] : memref<12808x128xf32, #tpu.memory_space<vmem_shared>> -> memref<80x128xf32, #tpu.memory_space<vmem_shared>>
        tpu.enqueue_dma source(%arg7 : memref<80x128xf32, #tpu.memory_space<vmem>>) target(%dma_start3A_55 : memref<80x128xf32, #tpu.memory_space<vmem_shared>>) target_semaphore(%run_scoped3A : memref<!tpu.dma_semaphore, #tpu.memory_space<semaphore_mem>>)
        %dma_wait3A = arith.constant 0 : i32
        %dma_wait3A_56 = tpu.memref_slice %arg8[%mul3A_51, %dma_wait3A] : memref<12808x128xf32, #tpu.memory_space<vmem_shared>> -> memref<80x128xf32, #tpu.memory_space<vmem_shared>>
        %dma_wait3A_57 = arith.constant 0 : i32
        %dma_wait3A_58 = tpu.memref_slice %arg8[%mul3A_51, %dma_wait3A_57] : memref<12808x128xf32, #tpu.memory_space<vmem_shared>> -> memref<80x128xf32, #tpu.memory_space<vmem_shared>>
        tpu.wait_dma2 semaphore(%run_scoped3A : memref<!tpu.dma_semaphore, #tpu.memory_space<semaphore_mem>>) src(%arg7 : memref<80x128xf32, #tpu.memory_space<vmem>>) dst(%dma_wait3A_58 : memref<80x128xf32, #tpu.memory_space<vmem_shared>>)
        tpu.yield
      }) : () -> ()
    }
    %scan3A_6 = arith.constant 10 : i32
    %barrier3A = arith.constant 0 : index
    tpu.barrier barrier_id(%barrier3A)
    %scan3A_7 = arith.constant 0 : i32
    %scan3A_8 = arith.constant 0 : i32
    %scan3A_9 = arith.constant 782 : i32
    %scan3A_10 = arith.addi %scan3A_8, %scan3A_9 : i32
    %scan3A_11 = arith.constant 1 : i32
    scf.for %scan3A_46 = %scan3A_8 to %scan3A_10 step %scan3A_11  : i32 {
      %mul3A_47 = arith.constant 16 : i32
      %mul3A_48 = arith.muli %scan3A_46, %mul3A_47 : i32
      %add3A_49 = arith.addi %arg1, %mul3A_48 : i32
      %min3A = arith.constant 12499 : i32
      %min3A_50 = arith.minsi %add3A_49, %min3A : i32
      %mul3A_51 = arith.constant 800768 : i32
      %mul3A_52 = arith.muli %add3A_0, %mul3A_51 : i32
      %mul3A_53 = arith.constant 64 : i32
      %mul3A_54 = arith.muli %add3A_49, %mul3A_53 : i32
      %add3A_55 = arith.addi %mul3A_52, %mul3A_54 : i32
      "tpu.region"() ({
        %run_scoped3A = tpu.sem_alloc : memref<!tpu.dma_semaphore, #tpu.memory_space<semaphore_mem>>
        %dma_start3A = tpu.memref_slice %arg3[%add3A_55] : memref<3203072xi32, #tpu.memory_space<hbm>> -> memref<64xi32, #tpu.memory_space<hbm>>
        %dma_start3A_58 = tpu.memref_slice %arg3[%add3A_55] : memref<3203072xi32, #tpu.memory_space<hbm>> -> memref<64xi32, #tpu.memory_space<hbm>>
        tpu.enqueue_dma source(%dma_start3A_58 : memref<64xi32, #tpu.memory_space<hbm>>) target(%arg6 : memref<64xi32, #tpu.memory_space<vmem>>) target_semaphore(%run_scoped3A : memref<!tpu.dma_semaphore, #tpu.memory_space<semaphore_mem>>)
        %dma_wait3A = tpu.memref_slice %arg3[%add3A_55] : memref<3203072xi32, #tpu.memory_space<hbm>> -> memref<64xi32, #tpu.memory_space<hbm>>
        %dma_wait3A_59 = tpu.memref_slice %arg3[%add3A_55] : memref<3203072xi32, #tpu.memory_space<hbm>> -> memref<64xi32, #tpu.memory_space<hbm>>
        tpu.wait_dma2 semaphore(%run_scoped3A : memref<!tpu.dma_semaphore, #tpu.memory_space<semaphore_mem>>) src(%dma_wait3A_59 : memref<64xi32, #tpu.memory_space<hbm>>) dst(%arg6 : memref<64xi32, #tpu.memory_space<vmem>>)
        tpu.yield
      }) : () -> ()
      %mul3A_56 = arith.constant 64 : i32
      %mul3A_57 = arith.muli %min3A_50, %mul3A_56 : i32
      "tpu.region"() ({
        %run_scoped3A = tpu.sem_alloc : memref<!tpu.dma_semaphore, #tpu.memory_space<semaphore_mem>>
        %dma_start3A = arith.constant 0 : i32
        %dma_start3A_58 = arith.constant 0 : i32
        %dma_start3A_59 = tpu.memref_slice %arg7[%dma_start3A, %dma_start3A_58] : memref<80x128xf32, #tpu.memory_space<vmem>> -> memref<64x128xf32, #tpu.memory_space<vmem>>
        %dma_start3A_60 = arith.constant 0 : i32
        %dma_start3A_61 = tpu.memref_slice %arg2[%mul3A_57, %dma_start3A_60] : memref<800000x128xf32, #tpu.memory_space<hbm>> -> memref<64x128xf32, #tpu.memory_space<hbm>>
        %dma_start3A_62 = arith.constant 0 : i32
        %dma_start3A_63 = arith.constant 0 : i32
        %dma_start3A_64 = tpu.memref_slice %arg7[%dma_start3A_62, %dma_start3A_63] : memref<80x128xf32, #tpu.memory_space<vmem>> -> memref<64x128xf32, #tpu.memory_space<vmem>>
        %dma_start3A_65 = arith.constant 0 : i32
        %dma_start3A_66 = tpu.memref_slice %arg2[%mul3A_57, %dma_start3A_65] : memref<800000x128xf32, #tpu.memory_space<hbm>> -> memref<64x128xf32, #tpu.memory_space<hbm>>
        tpu.enqueue_dma source(%dma_start3A_66 : memref<64x128xf32, #tpu.memory_space<hbm>>) target(%dma_start3A_64 : memref<64x128xf32, #tpu.memory_space<vmem>>) target_semaphore(%run_scoped3A : memref<!tpu.dma_semaphore, #tpu.memory_space<semaphore_mem>>)
        %dma_wait3A = arith.constant 0 : i32
        %dma_wait3A_67 = arith.constant 0 : i32
        %dma_wait3A_68 = tpu.memref_slice %arg7[%dma_wait3A, %dma_wait3A_67] : memref<80x128xf32, #tpu.memory_space<vmem>> -> memref<64x128xf32, #tpu.memory_space<vmem>>
        %dma_wait3A_69 = arith.constant 0 : i32
        %dma_wait3A_70 = tpu.memref_slice %arg2[%mul3A_57, %dma_wait3A_69] : memref<800000x128xf32, #tpu.memory_space<hbm>> -> memref<64x128xf32, #tpu.memory_space<hbm>>
        %dma_wait3A_71 = arith.constant 0 : i32
        %dma_wait3A_72 = arith.constant 0 : i32
        %dma_wait3A_73 = tpu.memref_slice %arg7[%dma_wait3A_71, %dma_wait3A_72] : memref<80x128xf32, #tpu.memory_space<vmem>> -> memref<64x128xf32, #tpu.memory_space<vmem>>
        %dma_wait3A_74 = arith.constant 0 : i32
        %dma_wait3A_75 = tpu.memref_slice %arg2[%mul3A_57, %dma_wait3A_74] : memref<800000x128xf32, #tpu.memory_space<hbm>> -> memref<64x128xf32, #tpu.memory_space<hbm>>
        tpu.wait_dma2 semaphore(%run_scoped3A : memref<!tpu.dma_semaphore, #tpu.memory_space<semaphore_mem>>) src(%dma_wait3A_75 : memref<64x128xf32, #tpu.memory_space<hbm>>) dst(%dma_wait3A_73 : memref<64x128xf32, #tpu.memory_space<vmem>>)
        tpu.yield
      }) : () -> ()
      "tpu.region"() ({
        %run_scoped3A = tpu.sem_alloc : memref<!tpu.dma_semaphore, #tpu.memory_space<semaphore_mem>>
        %dma_start3A = arith.constant 0 : i32
        %dma_start3A_58 = arith.constant 0 : i32
        %dma_start3A_59 = tpu.memref_slice %arg7[%dma_start3A, %dma_start3A_58] : memref<80x128xf32, #tpu.memory_space<vmem>> -> memref<64x128xf32, #tpu.memory_space<vmem>>
        %dma_start3A_60 = arith.constant 0 : i32
        %dma_start3A_61 = arith.constant 0 : i32
        %dma_start3A_62 = tpu.memref_slice %arg8[%dma_start3A_60, %dma_start3A_61] : memref<12808x128xf32, #tpu.memory_space<vmem_shared>> -> memref<12808x128xf32, #tpu.memory_space<vmem_shared>>
        tpu.enqueue_indirect_dma source(%dma_start3A_59 : memref<64x128xf32, #tpu.memory_space<vmem>>) target(%dma_start3A_62 : memref<12808x128xf32, #tpu.memory_space<vmem_shared>>) offsets(%arg6 : memref<64xi32, #tpu.memory_space<vmem>>) semaphore(%run_scoped3A : memref<!tpu.dma_semaphore, #tpu.memory_space<semaphore_mem>>) {add = true}
        %dma_wait3A = arith.constant 0 : i32
        %dma_wait3A_63 = arith.constant 0 : i32
        %dma_wait3A_64 = tpu.memref_slice %arg7[%dma_wait3A, %dma_wait3A_63] : memref<80x128xf32, #tpu.memory_space<vmem>> -> memref<64x128xf32, #tpu.memory_space<vmem>>
        %dma_wait3A_65 = arith.constant 0 : i32
        %dma_wait3A_66 = arith.constant 0 : i32
        %dma_wait3A_67 = tpu.memref_slice %arg8[%dma_wait3A_65, %dma_wait3A_66] : memref<12808x128xf32, #tpu.memory_space<vmem_shared>> -> memref<12808x128xf32, #tpu.memory_space<vmem_shared>>
        tpu.wait_indirect_dma semaphore(%run_scoped3A : memref<!tpu.dma_semaphore, #tpu.memory_space<semaphore_mem>>) src(%dma_wait3A_64 : memref<64x128xf32, #tpu.memory_space<vmem>>) dst(%dma_wait3A_67 : memref<12808x128xf32, #tpu.memory_space<vmem_shared>>)
        tpu.yield
      }) : () -> ()
    }
    %scan3A_12 = arith.constant 782 : i32
    %barrier3A_13 = arith.constant 0 : index
    tpu.barrier barrier_id(%barrier3A_13)
    %scan3A_14 = arith.constant 0 : i32
    %scan3A_15 = arith.constant 0 : i32
    %scan3A_16 = arith.constant 10 : i32
    %scan3A_17 = arith.addi %scan3A_15, %scan3A_16 : i32
    %scan3A_18 = arith.constant 1 : i32
    scf.for %scan3A_46 = %scan3A_15 to %scan3A_17 step %scan3A_18  : i32 {
      %mul3A_47 = arith.constant 16 : i32
      %mul3A_48 = arith.muli %scan3A_46, %mul3A_47 : i32
      %add3A_49 = arith.addi %arg1, %mul3A_48 : i32
      %mul3A_50 = arith.constant 80 : i32
      %mul3A_51 = arith.muli %add3A_49, %mul3A_50 : i32
      "tpu.region"() ({
        %run_scoped3A = tpu.sem_alloc : memref<!tpu.dma_semaphore, #tpu.memory_space<semaphore_mem>>
        %dma_start3A = arith.constant 0 : i32
        %dma_start3A_53 = tpu.memref_slice %arg8[%mul3A_51, %dma_start3A] : memref<12808x128xf32, #tpu.memory_space<vmem_shared>> -> memref<80x128xf32, #tpu.memory_space<vmem_shared>>
        %dma_start3A_54 = arith.constant 0 : i32
        %dma_start3A_55 = tpu.memref_slice %arg8[%mul3A_51, %dma_start3A_54] : memref<12808x128xf32, #tpu.memory_space<vmem_shared>> -> memref<80x128xf32, #tpu.memory_space<vmem_shared>>
        tpu.enqueue_dma source(%dma_start3A_55 : memref<80x128xf32, #tpu.memory_space<vmem_shared>>) target(%arg7 : memref<80x128xf32, #tpu.memory_space<vmem>>) target_semaphore(%run_scoped3A : memref<!tpu.dma_semaphore, #tpu.memory_space<semaphore_mem>>)
        %dma_wait3A = arith.constant 0 : i32
        %dma_wait3A_56 = tpu.memref_slice %arg8[%mul3A_51, %dma_wait3A] : memref<12808x128xf32, #tpu.memory_space<vmem_shared>> -> memref<80x128xf32, #tpu.memory_space<vmem_shared>>
        %dma_wait3A_57 = arith.constant 0 : i32
        %dma_wait3A_58 = tpu.memref_slice %arg8[%mul3A_51, %dma_wait3A_57] : memref<12808x128xf32, #tpu.memory_space<vmem_shared>> -> memref<80x128xf32, #tpu.memory_space<vmem_shared>>
        tpu.wait_dma2 semaphore(%run_scoped3A : memref<!tpu.dma_semaphore, #tpu.memory_space<semaphore_mem>>) src(%dma_wait3A_58 : memref<80x128xf32, #tpu.memory_space<vmem_shared>>) dst(%arg7 : memref<80x128xf32, #tpu.memory_space<vmem>>)
        tpu.yield
      }) : () -> ()
      %add3A_52 = arith.addi %mul3A_1, %mul3A_51 : i32
      "tpu.region"() ({
        %run_scoped3A = tpu.sem_alloc : memref<!tpu.dma_semaphore, #tpu.memory_space<semaphore_mem>>
        %dma_start3A = arith.constant 0 : i32
        %dma_start3A_53 = tpu.memref_slice %arg5[%add3A_52, %dma_start3A] : memref<51200x128xf32, #tpu.memory_space<hbm>> -> memref<80x128xf32, #tpu.memory_space<hbm>>
        %dma_start3A_54 = arith.constant 0 : i32
        %dma_start3A_55 = tpu.memref_slice %arg5[%add3A_52, %dma_start3A_54] : memref<51200x128xf32, #tpu.memory_space<hbm>> -> memref<80x128xf32, #tpu.memory_space<hbm>>
        tpu.enqueue_dma source(%arg7 : memref<80x128xf32, #tpu.memory_space<vmem>>) target(%dma_start3A_55 : memref<80x128xf32, #tpu.memory_space<hbm>>) target_semaphore(%run_scoped3A : memref<!tpu.dma_semaphore, #tpu.memory_space<semaphore_mem>>)
        %dma_wait3A = arith.constant 0 : i32
        %dma_wait3A_56 = tpu.memref_slice %arg5[%add3A_52, %dma_wait3A] : memref<51200x128xf32, #tpu.memory_space<hbm>> -> memref<80x128xf32, #tpu.memory_space<hbm>>
        %dma_wait3A_57 = arith.constant 0 : i32
        %dma_wait3A_58 = tpu.memref_slice %arg5[%add3A_52, %dma_wait3A_57] : memref<51200x128xf32, #tpu.memory_space<hbm>> -> memref<80x128xf32, #tpu.memory_space<hbm>>
        tpu.wait_dma2 semaphore(%run_scoped3A : memref<!tpu.dma_semaphore, #tpu.memory_space<semaphore_mem>>) src(%arg7 : memref<80x128xf32, #tpu.memory_space<vmem>>) dst(%dma_wait3A_58 : memref<80x128xf32, #tpu.memory_space<hbm>>)
        tpu.yield
      }) : () -> ()
    }
    %scan3A_19 = arith.constant 10 : i32
    %barrier3A_20 = arith.constant 0 : index
    tpu.barrier barrier_id(%barrier3A_20)
    %add3A_21 = arith.constant 2 : i32
    %add3A_22 = arith.addi %add3A_21, %arg0 : i32
    %mul3A_23 = arith.constant 12800 : i32
    %mul3A_24 = arith.muli %add3A_22, %mul3A_23 : i32
    %scan3A_25 = arith.constant 0 : i32
    %scan3A_26 = arith.constant 0 : i32
    %scan3A_27 = arith.constant 10 : i32
    %scan3A_28 = arith.addi %scan3A_26, %scan3A_27 : i32
    %scan3A_29 = arith.constant 1 : i32
    scf.for %scan3A_46 = %scan3A_26 to %scan3A_28 step %scan3A_29  : i32 {
      %mul3A_47 = arith.constant 16 : i32
      %mul3A_48 = arith.muli %scan3A_46, %mul3A_47 : i32
      %add3A_49 = arith.addi %arg1, %mul3A_48 : i32
      %mul3A_50 = arith.constant 80 : i32
      %mul3A_51 = arith.muli %add3A_49, %mul3A_50 : i32
      %add3A_52 = arith.addi %mul3A_24, %mul3A_51 : i32
      "tpu.region"() ({
        %run_scoped3A = tpu.sem_alloc : memref<!tpu.dma_semaphore, #tpu.memory_space<semaphore_mem>>
        %dma_start3A = arith.constant 0 : i32
        %dma_start3A_53 = tpu.memref_slice %arg4[%add3A_52, %dma_start3A] : memref<51200x128xf32, #tpu.memory_space<hbm>> -> memref<80x128xf32, #tpu.memory_space<hbm>>
        %dma_start3A_54 = arith.constant 0 : i32
        %dma_start3A_55 = tpu.memref_slice %arg4[%add3A_52, %dma_start3A_54] : memref<51200x128xf32, #tpu.memory_space<hbm>> -> memref<80x128xf32, #tpu.memory_space<hbm>>
        tpu.enqueue_dma source(%dma_start3A_55 : memref<80x128xf32, #tpu.memory_space<hbm>>) target(%arg7 : memref<80x128xf32, #tpu.memory_space<vmem>>) target_semaphore(%run_scoped3A : memref<!tpu.dma_semaphore, #tpu.memory_space<semaphore_mem>>)
        %dma_wait3A = arith.constant 0 : i32
        %dma_wait3A_56 = tpu.memref_slice %arg4[%add3A_52, %dma_wait3A] : memref<51200x128xf32, #tpu.memory_space<hbm>> -> memref<80x128xf32, #tpu.memory_space<hbm>>
        %dma_wait3A_57 = arith.constant 0 : i32
        %dma_wait3A_58 = tpu.memref_slice %arg4[%add3A_52, %dma_wait3A_57] : memref<51200x128xf32, #tpu.memory_space<hbm>> -> memref<80x128xf32, #tpu.memory_space<hbm>>
        tpu.wait_dma2 semaphore(%run_scoped3A : memref<!tpu.dma_semaphore, #tpu.memory_space<semaphore_mem>>) src(%dma_wait3A_58 : memref<80x128xf32, #tpu.memory_space<hbm>>) dst(%arg7 : memref<80x128xf32, #tpu.memory_space<vmem>>)
        tpu.yield
      }) : () -> ()
      "tpu.region"() ({
        %run_scoped3A = tpu.sem_alloc : memref<!tpu.dma_semaphore, #tpu.memory_space<semaphore_mem>>
        %dma_start3A = arith.constant 0 : i32
        %dma_start3A_53 = tpu.memref_slice %arg8[%mul3A_51, %dma_start3A] : memref<12808x128xf32, #tpu.memory_space<vmem_shared>> -> memref<80x128xf32, #tpu.memory_space<vmem_shared>>
        %dma_start3A_54 = arith.constant 0 : i32
        %dma_start3A_55 = tpu.memref_slice %arg8[%mul3A_51, %dma_start3A_54] : memref<12808x128xf32, #tpu.memory_space<vmem_shared>> -> memref<80x128xf32, #tpu.memory_space<vmem_shared>>
        tpu.enqueue_dma source(%arg7 : memref<80x128xf32, #tpu.memory_space<vmem>>) target(%dma_start3A_55 : memref<80x128xf32, #tpu.memory_space<vmem_shared>>) target_semaphore(%run_scoped3A : memref<!tpu.dma_semaphore, #tpu.memory_space<semaphore_mem>>)
        %dma_wait3A = arith.constant 0 : i32
        %dma_wait3A_56 = tpu.memref_slice %arg8[%mul3A_51, %dma_wait3A] : memref<12808x128xf32, #tpu.memory_space<vmem_shared>> -> memref<80x128xf32, #tpu.memory_space<vmem_shared>>
        %dma_wait3A_57 = arith.constant 0 : i32
        %dma_wait3A_58 = tpu.memref_slice %arg8[%mul3A_51, %dma_wait3A_57] : memref<12808x128xf32, #tpu.memory_space<vmem_shared>> -> memref<80x128xf32, #tpu.memory_space<vmem_shared>>
        tpu.wait_dma2 semaphore(%run_scoped3A : memref<!tpu.dma_semaphore, #tpu.memory_space<semaphore_mem>>) src(%arg7 : memref<80x128xf32, #tpu.memory_space<vmem>>) dst(%dma_wait3A_58 : memref<80x128xf32, #tpu.memory_space<vmem_shared>>)
        tpu.yield
      }) : () -> ()
    }
    %scan3A_30 = arith.constant 10 : i32
    %barrier3A_31 = arith.constant 0 : index
    tpu.barrier barrier_id(%barrier3A_31)
    %scan3A_32 = arith.constant 0 : i32
    %scan3A_33 = arith.constant 0 : i32
    %scan3A_34 = arith.constant 782 : i32
    %scan3A_35 = arith.addi %scan3A_33, %scan3A_34 : i32
    %scan3A_36 = arith.constant 1 : i32
    scf.for %scan3A_46 = %scan3A_33 to %scan3A_35 step %scan3A_36  : i32 {
      %mul3A_47 = arith.constant 16 : i32
      %mul3A_48 = arith.muli %scan3A_46, %mul3A_47 : i32
      %add3A_49 = arith.addi %arg1, %mul3A_48 : i32
      %min3A = arith.constant 12499 : i32
      %min3A_50 = arith.minsi %add3A_49, %min3A : i32
      %mul3A_51 = arith.constant 800768 : i32
      %mul3A_52 = arith.muli %add3A_22, %mul3A_51 : i32
      %mul3A_53 = arith.constant 64 : i32
      %mul3A_54 = arith.muli %add3A_49, %mul3A_53 : i32
      %add3A_55 = arith.addi %mul3A_52, %mul3A_54 : i32
      "tpu.region"() ({
        %run_scoped3A = tpu.sem_alloc : memref<!tpu.dma_semaphore, #tpu.memory_space<semaphore_mem>>
        %dma_start3A = tpu.memref_slice %arg3[%add3A_55] : memref<3203072xi32, #tpu.memory_space<hbm>> -> memref<64xi32, #tpu.memory_space<hbm>>
        %dma_start3A_58 = tpu.memref_slice %arg3[%add3A_55] : memref<3203072xi32, #tpu.memory_space<hbm>> -> memref<64xi32, #tpu.memory_space<hbm>>
        tpu.enqueue_dma source(%dma_start3A_58 : memref<64xi32, #tpu.memory_space<hbm>>) target(%arg6 : memref<64xi32, #tpu.memory_space<vmem>>) target_semaphore(%run_scoped3A : memref<!tpu.dma_semaphore, #tpu.memory_space<semaphore_mem>>)
        %dma_wait3A = tpu.memref_slice %arg3[%add3A_55] : memref<3203072xi32, #tpu.memory_space<hbm>> -> memref<64xi32, #tpu.memory_space<hbm>>
        %dma_wait3A_59 = tpu.memref_slice %arg3[%add3A_55] : memref<3203072xi32, #tpu.memory_space<hbm>> -> memref<64xi32, #tpu.memory_space<hbm>>
        tpu.wait_dma2 semaphore(%run_scoped3A : memref<!tpu.dma_semaphore, #tpu.memory_space<semaphore_mem>>) src(%dma_wait3A_59 : memref<64xi32, #tpu.memory_space<hbm>>) dst(%arg6 : memref<64xi32, #tpu.memory_space<vmem>>)
        tpu.yield
      }) : () -> ()
      %mul3A_56 = arith.constant 64 : i32
      %mul3A_57 = arith.muli %min3A_50, %mul3A_56 : i32
      "tpu.region"() ({
        %run_scoped3A = tpu.sem_alloc : memref<!tpu.dma_semaphore, #tpu.memory_space<semaphore_mem>>
        %dma_start3A = arith.constant 0 : i32
        %dma_start3A_58 = arith.constant 0 : i32
        %dma_start3A_59 = tpu.memref_slice %arg7[%dma_start3A, %dma_start3A_58] : memref<80x128xf32, #tpu.memory_space<vmem>> -> memref<64x128xf32, #tpu.memory_space<vmem>>
        %dma_start3A_60 = arith.constant 0 : i32
        %dma_start3A_61 = tpu.memref_slice %arg2[%mul3A_57, %dma_start3A_60] : memref<800000x128xf32, #tpu.memory_space<hbm>> -> memref<64x128xf32, #tpu.memory_space<hbm>>
        %dma_start3A_62 = arith.constant 0 : i32
        %dma_start3A_63 = arith.constant 0 : i32
        %dma_start3A_64 = tpu.memref_slice %arg7[%dma_start3A_62, %dma_start3A_63] : memref<80x128xf32, #tpu.memory_space<vmem>> -> memref<64x128xf32, #tpu.memory_space<vmem>>
        %dma_start3A_65 = arith.constant 0 : i32
        %dma_start3A_66 = tpu.memref_slice %arg2[%mul3A_57, %dma_start3A_65] : memref<800000x128xf32, #tpu.memory_space<hbm>> -> memref<64x128xf32, #tpu.memory_space<hbm>>
        tpu.enqueue_dma source(%dma_start3A_66 : memref<64x128xf32, #tpu.memory_space<hbm>>) target(%dma_start3A_64 : memref<64x128xf32, #tpu.memory_space<vmem>>) target_semaphore(%run_scoped3A : memref<!tpu.dma_semaphore, #tpu.memory_space<semaphore_mem>>)
        %dma_wait3A = arith.constant 0 : i32
        %dma_wait3A_67 = arith.constant 0 : i32
        %dma_wait3A_68 = tpu.memref_slice %arg7[%dma_wait3A, %dma_wait3A_67] : memref<80x128xf32, #tpu.memory_space<vmem>> -> memref<64x128xf32, #tpu.memory_space<vmem>>
        %dma_wait3A_69 = arith.constant 0 : i32
        %dma_wait3A_70 = tpu.memref_slice %arg2[%mul3A_57, %dma_wait3A_69] : memref<800000x128xf32, #tpu.memory_space<hbm>> -> memref<64x128xf32, #tpu.memory_space<hbm>>
        %dma_wait3A_71 = arith.constant 0 : i32
        %dma_wait3A_72 = arith.constant 0 : i32
        %dma_wait3A_73 = tpu.memref_slice %arg7[%dma_wait3A_71, %dma_wait3A_72] : memref<80x128xf32, #tpu.memory_space<vmem>> -> memref<64x128xf32, #tpu.memory_space<vmem>>
        %dma_wait3A_74 = arith.constant 0 : i32
        %dma_wait3A_75 = tpu.memref_slice %arg2[%mul3A_57, %dma_wait3A_74] : memref<800000x128xf32, #tpu.memory_space<hbm>> -> memref<64x128xf32, #tpu.memory_space<hbm>>
        tpu.wait_dma2 semaphore(%run_scoped3A : memref<!tpu.dma_semaphore, #tpu.memory_space<semaphore_mem>>) src(%dma_wait3A_75 : memref<64x128xf32, #tpu.memory_space<hbm>>) dst(%dma_wait3A_73 : memref<64x128xf32, #tpu.memory_space<vmem>>)
        tpu.yield
      }) : () -> ()
      "tpu.region"() ({
        %run_scoped3A = tpu.sem_alloc : memref<!tpu.dma_semaphore, #tpu.memory_space<semaphore_mem>>
        %dma_start3A = arith.constant 0 : i32
        %dma_start3A_58 = arith.constant 0 : i32
        %dma_start3A_59 = tpu.memref_slice %arg7[%dma_start3A, %dma_start3A_58] : memref<80x128xf32, #tpu.memory_space<vmem>> -> memref<64x128xf32, #tpu.memory_space<vmem>>
        %dma_start3A_60 = arith.constant 0 : i32
        %dma_start3A_61 = arith.constant 0 : i32
        %dma_start3A_62 = tpu.memref_slice %arg8[%dma_start3A_60, %dma_start3A_61] : memref<12808x128xf32, #tpu.memory_space<vmem_shared>> -> memref<12808x128xf32, #tpu.memory_space<vmem_shared>>
        tpu.enqueue_indirect_dma source(%dma_start3A_59 : memref<64x128xf32, #tpu.memory_space<vmem>>) target(%dma_start3A_62 : memref<12808x128xf32, #tpu.memory_space<vmem_shared>>) offsets(%arg6 : memref<64xi32, #tpu.memory_space<vmem>>) semaphore(%run_scoped3A : memref<!tpu.dma_semaphore, #tpu.memory_space<semaphore_mem>>) {add = true}
        %dma_wait3A = arith.constant 0 : i32
        %dma_wait3A_63 = arith.constant 0 : i32
        %dma_wait3A_64 = tpu.memref_slice %arg7[%dma_wait3A, %dma_wait3A_63] : memref<80x128xf32, #tpu.memory_space<vmem>> -> memref<64x128xf32, #tpu.memory_space<vmem>>
        %dma_wait3A_65 = arith.constant 0 : i32
        %dma_wait3A_66 = arith.constant 0 : i32
        %dma_wait3A_67 = tpu.memref_slice %arg8[%dma_wait3A_65, %dma_wait3A_66] : memref<12808x128xf32, #tpu.memory_space<vmem_shared>> -> memref<12808x128xf32, #tpu.memory_space<vmem_shared>>
        tpu.wait_indirect_dma semaphore(%run_scoped3A : memref<!tpu.dma_semaphore, #tpu.memory_space<semaphore_mem>>) src(%dma_wait3A_64 : memref<64x128xf32, #tpu.memory_space<vmem>>) dst(%dma_wait3A_67 : memref<12808x128xf32, #tpu.memory_space<vmem_shared>>)
        tpu.yield
      }) : () -> ()
    }
    %scan3A_37 = arith.constant 782 : i32
    %barrier3A_38 = arith.constant 0 : index
    tpu.barrier barrier_id(%barrier3A_38)
    %scan3A_39 = arith.constant 0 : i32
    %scan3A_40 = arith.constant 0 : i32
    %scan3A_41 = arith.constant 10 : i32
    %scan3A_42 = arith.addi %scan3A_40, %scan3A_41 : i32
    %scan3A_43 = arith.constant 1 : i32
    scf.for %scan3A_46 = %scan3A_40 to %scan3A_42 step %scan3A_43  : i32 {
      %mul3A_47 = arith.constant 16 : i32
      %mul3A_48 = arith.muli %scan3A_46, %mul3A_47 : i32
      %add3A_49 = arith.addi %arg1, %mul3A_48 : i32
      %mul3A_50 = arith.constant 80 : i32
      %mul3A_51 = arith.muli %add3A_49, %mul3A_50 : i32
      "tpu.region"() ({
        %run_scoped3A = tpu.sem_alloc : memref<!tpu.dma_semaphore, #tpu.memory_space<semaphore_mem>>
        %dma_start3A = arith.constant 0 : i32
        %dma_start3A_53 = tpu.memref_slice %arg8[%mul3A_51, %dma_start3A] : memref<12808x128xf32, #tpu.memory_space<vmem_shared>> -> memref<80x128xf32, #tpu.memory_space<vmem_shared>>
        %dma_start3A_54 = arith.constant 0 : i32
        %dma_start3A_55 = tpu.memref_slice %arg8[%mul3A_51, %dma_start3A_54] : memref<12808x128xf32, #tpu.memory_space<vmem_shared>> -> memref<80x128xf32, #tpu.memory_space<vmem_shared>>
        tpu.enqueue_dma source(%dma_start3A_55 : memref<80x128xf32, #tpu.memory_space<vmem_shared>>) target(%arg7 : memref<80x128xf32, #tpu.memory_space<vmem>>) target_semaphore(%run_scoped3A : memref<!tpu.dma_semaphore, #tpu.memory_space<semaphore_mem>>)
        %dma_wait3A = arith.constant 0 : i32
        %dma_wait3A_56 = tpu.memref_slice %arg8[%mul3A_51, %dma_wait3A] : memref<12808x128xf32, #tpu.memory_space<vmem_shared>> -> memref<80x128xf32, #tpu.memory_space<vmem_shared>>
        %dma_wait3A_57 = arith.constant 0 : i32
        %dma_wait3A_58 = tpu.memref_slice %arg8[%mul3A_51, %dma_wait3A_57] : memref<12808x128xf32, #tpu.memory_space<vmem_shared>> -> memref<80x128xf32, #tpu.memory_space<vmem_shared>>
        tpu.wait_dma2 semaphore(%run_scoped3A : memref<!tpu.dma_semaphore, #tpu.memory_space<semaphore_mem>>) src(%dma_wait3A_58 : memref<80x128xf32, #tpu.memory_space<vmem_shared>>) dst(%arg7 : memref<80x128xf32, #tpu.memory_space<vmem>>)
        tpu.yield
      }) : () -> ()
      %add3A_52 = arith.addi %mul3A_24, %mul3A_51 : i32
      "tpu.region"() ({
        %run_scoped3A = tpu.sem_alloc : memref<!tpu.dma_semaphore, #tpu.memory_space<semaphore_mem>>
        %dma_start3A = arith.constant 0 : i32
        %dma_start3A_53 = tpu.memref_slice %arg5[%add3A_52, %dma_start3A] : memref<51200x128xf32, #tpu.memory_space<hbm>> -> memref<80x128xf32, #tpu.memory_space<hbm>>
        %dma_start3A_54 = arith.constant 0 : i32
        %dma_start3A_55 = tpu.memref_slice %arg5[%add3A_52, %dma_start3A_54] : memref<51200x128xf32, #tpu.memory_space<hbm>> -> memref<80x128xf32, #tpu.memory_space<hbm>>
        tpu.enqueue_dma source(%arg7 : memref<80x128xf32, #tpu.memory_space<vmem>>) target(%dma_start3A_55 : memref<80x128xf32, #tpu.memory_space<hbm>>) target_semaphore(%run_scoped3A : memref<!tpu.dma_semaphore, #tpu.memory_space<semaphore_mem>>)
        %dma_wait3A = arith.constant 0 : i32
        %dma_wait3A_56 = tpu.memref_slice %arg5[%add3A_52, %dma_wait3A] : memref<51200x128xf32, #tpu.memory_space<hbm>> -> memref<80x128xf32, #tpu.memory_space<hbm>>
        %dma_wait3A_57 = arith.constant 0 : i32
        %dma_wait3A_58 = tpu.memref_slice %arg5[%add3A_52, %dma_wait3A_57] : memref<51200x128xf32, #tpu.memory_space<hbm>> -> memref<80x128xf32, #tpu.memory_space<hbm>>
        tpu.wait_dma2 semaphore(%run_scoped3A : memref<!tpu.dma_semaphore, #tpu.memory_space<semaphore_mem>>) src(%arg7 : memref<80x128xf32, #tpu.memory_space<vmem>>) dst(%dma_wait3A_58 : memref<80x128xf32, #tpu.memory_space<hbm>>)
        tpu.yield
      }) : () -> ()
    }
    %scan3A_44 = arith.constant 10 : i32
    %barrier3A_45 = arith.constant 0 : index
    tpu.barrier barrier_id(%barrier3A_45)
    return
  }
}

module attributes {stable_mosaic.version = 14 : i64} {
  func.func @_linear_kernel(%arg0: i32, %arg1: memref<6400x128xf32, #tpu.memory_space<vmem>>, %arg2: memref<128x64xf32, #tpu.memory_space<vmem>>, %arg3: memref<1x128xf32, #tpu.memory_space<vmem>>, %arg4: memref<6400x128xf32, #tpu.memory_space<vmem>>) attributes {dimension_semantics = [#tpu.dimension_semantics<arbitrary>], iteration_bounds = array<i64: 8>, scalar_prefetch = 0 : i64, scratch_operands = 0 : i64, tpu.core_type = #tpu.core_type<tc>, window_params = [{transform_indices = @transform_0, window_bounds = array<i64: 6400, 128>}, {pipeline_mode = #tpu.pipeline_mode<synchronous>, transform_indices = @transform_1, window_bounds = array<i64: 128, 64>}, {pipeline_mode = #tpu.pipeline_mode<synchronous>, transform_indices = @transform_2, window_bounds = array<i64: 1, 128>}, {transform_indices = @transform_3, window_bounds = array<i64: 6400, 128>}]} {
    %get3A = arith.constant 0 : index
    %get3A_0 = arith.constant 0 : index
    %get3A_1 = vector.load %arg1[%get3A, %get3A_0] : memref<6400x128xf32, #tpu.memory_space<vmem>>, vector<6400x128xf32>
    %slice3A = vector.extract_strided_slice %get3A_1 {offsets = [0, 0], sizes = [6400, 64], strides = [1, 1]} : vector<6400x128xf32> to vector<6400x64xf32>
    %get3A_2 = arith.constant 0 : index
    %get3A_3 = arith.constant 0 : index
    %get3A_4 = vector.load %arg2[%get3A_2, %get3A_3] : memref<128x64xf32, #tpu.memory_space<vmem>>, vector<128x64xf32>
    %dot_general3A = arith.constant dense<0.000000e+00> : vector<6400x128xf32>
    %dot_general3A_5 = tpu.matmul %slice3A, %get3A_4, %dot_general3A {dimension_numbers = #tpu.dot_dimension_numbers<[1], [1], [0], [0], [0, 0, 1, 0], [], []>, transpose_lhs_hint = false} : vector<6400x64xf32>, vector<128x64xf32>, vector<6400x128xf32> -> vector<6400x128xf32>
    %get3A_6 = arith.constant 0 : index
    %get3A_7 = arith.constant 0 : index
    %get3A_8 = vector.load %arg3[%get3A_6, %get3A_7] : memref<1x128xf32, #tpu.memory_space<vmem>>, vector<1x128xf32>
    %add3A = vector.broadcast %get3A_8 : vector<1x128xf32> to vector<6400x128xf32>
    %add3A_9 = arith.addf %dot_general3A_5, %add3A : vector<6400x128xf32>
    %swap3A = arith.constant 0 : index
    %swap3A_10 = arith.constant 0 : index
    %swap3A_11 = vector.load %arg4[%swap3A, %swap3A_10] : memref<6400x128xf32, #tpu.memory_space<vmem>>, vector<6400x128xf32>
    tpu.vector_store %arg4[%swap3A, %swap3A_10], %add3A_9 {strides = array<i32>} : memref<6400x128xf32, #tpu.memory_space<vmem>>, vector<6400x128xf32>,
    return
  }
  func.func @transform_0(%arg0: i32) -> (i32, i32) {
    %c0_i32 = arith.constant 0 : i32
    %c0_i32_0 = arith.constant 0 : i32
    return %arg0, %c0_i32 : i32, i32
  }
  func.func @transform_1(%arg0: i32) -> (i32, i32) {
    %c0_i32 = arith.constant 0 : i32
    %c0_i32_0 = arith.constant 0 : i32
    %c0_i32_1 = arith.constant 0 : i32
    return %c0_i32, %c0_i32_0 : i32, i32
  }
  func.func @transform_2(%arg0: i32) -> (i32, i32) {
    %c0_i32 = arith.constant 0 : i32
    %c0_i32_0 = arith.constant 0 : i32
    %c0_i32_1 = arith.constant 0 : i32
    return %c0_i32, %c0_i32_0 : i32, i32
  }
  func.func @transform_3(%arg0: i32) -> (i32, i32) {
    %c0_i32 = arith.constant 0 : i32
    %c0_i32_0 = arith.constant 0 : i32
    return %arg0, %c0_i32 : i32, i32
  }
}

module attributes {stable_mosaic.version = 14 : i64} {
  func.func @_selidx_kernel(%arg0: memref<6256x128xi32, #tpu.memory_space<vmem>>, %arg1: memref<4x6256x128xi32, #tpu.memory_space<vmem>>) attributes {dimension_semantics = [], scalar_prefetch = 0 : i64, scratch_operands = 0 : i64, tpu.core_type = #tpu.core_type<tc>} {
    %get3A = arith.constant 0 : index
    %get3A_0 = arith.constant 0 : index
    %get3A_1 = vector.load %arg0[%get3A, %get3A_0] : memref<6256x128xi32, #tpu.memory_space<vmem>>, vector<6256x128xi32>
    %ge3A = arith.constant 0 : i32
    %ge3A_2 = vector.broadcast %ge3A : i32 to vector<6256x128xi32>
    %ge3A_3 = arith.cmpi sge, %get3A_1, %ge3A_2 : vector<6256x128xi32>
    %lt3A = arith.constant 12800 : i32
    %lt3A_4 = vector.broadcast %lt3A : i32 to vector<6256x128xi32>
    %lt3A_5 = arith.cmpi slt, %get3A_1, %lt3A_4 : vector<6256x128xi32>
    %and3A = arith.andi %ge3A_3, %lt3A_5 : vector<6256x128xi1>
    %sub3A = arith.constant 0 : i32
    %sub3A_6 = vector.broadcast %sub3A : i32 to vector<6256x128xi32>
    %sub3A_7 = arith.subi %get3A_1, %sub3A_6 : vector<6256x128xi32>
    %jit3A = arith.constant 12800 : i32
    %broadcast_in_dim3A = vector.broadcast %jit3A : i32 to vector<6256x128xi32>
    %select_n3A = arith.select %and3A, %sub3A_7, %broadcast_in_dim3A : vector<6256x128xi1>, vector<6256x128xi32>
    %swap3A = arith.constant 0 : index
    %swap3A_8 = arith.constant 0 : index
    %swap3A_9 = arith.constant 0 : index
    %swap3A_10 = vector.load %arg1[%swap3A, %swap3A_8, %swap3A_9] : memref<4x6256x128xi32, #tpu.memory_space<vmem>>, vector<1x6256x128xi32>
    %swap3A_11 = vector.shape_cast %swap3A_10 : vector<1x6256x128xi32> to vector<6256x128xi32>
    %swap3A_12 = vector.shape_cast %select_n3A : vector<6256x128xi32> to vector<1x6256x128xi32>
    tpu.vector_store %arg1[%swap3A, %swap3A_8, %swap3A_9], %swap3A_12 {strides = array<i32>} : memref<4x6256x128xi32, #tpu.memory_space<vmem>>, vector<1x6256x128xi32>,
    %ge3A_13 = arith.constant 12800 : i32
    %ge3A_14 = vector.broadcast %ge3A_13 : i32 to vector<6256x128xi32>
    %ge3A_15 = arith.cmpi sge, %get3A_1, %ge3A_14 : vector<6256x128xi32>
    %lt3A_16 = arith.constant 25600 : i32
    %lt3A_17 = vector.broadcast %lt3A_16 : i32 to vector<6256x128xi32>
    %lt3A_18 = arith.cmpi slt, %get3A_1, %lt3A_17 : vector<6256x128xi32>
    %and3A_19 = arith.andi %ge3A_15, %lt3A_18 : vector<6256x128xi1>
    %sub3A_20 = arith.constant 12800 : i32
    %sub3A_21 = vector.broadcast %sub3A_20 : i32 to vector<6256x128xi32>
    %sub3A_22 = arith.subi %get3A_1, %sub3A_21 : vector<6256x128xi32>
    %jit3A_23 = arith.constant 12800 : i32
    %broadcast_in_dim3A_24 = vector.broadcast %jit3A_23 : i32 to vector<6256x128xi32>
    %select_n3A_25 = arith.select %and3A_19, %sub3A_22, %broadcast_in_dim3A_24 : vector<6256x128xi1>, vector<6256x128xi32>
    %swap3A_26 = arith.constant 1 : index
    %swap3A_27 = arith.constant 0 : index
    %swap3A_28 = arith.constant 0 : index
    %swap3A_29 = vector.load %arg1[%swap3A_26, %swap3A_27, %swap3A_28] : memref<4x6256x128xi32, #tpu.memory_space<vmem>>, vector<1x6256x128xi32>
    %swap3A_30 = vector.shape_cast %swap3A_29 : vector<1x6256x128xi32> to vector<6256x128xi32>
    %swap3A_31 = vector.shape_cast %select_n3A_25 : vector<6256x128xi32> to vector<1x6256x128xi32>
    tpu.vector_store %arg1[%swap3A_26, %swap3A_27, %swap3A_28], %swap3A_31 {strides = array<i32>} : memref<4x6256x128xi32, #tpu.memory_space<vmem>>, vector<1x6256x128xi32>,
    %ge3A_32 = arith.constant 25600 : i32
    %ge3A_33 = vector.broadcast %ge3A_32 : i32 to vector<6256x128xi32>
    %ge3A_34 = arith.cmpi sge, %get3A_1, %ge3A_33 : vector<6256x128xi32>
    %lt3A_35 = arith.constant 38400 : i32
    %lt3A_36 = vector.broadcast %lt3A_35 : i32 to vector<6256x128xi32>
    %lt3A_37 = arith.cmpi slt, %get3A_1, %lt3A_36 : vector<6256x128xi32>
    %and3A_38 = arith.andi %ge3A_34, %lt3A_37 : vector<6256x128xi1>
    %sub3A_39 = arith.constant 25600 : i32
    %sub3A_40 = vector.broadcast %sub3A_39 : i32 to vector<6256x128xi32>
    %sub3A_41 = arith.subi %get3A_1, %sub3A_40 : vector<6256x128xi32>
    %jit3A_42 = arith.constant 12800 : i32
    %broadcast_in_dim3A_43 = vector.broadcast %jit3A_42 : i32 to vector<6256x128xi32>
    %select_n3A_44 = arith.select %and3A_38, %sub3A_41, %broadcast_in_dim3A_43 : vector<6256x128xi1>, vector<6256x128xi32>
    %swap3A_45 = arith.constant 2 : index
    %swap3A_46 = arith.constant 0 : index
    %swap3A_47 = arith.constant 0 : index
    %swap3A_48 = vector.load %arg1[%swap3A_45, %swap3A_46, %swap3A_47] : memref<4x6256x128xi32, #tpu.memory_space<vmem>>, vector<1x6256x128xi32>
    %swap3A_49 = vector.shape_cast %swap3A_48 : vector<1x6256x128xi32> to vector<6256x128xi32>
    %swap3A_50 = vector.shape_cast %select_n3A_44 : vector<6256x128xi32> to vector<1x6256x128xi32>
    tpu.vector_store %arg1[%swap3A_45, %swap3A_46, %swap3A_47], %swap3A_50 {strides = array<i32>} : memref<4x6256x128xi32, #tpu.memory_space<vmem>>, vector<1x6256x128xi32>,
    %ge3A_51 = arith.constant 38400 : i32
    %ge3A_52 = vector.broadcast %ge3A_51 : i32 to vector<6256x128xi32>
    %ge3A_53 = arith.cmpi sge, %get3A_1, %ge3A_52 : vector<6256x128xi32>
    %lt3A_54 = arith.constant 51200 : i32
    %lt3A_55 = vector.broadcast %lt3A_54 : i32 to vector<6256x128xi32>
    %lt3A_56 = arith.cmpi slt, %get3A_1, %lt3A_55 : vector<6256x128xi32>
    %and3A_57 = arith.andi %ge3A_53, %lt3A_56 : vector<6256x128xi1>
    %sub3A_58 = arith.constant 38400 : i32
    %sub3A_59 = vector.broadcast %sub3A_58 : i32 to vector<6256x128xi32>
    %sub3A_60 = arith.subi %get3A_1, %sub3A_59 : vector<6256x128xi32>
    %jit3A_61 = arith.constant 12800 : i32
    %broadcast_in_dim3A_62 = vector.broadcast %jit3A_61 : i32 to vector<6256x128xi32>
    %select_n3A_63 = arith.select %and3A_57, %sub3A_60, %broadcast_in_dim3A_62 : vector<6256x128xi1>, vector<6256x128xi32>
    %swap3A_64 = arith.constant 3 : index
    %swap3A_65 = arith.constant 0 : index
    %swap3A_66 = arith.constant 0 : index
    %swap3A_67 = vector.load %arg1[%swap3A_64, %swap3A_65, %swap3A_66] : memref<4x6256x128xi32, #tpu.memory_space<vmem>>, vector<1x6256x128xi32>
    %swap3A_68 = vector.shape_cast %swap3A_67 : vector<1x6256x128xi32> to vector<6256x128xi32>
    %swap3A_69 = vector.shape_cast %select_n3A_63 : vector<6256x128xi32> to vector<1x6256x128xi32>
    tpu.vector_store %arg1[%swap3A_64, %swap3A_65, %swap3A_66], %swap3A_69 {strides = array<i32>} : memref<4x6256x128xi32, #tpu.memory_space<vmem>>, vector<1x6256x128xi32>,
    return
  }
}

module attributes {stable_mosaic.version = 14 : i64} {
  func.func @_linear_kernel(%arg0: i32, %arg1: memref<8000x64xf32, #tpu.memory_space<vmem>>, %arg2: memref<64x64xf32, #tpu.memory_space<vmem>>, %arg3: memref<1x64xf32, #tpu.memory_space<vmem>>, %arg4: memref<8000x64xf32, #tpu.memory_space<vmem>>) attributes {dimension_semantics = [#tpu.dimension_semantics<arbitrary>], iteration_bounds = array<i64: 100>, scalar_prefetch = 0 : i64, scratch_operands = 0 : i64, tpu.core_type = #tpu.core_type<tc>, window_params = [{transform_indices = @transform_0, window_bounds = array<i64: 8000, 64>}, {pipeline_mode = #tpu.pipeline_mode<synchronous>, transform_indices = @transform_1, window_bounds = array<i64: 64, 64>}, {pipeline_mode = #tpu.pipeline_mode<synchronous>, transform_indices = @transform_2, window_bounds = array<i64: 1, 64>}, {transform_indices = @transform_3, window_bounds = array<i64: 8000, 64>}]} {
    %get3A = arith.constant 0 : index
    %get3A_0 = arith.constant 0 : index
    %get3A_1 = vector.load %arg1[%get3A, %get3A_0] : memref<8000x64xf32, #tpu.memory_space<vmem>>, vector<8000x64xf32>
    %get3A_2 = arith.constant 0 : index
    %get3A_3 = arith.constant 0 : index
    %get3A_4 = vector.load %arg2[%get3A_2, %get3A_3] : memref<64x64xf32, #tpu.memory_space<vmem>>, vector<64x64xf32>
    %dot_general3A = arith.constant dense<0.000000e+00> : vector<8000x64xf32>
    %dot_general3A_5 = tpu.matmul %get3A_1, %get3A_4, %dot_general3A {dimension_numbers = #tpu.dot_dimension_numbers<[1], [1], [0], [0], [0, 0, 1, 0], [], []>, transpose_lhs_hint = false} : vector<8000x64xf32>, vector<64x64xf32>, vector<8000x64xf32> -> vector<8000x64xf32>
    %get3A_6 = arith.constant 0 : index
    %get3A_7 = arith.constant 0 : index
    %get3A_8 = vector.load %arg3[%get3A_6, %get3A_7] : memref<1x64xf32, #tpu.memory_space<vmem>>, vector<1x64xf32>
    %add3A = vector.broadcast %get3A_8 : vector<1x64xf32> to vector<8000x64xf32>
    %add3A_9 = arith.addf %dot_general3A_5, %add3A : vector<8000x64xf32>
    %swap3A = arith.constant 0 : index
    %swap3A_10 = arith.constant 0 : index
    %swap3A_11 = vector.load %arg4[%swap3A, %swap3A_10] : memref<8000x64xf32, #tpu.memory_space<vmem>>, vector<8000x64xf32>
    tpu.vector_store %arg4[%swap3A, %swap3A_10], %add3A_9 {strides = array<i32>} : memref<8000x64xf32, #tpu.memory_space<vmem>>, vector<8000x64xf32>,
    return
  }
  func.func @transform_0(%arg0: i32) -> (i32, i32) {
    %c0_i32 = arith.constant 0 : i32
    %c0_i32_0 = arith.constant 0 : i32
    return %arg0, %c0_i32 : i32, i32
  }
  func.func @transform_1(%arg0: i32) -> (i32, i32) {
    %c0_i32 = arith.constant 0 : i32
    %c0_i32_0 = arith.constant 0 : i32
    %c0_i32_1 = arith.constant 0 : i32
    return %c0_i32, %c0_i32_0 : i32, i32
  }
  func.func @transform_2(%arg0: i32) -> (i32, i32) {
    %c0_i32 = arith.constant 0 : i32
    %c0_i32_0 = arith.constant 0 : i32
    %c0_i32_1 = arith.constant 0 : i32
    return %c0_i32, %c0_i32_0 : i32, i32
  }
  func.func @transform_3(%arg0: i32) -> (i32, i32) {
    %c0_i32 = arith.constant 0 : i32
    %c0_i32_0 = arith.constant 0 : i32
    return %arg0, %c0_i32 : i32, i32
  }
}

module attributes {stable_mosaic.version = 14 : i64} {
  func.func @_msg_kernel(%arg0: i32, %arg1: memref<8000x128xf32, #tpu.memory_space<vmem>>, %arg2: memref<8000x64xf32, #tpu.memory_space<vmem>>, %arg3: memref<128x64xf32, #tpu.memory_space<vmem>>, %arg4: memref<8000x128xf32, #tpu.memory_space<vmem>>) attributes {dimension_semantics = [#tpu.dimension_semantics<arbitrary>], iteration_bounds = array<i64: 100>, scalar_prefetch = 0 : i64, scratch_operands = 0 : i64, tpu.core_type = #tpu.core_type<tc>, window_params = [{transform_indices = @transform_0, window_bounds = array<i64: 8000, 128>}, {transform_indices = @transform_1, window_bounds = array<i64: 8000, 64>}, {pipeline_mode = #tpu.pipeline_mode<synchronous>, transform_indices = @transform_2, window_bounds = array<i64: 128, 64>}, {transform_indices = @transform_3, window_bounds = array<i64: 8000, 128>}]} {
    %get3A = arith.constant 0 : index
    %get3A_0 = arith.constant 0 : index
    %get3A_1 = vector.load %arg1[%get3A, %get3A_0] : memref<8000x128xf32, #tpu.memory_space<vmem>>, vector<8000x64xf32>
    %get3A_2 = arith.constant 0 : index
    %get3A_3 = arith.constant 0 : index
    %get3A_4 = vector.load %arg2[%get3A_2, %get3A_3] : memref<8000x64xf32, #tpu.memory_space<vmem>>, vector<8000x64xf32>
    %mul3A = arith.mulf %get3A_1, %get3A_4 : vector<8000x64xf32>
    %get3A_5 = arith.constant 0 : index
    %get3A_6 = arith.constant 0 : index
    %get3A_7 = vector.load %arg3[%get3A_5, %get3A_6] : memref<128x64xf32, #tpu.memory_space<vmem>>, vector<128x64xf32>
    %dot_general3A = arith.constant dense<0.000000e+00> : vector<8000x128xf32>
    %dot_general3A_8 = tpu.matmul %mul3A, %get3A_7, %dot_general3A {dimension_numbers = #tpu.dot_dimension_numbers<[1], [1], [0], [0], [0, 0, 1, 0], [], []>, transpose_lhs_hint = false} : vector<8000x64xf32>, vector<128x64xf32>, vector<8000x128xf32> -> vector<8000x128xf32>
    %tanh3A = math.tanh %dot_general3A_8 : vector<8000x128xf32>
    %swap3A = arith.constant 0 : index
    %swap3A_9 = arith.constant 0 : index
    %swap3A_10 = vector.load %arg4[%swap3A, %swap3A_9] : memref<8000x128xf32, #tpu.memory_space<vmem>>, vector<8000x128xf32>
    tpu.vector_store %arg4[%swap3A, %swap3A_9], %tanh3A {strides = array<i32>} : memref<8000x128xf32, #tpu.memory_space<vmem>>, vector<8000x128xf32>,
    return
  }
  func.func @transform_0(%arg0: i32) -> (i32, i32) {
    %c0_i32 = arith.constant 0 : i32
    %c0_i32_0 = arith.constant 0 : i32
    return %arg0, %c0_i32 : i32, i32
  }
  func.func @transform_1(%arg0: i32) -> (i32, i32) {
    %c0_i32 = arith.constant 0 : i32
    %c0_i32_0 = arith.constant 0 : i32
    return %arg0, %c0_i32 : i32, i32
  }
  func.func @transform_2(%arg0: i32) -> (i32, i32) {
    %c0_i32 = arith.constant 0 : i32
    %c0_i32_0 = arith.constant 0 : i32
    %c0_i32_1 = arith.constant 0 : i32
    return %c0_i32, %c0_i32_0 : i32, i32
  }
  func.func @transform_3(%arg0: i32) -> (i32, i32) {
    %c0_i32 = arith.constant 0 : i32
    %c0_i32_0 = arith.constant 0 : i32
    return %arg0, %c0_i32 : i32, i32
  }
}

module attributes {stable_mosaic.version = 14 : i64} {
  func.func @_readout_kernel(%arg0: i32, %arg1: memref<400x128xf32, #tpu.memory_space<vmem>>, %arg2: memref<1x1x400xi32, #tpu.memory_space<vmem>>, %arg3: memref<128x64xf32, #tpu.memory_space<vmem>>, %arg4: memref<1x128xf32, #tpu.memory_space<vmem>>, %arg5: memref<4x128xf32, #tpu.memory_space<vmem>>, %arg6: memref<1x4xf32, #tpu.memory_space<vmem>>, %arg7: memref<64x4xf32, #tpu.memory_space<vmem>>) attributes {dimension_semantics = [#tpu.dimension_semantics<arbitrary>], iteration_bounds = array<i64: 125>, scalar_prefetch = 0 : i64, scratch_operands = 0 : i64, tpu.core_type = #tpu.core_type<tc>, window_params = [{transform_indices = @transform_0, window_bounds = array<i64: 400, 128>}, {transform_indices = @transform_1, window_bounds = array<i64: 1, 1, 400>}, {pipeline_mode = #tpu.pipeline_mode<synchronous>, transform_indices = @transform_2, window_bounds = array<i64: 128, 64>}, {pipeline_mode = #tpu.pipeline_mode<synchronous>, transform_indices = @transform_3, window_bounds = array<i64: 1, 128>}, {pipeline_mode = #tpu.pipeline_mode<synchronous>, transform_indices = @transform_4, window_bounds = array<i64: 4, 128>}, {pipeline_mode = #tpu.pipeline_mode<synchronous>, transform_indices = @transform_5, window_bounds = array<i64: 1, 4>}, {pipeline_mode = #tpu.pipeline_mode<synchronous>, transform_indices = @transform_6, window_bounds = array<i64: 64, 4>}]} {
    %get3A = arith.constant 0 : index
    %get3A_0 = arith.constant 0 : index
    %get3A_1 = vector.load %arg1[%get3A, %get3A_0] : memref<400x128xf32, #tpu.memory_space<vmem>>, vector<400x128xf32>
    %slice3A = vector.extract_strided_slice %get3A_1 {offsets = [0, 0], sizes = [400, 64], strides = [1, 1]} : vector<400x128xf32> to vector<400x64xf32>
    %get3A_2 = arith.constant 0 : index
    %get3A_3 = arith.constant 0 : index
    %get3A_4 = vector.load %arg3[%get3A_2, %get3A_3] : memref<128x64xf32, #tpu.memory_space<vmem>>, vector<128x64xf32>
    %dot_general3A = arith.constant dense<0.000000e+00> : vector<400x128xf32>
    %dot_general3A_5 = tpu.matmul %slice3A, %get3A_4, %dot_general3A {dimension_numbers = #tpu.dot_dimension_numbers<[1], [1], [0], [0], [0, 0, 1, 0], [], []>, transpose_lhs_hint = false} : vector<400x64xf32>, vector<128x64xf32>, vector<400x128xf32> -> vector<400x128xf32>
    %get3A_6 = arith.constant 0 : index
    %get3A_7 = arith.constant 0 : index
    %get3A_8 = vector.load %arg4[%get3A_6, %get3A_7] : memref<1x128xf32, #tpu.memory_space<vmem>>, vector<1x128xf32>
    %add3A = vector.broadcast %get3A_8 : vector<1x128xf32> to vector<400x128xf32>
    %add3A_9 = arith.addf %dot_general3A_5, %add3A : vector<400x128xf32>
    %tanh3A = math.tanh %add3A_9 : vector<400x128xf32>
    %get3A_10 = arith.constant 0 : index
    %get3A_11 = arith.constant 0 : index
    %get3A_12 = vector.load %arg5[%get3A_10, %get3A_11] : memref<4x128xf32, #tpu.memory_space<vmem>>, vector<4x128xf32>
    %dot_general3A_13 = arith.constant dense<0.000000e+00> : vector<400x4xf32>
    %dot_general3A_14 = tpu.matmul %tanh3A, %get3A_12, %dot_general3A_13 {dimension_numbers = #tpu.dot_dimension_numbers<[1], [1], [0], [0], [0, 0, 1, 0], [], []>, transpose_lhs_hint = false} : vector<400x128xf32>, vector<4x128xf32>, vector<400x4xf32> -> vector<400x4xf32>
    %get3A_15 = arith.constant 0 : index
    %get3A_16 = arith.constant 0 : index
    %get3A_17 = vector.load %arg6[%get3A_15, %get3A_16] : memref<1x4xf32, #tpu.memory_space<vmem>>, vector<1x4xf32>
    %add3A_18 = vector.broadcast %get3A_17 : vector<1x4xf32> to vector<400x4xf32>
    %add3A_19 = arith.addf %dot_general3A_14, %add3A_18 : vector<400x4xf32>
    %get3A_20 = arith.constant 0 : index
    %get3A_21 = arith.constant 0 : index
    %get3A_22 = arith.constant 0 : index
    %get3A_23 = vector.load %arg2[%get3A_20, %get3A_21, %get3A_22] : memref<1x1x400xi32, #tpu.memory_space<vmem>>, vector<1x1x400xi32>
    %get3A_24 = vector.shape_cast %get3A_23 : vector<1x1x400xi32> to vector<400xi32>
    %broadcast_in_dim3A = vector.shape_cast %get3A_24 : vector<400xi32> to vector<400x1xi32>
    %iota3A = tpu.iota {dimensions = array<i32: 1>} : vector<400x64xi32>
    %eq3A = vector.broadcast %broadcast_in_dim3A : vector<400x1xi32> to vector<400x64xi32>
    %eq3A_25 = arith.cmpi eq, %eq3A, %iota3A : vector<400x64xi32>
    %convert_element_type3A = arith.extui %eq3A_25 : vector<400x64xi1> to vector<400x64xi32>
    %convert_element_type3A_26 = arith.sitofp %convert_element_type3A : vector<400x64xi32> to vector<400x64xf32>
    %dot_general3A_27 = arith.constant dense<0.000000e+00> : vector<64x4xf32>
    %dot_general3A_28 = tpu.matmul %convert_element_type3A_26, %add3A_19, %dot_general3A_27 {dimension_numbers = #tpu.dot_dimension_numbers<[0], [0], [1], [1], [0, 1, 1, 1], [], []>, transpose_lhs_hint = false} : vector<400x64xf32>, vector<400x4xf32>, vector<64x4xf32> -> vector<64x4xf32>
    %eq3A_29 = arith.constant 0 : i32
    %eq3A_30 = arith.cmpi eq, %arg0, %eq3A_29 : i32
    %convert_element_type3A_31 = arith.extui %eq3A_30 : i1 to i32
    %cond3A = arith.constant 0 : i32
    %cond3A_32 = arith.cmpi ne, %convert_element_type3A_31, %cond3A : i32
    scf.if %cond3A_32 {
      %broadcast_in_dim3A_39 = arith.constant 0.000000e+00 : f32
      %broadcast_in_dim3A_40 = vector.broadcast %broadcast_in_dim3A_39 : f32 to vector<64x4xf32>
      %swap3A_41 = arith.constant 0 : index
      %swap3A_42 = arith.constant 0 : index
      %swap3A_43 = vector.load %arg7[%swap3A_41, %swap3A_42] : memref<64x4xf32, #tpu.memory_space<vmem>>, vector<64x4xf32>
      tpu.vector_store %arg7[%swap3A_41, %swap3A_42], %broadcast_in_dim3A_40 {strides = array<i32>} : memref<64x4xf32, #tpu.memory_space<vmem>>, vector<64x4xf32>,
    } else {
    }
    %get3A_33 = arith.constant 0 : index
    %get3A_34 = arith.constant 0 : index
    %get3A_35 = vector.load %arg7[%get3A_33, %get3A_34] : memref<64x4xf32, #tpu.memory_space<vmem>>, vector<64x4xf32>
    %add3A_36 = arith.addf %get3A_35, %dot_general3A_28 : vector<64x4xf32>
    %swap3A = arith.constant 0 : index
    %swap3A_37 = arith.constant 0 : index
    %swap3A_38 = vector.load %arg7[%swap3A, %swap3A_37] : memref<64x4xf32, #tpu.memory_space<vmem>>, vector<64x4xf32>
    tpu.vector_store %arg7[%swap3A, %swap3A_37], %add3A_36 {strides = array<i32>} : memref<64x4xf32, #tpu.memory_space<vmem>>, vector<64x4xf32>,
    return
  }
  func.func @transform_0(%arg0: i32) -> (i32, i32) {
    %c0_i32 = arith.constant 0 : i32
    %c0_i32_0 = arith.constant 0 : i32
    return %arg0, %c0_i32 : i32, i32
  }
  func.func @transform_1(%arg0: i32) -> (i32, i32, i32) {
    %c0_i32 = arith.constant 0 : i32
    %c0_i32_0 = arith.constant 0 : i32
    %c0_i32_1 = arith.constant 0 : i32
    return %arg0, %c0_i32, %c0_i32_0 : i32, i32, i32
  }
  func.func @transform_2(%arg0: i32) -> (i32, i32) {
    %c0_i32 = arith.constant 0 : i32
    %c0_i32_0 = arith.constant 0 : i32
    %c0_i32_1 = arith.constant 0 : i32
    return %c0_i32, %c0_i32_0 : i32, i32
  }
  func.func @transform_3(%arg0: i32) -> (i32, i32) {
    %c0_i32 = arith.constant 0 : i32
    %c0_i32_0 = arith.constant 0 : i32
    %c0_i32_1 = arith.constant 0 : i32
    return %c0_i32, %c0_i32_0 : i32, i32
  }
  func.func @transform_4(%arg0: i32) -> (i32, i32) {
    %c0_i32 = arith.constant 0 : i32
    %c0_i32_0 = arith.constant 0 : i32
    %c0_i32_1 = arith.constant 0 : i32
    return %c0_i32, %c0_i32_0 : i32, i32
  }
  func.func @transform_5(%arg0: i32) -> (i32, i32) {
    %c0_i32 = arith.constant 0 : i32
    %c0_i32_0 = arith.constant 0 : i32
    %c0_i32_1 = arith.constant 0 : i32
    return %c0_i32, %c0_i32_0 : i32, i32
  }
  func.func @transform_6(%arg0: i32) -> (i32, i32) {
    %c0_i32 = arith.constant 0 : i32
    %c0_i32_0 = arith.constant 0 : i32
    %c0_i32_1 = arith.constant 0 : i32
    return %c0_i32, %c0_i32_0 : i32, i32
  }
}

</mosaic_0001>

<sc_bundles>
// kernel: kernel.18.cloned.1.call-start
scs
__scs_entry_jumppad:
0x0: {  	(pc) =	sbr.rel $0x88, $3  }
0x1: {  	(tag) =	ssettag $0x0;
	lr =	simm.s32 $0x1  }
0x2: {  	[smem:$0x3F93] =	sst lr;
	_ =	strace $0xD0000000  }
0x3: {  	_ = 	snop  }
0x4: {  	_ = 	snop  }
0x5: {  	_ = 	snop  }
0x6: {  	_ = 	snop  }
0x7: {  	_ = 	snop  }
__scs_overlays_trampoline_lowered:
0x8: {  	[smem:$0x3FA2] =	sst s0  }
0x9: {  	[smem:$0x3FA3] =	sst s1  }
0xa: {  	[smem:$0x3FA4] =	sst s2  }
0xb: {  	[smem:$0x3FA5] =	sst s3  }
0xc: {  	[smem:$0x3FA6] =	sst s4  }
0xd: {  	[smem:$0x3FA7] =	sst s5  }
0xe: {  	[smem:$0x3FA8] =	sst s6  }
0xf: {  	[smem:$0x3FA9] =	sst s7  }
0x10: {  	[smem:$0x3FAA] =	sst s8  }
0x11: {  	[smem:$0x3FAB] =	sst s9;
	s0 =	simm.s32 @!p0 $0x0  }
0x12: {  	s1 =	sld [smem:$0x3F91];
	s0 =	simm.s32 @p0 $0x1  }
0x13: {  	[smem:$0x3FAC] =	sst s0;
	s0 =	simm.s32 @!p1 $0x0  }
0x14: {  	s2 =	sld [smem:$0x3F90];
	s0 =	simm.s32 @p1 $0x1  }
0x15: {  	[smem:$0x3FAD] =	sst s0;
	s0 =	simm.s32 @!p2 $0x0  }
0x16: {  	s3 =	sld [smem:$0x3FDB];
	s0 =	simm.s32 @p2 $0x1  }
0x17: {  	s4 =	simm.s32 $0x1BF5;
	[smem:$0x3FAF] =	sst s0  }
0x18: {  	s0 =	sld [smem:$0x3F92];
	_ =	swait.ge [sflag:s4], $0x0  }
0x19: {  	s7 =	sld [smem:$0x3F93]  }
0x1a: {  	s8 =	sadd.s32 $0xFFFFE003, lr  }
0x1b: {  	s9 =	sadd.s32 $0xFFFFFEF7, lr;
	s5 =	simm.s32 $0xFFFFFFFF;
	p2 =	slt.u32 s8, $0xFFFFF086  }
0x1c: {  	p1 =	slt.u32 s9, $0xF7A;
	s5 =	simm.s32 @!p2 $0x0  }
0x1d: {  	s5 =	simm.s32 @p1 $0x1;
	p0 =	seq.s32 s7, s2  }
0x1e: {  	s7 =	smul.u32 @!p0 $0xF7A, s2;
	p2 =	seq.s32 @!p0 s5, $0x0  }
0x1f: {  	s9 =	smul.u32 $0xF7A, s1;
	s8 =	simm.s32 @!p0 $0x1BF5;
	p2 =	por !p2, p0  }
0x20: {  	[sflag:s8] =	ssyncset.s32 @!p0 $0xFFFFF086;
	s6 =	sadd.s32 @!p0 s3, s7;
	s7 =	simm.s32 @!p0 $0x108  }
0x21: {  	s3 =	sadd.s32 s3, s9;
	s6 =	sadd.s32 @!p0 $0x88, s6;
	s7 =	simm.s32 @p2 $0x1082  }
0x22: {  	[simem:s7], [sflag:s8] =	dma.local @!p0 [hbm:s6], $0xF7A  }
0x23: {  	s9 =	sor.u32 $0xD0000000, s2;
	s6 =	simm.s32 $0x108;
	_ =	swait.ge @!p0 [sflag:s8], $0x0  }
0x24: {  	s3 =	sadd.s32 $0x88, s3;
	s6 =	simm.s32 @!p1 $0x1082;
	[sflag:s4] =	ssyncset.s32 $0xFFFFF086  }
0x25: {  	[simem:s6], [sflag:s4] =	dma.local [hbm:s3], $0xF7A  }
0x26: {  	[smem:$0x3F93] =	sst s1;
	(tag) =	ssettag s2;
	_ =	strace s9  }
0x27: {  	s1 =	sld [smem:$0x3FA3]  }
0x28: {  	s2 =	sld [smem:$0x3FA4]  }
0x29: {  	s4 =	sld [smem:$0x3FA6]  }
0x2a: {  	p0 =	seq.s32 s5, $0x0;
	s5 =	sld [smem:$0x3FA7]  }
0x2b: {  	s6 =	sld [smem:$0x3FA8]  }
0x2c: {  	s7 =	sld [smem:$0x3FA9]  }
0x2d: {  	s3 =	simm.s32 $0x108;
	s8 =	sld [smem:$0x3FAA]  }
0x2e: {  	s3 =	simm.s32 @!p0 $0x1082;
	s9 =	sld [smem:$0x3FAB]  }
0x2f: {  	lr =	sadd.s32 s0, s3;
	s0 =	sld [smem:$0x3FA2]  }
0x30: {  	s3 =	sld [smem:$0x3FA5]  }
0x31: {  	[smem:$0x3FAE] =	sst s10  }
0x32: {  	s10 =	sld [smem:$0x3FAC];
	_ =	sdelay $0x3  }
0x33: {  	p0 =	seq.s32 s10, $0x1;
	s10 =	sld [smem:$0x3FAE];
	_ =	sdelay $0x3  }
0x34: {  	[smem:$0x3FAE] =	sst s10  }
0x35: {  	s10 =	sld [smem:$0x3FAD];
	_ =	sdelay $0x3  }
0x36: {  	p1 =	seq.s32 s10, $0x1;
	s10 =	sld [smem:$0x3FAE];
	_ =	sdelay $0x3  }
0x37: {  	[smem:$0x3FAE] =	sst s10  }
0x38: {  	s10 =	sld [smem:$0x3FAF]  }
0x39: {  	_ = 	snop;
	(pc) =	sbr.ind lr, $3  }
0x3a: {  	_ = 	snop  }
0x3b: {  	_ = 	snop  }
0x3c: {  	p2 =	seq.s32 s10, $0x1;
	s10 =	sld [smem:$0x3FAE]  }
0x3d: {  	_ =	shalt  }
0x3e: {  	_ =	shalt  }
0x3f: {  	_ =	shalt  }
0x40: {  	_ =	shalt  }
0x41: {  	_ =	shalt  }
0x42: {  	_ =	shalt  }
0x43: {  	_ =	shalt  }
0x44: {  	_ =	shalt  }
0x45: {  	_ =	shalt  }
0x46: {  	_ =	shalt  }
0x47: {  	_ =	shalt  }
0x48: {  	_ =	shalt  }
0x49: {  	_ =	shalt  }
0x4a: {  	_ =	shalt  }
0x4b: {  	_ =	shalt  }
0x4c: {  	_ =	shalt  }
0x4d: {  	_ =	shalt  }
0x4e: {  	_ =	shalt  }
0x4f: {  	_ =	shalt  }
0x50: {  	_ =	shalt  }
0x51: {  	_ =	shalt  }
0x52: {  	_ =	shalt  }
0x53: {  	_ =	shalt  }
0x54: {  	_ =	shalt  }
0x55: {  	_ =	shalt  }
0x56: {  	_ =	shalt  }
0x57: {  	_ =	shalt  }
0x58: {  	_ =	shalt  }
0x59: {  	_ =	shalt  }
0x5a: {  	_ =	shalt  }
0x5b: {  	_ =	shalt  }
0x5c: {  	_ =	shalt  }
0x5d: {  	_ =	shalt  }
0x5e: {  	_ =	shalt  }
0x5f: {  	_ =	shalt  }
0x60: {  	_ =	shalt  }
0x61: {  	_ =	shalt  }
0x62: {  	_ =	shalt  }
0x63: {  	_ =	shalt  }
0x64: {  	_ =	shalt  }
0x65: {  	_ =	shalt  }
0x66: {  	_ =	shalt  }
0x67: {  	_ =	shalt  }
0x68: {  	_ =	shalt  }
0x69: {  	_ =	shalt  }
0x6a: {  	_ =	shalt  }
0x6b: {  	_ =	shalt  }
0x6c: {  	_ =	shalt  }
0x6d: {  	_ =	shalt  }
0x6e: {  	_ =	shalt  }
0x6f: {  	_ =	shalt  }
0x70: {  	_ =	shalt  }
0x71: {  	_ =	shalt  }
0x72: {  	_ =	shalt  }
0x73: {  	_ =	shalt  }
0x74: {  	_ =	shalt  }
0x75: {  	_ =	shalt  }
0x76: {  	_ =	shalt  }
0x77: {  	_ =	shalt  }
0x78: {  	_ =	shalt  }
0x79: {  	_ =	shalt  }
0x7a: {  	_ =	shalt  }
0x7b: {  	_ =	shalt  }
0x7c: {  	_ =	shalt  }
0x7d: {  	_ =	shalt  }
0x7e: {  	_ =	shalt  }
0x7f: {  	_ =	shalt  }
0x80: {  	_ =	shalt  }
0x81: {  	_ =	shalt  }
0x82: {  	_ =	shalt  }
0x83: {  	_ =	shalt  }
0x84: {  	_ =	shalt  }
0x85: {  	_ =	shalt  }
0x86: {  	_ =	shalt  }
0x87: {  	_ =	shalt  }
.Lfunc_end0:
.L_simem_size_0:
called_computation_lowered:
.L_overlay_start_0:
0x88: {  	s2 =	sld [smem:$0x3FD9]  }
0x89: {  	s3 =	sld [smem:$0x3FFE];
	_ =	sdelay $0x1  }
0x8a: {  	s1 =	srdreg.scid  }
0x8b: {  	s0 =	sand.u32 $0x1, s1  }
0x8c: {  	s16 =	sshll.u32 s0, $0xA;
	s2 =	sadd.s32 s3, s2  }
0x8d: {  	s2 =	sadd.s32 s2, s16  }
0x8e: {  	[smem:$0x3FBA] =	sst s2  }
0x8f: {  	_ = 	snop  }
0x90: {  	(tm) =	ssettm $0x1  }
0x91: {  	s17 =	sld [smem:$0x3FFB];
	_ =	sdelay $0x3  }
0x92: {  	_ =	strace s17  }
0x93: {  	s2 =	sld [smem:$0x3FFC];
	_ =	sdelay $0x3  }
0x94: {  	_ =	strace s2  }
0x95: {  	s2 =	sld [smem:$0x3FFD];
	_ =	sdelay $0x3  }
0x96: {  	_ =	strace s2  }
0x97: {  	_ =	strace $0x8FFFFFFF  }
0x98: {  	s18 =	sld [smem:$0x3FDB];
	_ =	sdelay $0x1  }
0x99: {  	s19 =	simm.s32 $_scs_section_size  }
0x9a: {  	s4 =	simm.s32 $_size__tile_overlayer_lowered;
	s5 =	simm.s32 $_tile_overlayer_lowered  }
0x9b: {  	s22 =	simm.s32 $0x1BFF;
	s21 =	sshll.u32 s5, $0x1;
	s2 =	sadd.s32 s19, s18  }
0x9c: {  	s6 =	simm.s32 $0x0;
	s20 =	sshll.u32 s4, $0x1;
	s4 =	sadd.s32 s21, s2  }
0x9d: {  	[timem:s6], [sflag:s22] =	dma.local [hbm:s4], s20  }
0x9e: {  	_ =	swait.ge [sflag:s22], s20  }
0x9f: {  	s3 =	ssub.s32 $0x0, s20;
	[sflag:s22] =	ssyncset.done $0x0  }
0xa0: {  	[sflag:s22] =	ssyncadd.s32 s3;
	_ =	sdelay $0x1  }
0xa1: {  	s23 =	simm.s32 $0x1B8B  }
0xa2: {  	_ =	swait.ge [sflag:s23], $0x1  }
0xa3: {  	[sflag:s23] =	ssyncset.done $0x0  }
0xa4: {  	s25 =	simm.s32 $0x1B8E;
	s24 =	sld [smem:$0x3FFE];
	[sflag:s23] =	ssyncadd.s32 $0xFFFFFFFF  }
0xa5: {  	s26 =	simm.s32 $execute0_lowered;
	[smem:$0x3FD2] =	sst s25  }
0xa6: {  	s4 =	sshll.u32 s26, $0x1;
	_ =	strace $0x80000046;
	[dreg:$0x1] =	wrdreg $0xFFFFFFFF  }
0xa7: {  	s28 =	simm.s32 $_size_execute0_lowered;
	s2 =	sadd.s32 s2, s4;
	[dreg:$0x0] =	wrdreg $0x0  }
0xa8: {  	s4 =	sshll.u32 s28, $0x1;
	[dreg:$0x2] =	wrdreg s2  }
0xa9: {  	[dreg:$0x3] =	wrdreg s4  }
0xaa: {  	[dreg:$0x4] =	wrdreg $0xC0  }
0xab: {  	_ =	task [dreg:s6], $0x5FFFF  }
0xac: {  	[dreg:$0x1] =	wrdreg $0xFFFFFFFF  }
0xad: {  	[dreg:$0x0] =	wrdreg $0x60  }
0xae: {  	[dreg:$0x2] =	wrdreg s24  }
0xaf: {  	[dreg:$0x3] =	wrdreg $0x9  }
0xb0: {  	_ =	task.clear_ibuf [dreg:s6], $0x4FFFF;
	_ =	strace $0x90000046  }
0xb1: {  	s29 =	simm.s32 $0x9;
	_ =	strace $0x80000048  }
0xb2: {  	_ =	swait.ge [sflag:s29], $0x1  }
0xb3: {  	[sflag:s29] =	ssyncadd.s32 $0xFFFFFFFF  }
0xb4: {  	_ =	strace $0x90000048  }
0xb5: {  	_ =	sfence  }
0xb6: {  	s30 =	sld [smem:$0x0];
	_ =	sdelay $0x2  }
0xb7: {  	s31 =	sshll.u32 s1, $0xD;
	s1 =	sshrl.u32 s1, $0x2  }
0xb8: {  	s3 =	sand.u32 $0x4000, s31;
	s1 =	sadd.s32 s1, s30  }
0xb9: {  	s0 =	sor.u32 s3, s0;
	s1 =	sshll.u32 s1, $0x11  }
0xba: {  	s0 =	sor.u32 s1, s0  }
0xbb: {  	s0 =	sadd.s32 $0x8F2B, s0  }
0xbc: {  	[sflag:s0] =	ssyncadd.remote.s32 $0x1  }
0xbd: {  	_ =	sfence.sel $0xFFFF  }
0xbe: {  	[dreg:$0x0] =	wrdreg $0xFFFFFFFF;
	(pc) =	sbr.abs _section_cstart, $3  }
0xbf: {  	[dreg:$0x1] =	wrdreg $0xFFFFFFFF  }
0xc0: {  	_ =	task.clear_ibuf [dreg:s6], $0x2FFFF;
	_ =	strace $0x9FFFFFFF  }
0xc1: {  	(tm) =	ssettm $0x7FFFFFFF  }
tec
execute0_lowered:
.L_overlay_start_1:
0x0: {  	(tag) =	ssettag $0x1  }
0x1: {  	s1 =	srdreg.scid;
	s0 =	stileid.u32  }
0x2: {  	s22 =	sand.u32 $0x1, s1;
	s26 =	sshll.u32 s0, $0x1  }
0x3: {  	s10 =	sor.u32 s22, s26  }
0x4: {  	s11 =	rddreg [dreg:$0x0];
	s23 =	smul.u32 $0x640, s10  }
0x5: {  	s2 =	simm.s32 $0x0;
	s1 =	rddreg [dreg:$0x1]  }
0x6: {  	[smem:$0x7FF] =	sst s2;
	s21 =	sadd.s32 $0x4000, s11;
	s3 =	sshrl.u32 s23, $0x3  }
0x7: {  	_ =	strace $0x80000047;
	s4 =	sadd.s32 s21, s3;
	s3 =	simm.s32 $0x2  }
0x8: {  	[tilespmem:s2], [sflag:$0x2] =	stream.linear.gather [hbm4b:s4+s2], $0x100, $0x38;
	[tilespmem:$0x8100] =	vst v63  }
0x9: {  	_ =	swait.ge [sflag:s3], $0x100  }
0xa: {  	s6 =	simm.s32 $0x80;
	[sflag:s3] =	ssyncset.done $0x0  }
0xb: {  	s7 =	simm.s32 $0x100;
	s5 =	sadd.s32 $0x5A00, s11;
	[sflag:s3] =	ssyncadd.s32 $0xFFFFFF00  }
0xc: {  	[tilespmem:s7], [sflag:$0x1] =	stream.indirect.gather [hbm4b:s5+s6], $0x80, s2, s6, $0xb8;
	[tilespmem:$0x8100] =	vst v63  }
0xd: {  	s8 =	simm.s32 $0x4100;
	s9 =	simm.s32 $0x1  }
0xe: {  	[tilespmem:s8], [sflag:$0x1] =	stream.indirect.gather [hbm4b:s5+s6], $0x80, s6, s6, $0xb8;
	[tilespmem:$0x8100] =	vst v63  }
0xf: {  	_ =	swait.ge [sflag:s9], $0x4000  }
0x10: {  	[sflag:s9] =	ssyncset.done $0x0  }
0x11: {  	[sflag:s9] =	ssyncadd.s32 $0xFFFFC000  }
0x12: {  	s10 =	smul.u32 $0x6400, s10;
	_ =	swait.ge [sflag:s9], $0x4000  }
0x13: {  	s24 =	sadd.s32 $0x5C00, s11;
	[sflag:s9] =	ssyncset.done $0x0  }
0x14: {  	s10 =	sadd.s32 s24, s10;
	[sflag:s9] =	ssyncadd.s32 $0xFFFFC000  }
0x15: {  	[hbm4b:s10+s2] =	stream.linear.scatter [tilespmem:s7], [sflag:$0x2], $0x8000, $0x38;
	[tilespmem:$0x8100] =	vst v63  }
0x16: {  	s12 =	sadd.s32 $0x100, s23;
	_ =	swait.ge [sflag:s3], $0x8000  }
0x17: {  	s28 =	sshrl.u32 s12, $0x3;
	[sflag:s3] =	ssyncset.done $0x0  }
0x18: {  	s11 =	sadd.s32 s21, s28;
	[sflag:s3] =	ssyncadd.s32 $0xFFFF8000  }
0x19: {  	[tilespmem:s2], [sflag:$0x2] =	stream.linear.gather [hbm4b:s11+s2], $0x100, $0x38;
	[tilespmem:$0x8100] =	vst v63  }
0x1a: {  	_ =	swait.ge [sflag:s3], $0x100  }
0x1b: {  	[sflag:s3] =	ssyncset.done $0x0  }
0x1c: {  	[sflag:s3] =	ssyncadd.s32 $0xFFFFFF00  }
0x1d: {  	[tilespmem:s7], [sflag:$0x1] =	stream.indirect.gather [hbm4b:s5+s6], $0x80, s2, s6, $0xb8;
	[tilespmem:$0x8100] =	vst v63  }
0x1e: {  	_ = 	snop  }
0x1f: {  	[tilespmem:s8], [sflag:$0x1] =	stream.indirect.gather [hbm4b:s5+s6], $0x80, s6, s6, $0xb8;
	[tilespmem:$0x8100] =	vst v63  }
0x20: {  	_ =	swait.ge [sflag:s9], $0x4000  }
0x21: {  	[sflag:s9] =	ssyncset.done $0x0  }
0x22: {  	[sflag:s9] =	ssyncadd.s32 $0xFFFFC000  }
0x23: {  	_ =	swait.ge [sflag:s9], $0x4000  }
0x24: {  	s12 =	sshll.u32 s12, $0x4;
	[sflag:s9] =	ssyncset.done $0x0  }
0x25: {  	s12 =	sadd.s32 s24, s12;
	[sflag:s9] =	ssyncadd.s32 $0xFFFFC000  }
0x26: {  	[hbm4b:s12+s2] =	stream.linear.scatter [tilespmem:s7], [sflag:$0x2], $0x8000, $0x38;
	[tilespmem:$0x8100] =	vst v63  }
0x27: {  	s14 =	sadd.s32 $0x200, s23;
	_ =	swait.ge [sflag:s3], $0x8000  }
0x28: {  	s13 =	sshrl.u32 s14, $0x3;
	[sflag:s3] =	ssyncset.done $0x0  }
0x29: {  	s13 =	sadd.s32 s21, s13;
	[sflag:s3] =	ssyncadd.s32 $0xFFFF8000  }
0x2a: {  	[tilespmem:s2], [sflag:$0x2] =	stream.linear.gather [hbm4b:s13+s2], $0x100, $0x38;
	[tilespmem:$0x8100] =	vst v63  }
0x2b: {  	_ =	swait.ge [sflag:s3], $0x100  }
0x2c: {  	[sflag:s3] =	ssyncset.done $0x0  }
0x2d: {  	[sflag:s3] =	ssyncadd.s32 $0xFFFFFF00  }
0x2e: {  	[tilespmem:s7], [sflag:$0x1] =	stream.indirect.gather [hbm4b:s5+s6], $0x80, s2, s6, $0xb8;
	[tilespmem:$0x8100] =	vst v63  }
0x2f: {  	_ = 	snop  }
0x30: {  	[tilespmem:s8], [sflag:$0x1] =	stream.indirect.gather [hbm4b:s5+s6], $0x80, s6, s6, $0xb8;
	[tilespmem:$0x8100] =	vst v63  }
0x31: {  	_ =	swait.ge [sflag:s9], $0x4000  }
0x32: {  	[sflag:s9] =	ssyncset.done $0x0  }
0x33: {  	[sflag:s9] =	ssyncadd.s32 $0xFFFFC000  }
0x34: {  	_ =	swait.ge [sflag:s9], $0x4000  }
0x35: {  	s14 =	sshll.u32 s14, $0x4;
	[sflag:s9] =	ssyncset.done $0x0  }
0x36: {  	s14 =	sadd.s32 s24, s14;
	[sflag:s9] =	ssyncadd.s32 $0xFFFFC000  }
0x37: {  	[hbm4b:s14+s2] =	stream.linear.scatter [tilespmem:s7], [sflag:$0x2], $0x8000, $0x38;
	[tilespmem:$0x8100] =	vst v63  }
0x38: {  	s16 =	sadd.s32 $0x300, s23;
	_ =	swait.ge [sflag:s3], $0x8000  }
0x39: {  	s15 =	sshrl.u32 s16, $0x3;
	[sflag:s3] =	ssyncset.done $0x0  }
0x3a: {  	s15 =	sadd.s32 s21, s15;
	[sflag:s3] =	ssyncadd.s32 $0xFFFF8000  }
0x3b: {  	[tilespmem:s2], [sflag:$0x2] =	stream.linear.gather [hbm4b:s15+s2], $0x100, $0x38;
	[tilespmem:$0x8100] =	vst v63  }
0x3c: {  	_ =	swait.ge [sflag:s3], $0x100  }
0x3d: {  	[sflag:s3] =	ssyncset.done $0x0  }
0x3e: {  	[sflag:s3] =	ssyncadd.s32 $0xFFFFFF00  }
0x3f: {  	[tilespmem:s7], [sflag:$0x1] =	stream.indirect.gather [hbm4b:s5+s6], $0x80, s2, s6, $0xb8;
	[tilespmem:$0x8100] =	vst v63  }
0x40: {  	_ = 	snop  }
0x41: {  	[tilespmem:s8], [sflag:$0x1] =	stream.indirect.gather [hbm4b:s5+s6], $0x80, s6, s6, $0xb8;
	[tilespmem:$0x8100] =	vst v63  }
0x42: {  	_ =	swait.ge [sflag:s9], $0x4000  }
0x43: {  	[sflag:s9] =	ssyncset.done $0x0  }
0x44: {  	[sflag:s9] =	ssyncadd.s32 $0xFFFFC000  }
0x45: {  	_ =	swait.ge [sflag:s9], $0x4000  }
0x46: {  	s16 =	sshll.u32 s16, $0x4;
	[sflag:s9] =	ssyncset.done $0x0  }
0x47: {  	s16 =	sadd.s32 s24, s16;
	[sflag:s9] =	ssyncadd.s32 $0xFFFFC000  }
0x48: {  	[hbm4b:s16+s2] =	stream.linear.scatter [tilespmem:s7], [sflag:$0x2], $0x8000, $0x38;
	[tilespmem:$0x8100] =	vst v63  }
0x49: {  	s18 =	sadd.s32 $0x400, s23;
	_ =	swait.ge [sflag:s3], $0x8000  }
0x4a: {  	s17 =	sshrl.u32 s18, $0x3;
	[sflag:s3] =	ssyncset.done $0x0  }
0x4b: {  	s17 =	sadd.s32 s21, s17;
	[sflag:s3] =	ssyncadd.s32 $0xFFFF8000  }
0x4c: {  	[tilespmem:s2], [sflag:$0x2] =	stream.linear.gather [hbm4b:s17+s2], $0x100, $0x38;
	[tilespmem:$0x8100] =	vst v63  }
0x4d: {  	_ =	swait.ge [sflag:s3], $0x100  }
0x4e: {  	[sflag:s3] =	ssyncset.done $0x0  }
0x4f: {  	[sflag:s3] =	ssyncadd.s32 $0xFFFFFF00  }
0x50: {  	[tilespmem:s7], [sflag:$0x1] =	stream.indirect.gather [hbm4b:s5+s6], $0x80, s2, s6, $0xb8;
	[tilespmem:$0x8100] =	vst v63  }
0x51: {  	_ = 	snop  }
0x52: {  	[tilespmem:s8], [sflag:$0x1] =	stream.indirect.gather [hbm4b:s5+s6], $0x80, s6, s6, $0xb8;
	[tilespmem:$0x8100] =	vst v63  }
0x53: {  	_ =	swait.ge [sflag:s9], $0x4000  }
0x54: {  	[sflag:s9] =	ssyncset.done $0x0  }
0x55: {  	[sflag:s9] =	ssyncadd.s32 $0xFFFFC000  }
0x56: {  	_ =	swait.ge [sflag:s9], $0x4000  }
0x57: {  	s18 =	sshll.u32 s18, $0x4;
	[sflag:s9] =	ssyncset.done $0x0  }
0x58: {  	s18 =	sadd.s32 s24, s18;
	[sflag:s9] =	ssyncadd.s32 $0xFFFFC000  }
0x59: {  	[hbm4b:s18+s2] =	stream.linear.scatter [tilespmem:s7], [sflag:$0x2], $0x8000, $0x38;
	[tilespmem:$0x8100] =	vst v63  }
0x5a: {  	s20 =	sadd.s32 $0x500, s23;
	_ =	swait.ge [sflag:s3], $0x8000  }
0x5b: {  	s19 =	sshrl.u32 s20, $0x3;
	[sflag:s3] =	ssyncset.done $0x0  }
0x5c: {  	s19 =	sadd.s32 s21, s19;
	[sflag:s3] =	ssyncadd.s32 $0xFFFF8000  }
0x5d: {  	[tilespmem:s2], [sflag:$0x2] =	stream.linear.gather [hbm4b:s19+s2], $0x100, $0x38;
	[tilespmem:$0x8100] =	vst v63  }
0x5e: {  	_ =	swait.ge [sflag:s3], $0x100  }
0x5f: {  	[sflag:s3] =	ssyncset.done $0x0  }
0x60: {  	[sflag:s3] =	ssyncadd.s32 $0xFFFFFF00  }
0x61: {  	[tilespmem:s7], [sflag:$0x1] =	stream.indirect.gather [hbm4b:s5+s6], $0x80, s2, s6, $0xb8;
	[tilespmem:$0x8100] =	vst v63  }
0x62: {  	_ = 	snop  }
0x63: {  	[tilespmem:s8], [sflag:$0x1] =	stream.indirect.gather [hbm4b:s5+s6], $0x80, s6, s6, $0xb8;
	[tilespmem:$0x8100] =	vst v63  }
0x64: {  	_ =	swait.ge [sflag:s9], $0x4000  }
0x65: {  	[sflag:s9] =	ssyncset.done $0x0  }
0x66: {  	[sflag:s9] =	ssyncadd.s32 $0xFFFFC000  }
0x67: {  	_ =	swait.ge [sflag:s9], $0x4000  }
0x68: {  	s20 =	sshll.u32 s20, $0x4;
	[sflag:s9] =	ssyncset.done $0x0  }
0x69: {  	s20 =	sadd.s32 s24, s20;
	[sflag:s9] =	ssyncadd.s32 $0xFFFFC000  }
0x6a: {  	[hbm4b:s20+s2] =	stream.linear.scatter [tilespmem:s7], [sflag:$0x2], $0x8000, $0x38;
	[tilespmem:$0x8100] =	vst v63  }
0x6b: {  	s23 =	sadd.s32 $0x540, s23;
	_ =	swait.ge [sflag:s3], $0x8000  }
0x6c: {  	s25 =	sshrl.u32 s23, $0x3;
	[sflag:s3] =	ssyncset.done $0x0  }
0x6d: {  	s21 =	sadd.s32 s21, s25;
	[sflag:s3] =	ssyncadd.s32 $0xFFFF8000  }
0x6e: {  	[tilespmem:s2], [sflag:$0x2] =	stream.linear.gather [hbm4b:s21+s2], $0x100, $0x38;
	[tilespmem:$0x8100] =	vst v63  }
0x6f: {  	_ =	swait.ge [sflag:s3], $0x100  }
0x70: {  	[sflag:s3] =	ssyncset.done $0x0  }
0x71: {  	[sflag:s3] =	ssyncadd.s32 $0xFFFFFF00  }
0x72: {  	[tilespmem:s7], [sflag:$0x1] =	stream.indirect.gather [hbm4b:s5+s6], $0x80, s2, s6, $0xb8;
	[tilespmem:$0x8100] =	vst v63  }
0x73: {  	s22 =	ssub.s32 $0x2, s22  }
0x74: {  	[tilespmem:s8], [sflag:$0x1] =	stream.indirect.gather [hbm4b:s5+s6], $0x80, s6, s6, $0xb8;
	[tilespmem:$0x8100] =	vst v63  }
0x75: {  	s29 =	sshrl.u32 s22, $0x1;
	_ =	swait.ge [sflag:s9], $0x4000  }
0x76: {  	s25 =	ssub.s32 s22, s29;
	[sflag:s9] =	ssyncset.done $0x0  }
0x77: {  	s31 =	smax.u32 s25, $0x1;
	[sflag:s9] =	ssyncadd.s32 $0xFFFFC000  }
0x78: {  	p0 =	sne.s32 s31, $0x1;
	_ =	swait.ge [sflag:s9], $0x4000  }
.Ltmp0:
0x79: {  	s30 =	sshll.u32 s23, $0x4;
	[sflag:s9] =	ssyncset.done $0x0;
	(pc) =	sbr.rel @!p0 .LBB2_2-.Ltmp0, $4  }
0x7a: {  	s22 =	sadd.s32 s24, s30;
	[sflag:s9] =	ssyncadd.s32 $0xFFFFC000  }
0x7b: {  	[hbm4b:s22+s2] =	stream.linear.scatter [tilespmem:s7], [sflag:$0x2], $0x8000, $0x38;
	[tilespmem:$0x8100] =	vst v63  }
0x7c: {  	_ =	swait.ge [sflag:s3], $0x8000  }
0x7d: {  	s23 =	sadd.s32 $0xFFFFFFFF, s31;
	[sflag:s3] =	ssyncset.done $0x0  }
.LBB2_1:
0x7e: {  	p0 =	sne.s32 s23, $0x1;
	s23 =	sadd.s32 $0xFFFFFFFF, s23;
	[sflag:s3] =	ssyncadd.s32 $0xFFFF8000  }
0x7f: {  	[tilespmem:s2], [sflag:$0x2] =	stream.linear.gather [hbm4b:s4+s2], $0x100, $0x38;
	[tilespmem:$0x8100] =	vst v63  }
0x80: {  	_ =	swait.ge [sflag:s3], $0x100  }
0x81: {  	[sflag:s3] =	ssyncset.done $0x0  }
0x82: {  	[sflag:s3] =	ssyncadd.s32 $0xFFFFFF00  }
0x83: {  	[tilespmem:s7], [sflag:$0x1] =	stream.indirect.gather [hbm4b:s5+s6], $0x80, s2, s6, $0xb8;
	[tilespmem:$0x8100] =	vst v63  }
0x84: {  	_ = 	snop  }
0x85: {  	[tilespmem:s8], [sflag:$0x1] =	stream.indirect.gather [hbm4b:s5+s6], $0x80, s6, s6, $0xb8;
	[tilespmem:$0x8100] =	vst v63  }
0x86: {  	_ =	swait.ge [sflag:s9], $0x4000  }
0x87: {  	[sflag:s9] =	ssyncset.done $0x0  }
0x88: {  	[sflag:s9] =	ssyncadd.s32 $0xFFFFC000  }
0x89: {  	_ =	swait.ge [sflag:s9], $0x4000  }
0x8a: {  	[sflag:s9] =	ssyncset.done $0x0  }
0x8b: {  	[sflag:s9] =	ssyncadd.s32 $0xFFFFC000  }
0x8c: {  	[hbm4b:s10+s2] =	stream.linear.scatter [tilespmem:s7], [sflag:$0x2], $0x8000, $0x38;
	[tilespmem:$0x8100] =	vst v63  }
0x8d: {  	_ =	swait.ge [sflag:s3], $0x8000  }
0x8e: {  	[sflag:s3] =	ssyncset.done $0x0  }
0x8f: {  	[sflag:s3] =	ssyncadd.s32 $0xFFFF8000  }
0x90: {  	[tilespmem:s2], [sflag:$0x2] =	stream.linear.gather [hbm4b:s11+s2], $0x100, $0x38;
	[tilespmem:$0x8100] =	vst v63  }
0x91: {  	_ =	swait.ge [sflag:s3], $0x100  }
0x92: {  	[sflag:s3] =	ssyncset.done $0x0  }
0x93: {  	[sflag:s3] =	ssyncadd.s32 $0xFFFFFF00  }
0x94: {  	[tilespmem:s7], [sflag:$0x1] =	stream.indirect.gather [hbm4b:s5+s6], $0x80, s2, s6, $0xb8;
	[tilespmem:$0x8100] =	vst v63  }
0x95: {  	_ = 	snop  }
0x96: {  	[tilespmem:s8], [sflag:$0x1] =	stream.indirect.gather [hbm4b:s5+s6], $0x80, s6, s6, $0xb8;
	[tilespmem:$0x8100] =	vst v63  }
0x97: {  	_ =	swait.ge [sflag:s9], $0x4000  }
0x98: {  	[sflag:s9] =	ssyncset.done $0x0  }
0x99: {  	[sflag:s9] =	ssyncadd.s32 $0xFFFFC000  }
0x9a: {  	_ =	swait.ge [sflag:s9], $0x4000  }
0x9b: {  	[sflag:s9] =	ssyncset.done $0x0  }
0x9c: {  	[sflag:s9] =	ssyncadd.s32 $0xFFFFC000  }
0x9d: {  	[hbm4b:s12+s2] =	stream.linear.scatter [tilespmem:s7], [sflag:$0x2], $0x8000, $0x38;
	[tilespmem:$0x8100] =	vst v63  }
0x9e: {  	_ =	swait.ge [sflag:s3], $0x8000  }
0x9f: {  	[sflag:s3] =	ssyncset.done $0x0  }
0xa0: {  	[sflag:s3] =	ssyncadd.s32 $0xFFFF8000  }
0xa1: {  	[tilespmem:s2], [sflag:$0x2] =	stream.linear.gather [hbm4b:s13+s2], $0x100, $0x38;
	[tilespmem:$0x8100] =	vst v63  }
0xa2: {  	_ =	swait.ge [sflag:s3], $0x100  }
0xa3: {  	[sflag:s3] =	ssyncset.done $0x0  }
0xa4: {  	[sflag:s3] =	ssyncadd.s32 $0xFFFFFF00  }
0xa5: {  	[tilespmem:s7], [sflag:$0x1] =	stream.indirect.gather [hbm4b:s5+s6], $0x80, s2, s6, $0xb8;
	[tilespmem:$0x8100] =	vst v63  }
0xa6: {  	_ = 	snop  }
0xa7: {  	[tilespmem:s8], [sflag:$0x1] =	stream.indirect.gather [hbm4b:s5+s6], $0x80, s6, s6, $0xb8;
	[tilespmem:$0x8100] =	vst v63  }
0xa8: {  	_ =	swait.ge [sflag:s9], $0x4000  }
0xa9: {  	[sflag:s9] =	ssyncset.done $0x0  }
0xaa: {  	[sflag:s9] =	ssyncadd.s32 $0xFFFFC000  }
0xab: {  	_ =	swait.ge [sflag:s9], $0x4000  }
0xac: {  	[sflag:s9] =	ssyncset.done $0x0  }
0xad: {  	[sflag:s9] =	ssyncadd.s32 $0xFFFFC000  }
0xae: {  	[hbm4b:s14+s2] =	stream.linear.scatter [tilespmem:s7], [sflag:$0x2], $0x8000, $0x38;
	[tilespmem:$0x8100] =	vst v63  }
0xaf: {  	_ =	swait.ge [sflag:s3], $0x8000  }
0xb0: {  	[sflag:s3] =	ssyncset.done $0x0  }
0xb1: {  	[sflag:s3] =	ssyncadd.s32 $0xFFFF8000  }
0xb2: {  	[tilespmem:s2], [sflag:$0x2] =	stream.linear.gather [hbm4b:s15+s2], $0x100, $0x38;
	[tilespmem:$0x8100] =	vst v63  }
0xb3: {  	_ =	swait.ge [sflag:s3], $0x100  }
0xb4: {  	[sflag:s3] =	ssyncset.done $0x0  }
0xb5: {  	[sflag:s3] =	ssyncadd.s32 $0xFFFFFF00  }
0xb6: {  	[tilespmem:s7], [sflag:$0x1] =	stream.indirect.gather [hbm4b:s5+s6], $0x80, s2, s6, $0xb8;
	[tilespmem:$0x8100] =	vst v63  }
0xb7: {  	_ = 	snop  }
0xb8: {  	[tilespmem:s8], [sflag:$0x1] =	stream.indirect.gather [hbm4b:s5+s6], $0x80, s6, s6, $0xb8;
	[tilespmem:$0x8100] =	vst v63  }
0xb9: {  	_ =	swait.ge [sflag:s9], $0x4000  }
0xba: {  	[sflag:s9] =	ssyncset.done $0x0  }
0xbb: {  	[sflag:s9] =	ssyncadd.s32 $0xFFFFC000  }
0xbc: {  	_ =	swait.ge [sflag:s9], $0x4000  }
0xbd: {  	[sflag:s9] =	ssyncset.done $0x0  }
0xbe: {  	[sflag:s9] =	ssyncadd.s32 $0xFFFFC000  }
0xbf: {  	[hbm4b:s16+s2] =	stream.linear.scatter [tilespmem:s7], [sflag:$0x2], $0x8000, $0x38;
	[tilespmem:$0x8100] =	vst v63  }
0xc0: {  	_ =	swait.ge [sflag:s3], $0x8000  }
0xc1: {  	[sflag:s3] =	ssyncset.done $0x0  }
0xc2: {  	[sflag:s3] =	ssyncadd.s32 $0xFFFF8000  }
0xc3: {  	[tilespmem:s2], [sflag:$0x2] =	stream.linear.gather [hbm4b:s17+s2], $0x100, $0x38;
	[tilespmem:$0x8100] =	vst v63  }
0xc4: {  	_ =	swait.ge [sflag:s3], $0x100  }
0xc5: {  	[sflag:s3] =	ssyncset.done $0x0  }
0xc6: {  	[sflag:s3] =	ssyncadd.s32 $0xFFFFFF00  }
0xc7: {  	[tilespmem:s7], [sflag:$0x1] =	stream.indirect.gather [hbm4b:s5+s6], $0x80, s2, s6, $0xb8;
	[tilespmem:$0x8100] =	vst v63  }
0xc8: {  	_ = 	snop  }
0xc9: {  	[tilespmem:s8], [sflag:$0x1] =	stream.indirect.gather [hbm4b:s5+s6], $0x80, s6, s6, $0xb8;
	[tilespmem:$0x8100] =	vst v63  }
0xca: {  	_ =	swait.ge [sflag:s9], $0x4000  }
0xcb: {  	[sflag:s9] =	ssyncset.done $0x0  }
0xcc: {  	[sflag:s9] =	ssyncadd.s32 $0xFFFFC000  }
0xcd: {  	_ =	swait.ge [sflag:s9], $0x4000  }
0xce: {  	[sflag:s9] =	ssyncset.done $0x0  }
0xcf: {  	[sflag:s9] =	ssyncadd.s32 $0xFFFFC000  }
0xd0: {  	[hbm4b:s18+s2] =	stream.linear.scatter [tilespmem:s7], [sflag:$0x2], $0x8000, $0x38;
	[tilespmem:$0x8100] =	vst v63  }
0xd1: {  	_ =	swait.ge [sflag:s3], $0x8000  }
0xd2: {  	[sflag:s3] =	ssyncset.done $0x0  }
0xd3: {  	[sflag:s3] =	ssyncadd.s32 $0xFFFF8000  }
0xd4: {  	[tilespmem:s2], [sflag:$0x2] =	stream.linear.gather [hbm4b:s19+s2], $0x100, $0x38;
	[tilespmem:$0x8100] =	vst v63  }
0xd5: {  	_ =	swait.ge [sflag:s3], $0x100  }
0xd6: {  	[sflag:s3] =	ssyncset.done $0x0  }
0xd7: {  	[sflag:s3] =	ssyncadd.s32 $0xFFFFFF00  }
0xd8: {  	[tilespmem:s7], [sflag:$0x1] =	stream.indirect.gather [hbm4b:s5+s6], $0x80, s2, s6, $0xb8;
	[tilespmem:$0x8100] =	vst v63  }
0xd9: {  	_ = 	snop  }
0xda: {  	[tilespmem:s8], [sflag:$0x1] =	stream.indirect.gather [hbm4b:s5+s6], $0x80, s6, s6, $0xb8;
	[tilespmem:$0x8100] =	vst v63  }
0xdb: {  	_ =	swait.ge [sflag:s9], $0x4000  }
0xdc: {  	[sflag:s9] =	ssyncset.done $0x0  }
0xdd: {  	[sflag:s9] =	ssyncadd.s32 $0xFFFFC000  }
0xde: {  	_ =	swait.ge [sflag:s9], $0x4000  }
0xdf: {  	[sflag:s9] =	ssyncset.done $0x0  }
0xe0: {  	[sflag:s9] =	ssyncadd.s32 $0xFFFFC000  }
0xe1: {  	[hbm4b:s20+s2] =	stream.linear.scatter [tilespmem:s7], [sflag:$0x2], $0x8000, $0x38;
	[tilespmem:$0x8100] =	vst v63  }
0xe2: {  	_ =	swait.ge [sflag:s3], $0x8000  }
0xe3: {  	[sflag:s3] =	ssyncset.done $0x0  }
0xe4: {  	[sflag:s3] =	ssyncadd.s32 $0xFFFF8000  }
0xe5: {  	[tilespmem:s2], [sflag:$0x2] =	stream.linear.gather [hbm4b:s21+s2], $0x100, $0x38;
	[tilespmem:$0x8100] =	vst v63  }
0xe6: {  	_ =	swait.ge [sflag:s3], $0x100  }
0xe7: {  	[sflag:s3] =	ssyncset.done $0x0  }
0xe8: {  	[sflag:s3] =	ssyncadd.s32 $0xFFFFFF00  }
0xe9: {  	[tilespmem:s7], [sflag:$0x1] =	stream.indirect.gather [hbm4b:s5+s6], $0x80, s2, s6, $0xb8;
	[tilespmem:$0x8100] =	vst v63  }
0xea: {  	_ = 	snop  }
0xeb: {  	[tilespmem:s8], [sflag:$0x1] =	stream.indirect.gather [hbm4b:s5+s6], $0x80, s6, s6, $0xb8;
	[tilespmem:$0x8100] =	vst v63  }
0xec: {  	_ =	swait.ge [sflag:s9], $0x4000  }
0xed: {  	[sflag:s9] =	ssyncset.done $0x0  }
0xee: {  	[sflag:s9] =	ssyncadd.s32 $0xFFFFC000  }
0xef: {  	_ =	swait.ge [sflag:s9], $0x4000  }
.Ltmp1:
0xf0: {  	[sflag:s9] =	ssyncset.done $0x0;
	(pc) =	sbr.rel @p0 .LBB2_1-.Ltmp1, $4  }
0xf1: {  	[sflag:s9] =	ssyncadd.s32 $0xFFFFC000  }
0xf2: {  	[hbm4b:s22+s2] =	stream.linear.scatter [tilespmem:s7], [sflag:$0x2], $0x8000, $0x38;
	[tilespmem:$0x8100] =	vst v63  }
0xf3: {  	_ =	swait.ge [sflag:s3], $0x8000  }
0xf4: {  	[sflag:s3] =	ssyncset.done $0x0  }
.LBB2_2:
0xf5: {  	[sflag:s3] =	ssyncadd.s32 $0xFFFF8000  }
0xf6: {  	_ =	sfence.sel $0x180000  }
0xf7: {  	[bflag:$0x0] =	sbarrier.arrive $0xFFFF  }
0xf8: {  	p0 =	sne.s32 s0, $0x0;
	_ =	strace $0x90000047  }
0xf9: {  	s0 =	sadd.s32 @!p0 $0x100000, s1;
	[bflag:$0x2] =	sbarrier.arrive $0xFFFF  }
0xfa: {  	[sflag:s0] =	ssyncadd.tile.s32 @!p0 $0x1;
	_ =	shalt  }
.Lfunc_end2:
_tile_overlayer_lowered:
.L_overlay_start_2:
0xfb: {  	(tag) =	ssettag $0x2  }
0xfc: {  	s0 =	rddreg [dreg:$0x0];
	s2 =	stileid.u32  }
0xfd: {  	s1 =	rddreg [dreg:$0x1];
	p0 =	sne.s32 s2, $0x0  }
0xfe: {  	s3 =	rddreg [dreg:$0x2];
	[bflag:$0x3] =	sbarrier.arrive $0xFFFF;
	s2 =	simm.s32 @!p0 $0x1C02  }
0xff: {  	[timem:s3], [sflag:s2] =	dma.local @!p0 [hbm:s0], s1  }
0x100: {  	s0 =	simm.s32 @!p0 $0x2  }
0x101: {  	_ =	swait.ge @!p0 [sflag:s0], s1  }
0x102: {  	s1 =	ssub.s32 @!p0 $0x0, s1;
	[sflag:s0] =	ssyncset.done @!p0 $0x0  }
0x103: {  	[sflag:s0] =	ssyncadd.s32 @!p0 s1  }
0x104: {  	[bflag:$0x3] =	sbarrier.arrive $0xFFFF  }
0x105: {  	_ =	shalt  }

// kernel: kernel.21.cloned.1.call-start
scs
__scs_entry_jumppad:
0x0: {  	(pc) =	sbr.rel $0x88, $3  }
0x1: {  	(tag) =	ssettag $0x0;
	lr =	simm.s32 $0x1  }
0x2: {  	[smem:$0x3F93] =	sst lr;
	_ =	strace $0xD0000000  }
0x3: {  	_ = 	snop  }
0x4: {  	_ = 	snop  }
0x5: {  	_ = 	snop  }
0x6: {  	_ = 	snop  }
0x7: {  	_ = 	snop  }
__scs_overlays_trampoline_lowered:
0x8: {  	[smem:$0x3FA2] =	sst s0  }
0x9: {  	[smem:$0x3FA3] =	sst s1  }
0xa: {  	[smem:$0x3FA4] =	sst s2  }
0xb: {  	[smem:$0x3FA5] =	sst s3  }
0xc: {  	[smem:$0x3FA6] =	sst s4  }
0xd: {  	[smem:$0x3FA7] =	sst s5  }
0xe: {  	[smem:$0x3FA8] =	sst s6  }
0xf: {  	[smem:$0x3FA9] =	sst s7  }
0x10: {  	[smem:$0x3FAA] =	sst s8  }
0x11: {  	[smem:$0x3FAB] =	sst s9;
	s0 =	simm.s32 @!p0 $0x0  }
0x12: {  	s1 =	sld [smem:$0x3F91];
	s0 =	simm.s32 @p0 $0x1  }
0x13: {  	[smem:$0x3FAC] =	sst s0;
	s0 =	simm.s32 @!p1 $0x0  }
0x14: {  	s2 =	sld [smem:$0x3F90];
	s0 =	simm.s32 @p1 $0x1  }
0x15: {  	[smem:$0x3FAD] =	sst s0;
	s0 =	simm.s32 @!p2 $0x0  }
0x16: {  	s3 =	sld [smem:$0x3FDB];
	s0 =	simm.s32 @p2 $0x1  }
0x17: {  	s4 =	simm.s32 $0x1BF5;
	[smem:$0x3FAF] =	sst s0  }
0x18: {  	s0 =	sld [smem:$0x3F92];
	_ =	swait.ge [sflag:s4], $0x0  }
0x19: {  	s7 =	sld [smem:$0x3F93]  }
0x1a: {  	s8 =	sadd.s32 $0xFFFFE003, lr  }
0x1b: {  	s9 =	sadd.s32 $0xFFFFFEF7, lr;
	s5 =	simm.s32 $0xFFFFFFFF;
	p2 =	slt.u32 s8, $0xFFFFF086  }
0x1c: {  	p1 =	slt.u32 s9, $0xF7A;
	s5 =	simm.s32 @!p2 $0x0  }
0x1d: {  	s5 =	simm.s32 @p1 $0x1;
	p0 =	seq.s32 s7, s2  }
0x1e: {  	s7 =	smul.u32 @!p0 $0xF7A, s2;
	p2 =	seq.s32 @!p0 s5, $0x0  }
0x1f: {  	s9 =	smul.u32 $0xF7A, s1;
	s8 =	simm.s32 @!p0 $0x1BF5;
	p2 =	por !p2, p0  }
0x20: {  	[sflag:s8] =	ssyncset.s32 @!p0 $0xFFFFF086;
	s6 =	sadd.s32 @!p0 s3, s7;
	s7 =	simm.s32 @!p0 $0x108  }
0x21: {  	s3 =	sadd.s32 s3, s9;
	s6 =	sadd.s32 @!p0 $0x88, s6;
	s7 =	simm.s32 @p2 $0x1082  }
0x22: {  	[simem:s7], [sflag:s8] =	dma.local @!p0 [hbm:s6], $0xF7A  }
0x23: {  	s9 =	sor.u32 $0xD0000000, s2;
	s6 =	simm.s32 $0x108;
	_ =	swait.ge @!p0 [sflag:s8], $0x0  }
0x24: {  	s3 =	sadd.s32 $0x88, s3;
	s6 =	simm.s32 @!p1 $0x1082;
	[sflag:s4] =	ssyncset.s32 $0xFFFFF086  }
0x25: {  	[simem:s6], [sflag:s4] =	dma.local [hbm:s3], $0xF7A  }
0x26: {  	[smem:$0x3F93] =	sst s1;
	(tag) =	ssettag s2;
	_ =	strace s9  }
0x27: {  	s1 =	sld [smem:$0x3FA3]  }
0x28: {  	s2 =	sld [smem:$0x3FA4]  }
0x29: {  	s4 =	sld [smem:$0x3FA6]  }
0x2a: {  	p0 =	seq.s32 s5, $0x0;
	s5 =	sld [smem:$0x3FA7]  }
0x2b: {  	s6 =	sld [smem:$0x3FA8]  }
0x2c: {  	s7 =	sld [smem:$0x3FA9]  }
0x2d: {  	s3 =	simm.s32 $0x108;
	s8 =	sld [smem:$0x3FAA]  }
0x2e: {  	s3 =	simm.s32 @!p0 $0x1082;
	s9 =	sld [smem:$0x3FAB]  }
0x2f: {  	lr =	sadd.s32 s0, s3;
	s0 =	sld [smem:$0x3FA2]  }
0x30: {  	s3 =	sld [smem:$0x3FA5]  }
0x31: {  	[smem:$0x3FAE] =	sst s10  }
0x32: {  	s10 =	sld [smem:$0x3FAC];
	_ =	sdelay $0x3  }
0x33: {  	p0 =	seq.s32 s10, $0x1;
	s10 =	sld [smem:$0x3FAE];
	_ =	sdelay $0x3  }
0x34: {  	[smem:$0x3FAE] =	sst s10  }
0x35: {  	s10 =	sld [smem:$0x3FAD];
	_ =	sdelay $0x3  }
0x36: {  	p1 =	seq.s32 s10, $0x1;
	s10 =	sld [smem:$0x3FAE];
	_ =	sdelay $0x3  }
0x37: {  	[smem:$0x3FAE] =	sst s10  }
0x38: {  	s10 =	sld [smem:$0x3FAF]  }
0x39: {  	_ = 	snop;
	(pc) =	sbr.ind lr, $3  }
0x3a: {  	_ = 	snop  }
0x3b: {  	_ = 	snop  }
0x3c: {  	p2 =	seq.s32 s10, $0x1;
	s10 =	sld [smem:$0x3FAE]  }
0x3d: {  	_ =	shalt  }
0x3e: {  	_ =	shalt  }
0x3f: {  	_ =	shalt  }
0x40: {  	_ =	shalt  }
0x41: {  	_ =	shalt  }
0x42: {  	_ =	shalt  }
0x43: {  	_ =	shalt  }
0x44: {  	_ =	shalt  }
0x45: {  	_ =	shalt  }
0x46: {  	_ =	shalt  }
0x47: {  	_ =	shalt  }
0x48: {  	_ =	shalt  }
0x49: {  	_ =	shalt  }
0x4a: {  	_ =	shalt  }
0x4b: {  	_ =	shalt  }
0x4c: {  	_ =	shalt  }
0x4d: {  	_ =	shalt  }
0x4e: {  	_ =	shalt  }
0x4f: {  	_ =	shalt  }
0x50: {  	_ =	shalt  }
0x51: {  	_ =	shalt  }
0x52: {  	_ =	shalt  }
0x53: {  	_ =	shalt  }
0x54: {  	_ =	shalt  }
0x55: {  	_ =	shalt  }
0x56: {  	_ =	shalt  }
0x57: {  	_ =	shalt  }
0x58: {  	_ =	shalt  }
0x59: {  	_ =	shalt  }
0x5a: {  	_ =	shalt  }
0x5b: {  	_ =	shalt  }
0x5c: {  	_ =	shalt  }
0x5d: {  	_ =	shalt  }
0x5e: {  	_ =	shalt  }
0x5f: {  	_ =	shalt  }
0x60: {  	_ =	shalt  }
0x61: {  	_ =	shalt  }
0x62: {  	_ =	shalt  }
0x63: {  	_ =	shalt  }
0x64: {  	_ =	shalt  }
0x65: {  	_ =	shalt  }
0x66: {  	_ =	shalt  }
0x67: {  	_ =	shalt  }
0x68: {  	_ =	shalt  }
0x69: {  	_ =	shalt  }
0x6a: {  	_ =	shalt  }
0x6b: {  	_ =	shalt  }
0x6c: {  	_ =	shalt  }
0x6d: {  	_ =	shalt  }
0x6e: {  	_ =	shalt  }
0x6f: {  	_ =	shalt  }
0x70: {  	_ =	shalt  }
0x71: {  	_ =	shalt  }
0x72: {  	_ =	shalt  }
0x73: {  	_ =	shalt  }
0x74: {  	_ =	shalt  }
0x75: {  	_ =	shalt  }
0x76: {  	_ =	shalt  }
0x77: {  	_ =	shalt  }
0x78: {  	_ =	shalt  }
0x79: {  	_ =	shalt  }
0x7a: {  	_ =	shalt  }
0x7b: {  	_ =	shalt  }
0x7c: {  	_ =	shalt  }
0x7d: {  	_ =	shalt  }
0x7e: {  	_ =	shalt  }
0x7f: {  	_ =	shalt  }
0x80: {  	_ =	shalt  }
0x81: {  	_ =	shalt  }
0x82: {  	_ =	shalt  }
0x83: {  	_ =	shalt  }
0x84: {  	_ =	shalt  }
0x85: {  	_ =	shalt  }
0x86: {  	_ =	shalt  }
0x87: {  	_ =	shalt  }
.Lfunc_end0:
.L_simem_size_0:
called_computation.1_lowered:
.L_overlay_start_0:
0x88: {  	s2 =	sld [smem:$0x3FD9]  }
0x89: {  	s3 =	sld [smem:$0x3FFE];
	_ =	sdelay $0x1  }
0x8a: {  	s1 =	srdreg.scid  }
0x8b: {  	s0 =	sand.u32 $0x1, s1  }
0x8c: {  	s16 =	sshll.u32 s0, $0xA;
	s2 =	sadd.s32 s3, s2  }
0x8d: {  	s2 =	sadd.s32 s2, s16  }
0x8e: {  	[smem:$0x3FBA] =	sst s2  }
0x8f: {  	_ = 	snop  }
0x90: {  	(tm) =	ssettm $0x1  }
0x91: {  	s17 =	sld [smem:$0x3FFB];
	_ =	sdelay $0x3  }
0x92: {  	_ =	strace s17  }
0x93: {  	s2 =	sld [smem:$0x3FFC];
	_ =	sdelay $0x3  }
0x94: {  	_ =	strace s2  }
0x95: {  	s2 =	sld [smem:$0x3FFD];
	_ =	sdelay $0x3  }
0x96: {  	_ =	strace s2  }
0x97: {  	_ =	strace $0x8FFFFFFF  }
0x98: {  	s18 =	sld [smem:$0x3FDB];
	_ =	sdelay $0x1  }
0x99: {  	s19 =	simm.s32 $_scs_section_size  }
0x9a: {  	s4 =	simm.s32 $_size__tile_overlayer_lowered;
	s5 =	simm.s32 $_tile_overlayer_lowered  }
0x9b: {  	s22 =	simm.s32 $0x1BFF;
	s21 =	sshll.u32 s5, $0x1;
	s2 =	sadd.s32 s19, s18  }
0x9c: {  	s6 =	simm.s32 $0x0;
	s20 =	sshll.u32 s4, $0x1;
	s4 =	sadd.s32 s21, s2  }
0x9d: {  	[timem:s6], [sflag:s22] =	dma.local [hbm:s4], s20  }
0x9e: {  	_ =	swait.ge [sflag:s22], s20  }
0x9f: {  	s3 =	ssub.s32 $0x0, s20;
	[sflag:s22] =	ssyncset.done $0x0  }
0xa0: {  	[sflag:s22] =	ssyncadd.s32 s3;
	_ =	sdelay $0x1  }
0xa1: {  	s23 =	simm.s32 $0x1B8B  }
0xa2: {  	_ =	swait.ge [sflag:s23], $0x1  }
0xa3: {  	[sflag:s23] =	ssyncset.done $0x0  }
0xa4: {  	s25 =	simm.s32 $0x1B8E;
	s24 =	sld [smem:$0x3FFE];
	[sflag:s23] =	ssyncadd.s32 $0xFFFFFFFF  }
0xa5: {  	s26 =	simm.s32 $execute0_lowered;
	[smem:$0x3FD2] =	sst s25  }
0xa6: {  	s4 =	sshll.u32 s26, $0x1;
	_ =	strace $0x80000049;
	[dreg:$0x1] =	wrdreg $0xFFFFFFFF  }
0xa7: {  	s28 =	simm.s32 $_size_execute0_lowered;
	s2 =	sadd.s32 s2, s4;
	[dreg:$0x0] =	wrdreg $0x0  }
0xa8: {  	s4 =	sshll.u32 s28, $0x1;
	[dreg:$0x2] =	wrdreg s2  }
0xa9: {  	[dreg:$0x3] =	wrdreg s4  }
0xaa: {  	[dreg:$0x4] =	wrdreg $0xC0  }
0xab: {  	_ =	task [dreg:s6], $0x5FFFF  }
0xac: {  	[dreg:$0x1] =	wrdreg $0xFFFFFFFF  }
0xad: {  	[dreg:$0x0] =	wrdreg $0x60  }
0xae: {  	[dreg:$0x2] =	wrdreg s24  }
0xaf: {  	[dreg:$0x3] =	wrdreg $0x9  }
0xb0: {  	_ =	task.clear_ibuf [dreg:s6], $0x4FFFF;
	_ =	strace $0x90000049  }
0xb1: {  	s29 =	simm.s32 $0x9;
	_ =	strace $0x8000004B  }
0xb2: {  	_ =	swait.ge [sflag:s29], $0x1  }
0xb3: {  	[sflag:s29] =	ssyncadd.s32 $0xFFFFFFFF  }
0xb4: {  	_ =	strace $0x9000004B  }
0xb5: {  	_ =	sfence  }
0xb6: {  	s30 =	sld [smem:$0x0];
	_ =	sdelay $0x2  }
0xb7: {  	s31 =	sshll.u32 s1, $0xD;
	s1 =	sshrl.u32 s1, $0x2  }
0xb8: {  	s3 =	sand.u32 $0x4000, s31;
	s1 =	sadd.s32 s1, s30  }
0xb9: {  	s0 =	sor.u32 s3, s0;
	s1 =	sshll.u32 s1, $0x11  }
0xba: {  	s0 =	sor.u32 s1, s0  }
0xbb: {  	s0 =	sadd.s32 $0x8F2B, s0  }
0xbc: {  	[sflag:s0] =	ssyncadd.remote.s32 $0x1  }
0xbd: {  	_ =	sfence.sel $0xFFFF  }
0xbe: {  	[dreg:$0x0] =	wrdreg $0xFFFFFFFF;
	(pc) =	sbr.abs _section_cstart, $3  }
0xbf: {  	[dreg:$0x1] =	wrdreg $0xFFFFFFFF  }
0xc0: {  	_ =	task.clear_ibuf [dreg:s6], $0x2FFFF;
	_ =	strace $0x9FFFFFFF  }
0xc1: {  	(tm) =	ssettm $0x7FFFFFFF  }
tec
execute0_lowered:
.L_overlay_start_1:
0x0: {  	(tag) =	ssettag $0x1  }
0x1: {  	s4 =	rddreg [dreg:$0x0]  }
0x2: {  	s0 =	rddreg [dreg:$0x1]  }
0x3: {  	s3 =	srdreg.scid;
	s1 =	stileid.u32;
	s2 =	simm.s32 $0x0  }
0x4: {  	s14 =	simm.s32 $0x0;
	s5 =	sand.u32 $0x1, s3;
	s9 =	smul.u32 $0xC350, s1  }
0x5: {  	s29 =	sshll.u32 s1, $0x1;
	[smem:$0x7FF] =	sst s2;
	s31 =	smul.u32 $0xC3500, s1  }
0x6: {  	s8 =	sadd.s32 $0xE6C00, s4;
	s3 =	sor.u32 s5, s29;
	s12 =	smul.u32 $0x61A8, s5  }
0x7: {  	s7 =	sadd.s32 $0x1C7400, s4;
	s30 =	ssub.s32 $0x2, s5;
	s6 =	smul.u32 $0x61A8, s3  }
0x8: {  	_ =	strace $0x8000004A;
	s13 =	smul.u32 $0x61A80, s5;
	s10 =	sshrl.u32 s30, $0x1  }
0x9: {  	s3 =	sadd.s32 $0xFF400, s4;
	s10 =	ssub.s32 s30, s10;
	s6 =	sadd.s32 $0x60A8, s6  }
0xa: {  	s9 =	sadd.s32 s12, s9;
	s12 =	simm.s32 $0x4100;
	s11 =	sshrl.u32 s6, $0x3  }
0xb: {  	s9 =	sshrl.u32 s9, $0x3;
	s6 =	sshll.u32 s6, $0x4;
	s4 =	sadd.s32 s8, s11  }
0xc: {  	s5 =	sadd.s32 s7, s6;
	s7 =	sadd.s32 s31, s7;
	s6 =	smax.u32 s10, $0x1  }
0xd: {  	s8 =	sadd.s32 s9, s8;
	s9 =	simm.s32 $0x2;
	s10 =	simm.s32 $0x80  }
0xe: {  	s11 =	simm.s32 $0x100;
	s7 =	sadd.s32 s13, s7;
	s13 =	simm.s32 $0x1  }
.LBB2_1:
0xf: {  	s15 =	sadd.s32 $0x0, s8  }
0x10: {  	[tilespmem:s2], [sflag:$0x2] =	stream.linear.gather [hbm4b:s15+s2], $0x100, $0x38;
	[tilespmem:$0x8100] =	vst v63  }
0x11: {  	_ =	swait.ge [sflag:s9], $0x100  }
0x12: {  	[sflag:s9] =	ssyncset.done $0x0  }
0x13: {  	[sflag:s9] =	ssyncadd.s32 $0xFFFFFF00  }
0x14: {  	[tilespmem:s11], [sflag:$0x1] =	stream.indirect.gather [hbm4b:s3+s10], $0x80, s2, s10, $0xb8;
	[tilespmem:$0x8100] =	vst v63  }
0x15: {  	_ = 	snop  }
0x16: {  	[tilespmem:s12], [sflag:$0x1] =	stream.indirect.gather [hbm4b:s3+s10], $0x80, s10, s10, $0xb8;
	[tilespmem:$0x8100] =	vst v63  }
0x17: {  	_ =	swait.ge [sflag:s13], $0x4000  }
0x18: {  	[sflag:s13] =	ssyncset.done $0x0  }
0x19: {  	[sflag:s13] =	ssyncadd.s32 $0xFFFFC000  }
0x1a: {  	_ =	swait.ge [sflag:s13], $0x4000  }
0x1b: {  	[sflag:s13] =	ssyncset.done $0x0  }
0x1c: {  	[sflag:s13] =	ssyncadd.s32 $0xFFFFC000  }
0x1d: {  	[hbm4b:s7+s2] =	stream.linear.scatter [tilespmem:s11], [sflag:$0x2], $0x8000, $0x38;
	[tilespmem:$0x8100] =	vst v63  }
0x1e: {  	s16 =	simm.s32 $0x20;
	_ =	swait.ge [sflag:s9], $0x8000  }
0x1f: {  	s17 =	simm.s32 $0x40;
	s15 =	sadd.s32 $0x1000, s7;
	[sflag:s9] =	ssyncset.done $0x0  }
.LBB2_2:
0x20: {  	s18 =	sadd.s32 s16, s8  }
0x21: {  	[sflag:s9] =	ssyncadd.s32 $0xFFFF8000;
	s16 =	smov.u32 s17;
	s19 =	sadd.s32 $0x20, s17  }
0x22: {  	[tilespmem:s2], [sflag:$0x2] =	stream.linear.gather [hbm4b:s18+s2], $0x100, $0x38;
	[tilespmem:$0x8100] =	vst v63  }
0x23: {  	p0 =	sne.s32 s17, $0xC00;
	_ =	swait.ge [sflag:s9], $0x100  }
0x24: {  	[sflag:s9] =	ssyncset.done $0x0  }
0x25: {  	[sflag:s9] =	ssyncadd.s32 $0xFFFFFF00  }
0x26: {  	[tilespmem:s11], [sflag:$0x1] =	stream.indirect.gather [hbm4b:s3+s10], $0x80, s2, s10, $0xb8;
	[tilespmem:$0x8100] =	vst v63  }
0x27: {  	_ = 	snop  }
0x28: {  	[tilespmem:s12], [sflag:$0x1] =	stream.indirect.gather [hbm4b:s3+s10], $0x80, s10, s10, $0xb8;
	[tilespmem:$0x8100] =	vst v63  }
0x29: {  	_ =	swait.ge [sflag:s13], $0x4000  }
0x2a: {  	[sflag:s13] =	ssyncset.done $0x0  }
0x2b: {  	[sflag:s13] =	ssyncadd.s32 $0xFFFFC000  }
0x2c: {  	_ =	swait.ge [sflag:s13], $0x4000  }
.Ltmp0:
0x2d: {  	[sflag:s13] =	ssyncset.done $0x0;
	(pc) =	sbr.rel @p0 .LBB2_2-.Ltmp0, $4  }
0x2e: {  	[sflag:s13] =	ssyncadd.s32 $0xFFFFC000  }
0x2f: {  	[hbm4b:s15+s2] =	stream.linear.scatter [tilespmem:s11], [sflag:$0x2], $0x8000, $0x38;
	[tilespmem:$0x8100] =	vst v63  }
0x30: {  	_ =	swait.ge [sflag:s9], $0x8000  }
0x31: {  	s17 =	smov.u32 s19;
	s15 =	sadd.s32 $0x1000, s15;
	[sflag:s9] =	ssyncset.done $0x0  }
0x32: {  	s16 =	sadd.s32 s16, s8;
	[sflag:s9] =	ssyncadd.s32 $0xFFFF8000  }
0x33: {  	[tilespmem:s2], [sflag:$0x2] =	stream.linear.gather [hbm4b:s16+s2], $0x100, $0x38;
	[tilespmem:$0x8100] =	vst v63  }
0x34: {  	_ =	swait.ge [sflag:s9], $0x100  }
0x35: {  	[sflag:s9] =	ssyncset.done $0x0  }
0x36: {  	[sflag:s9] =	ssyncadd.s32 $0xFFFFFF00  }
0x37: {  	[tilespmem:s11], [sflag:$0x1] =	stream.indirect.gather [hbm4b:s3+s10], $0x80, s2, s10, $0xb8;
	[tilespmem:$0x8100] =	vst v63  }
0x38: {  	_ = 	snop  }
0x39: {  	[tilespmem:s12], [sflag:$0x1] =	stream.indirect.gather [hbm4b:s3+s10], $0x80, s10, s10, $0xb8;
	[tilespmem:$0x8100] =	vst v63  }
0x3a: {  	_ =	swait.ge [sflag:s13], $0x4000  }
0x3b: {  	[sflag:s13] =	ssyncset.done $0x0  }
0x3c: {  	[sflag:s13] =	ssyncadd.s32 $0xFFFFC000  }
0x3d: {  	_ =	swait.ge [sflag:s13], $0x4000  }
0x3e: {  	[sflag:s13] =	ssyncset.done $0x0  }
0x3f: {  	[sflag:s13] =	ssyncadd.s32 $0xFFFFC000  }
0x40: {  	[hbm4b:s15+s2] =	stream.linear.scatter [tilespmem:s11], [sflag:$0x2], $0x8000, $0x38;
	[tilespmem:$0x8100] =	vst v63  }
0x41: {  	_ =	swait.ge [sflag:s9], $0x8000  }
0x42: {  	[sflag:s9] =	ssyncset.done $0x0  }
0x43: {  	[sflag:s9] =	ssyncadd.s32 $0xFFFF8000  }
0x44: {  	[tilespmem:s2], [sflag:$0x2] =	stream.linear.gather [hbm4b:s4+s2], $0x100, $0x38;
	[tilespmem:$0x8100] =	vst v63  }
0x45: {  	_ =	swait.ge [sflag:s9], $0x100  }
0x46: {  	[sflag:s9] =	ssyncset.done $0x0  }
0x47: {  	[sflag:s9] =	ssyncadd.s32 $0xFFFFFF00  }
0x48: {  	[tilespmem:s11], [sflag:$0x1] =	stream.indirect.gather [hbm4b:s3+s10], $0x80, s2, s10, $0xb8;
	[tilespmem:$0x8100] =	vst v63  }
0x49: {  	_ = 	snop  }
0x4a: {  	[tilespmem:s12], [sflag:$0x1] =	stream.indirect.gather [hbm4b:s3+s10], $0x80, s10, s10, $0xb8;
	[tilespmem:$0x8100] =	vst v63  }
0x4b: {  	_ =	swait.ge [sflag:s13], $0x4000  }
0x4c: {  	[sflag:s13] =	ssyncset.done $0x0  }
0x4d: {  	[sflag:s13] =	ssyncadd.s32 $0xFFFFC000  }
0x4e: {  	s14 =	sadd.s32 $0x1, s14;
	_ =	swait.ge [sflag:s13], $0x4000  }
0x4f: {  	p0 =	sne.s32 s14, s6;
	[sflag:s13] =	ssyncset.done $0x0  }
.Ltmp1:
0x50: {  	[sflag:s13] =	ssyncadd.s32 $0xFFFFC000;
	(pc) =	sbr.rel @p0 .LBB2_1-.Ltmp1, $4  }
0x51: {  	[hbm4b:s5+s2] =	stream.linear.scatter [tilespmem:s11], [sflag:$0x2], $0x8000, $0x38;
	[tilespmem:$0x8100] =	vst v63  }
0x52: {  	_ =	swait.ge [sflag:s9], $0x8000  }
0x53: {  	[sflag:s9] =	ssyncset.done $0x0  }
0x54: {  	[sflag:s9] =	ssyncadd.s32 $0xFFFF8000  }
0x55: {  	_ =	sfence.sel $0x180000  }
0x56: {  	[bflag:$0x0] =	sbarrier.arrive $0xFFFF  }
0x57: {  	p0 =	sne.s32 s1, $0x0;
	_ =	strace $0x9000004A  }
0x58: {  	s0 =	sadd.s32 @!p0 $0x100000, s0;
	[bflag:$0x2] =	sbarrier.arrive $0xFFFF  }
0x59: {  	[sflag:s0] =	ssyncadd.tile.s32 @!p0 $0x1;
	_ =	shalt  }
.Lfunc_end2:
_tile_overlayer_lowered:
.L_overlay_start_2:
0x5a: {  	(tag) =	ssettag $0x2  }
0x5b: {  	s0 =	rddreg [dreg:$0x0];
	s2 =	stileid.u32  }
0x5c: {  	s1 =	rddreg [dreg:$0x1];
	p0 =	sne.s32 s2, $0x0  }
0x5d: {  	s3 =	rddreg [dreg:$0x2];
	[bflag:$0x3] =	sbarrier.arrive $0xFFFF;
	s2 =	simm.s32 @!p0 $0x1C02  }
0x5e: {  	[timem:s3], [sflag:s2] =	dma.local @!p0 [hbm:s0], s1  }
0x5f: {  	s0 =	simm.s32 @!p0 $0x2  }
0x60: {  	_ =	swait.ge @!p0 [sflag:s0], s1  }
0x61: {  	s1 =	ssub.s32 @!p0 $0x0, s1;
	[sflag:s0] =	ssyncset.done @!p0 $0x0  }
0x62: {  	[sflag:s0] =	ssyncadd.s32 @!p0 s1  }
0x63: {  	[bflag:$0x3] =	sbarrier.arrive $0xFFFF  }
0x64: {  	_ =	shalt  }

// kernel: kernel.24.cloned.1.call-start
scs
__scs_entry_jumppad:
0x0: {  	(pc) =	sbr.rel $0x88, $3  }
0x1: {  	(tag) =	ssettag $0x0;
	lr =	simm.s32 $0x1  }
0x2: {  	[smem:$0x3F93] =	sst lr;
	_ =	strace $0xD0000000  }
0x3: {  	_ = 	snop  }
0x4: {  	_ = 	snop  }
0x5: {  	_ = 	snop  }
0x6: {  	_ = 	snop  }
0x7: {  	_ = 	snop  }
__scs_overlays_trampoline_lowered:
0x8: {  	[smem:$0x3FA2] =	sst s0  }
0x9: {  	[smem:$0x3FA3] =	sst s1  }
0xa: {  	[smem:$0x3FA4] =	sst s2  }
0xb: {  	[smem:$0x3FA5] =	sst s3  }
0xc: {  	[smem:$0x3FA6] =	sst s4  }
0xd: {  	[smem:$0x3FA7] =	sst s5  }
0xe: {  	[smem:$0x3FA8] =	sst s6  }
0xf: {  	[smem:$0x3FA9] =	sst s7  }
0x10: {  	[smem:$0x3FAA] =	sst s8  }
0x11: {  	[smem:$0x3FAB] =	sst s9;
	s0 =	simm.s32 @!p0 $0x0  }
0x12: {  	s1 =	sld [smem:$0x3F91];
	s0 =	simm.s32 @p0 $0x1  }
0x13: {  	[smem:$0x3FAC] =	sst s0;
	s0 =	simm.s32 @!p1 $0x0  }
0x14: {  	s2 =	sld [smem:$0x3F90];
	s0 =	simm.s32 @p1 $0x1  }
0x15: {  	[smem:$0x3FAD] =	sst s0;
	s0 =	simm.s32 @!p2 $0x0  }
0x16: {  	s3 =	sld [smem:$0x3FDB];
	s0 =	simm.s32 @p2 $0x1  }
0x17: {  	s4 =	simm.s32 $0x1BF5;
	[smem:$0x3FAF] =	sst s0  }
0x18: {  	s0 =	sld [smem:$0x3F92];
	_ =	swait.ge [sflag:s4], $0x0  }
0x19: {  	s7 =	sld [smem:$0x3F93]  }
0x1a: {  	s8 =	sadd.s32 $0xFFFFE003, lr  }
0x1b: {  	s9 =	sadd.s32 $0xFFFFFEF7, lr;
	s5 =	simm.s32 $0xFFFFFFFF;
	p2 =	slt.u32 s8, $0xFFFFF086  }
0x1c: {  	p1 =	slt.u32 s9, $0xF7A;
	s5 =	simm.s32 @!p2 $0x0  }
0x1d: {  	s5 =	simm.s32 @p1 $0x1;
	p0 =	seq.s32 s7, s2  }
0x1e: {  	s7 =	smul.u32 @!p0 $0xF7A, s2;
	p2 =	seq.s32 @!p0 s5, $0x0  }
0x1f: {  	s9 =	smul.u32 $0xF7A, s1;
	s8 =	simm.s32 @!p0 $0x1BF5;
	p2 =	por !p2, p0  }
0x20: {  	[sflag:s8] =	ssyncset.s32 @!p0 $0xFFFFF086;
	s6 =	sadd.s32 @!p0 s3, s7;
	s7 =	simm.s32 @!p0 $0x108  }
0x21: {  	s3 =	sadd.s32 s3, s9;
	s6 =	sadd.s32 @!p0 $0x88, s6;
	s7 =	simm.s32 @p2 $0x1082  }
0x22: {  	[simem:s7], [sflag:s8] =	dma.local @!p0 [hbm:s6], $0xF7A  }
0x23: {  	s9 =	sor.u32 $0xD0000000, s2;
	s6 =	simm.s32 $0x108;
	_ =	swait.ge @!p0 [sflag:s8], $0x0  }
0x24: {  	s3 =	sadd.s32 $0x88, s3;
	s6 =	simm.s32 @!p1 $0x1082;
	[sflag:s4] =	ssyncset.s32 $0xFFFFF086  }
0x25: {  	[simem:s6], [sflag:s4] =	dma.local [hbm:s3], $0xF7A  }
0x26: {  	[smem:$0x3F93] =	sst s1;
	(tag) =	ssettag s2;
	_ =	strace s9  }
0x27: {  	s1 =	sld [smem:$0x3FA3]  }
0x28: {  	s2 =	sld [smem:$0x3FA4]  }
0x29: {  	s4 =	sld [smem:$0x3FA6]  }
0x2a: {  	p0 =	seq.s32 s5, $0x0;
	s5 =	sld [smem:$0x3FA7]  }
0x2b: {  	s6 =	sld [smem:$0x3FA8]  }
0x2c: {  	s7 =	sld [smem:$0x3FA9]  }
0x2d: {  	s3 =	simm.s32 $0x108;
	s8 =	sld [smem:$0x3FAA]  }
0x2e: {  	s3 =	simm.s32 @!p0 $0x1082;
	s9 =	sld [smem:$0x3FAB]  }
0x2f: {  	lr =	sadd.s32 s0, s3;
	s0 =	sld [smem:$0x3FA2]  }
0x30: {  	s3 =	sld [smem:$0x3FA5]  }
0x31: {  	[smem:$0x3FAE] =	sst s10  }
0x32: {  	s10 =	sld [smem:$0x3FAC];
	_ =	sdelay $0x3  }
0x33: {  	p0 =	seq.s32 s10, $0x1;
	s10 =	sld [smem:$0x3FAE];
	_ =	sdelay $0x3  }
0x34: {  	[smem:$0x3FAE] =	sst s10  }
0x35: {  	s10 =	sld [smem:$0x3FAD];
	_ =	sdelay $0x3  }
0x36: {  	p1 =	seq.s32 s10, $0x1;
	s10 =	sld [smem:$0x3FAE];
	_ =	sdelay $0x3  }
0x37: {  	[smem:$0x3FAE] =	sst s10  }
0x38: {  	s10 =	sld [smem:$0x3FAF]  }
0x39: {  	_ = 	snop;
	(pc) =	sbr.ind lr, $3  }
0x3a: {  	_ = 	snop  }
0x3b: {  	_ = 	snop  }
0x3c: {  	p2 =	seq.s32 s10, $0x1;
	s10 =	sld [smem:$0x3FAE]  }
0x3d: {  	_ =	shalt  }
0x3e: {  	_ =	shalt  }
0x3f: {  	_ =	shalt  }
0x40: {  	_ =	shalt  }
0x41: {  	_ =	shalt  }
0x42: {  	_ =	shalt  }
0x43: {  	_ =	shalt  }
0x44: {  	_ =	shalt  }
0x45: {  	_ =	shalt  }
0x46: {  	_ =	shalt  }
0x47: {  	_ =	shalt  }
0x48: {  	_ =	shalt  }
0x49: {  	_ =	shalt  }
0x4a: {  	_ =	shalt  }
0x4b: {  	_ =	shalt  }
0x4c: {  	_ =	shalt  }
0x4d: {  	_ =	shalt  }
0x4e: {  	_ =	shalt  }
0x4f: {  	_ =	shalt  }
0x50: {  	_ =	shalt  }
0x51: {  	_ =	shalt  }
0x52: {  	_ =	shalt  }
0x53: {  	_ =	shalt  }
0x54: {  	_ =	shalt  }
0x55: {  	_ =	shalt  }
0x56: {  	_ =	shalt  }
0x57: {  	_ =	shalt  }
0x58: {  	_ =	shalt  }
0x59: {  	_ =	shalt  }
0x5a: {  	_ =	shalt  }
0x5b: {  	_ =	shalt  }
0x5c: {  	_ =	shalt  }
0x5d: {  	_ =	shalt  }
0x5e: {  	_ =	shalt  }
0x5f: {  	_ =	shalt  }
0x60: {  	_ =	shalt  }
0x61: {  	_ =	shalt  }
0x62: {  	_ =	shalt  }
0x63: {  	_ =	shalt  }
0x64: {  	_ =	shalt  }
0x65: {  	_ =	shalt  }
0x66: {  	_ =	shalt  }
0x67: {  	_ =	shalt  }
0x68: {  	_ =	shalt  }
0x69: {  	_ =	shalt  }
0x6a: {  	_ =	shalt  }
0x6b: {  	_ =	shalt  }
0x6c: {  	_ =	shalt  }
0x6d: {  	_ =	shalt  }
0x6e: {  	_ =	shalt  }
0x6f: {  	_ =	shalt  }
0x70: {  	_ =	shalt  }
0x71: {  	_ =	shalt  }
0x72: {  	_ =	shalt  }
0x73: {  	_ =	shalt  }
0x74: {  	_ =	shalt  }
0x75: {  	_ =	shalt  }
0x76: {  	_ =	shalt  }
0x77: {  	_ =	shalt  }
0x78: {  	_ =	shalt  }
0x79: {  	_ =	shalt  }
0x7a: {  	_ =	shalt  }
0x7b: {  	_ =	shalt  }
0x7c: {  	_ =	shalt  }
0x7d: {  	_ =	shalt  }
0x7e: {  	_ =	shalt  }
0x7f: {  	_ =	shalt  }
0x80: {  	_ =	shalt  }
0x81: {  	_ =	shalt  }
0x82: {  	_ =	shalt  }
0x83: {  	_ =	shalt  }
0x84: {  	_ =	shalt  }
0x85: {  	_ =	shalt  }
0x86: {  	_ =	shalt  }
0x87: {  	_ =	shalt  }
.Lfunc_end0:
.L_simem_size_0:
called_computation.2_lowered:
.L_overlay_start_0:
0x88: {  	s2 =	sld [smem:$0x3FD9]  }
0x89: {  	s3 =	sld [smem:$0x3FFE];
	_ =	sdelay $0x1  }
0x8a: {  	s1 =	srdreg.scid  }
0x8b: {  	s0 =	sand.u32 $0x1, s1  }
0x8c: {  	s16 =	sshll.u32 s0, $0xA;
	s2 =	sadd.s32 s3, s2  }
0x8d: {  	s2 =	sadd.s32 s2, s16  }
0x8e: {  	[smem:$0x3FBA] =	sst s2  }
0x8f: {  	_ = 	snop  }
0x90: {  	(tm) =	ssettm $0x1  }
0x91: {  	s17 =	sld [smem:$0x3FFB];
	_ =	sdelay $0x3  }
0x92: {  	_ =	strace s17  }
0x93: {  	s2 =	sld [smem:$0x3FFC];
	_ =	sdelay $0x3  }
0x94: {  	_ =	strace s2  }
0x95: {  	s2 =	sld [smem:$0x3FFD];
	_ =	sdelay $0x3  }
0x96: {  	_ =	strace s2  }
0x97: {  	_ =	strace $0x8FFFFFFF  }
0x98: {  	s18 =	sld [smem:$0x3FDB];
	_ =	sdelay $0x1  }
0x99: {  	s19 =	simm.s32 $_scs_section_size  }
0x9a: {  	s4 =	simm.s32 $_size__tile_overlayer_lowered;
	s5 =	simm.s32 $_tile_overlayer_lowered  }
0x9b: {  	s22 =	simm.s32 $0x1BFF;
	s21 =	sshll.u32 s5, $0x1;
	s2 =	sadd.s32 s19, s18  }
0x9c: {  	s6 =	simm.s32 $0x0;
	s20 =	sshll.u32 s4, $0x1;
	s4 =	sadd.s32 s21, s2  }
0x9d: {  	[timem:s6], [sflag:s22] =	dma.local [hbm:s4], s20  }
0x9e: {  	_ =	swait.ge [sflag:s22], s20  }
0x9f: {  	s3 =	ssub.s32 $0x0, s20;
	[sflag:s22] =	ssyncset.done $0x0  }
0xa0: {  	[sflag:s22] =	ssyncadd.s32 s3;
	_ =	sdelay $0x1  }
0xa1: {  	s23 =	simm.s32 $0x1B8B  }
0xa2: {  	_ =	swait.ge [sflag:s23], $0x1  }
0xa3: {  	[sflag:s23] =	ssyncset.done $0x0  }
0xa4: {  	s25 =	simm.s32 $0x1B8E;
	s24 =	sld [smem:$0x3FFE];
	[sflag:s23] =	ssyncadd.s32 $0xFFFFFFFF  }
0xa5: {  	s26 =	simm.s32 $execute0_lowered;
	[smem:$0x3FD2] =	sst s25  }
0xa6: {  	s4 =	sshll.u32 s26, $0x1;
	_ =	strace $0x8000004C;
	[dreg:$0x1] =	wrdreg $0xFFFFFFFF  }
0xa7: {  	s28 =	simm.s32 $_size_execute0_lowered;
	s2 =	sadd.s32 s2, s4;
	[dreg:$0x0] =	wrdreg $0x0  }
0xa8: {  	s4 =	sshll.u32 s28, $0x1;
	[dreg:$0x2] =	wrdreg s2  }
0xa9: {  	[dreg:$0x3] =	wrdreg s4  }
0xaa: {  	[dreg:$0x4] =	wrdreg $0xC0  }
0xab: {  	_ =	task [dreg:s6], $0x5FFFF  }
0xac: {  	[dreg:$0x1] =	wrdreg $0xFFFFFFFF  }
0xad: {  	[dreg:$0x0] =	wrdreg $0x60  }
0xae: {  	[dreg:$0x2] =	wrdreg s24  }
0xaf: {  	[dreg:$0x3] =	wrdreg $0x28800  }
0xb0: {  	[dreg:$0x4] =	wrdreg $0x9  }
0xb1: {  	_ =	task.clear_ibuf [dreg:s6], $0x5FFFF;
	_ =	strace $0x9000004C  }
0xb2: {  	s29 =	simm.s32 $0x9;
	_ =	strace $0x8000004E  }
0xb3: {  	_ =	swait.ge [sflag:s29], $0x1  }
0xb4: {  	[sflag:s29] =	ssyncadd.s32 $0xFFFFFFFF  }
0xb5: {  	_ =	strace $0x9000004E  }
0xb6: {  	_ =	sfence  }
0xb7: {  	s30 =	sld [smem:$0x0];
	_ =	sdelay $0x2  }
0xb8: {  	s31 =	sshll.u32 s1, $0xD;
	s1 =	sshrl.u32 s1, $0x2  }
0xb9: {  	s3 =	sand.u32 $0x4000, s31;
	s1 =	sadd.s32 s1, s30  }
0xba: {  	s0 =	sor.u32 s3, s0;
	s1 =	sshll.u32 s1, $0x11  }
0xbb: {  	s0 =	sor.u32 s1, s0  }
0xbc: {  	s0 =	sadd.s32 $0x8F2B, s0  }
0xbd: {  	[sflag:s0] =	ssyncadd.remote.s32 $0x1  }
0xbe: {  	_ =	sfence.sel $0xFFFF  }
0xbf: {  	[dreg:$0x0] =	wrdreg $0xFFFFFFFF;
	(pc) =	sbr.abs _section_cstart, $3  }
0xc0: {  	[dreg:$0x1] =	wrdreg $0xFFFFFFFF  }
0xc1: {  	_ =	task.clear_ibuf [dreg:s6], $0x2FFFF;
	_ =	strace $0x9FFFFFFF  }
0xc2: {  	(tm) =	ssettm $0x7FFFFFFF  }
0xc3: {  	_ =	shalt  }
tec
execute0_lowered:
.L_overlay_start_1:
0x0: {  	(tag) =	ssettag $0x1  }
0x1: {  	s0 =	srdreg.scid  }
0x2: {  	s2 =	sand.u32 $0x1, s0  }
0x3: {  	s0 =	stileid.u32;
	s3 =	smul.u32 $0x3200, s2  }
0x4: {  	s1 =	sor.u32 $0x2, s2;
	s5 =	smul.u32 $0x50, s0  }
0x5: {  	s16 =	sor.u32 $0x10, s0;
	s4 =	smul.u32 $0x3200, s1  }
0x6: {  	s18 =	sor.u32 $0x20, s0;
	s6 =	smul.u32 $0x50, s16  }
0x7: {  	s20 =	sor.u32 $0x30, s0;
	s7 =	smul.u32 $0x50, s18  }
0x8: {  	s13 =	sor.u32 $0x40, s0;
	s8 =	smul.u32 $0x50, s20  }
0x9: {  	s9 =	ssub.s32 $0x2, s2;
	s14 =	sor.u32 $0x50, s0;
	s10 =	smul.u32 $0x50, s13  }
0xa: {  	s15 =	sor.u32 $0x60, s0;
	[smem:$0x7FA] =	sst s13;
	s13 =	smul.u32 $0x50, s14  }
0xb: {  	s19 =	sor.u32 $0x70, s0;
	s22 =	sor.u32 $0x80, s0;
	s17 =	smul.u32 $0x50, s15  }
0xc: {  	s23 =	sor.u32 $0x90, s0;
	[smem:$0x7FB] =	sst s14;
	s14 =	smul.u32 $0x50, s19  }
0xd: {  	s11 =	sshrl.u32 s9, $0x1;
	[smem:$0x7FC] =	sst s15;
	s24 =	smul.u32 $0x50, s22  }
0xe: {  	[smem:$0x7FD] =	sst s19;
	s28 =	smul.u32 $0x50, s23;
	s9 =	ssub.s32 s9, s11  }
0xf: {  	s12 =	sadd.s32 s3, s5;
	[smem:$0x7F9] =	sst s9;
	s19 =	sadd.s32 s3, s6  }
0x10: {  	s25 =	sadd.s32 s3, s7;
	s26 =	sadd.s32 s3, s8;
	s29 =	sadd.s32 s3, s10  }
0x11: {  	s30 =	sadd.s32 s3, s13;
	s31 =	sadd.s32 s3, s17;
	s1 =	sadd.s32 s3, s14  }
0x12: {  	s21 =	sadd.s32 s3, s24;
	s15 =	sadd.s32 s3, s28;
	s5 =	sadd.s32 s4, s5  }
0x13: {  	s6 =	sadd.s32 s4, s6;
	s7 =	sadd.s32 s4, s7;
	s8 =	sadd.s32 s4, s8  }
0x14: {  	s10 =	sadd.s32 s4, s10;
	s13 =	sadd.s32 s4, s13;
	s9 =	sadd.s32 s4, s17  }
0x15: {  	s14 =	sadd.s32 s4, s14;
	s24 =	sadd.s32 s4, s24;
	s4 =	sadd.s32 s4, s28  }
0x16: {  	s17 =	smul.u32 $0xC3800, s2;
	s28 =	sshll.u32 s19, $0x4;
	s19 =	rddreg [dreg:$0x0]  }
0x17: {  	s12 =	sshll.u32 s12, $0x4;
	s3 =	sshll.u32 s1, $0x4;
	s1 =	sadd.s32 $0x5C00, s19  }
0x18: {  	s11 =	sshll.u32 s21, $0x4;
	s2 =	sadd.s32 $0xFF400, s19;
	s21 =	sadd.s32 s1, s12  }
0x19: {  	s12 =	sadd.s32 s2, s12;
	[dreg:$0x3] =	wrdreg s21  }
0x1a: {  	[dreg:$0x4] =	wrdreg s12;
	s21 =	sadd.s32 s1, s28  }
0x1b: {  	s12 =	sadd.s32 s2, s11;
	[dreg:$0x5] =	wrdreg s21  }
0x1c: {  	s25 =	sshll.u32 s25, $0x4;
	s21 =	sadd.s32 s2, s28;
	[dreg:$0x14] =	wrdreg s12  }
0x1d: {  	[dreg:$0x6] =	wrdreg s21;
	s21 =	sadd.s32 s1, s25  }
0x1e: {  	s26 =	sshll.u32 s26, $0x4;
	[dreg:$0x7] =	wrdreg s21;
	s21 =	sadd.s32 s2, s25  }
0x1f: {  	s25 =	sadd.s32 s1, s26;
	[dreg:$0x8] =	wrdreg s21  }
0x20: {  	s29 =	sshll.u32 s29, $0x4;
	[dreg:$0x9] =	wrdreg s25;
	s21 =	sadd.s32 s2, s26  }
0x21: {  	s25 =	sadd.s32 s1, s29;
	[dreg:$0xa] =	wrdreg s21  }
0x22: {  	s30 =	sshll.u32 s30, $0x4;
	s26 =	sadd.s32 s2, s29;
	[dreg:$0xb] =	wrdreg s25  }
0x23: {  	[dreg:$0xc] =	wrdreg s26;
	s21 =	sadd.s32 s1, s30  }
0x24: {  	s31 =	sshll.u32 s31, $0x4;
	s25 =	sadd.s32 s2, s30;
	[dreg:$0xd] =	wrdreg s21  }
0x25: {  	s26 =	sadd.s32 s1, s31;
	[dreg:$0xe] =	wrdreg s25  }
0x26: {  	[dreg:$0xf] =	wrdreg s26;
	s21 =	sadd.s32 s2, s31  }
0x27: {  	s25 =	sadd.s32 s1, s3;
	[dreg:$0x10] =	wrdreg s21  }
0x28: {  	s15 =	sshll.u32 s15, $0x4;
	s3 =	sadd.s32 s2, s3;
	[dreg:$0x11] =	wrdreg s25  }
0x29: {  	s12 =	sshll.u32 s24, $0x4;
	s26 =	sadd.s32 s1, s11;
	[dreg:$0x12] =	wrdreg s3  }
0x2a: {  	s11 =	sshll.u32 s14, $0x4;
	[dreg:$0x13] =	wrdreg s26;
	s21 =	sadd.s32 s1, s15  }
0x2b: {  	s25 =	sadd.s32 s2, s15;
	s3 =	sshll.u32 s5, $0x4;
	[dreg:$0x15] =	wrdreg s21  }
0x2c: {  	s5 =	sshll.u32 s6, $0x4;
	[dreg:$0x16] =	wrdreg s25;
	s26 =	sadd.s32 s1, s3  }
0x2d: {  	s6 =	sshll.u32 s7, $0x4;
	s14 =	sadd.s32 s1, s5;
	[dreg:$0x17] =	wrdreg s26  }
0x2e: {  	s7 =	sshll.u32 s8, $0x4;
	s15 =	sadd.s32 s1, s6;
	[dreg:$0x18] =	wrdreg s14  }
0x2f: {  	s8 =	sshll.u32 s10, $0x4;
	s21 =	sadd.s32 s1, s7;
	[dreg:$0x19] =	wrdreg s15  }
0x30: {  	s10 =	sshll.u32 s13, $0x4;
	s24 =	sadd.s32 s1, s8;
	[dreg:$0x1a] =	wrdreg s21  }
0x31: {  	s25 =	sadd.s32 s1, s10;
	[dreg:$0x1b] =	wrdreg s24  }
0x32: {  	s9 =	sshll.u32 s9, $0x4;
	s13 =	sshll.u32 s4, $0x4;
	[dreg:$0x1c] =	wrdreg s25  }
0x33: {  	s26 =	sadd.s32 s1, s9;
	s14 =	sadd.s32 s1, s11;
	s15 =	sadd.s32 s1, s12  }
0x34: {  	s1 =	sadd.s32 s1, s13;
	s21 =	sadd.s32 s2, s3;
	s3 =	sadd.s32 s2, s8  }
0x35: {  	s8 =	sadd.s32 s2, s11;
	s11 =	sadd.s32 s2, s13;
	s13 =	rddreg [dreg:$0x1]  }
0x36: {  	[dreg:$0x1d] =	wrdreg s26  }
0x37: {  	[dreg:$0x1e] =	wrdreg s14  }
0x38: {  	s18 =	smul.u32 $0xA000, s18;
	[dreg:$0x1f] =	wrdreg s15  }
0x39: {  	s20 =	smul.u32 $0xA000, s20;
	s28 =	simm.s32 $0x80;
	[smem:$0x7F3] =	sst s1  }
0x3a: {  	s29 =	simm.s32 $0x1;
	s24 =	sadd.s32 s2, s5;
	[smem:$0x7F4] =	sst s21  }
0x3b: {  	s30 =	simm.s32 $0x40;
	s25 =	sadd.s32 s2, s6;
	[smem:$0x7F5] =	sst s24  }
0x3c: {  	s31 =	simm.s32 $0x0;
	s4 =	sshll.u32 s0, $0x6;
	[smem:$0x7F6] =	sst s25  }
0x3d: {  	s6 =	sadd.s32 s2, s10;
	s10 =	simm.s32 $0x0;
	[smem:$0x7F8] =	sst s3  }
0x3e: {  	s5 =	smul.u32 $0xA000, s16;
	s26 =	sadd.s32 s2, s7;
	[smem:$0x7FF] =	sst s10  }
0x3f: {  	s7 =	sadd.s32 s2, s9;
	s9 =	sadd.s32 s2, s12;
	[smem:$0x7F7] =	sst s26  }
0x40: {  	s1 =	sor.u32 s4, s17;
	s15 =	sadd.s32 $0x1A31400, s19;
	_ =	strace $0x8000004D  }
0x41: {  	s17 =	smul.u32 $0xA000, s0;
	s16 =	sshrl.u32 s1, $0x3;
	s24 =	sld [smem:$0x7F9]  }
0x42: {  	s1 =	sadd.s32 $0x187000, s1;
	s2 =	sshrl.u32 s5, $0x2;
	s25 =	sld [smem:$0x7FA]  }
0x43: {  	s12 =	sadd.s32 s16, s15;
	s1 =	sshrl.u32 s1, $0x3;
	s26 =	sld [smem:$0x7FB]  }
0x44: {  	s21 =	sshrl.u32 s17, $0x2;
	s14 =	sadd.s32 s1, s15;
	s5 =	sld [smem:$0x7FC]  }
0x45: {  	s15 =	sadd.s32 $0xDFC400, s19;
	s16 =	sadd.s32 s21, s13;
	s3 =	smul.u32 $0xA000, s25  }
0x46: {  	s1 =	sshrl.u32 s18, $0x2;
	s17 =	smax.u32 s24, $0x1;
	s24 =	smul.u32 $0xA000, s26  }
0x47: {  	s19 =	sadd.s32 s1, s13;
	s1 =	smul.u32 $0xA000, s5;
	s25 =	sld [smem:$0x7FD]  }
0x48: {  	s18 =	sadd.s32 s2, s13;
	s21 =	sshrl.u32 s20, $0x2;
	s26 =	smul.u32 $0xA000, s22  }
0x49: {  	s20 =	sadd.s32 s21, s13;
	s5 =	smul.u32 $0xA000, s23;
	s3 =	sshrl.u32 s3, $0x2  }
0x4a: {  	s4 =	sshrl.u32 s24, $0x2;
	s1 =	sshrl.u32 s1, $0x2;
	s25 =	smul.u32 $0xA000, s25  }
0x4b: {  	s21 =	sadd.s32 s3, s13;
	s22 =	sadd.s32 s4, s13;
	s23 =	sadd.s32 s1, s13  }
0x4c: {  	s24 =	sshrl.u32 s25, $0x2;
	s25 =	sshrl.u32 s26, $0x2;
	s26 =	sshrl.u32 s5, $0x2  }
0x4d: {  	s24 =	sadd.s32 s24, s13;
	s25 =	sadd.s32 s25, s13;
	s26 =	sadd.s32 s26, s13  }
.LBB2_1:
0x4e: {  	s1 =	rddreg [dreg:$0x3]  }
0x4f: {  	[tilespmem:s28], [sflag:$0x1] =	stream.linear.gather [hbm4b:s1+s10], $0x2800, $0x38;
	[tilespmem:$0x1B8C0] =	vst v63  }
0x50: {  	_ =	swait.ge [sflag:s29], $0x2800  }
0x51: {  	[sflag:s29] =	ssyncset.done $0x0  }
0x52: {  	[sflag:s29] =	ssyncadd.s32 $0xFFFFD800  }
0x53: {  	[spmem:s16] =	stream.linear.scatter [tilespmem:s28], [sflag:$0x1], $0x2800, $0x38;
	[tilespmem:$0x1B8C0] =	vst v63  }
0x54: {  	_ =	swait.ge [sflag:s29], $0x2800  }
0x55: {  	[sflag:s29] =	ssyncset.done $0x0  }
0x56: {  	s5 =	rddreg [dreg:$0x5];
	[sflag:s29] =	ssyncadd.s32 $0xFFFFD800  }
0x57: {  	[tilespmem:s28], [sflag:$0x1] =	stream.linear.gather [hbm4b:s5+s10], $0x2800, $0x38;
	[tilespmem:$0x1B8C0] =	vst v63  }
0x58: {  	_ =	swait.ge [sflag:s29], $0x2800  }
0x59: {  	[sflag:s29] =	ssyncset.done $0x0  }
0x5a: {  	[sflag:s29] =	ssyncadd.s32 $0xFFFFD800  }
0x5b: {  	[spmem:s18] =	stream.linear.scatter [tilespmem:s28], [sflag:$0x1], $0x2800, $0x38;
	[tilespmem:$0x1B8C0] =	vst v63  }
0x5c: {  	_ =	swait.ge [sflag:s29], $0x2800  }
0x5d: {  	[sflag:s29] =	ssyncset.done $0x0  }
0x5e: {  	s2 =	rddreg [dreg:$0x7];
	[sflag:s29] =	ssyncadd.s32 $0xFFFFD800  }
0x5f: {  	[tilespmem:s28], [sflag:$0x1] =	stream.linear.gather [hbm4b:s2+s10], $0x2800, $0x38;
	[tilespmem:$0x1B8C0] =	vst v63  }
0x60: {  	_ =	swait.ge [sflag:s29], $0x2800  }
0x61: {  	[sflag:s29] =	ssyncset.done $0x0  }
0x62: {  	[sflag:s29] =	ssyncadd.s32 $0xFFFFD800  }
0x63: {  	[spmem:s19] =	stream.linear.scatter [tilespmem:s28], [sflag:$0x1], $0x2800, $0x38;
	[tilespmem:$0x1B8C0] =	vst v63  }
0x64: {  	_ =	swait.ge [sflag:s29], $0x2800  }
0x65: {  	[sflag:s29] =	ssyncset.done $0x0  }
0x66: {  	s3 =	rddreg [dreg:$0x9];
	[sflag:s29] =	ssyncadd.s32 $0xFFFFD800  }
0x67: {  	[tilespmem:s28], [sflag:$0x1] =	stream.linear.gather [hbm4b:s3+s10], $0x2800, $0x38;
	[tilespmem:$0x1B8C0] =	vst v63  }
0x68: {  	_ =	swait.ge [sflag:s29], $0x2800  }
0x69: {  	[sflag:s29] =	ssyncset.done $0x0  }
0x6a: {  	[sflag:s29] =	ssyncadd.s32 $0xFFFFD800  }
0x6b: {  	[spmem:s20] =	stream.linear.scatter [tilespmem:s28], [sflag:$0x1], $0x2800, $0x38;
	[tilespmem:$0x1B8C0] =	vst v63  }
0x6c: {  	_ =	swait.ge [sflag:s29], $0x2800  }
0x6d: {  	[sflag:s29] =	ssyncset.done $0x0  }
0x6e: {  	s4 =	rddreg [dreg:$0xb];
	[sflag:s29] =	ssyncadd.s32 $0xFFFFD800  }
0x6f: {  	[tilespmem:s28], [sflag:$0x1] =	stream.linear.gather [hbm4b:s4+s10], $0x2800, $0x38;
	[tilespmem:$0x1B8C0] =	vst v63  }
0x70: {  	_ =	swait.ge [sflag:s29], $0x2800  }
0x71: {  	[sflag:s29] =	ssyncset.done $0x0  }
0x72: {  	[sflag:s29] =	ssyncadd.s32 $0xFFFFD800  }
0x73: {  	[spmem:s21] =	stream.linear.scatter [tilespmem:s28], [sflag:$0x1], $0x2800, $0x38;
	[tilespmem:$0x1B8C0] =	vst v63  }
0x74: {  	_ =	swait.ge [sflag:s29], $0x2800  }
0x75: {  	[sflag:s29] =	ssyncset.done $0x0  }
0x76: {  	s5 =	rddreg [dreg:$0xd];
	[sflag:s29] =	ssyncadd.s32 $0xFFFFD800  }
0x77: {  	[tilespmem:s28], [sflag:$0x1] =	stream.linear.gather [hbm4b:s5+s10], $0x2800, $0x38;
	[tilespmem:$0x1B8C0] =	vst v63  }
0x78: {  	_ =	swait.ge [sflag:s29], $0x2800  }
0x79: {  	[sflag:s29] =	ssyncset.done $0x0  }
0x7a: {  	[sflag:s29] =	ssyncadd.s32 $0xFFFFD800  }
0x7b: {  	[spmem:s22] =	stream.linear.scatter [tilespmem:s28], [sflag:$0x1], $0x2800, $0x38;
	[tilespmem:$0x1B8C0] =	vst v63  }
0x7c: {  	_ =	swait.ge [sflag:s29], $0x2800  }
0x7d: {  	[sflag:s29] =	ssyncset.done $0x0  }
0x7e: {  	s2 =	rddreg [dreg:$0xf];
	[sflag:s29] =	ssyncadd.s32 $0xFFFFD800  }
0x7f: {  	[tilespmem:s28], [sflag:$0x1] =	stream.linear.gather [hbm4b:s2+s10], $0x2800, $0x38;
	[tilespmem:$0x1B8C0] =	vst v63  }
0x80: {  	_ =	swait.ge [sflag:s29], $0x2800  }
0x81: {  	[sflag:s29] =	ssyncset.done $0x0  }
0x82: {  	[sflag:s29] =	ssyncadd.s32 $0xFFFFD800  }
0x83: {  	[spmem:s23] =	stream.linear.scatter [tilespmem:s28], [sflag:$0x1], $0x2800, $0x38;
	[tilespmem:$0x1B8C0] =	vst v63  }
0x84: {  	_ =	swait.ge [sflag:s29], $0x2800  }
0x85: {  	[sflag:s29] =	ssyncset.done $0x0  }
0x86: {  	s3 =	rddreg [dreg:$0x11];
	[sflag:s29] =	ssyncadd.s32 $0xFFFFD800  }
0x87: {  	[tilespmem:s28], [sflag:$0x1] =	stream.linear.gather [hbm4b:s3+s10], $0x2800, $0x38;
	[tilespmem:$0x1B8C0] =	vst v63  }
0x88: {  	_ =	swait.ge [sflag:s29], $0x2800  }
0x89: {  	[sflag:s29] =	ssyncset.done $0x0  }
0x8a: {  	[sflag:s29] =	ssyncadd.s32 $0xFFFFD800  }
0x8b: {  	[spmem:s24] =	stream.linear.scatter [tilespmem:s28], [sflag:$0x1], $0x2800, $0x38;
	[tilespmem:$0x1B8C0] =	vst v63  }
0x8c: {  	_ =	swait.ge [sflag:s29], $0x2800  }
0x8d: {  	[sflag:s29] =	ssyncset.done $0x0  }
0x8e: {  	s4 =	rddreg [dreg:$0x13];
	[sflag:s29] =	ssyncadd.s32 $0xFFFFD800  }
0x8f: {  	[tilespmem:s28], [sflag:$0x1] =	stream.linear.gather [hbm4b:s4+s10], $0x2800, $0x38;
	[tilespmem:$0x1B8C0] =	vst v63  }
0x90: {  	_ =	swait.ge [sflag:s29], $0x2800  }
0x91: {  	[sflag:s29] =	ssyncset.done $0x0  }
0x92: {  	[sflag:s29] =	ssyncadd.s32 $0xFFFFD800  }
0x93: {  	[spmem:s25] =	stream.linear.scatter [tilespmem:s28], [sflag:$0x1], $0x2800, $0x38;
	[tilespmem:$0x1B8C0] =	vst v63  }
0x94: {  	_ =	swait.ge [sflag:s29], $0x2800  }
0x95: {  	[sflag:s29] =	ssyncset.done $0x0  }
0x96: {  	s5 =	rddreg [dreg:$0x15];
	[sflag:s29] =	ssyncadd.s32 $0xFFFFD800  }
0x97: {  	[tilespmem:s28], [sflag:$0x1] =	stream.linear.gather [hbm4b:s5+s10], $0x2800, $0x38;
	[tilespmem:$0x1B8C0] =	vst v63  }
0x98: {  	_ =	swait.ge [sflag:s29], $0x2800  }
0x99: {  	[sflag:s29] =	ssyncset.done $0x0  }
0x9a: {  	[sflag:s29] =	ssyncadd.s32 $0xFFFFD800  }
0x9b: {  	[spmem:s26] =	stream.linear.scatter [tilespmem:s28], [sflag:$0x1], $0x2800, $0x38;
	[tilespmem:$0x1B8C0] =	vst v63  }
0x9c: {  	_ =	swait.ge [sflag:s29], $0x2800  }
0x9d: {  	[sflag:s29] =	ssyncset.done $0x0  }
0x9e: {  	s1 =	sadd.s32 $0x0, s0;
	[sflag:s29] =	ssyncadd.s32 $0xFFFFD800  }
0x9f: {  	p0 =	slt.s32 s1, $0x30D3;
	[bflag:$0x0] =	sbarrier.arrive $0xFFFF  }
0xa0: {  	[tilespmem:s10], [sflag:$0x1] =	stream.linear.gather [hbm4b:s12+s10], $0x40, $0x38;
	[tilespmem:$0x1B8C0] =	vst v63  }
0xa1: {  	s1 =	simm.s32 @!p0 $0x30D3;
	_ =	swait.ge [sflag:s29], $0x40  }
0xa2: {  	s1 =	sshll.u32 s1, $0xA;
	[sflag:s29] =	ssyncset.done $0x0  }
0xa3: {  	s1 =	sadd.s32 s15, s1;
	[sflag:s29] =	ssyncadd.s32 $0xFFFFFFC0  }
0xa4: {  	[tilespmem:s28], [sflag:$0x1] =	stream.linear.gather [hbm4b:s1+s10], $0x2000, $0x38;
	[tilespmem:$0x1B8C0] =	vst v63  }
0xa5: {  	_ =	swait.ge [sflag:s29], $0x2000  }
0xa6: {  	s2 =	sadd.s32 $0x80, s12;
	[sflag:s29] =	ssyncset.done $0x0  }
0xa7: {  	s3 =	simm.s32 $0x20;
	s1 =	sadd.s32 $0x10, s0;
	[sflag:s29] =	ssyncadd.s32 $0xFFFFE000  }
.LBB2_2:
0xa8: {  	[spmem:s13] =	stream.indirect.scatter.add.f32 [tilespmem:s28], [sflag:$0x1], $0x80, s10, s30, $0xb8;
	[tilespmem:$0x1B8C0] =	vst v63  }
0xa9: {  	s4 =	smov.u32 s3  }
0xaa: {  	p0 =	slt.s32 s1, $0x30D3;
	s4 =	sadd.s32 s3, s0;
	_ =	swait.ge [sflag:s29], $0x2000  }
0xab: {  	s5 =	sadd.s32 $0x10, s3;
	s1 =	simm.s32 @!p0 $0x30D3;
	[sflag:s29] =	ssyncset.done $0x0  }
0xac: {  	p0 =	sne.s32 s3, $0x30D0;
	s3 =	sshll.u32 s1, $0xA;
	[sflag:s29] =	ssyncadd.s32 $0xFFFFE000  }
0xad: {  	[tilespmem:s10], [sflag:$0x1] =	stream.linear.gather [hbm4b:s2+s10], $0x40, $0x38;
	[tilespmem:$0x1B8C0] =	vst v63  }
0xae: {  	s1 =	smov.u32 s4;
	_ =	swait.ge [sflag:s29], $0x40  }
0xaf: {  	s3 =	sadd.s32 s15, s3;
	[sflag:s29] =	ssyncset.done $0x0  }
.Ltmp0:
0xb0: {  	[sflag:s29] =	ssyncadd.s32 $0xFFFFFFC0;
	(pc) =	sbr.rel @p0 .LBB2_2-.Ltmp0, $4  }
0xb1: {  	[tilespmem:s28], [sflag:$0x1] =	stream.linear.gather [hbm4b:s3+s10], $0x2000, $0x38;
	[tilespmem:$0x1B8C0] =	vst v63  }
0xb2: {  	_ =	swait.ge [sflag:s29], $0x2000  }
0xb3: {  	[sflag:s29] =	ssyncset.done $0x0  }
0xb4: {  	s2 =	sadd.s32 $0x80, s2;
	s3 =	smov.u32 s5;
	[sflag:s29] =	ssyncadd.s32 $0xFFFFE000  }
0xb5: {  	[spmem:s13] =	stream.indirect.scatter.add.f32 [tilespmem:s28], [sflag:$0x1], $0x80, s10, s30, $0xb8;
	[tilespmem:$0x1B8C0] =	vst v63  }
0xb6: {  	_ =	swait.ge [sflag:s29], $0x2000  }
0xb7: {  	[sflag:s29] =	ssyncset.done $0x0  }
0xb8: {  	p0 =	slt.s32 s1, $0x30D3;
	[sflag:s29] =	ssyncadd.s32 $0xFFFFE000  }
0xb9: {  	[tilespmem:s10], [sflag:$0x1] =	stream.linear.gather [hbm4b:s2+s10], $0x40, $0x38;
	[tilespmem:$0x1B8C0] =	vst v63  }
0xba: {  	s1 =	simm.s32 @!p0 $0x30D3;
	_ =	swait.ge [sflag:s29], $0x40  }
0xbb: {  	s1 =	sshll.u32 s1, $0xA;
	[sflag:s29] =	ssyncset.done $0x0  }
0xbc: {  	s1 =	sadd.s32 s15, s1;
	[sflag:s29] =	ssyncadd.s32 $0xFFFFFFC0  }
0xbd: {  	[tilespmem:s28], [sflag:$0x1] =	stream.linear.gather [hbm4b:s1+s10], $0x2000, $0x38;
	[tilespmem:$0x1B8C0] =	vst v63  }
0xbe: {  	_ =	swait.ge [sflag:s29], $0x2000  }
0xbf: {  	[sflag:s29] =	ssyncset.done $0x0  }
0xc0: {  	[sflag:s29] =	ssyncadd.s32 $0xFFFFE000  }
0xc1: {  	[spmem:s13] =	stream.indirect.scatter.add.f32 [tilespmem:s28], [sflag:$0x1], $0x80, s10, s30, $0xb8;
	[tilespmem:$0x1B8C0] =	vst v63  }
0xc2: {  	_ =	swait.ge [sflag:s29], $0x2000  }
0xc3: {  	[sflag:s29] =	ssyncset.done $0x0  }
0xc4: {  	[sflag:s29] =	ssyncadd.s32 $0xFFFFE000  }
0xc5: {  	[bflag:$0x0] =	sbarrier.arrive $0xFFFF  }
0xc6: {  	[tilespmem:s28], [sflag:$0x1] =	stream.linear.gather [spmem:s16], $0x2800, $0x38;
	[tilespmem:$0x1B8C0] =	vst v63  }
0xc7: {  	_ =	swait.ge [sflag:s29], $0x2800  }
0xc8: {  	[sflag:s29] =	ssyncset.done $0x0  }
0xc9: {  	s1 =	simm.s32 $0x0;
	s4 =	rddreg [dreg:$0x4];
	[sflag:s29] =	ssyncadd.s32 $0xFFFFD800  }
0xca: {  	[hbm4b:s4+s1] =	stream.linear.scatter [tilespmem:s28], [sflag:$0x1], $0x2800, $0x38;
	[tilespmem:$0x1B8C0] =	vst v63  }
0xcb: {  	_ =	swait.ge [sflag:s29], $0x2800  }
0xcc: {  	[sflag:s29] =	ssyncset.done $0x0  }
0xcd: {  	[sflag:s29] =	ssyncadd.s32 $0xFFFFD800  }
0xce: {  	[tilespmem:s28], [sflag:$0x1] =	stream.linear.gather [spmem:s18], $0x2800, $0x38;
	[tilespmem:$0x1B8C0] =	vst v63  }
0xcf: {  	_ =	swait.ge [sflag:s29], $0x2800  }
0xd0: {  	[sflag:s29] =	ssyncset.done $0x0  }
0xd1: {  	s5 =	rddreg [dreg:$0x6];
	[sflag:s29] =	ssyncadd.s32 $0xFFFFD800  }
0xd2: {  	[hbm4b:s5+s1] =	stream.linear.scatter [tilespmem:s28], [sflag:$0x1], $0x2800, $0x38;
	[tilespmem:$0x1B8C0] =	vst v63  }
0xd3: {  	_ =	swait.ge [sflag:s29], $0x2800  }
0xd4: {  	[sflag:s29] =	ssyncset.done $0x0  }
0xd5: {  	[sflag:s29] =	ssyncadd.s32 $0xFFFFD800  }
0xd6: {  	[tilespmem:s28], [sflag:$0x1] =	stream.linear.gather [spmem:s19], $0x2800, $0x38;
	[tilespmem:$0x1B8C0] =	vst v63  }
0xd7: {  	_ =	swait.ge [sflag:s29], $0x2800  }
0xd8: {  	[sflag:s29] =	ssyncset.done $0x0  }
0xd9: {  	s3 =	rddreg [dreg:$0x8];
	[sflag:s29] =	ssyncadd.s32 $0xFFFFD800  }
0xda: {  	[hbm4b:s3+s1] =	stream.linear.scatter [tilespmem:s28], [sflag:$0x1], $0x2800, $0x38;
	[tilespmem:$0x1B8C0] =	vst v63  }
0xdb: {  	_ =	swait.ge [sflag:s29], $0x2800  }
0xdc: {  	[sflag:s29] =	ssyncset.done $0x0  }
0xdd: {  	[sflag:s29] =	ssyncadd.s32 $0xFFFFD800  }
0xde: {  	[tilespmem:s28], [sflag:$0x1] =	stream.linear.gather [spmem:s20], $0x2800, $0x38;
	[tilespmem:$0x1B8C0] =	vst v63  }
0xdf: {  	_ =	swait.ge [sflag:s29], $0x2800  }
0xe0: {  	[sflag:s29] =	ssyncset.done $0x0  }
0xe1: {  	s4 =	rddreg [dreg:$0xa];
	[sflag:s29] =	ssyncadd.s32 $0xFFFFD800  }
0xe2: {  	[hbm4b:s4+s1] =	stream.linear.scatter [tilespmem:s28], [sflag:$0x1], $0x2800, $0x38;
	[tilespmem:$0x1B8C0] =	vst v63  }
0xe3: {  	_ =	swait.ge [sflag:s29], $0x2800  }
0xe4: {  	[sflag:s29] =	ssyncset.done $0x0  }
0xe5: {  	[sflag:s29] =	ssyncadd.s32 $0xFFFFD800  }
0xe6: {  	[tilespmem:s28], [sflag:$0x1] =	stream.linear.gather [spmem:s21], $0x2800, $0x38;
	[tilespmem:$0x1B8C0] =	vst v63  }
0xe7: {  	_ =	swait.ge [sflag:s29], $0x2800  }
0xe8: {  	[sflag:s29] =	ssyncset.done $0x0  }
0xe9: {  	s5 =	rddreg [dreg:$0xc];
	[sflag:s29] =	ssyncadd.s32 $0xFFFFD800  }
0xea: {  	[hbm4b:s5+s1] =	stream.linear.scatter [tilespmem:s28], [sflag:$0x1], $0x2800, $0x38;
	[tilespmem:$0x1B8C0] =	vst v63  }
0xeb: {  	_ =	swait.ge [sflag:s29], $0x2800  }
0xec: {  	[sflag:s29] =	ssyncset.done $0x0  }
0xed: {  	[sflag:s29] =	ssyncadd.s32 $0xFFFFD800  }
0xee: {  	[tilespmem:s28], [sflag:$0x1] =	stream.linear.gather [spmem:s22], $0x2800, $0x38;
	[tilespmem:$0x1B8C0] =	vst v63  }
0xef: {  	_ =	swait.ge [sflag:s29], $0x2800  }
0xf0: {  	[sflag:s29] =	ssyncset.done $0x0  }
0xf1: {  	s3 =	rddreg [dreg:$0xe];
	[sflag:s29] =	ssyncadd.s32 $0xFFFFD800  }
0xf2: {  	[hbm4b:s3+s1] =	stream.linear.scatter [tilespmem:s28], [sflag:$0x1], $0x2800, $0x38;
	[tilespmem:$0x1B8C0] =	vst v63  }
0xf3: {  	_ =	swait.ge [sflag:s29], $0x2800  }
0xf4: {  	[sflag:s29] =	ssyncset.done $0x0  }
0xf5: {  	[sflag:s29] =	ssyncadd.s32 $0xFFFFD800  }
0xf6: {  	[tilespmem:s28], [sflag:$0x1] =	stream.linear.gather [spmem:s23], $0x2800, $0x38;
	[tilespmem:$0x1B8C0] =	vst v63  }
0xf7: {  	_ =	swait.ge [sflag:s29], $0x2800  }
0xf8: {  	[sflag:s29] =	ssyncset.done $0x0  }
0xf9: {  	s4 =	rddreg [dreg:$0x10];
	[sflag:s29] =	ssyncadd.s32 $0xFFFFD800  }
0xfa: {  	[hbm4b:s4+s1] =	stream.linear.scatter [tilespmem:s28], [sflag:$0x1], $0x2800, $0x38;
	[tilespmem:$0x1B8C0] =	vst v63  }
0xfb: {  	_ =	swait.ge [sflag:s29], $0x2800  }
0xfc: {  	[sflag:s29] =	ssyncset.done $0x0  }
0xfd: {  	[sflag:s29] =	ssyncadd.s32 $0xFFFFD800  }
0xfe: {  	[tilespmem:s28], [sflag:$0x1] =	stream.linear.gather [spmem:s24], $0x2800, $0x38;
	[tilespmem:$0x1B8C0] =	vst v63  }
0xff: {  	_ =	swait.ge [sflag:s29], $0x2800  }
0x100: {  	[sflag:s29] =	ssyncset.done $0x0  }
0x101: {  	s5 =	rddreg [dreg:$0x12];
	[sflag:s29] =	ssyncadd.s32 $0xFFFFD800  }
0x102: {  	[hbm4b:s5+s1] =	stream.linear.scatter [tilespmem:s28], [sflag:$0x1], $0x2800, $0x38;
	[tilespmem:$0x1B8C0] =	vst v63  }
0x103: {  	_ =	swait.ge [sflag:s29], $0x2800  }
0x104: {  	[sflag:s29] =	ssyncset.done $0x0  }
0x105: {  	[sflag:s29] =	ssyncadd.s32 $0xFFFFD800  }
0x106: {  	[tilespmem:s28], [sflag:$0x1] =	stream.linear.gather [spmem:s25], $0x2800, $0x38;
	[tilespmem:$0x1B8C0] =	vst v63  }
0x107: {  	_ =	swait.ge [sflag:s29], $0x2800  }
0x108: {  	[sflag:s29] =	ssyncset.done $0x0  }
0x109: {  	s3 =	rddreg [dreg:$0x14];
	[sflag:s29] =	ssyncadd.s32 $0xFFFFD800  }
0x10a: {  	[hbm4b:s3+s1] =	stream.linear.scatter [tilespmem:s28], [sflag:$0x1], $0x2800, $0x38;
	[tilespmem:$0x1B8C0] =	vst v63  }
0x10b: {  	_ =	swait.ge [sflag:s29], $0x2800  }
0x10c: {  	[sflag:s29] =	ssyncset.done $0x0  }
0x10d: {  	[sflag:s29] =	ssyncadd.s32 $0xFFFFD800  }
0x10e: {  	[tilespmem:s28], [sflag:$0x1] =	stream.linear.gather [spmem:s26], $0x2800, $0x38;
	[tilespmem:$0x1B8C0] =	vst v63  }
0x10f: {  	_ =	swait.ge [sflag:s29], $0x2800  }
0x110: {  	[sflag:s29] =	ssyncset.done $0x0  }
0x111: {  	s4 =	rddreg [dreg:$0x16];
	[sflag:s29] =	ssyncadd.s32 $0xFFFFD800  }
0x112: {  	[hbm4b:s4+s1] =	stream.linear.scatter [tilespmem:s28], [sflag:$0x1], $0x2800, $0x38;
	[tilespmem:$0x1B8C0] =	vst v63  }
0x113: {  	_ =	swait.ge [sflag:s29], $0x2800  }
0x114: {  	[sflag:s29] =	ssyncset.done $0x0  }
0x115: {  	[sflag:s29] =	ssyncadd.s32 $0xFFFFD800  }
0x116: {  	[bflag:$0x0] =	sbarrier.arrive $0xFFFF  }
0x117: {  	s5 =	rddreg [dreg:$0x17]  }
0x118: {  	[tilespmem:s28], [sflag:$0x1] =	stream.linear.gather [hbm4b:s5+s1], $0x2800, $0x38;
	[tilespmem:$0x1B8C0] =	vst v63  }
0x119: {  	_ =	swait.ge [sflag:s29], $0x2800  }
0x11a: {  	[sflag:s29] =	ssyncset.done $0x0  }
0x11b: {  	[sflag:s29] =	ssyncadd.s32 $0xFFFFD800  }
0x11c: {  	[spmem:s16] =	stream.linear.scatter [tilespmem:s28], [sflag:$0x1], $0x2800, $0x38;
	[tilespmem:$0x1B8C0] =	vst v63  }
0x11d: {  	_ =	swait.ge [sflag:s29], $0x2800  }
0x11e: {  	[sflag:s29] =	ssyncset.done $0x0  }
0x11f: {  	s3 =	rddreg [dreg:$0x18];
	[sflag:s29] =	ssyncadd.s32 $0xFFFFD800  }
0x120: {  	[tilespmem:s28], [sflag:$0x1] =	stream.linear.gather [hbm4b:s3+s1], $0x2800, $0x38;
	[tilespmem:$0x1B8C0] =	vst v63  }
0x121: {  	_ =	swait.ge [sflag:s29], $0x2800  }
0x122: {  	[sflag:s29] =	ssyncset.done $0x0  }
0x123: {  	[sflag:s29] =	ssyncadd.s32 $0xFFFFD800  }
0x124: {  	[spmem:s18] =	stream.linear.scatter [tilespmem:s28], [sflag:$0x1], $0x2800, $0x38;
	[tilespmem:$0x1B8C0] =	vst v63  }
0x125: {  	_ =	swait.ge [sflag:s29], $0x2800  }
0x126: {  	[sflag:s29] =	ssyncset.done $0x0  }
0x127: {  	s4 =	rddreg [dreg:$0x19];
	[sflag:s29] =	ssyncadd.s32 $0xFFFFD800  }
0x128: {  	[tilespmem:s28], [sflag:$0x1] =	stream.linear.gather [hbm4b:s4+s1], $0x2800, $0x38;
	[tilespmem:$0x1B8C0] =	vst v63  }
0x129: {  	_ =	swait.ge [sflag:s29], $0x2800  }
0x12a: {  	[sflag:s29] =	ssyncset.done $0x0  }
0x12b: {  	[sflag:s29] =	ssyncadd.s32 $0xFFFFD800  }
0x12c: {  	[spmem:s19] =	stream.linear.scatter [tilespmem:s28], [sflag:$0x1], $0x2800, $0x38;
	[tilespmem:$0x1B8C0] =	vst v63  }
0x12d: {  	_ =	swait.ge [sflag:s29], $0x2800  }
0x12e: {  	[sflag:s29] =	ssyncset.done $0x0  }
0x12f: {  	s5 =	rddreg [dreg:$0x1a];
	[sflag:s29] =	ssyncadd.s32 $0xFFFFD800  }
0x130: {  	[tilespmem:s28], [sflag:$0x1] =	stream.linear.gather [hbm4b:s5+s1], $0x2800, $0x38;
	[tilespmem:$0x1B8C0] =	vst v63  }
0x131: {  	_ =	swait.ge [sflag:s29], $0x2800  }
0x132: {  	[sflag:s29] =	ssyncset.done $0x0  }
0x133: {  	[sflag:s29] =	ssyncadd.s32 $0xFFFFD800  }
0x134: {  	[spmem:s20] =	stream.linear.scatter [tilespmem:s28], [sflag:$0x1], $0x2800, $0x38;
	[tilespmem:$0x1B8C0] =	vst v63  }
0x135: {  	_ =	swait.ge [sflag:s29], $0x2800  }
0x136: {  	[sflag:s29] =	ssyncset.done $0x0  }
0x137: {  	s3 =	rddreg [dreg:$0x1b];
	[sflag:s29] =	ssyncadd.s32 $0xFFFFD800  }
0x138: {  	[tilespmem:s28], [sflag:$0x1] =	stream.linear.gather [hbm4b:s3+s1], $0x2800, $0x38;
	[tilespmem:$0x1B8C0] =	vst v63  }
0x139: {  	_ =	swait.ge [sflag:s29], $0x2800  }
0x13a: {  	[sflag:s29] =	ssyncset.done $0x0  }
0x13b: {  	[sflag:s29] =	ssyncadd.s32 $0xFFFFD800  }
0x13c: {  	[spmem:s21] =	stream.linear.scatter [tilespmem:s28], [sflag:$0x1], $0x2800, $0x38;
	[tilespmem:$0x1B8C0] =	vst v63  }
0x13d: {  	_ =	swait.ge [sflag:s29], $0x2800  }
0x13e: {  	[sflag:s29] =	ssyncset.done $0x0  }
0x13f: {  	s4 =	rddreg [dreg:$0x1c];
	[sflag:s29] =	ssyncadd.s32 $0xFFFFD800  }
0x140: {  	[tilespmem:s28], [sflag:$0x1] =	stream.linear.gather [hbm4b:s4+s1], $0x2800, $0x38;
	[tilespmem:$0x1B8C0] =	vst v63  }
0x141: {  	_ =	swait.ge [sflag:s29], $0x2800  }
0x142: {  	[sflag:s29] =	ssyncset.done $0x0  }
0x143: {  	[sflag:s29] =	ssyncadd.s32 $0xFFFFD800  }
0x144: {  	[spmem:s22] =	stream.linear.scatter [tilespmem:s28], [sflag:$0x1], $0x2800, $0x38;
	[tilespmem:$0x1B8C0] =	vst v63  }
0x145: {  	_ =	swait.ge [sflag:s29], $0x2800  }
0x146: {  	[sflag:s29] =	ssyncset.done $0x0  }
0x147: {  	s5 =	rddreg [dreg:$0x1d];
	[sflag:s29] =	ssyncadd.s32 $0xFFFFD800  }
0x148: {  	[tilespmem:s28], [sflag:$0x1] =	stream.linear.gather [hbm4b:s5+s1], $0x2800, $0x38;
	[tilespmem:$0x1B8C0] =	vst v63  }
0x149: {  	_ =	swait.ge [sflag:s29], $0x2800  }
0x14a: {  	[sflag:s29] =	ssyncset.done $0x0  }
0x14b: {  	[sflag:s29] =	ssyncadd.s32 $0xFFFFD800  }
0x14c: {  	[spmem:s23] =	stream.linear.scatter [tilespmem:s28], [sflag:$0x1], $0x2800, $0x38;
	[tilespmem:$0x1B8C0] =	vst v63  }
0x14d: {  	_ =	swait.ge [sflag:s29], $0x2800  }
0x14e: {  	[sflag:s29] =	ssyncset.done $0x0  }
0x14f: {  	s3 =	rddreg [dreg:$0x1e];
	[sflag:s29] =	ssyncadd.s32 $0xFFFFD800  }
0x150: {  	[tilespmem:s28], [sflag:$0x1] =	stream.linear.gather [hbm4b:s3+s1], $0x2800, $0x38;
	[tilespmem:$0x1B8C0] =	vst v63  }
0x151: {  	_ =	swait.ge [sflag:s29], $0x2800  }
0x152: {  	[sflag:s29] =	ssyncset.done $0x0  }
0x153: {  	[sflag:s29] =	ssyncadd.s32 $0xFFFFD800  }
0x154: {  	[spmem:s24] =	stream.linear.scatter [tilespmem:s28], [sflag:$0x1], $0x2800, $0x38;
	[tilespmem:$0x1B8C0] =	vst v63  }
0x155: {  	_ =	swait.ge [sflag:s29], $0x2800  }
0x156: {  	[sflag:s29] =	ssyncset.done $0x0  }
0x157: {  	s4 =	rddreg [dreg:$0x1f];
	[sflag:s29] =	ssyncadd.s32 $0xFFFFD800  }
0x158: {  	[tilespmem:s28], [sflag:$0x1] =	stream.linear.gather [hbm4b:s4+s1], $0x2800, $0x38;
	[tilespmem:$0x1B8C0] =	vst v63  }
0x159: {  	_ =	swait.ge [sflag:s29], $0x2800  }
0x15a: {  	[sflag:s29] =	ssyncset.done $0x0  }
0x15b: {  	[sflag:s29] =	ssyncadd.s32 $0xFFFFD800  }
0x15c: {  	[spmem:s25] =	stream.linear.scatter [tilespmem:s28], [sflag:$0x1], $0x2800, $0x38;
	[tilespmem:$0x1B8C0] =	vst v63  }
0x15d: {  	_ =	swait.ge [sflag:s29], $0x2800  }
0x15e: {  	s5 =	sld [smem:$0x7F3]  }
0x15f: {  	[sflag:s29] =	ssyncset.done $0x0  }
0x160: {  	[sflag:s29] =	ssyncadd.s32 $0xFFFFD800  }
0x161: {  	[tilespmem:s28], [sflag:$0x1] =	stream.linear.gather [hbm4b:s5+s1], $0x2800, $0x38;
	[tilespmem:$0x1B8C0] =	vst v63  }
0x162: {  	_ =	swait.ge [sflag:s29], $0x2800  }
0x163: {  	[sflag:s29] =	ssyncset.done $0x0  }
0x164: {  	[sflag:s29] =	ssyncadd.s32 $0xFFFFD800  }
0x165: {  	[spmem:s26] =	stream.linear.scatter [tilespmem:s28], [sflag:$0x1], $0x2800, $0x38;
	[tilespmem:$0x1B8C0] =	vst v63  }
0x166: {  	_ =	swait.ge [sflag:s29], $0x2800  }
0x167: {  	[sflag:s29] =	ssyncset.done $0x0  }
0x168: {  	s1 =	sadd.s32 $0x0, s0;
	[sflag:s29] =	ssyncadd.s32 $0xFFFFD800  }
0x169: {  	p0 =	slt.s32 s1, $0x30D3;
	[bflag:$0x0] =	sbarrier.arrive $0xFFFF  }
0x16a: {  	[tilespmem:s10], [sflag:$0x1] =	stream.linear.gather [hbm4b:s14+s10], $0x40, $0x38;
	[tilespmem:$0x1B8C0] =	vst v63  }
0x16b: {  	s1 =	simm.s32 @!p0 $0x30D3;
	_ =	swait.ge [sflag:s29], $0x40  }
0x16c: {  	s1 =	sshll.u32 s1, $0xA;
	[sflag:s29] =	ssyncset.done $0x0  }
0x16d: {  	s1 =	sadd.s32 s15, s1;
	[sflag:s29] =	ssyncadd.s32 $0xFFFFFFC0  }
0x16e: {  	[tilespmem:s28], [sflag:$0x1] =	stream.linear.gather [hbm4b:s1+s10], $0x2000, $0x38;
	[tilespmem:$0x1B8C0] =	vst v63  }
0x16f: {  	_ =	swait.ge [sflag:s29], $0x2000  }
0x170: {  	s2 =	sadd.s32 $0x80, s14;
	[sflag:s29] =	ssyncset.done $0x0  }
0x171: {  	s3 =	simm.s32 $0x20;
	s1 =	sadd.s32 $0x10, s0;
	[sflag:s29] =	ssyncadd.s32 $0xFFFFE000  }
.LBB2_4:
0x172: {  	[spmem:s13] =	stream.indirect.scatter.add.f32 [tilespmem:s28], [sflag:$0x1], $0x80, s10, s30, $0xb8;
	[tilespmem:$0x1B8C0] =	vst v63  }
0x173: {  	s4 =	smov.u32 s3  }
0x174: {  	p0 =	slt.s32 s1, $0x30D3;
	s4 =	sadd.s32 s3, s0;
	_ =	swait.ge [sflag:s29], $0x2000  }
0x175: {  	s5 =	sadd.s32 $0x10, s3;
	s1 =	simm.s32 @!p0 $0x30D3;
	[sflag:s29] =	ssyncset.done $0x0  }
0x176: {  	p0 =	sne.s32 s3, $0x30D0;
	s3 =	sshll.u32 s1, $0xA;
	[sflag:s29] =	ssyncadd.s32 $0xFFFFE000  }
0x177: {  	[tilespmem:s10], [sflag:$0x1] =	stream.linear.gather [hbm4b:s2+s10], $0x40, $0x38;
	[tilespmem:$0x1B8C0] =	vst v63  }
0x178: {  	s1 =	smov.u32 s4;
	_ =	swait.ge [sflag:s29], $0x40  }
0x179: {  	s3 =	sadd.s32 s15, s3;
	[sflag:s29] =	ssyncset.done $0x0  }
.Ltmp1:
0x17a: {  	[sflag:s29] =	ssyncadd.s32 $0xFFFFFFC0;
	(pc) =	sbr.rel @p0 .LBB2_4-.Ltmp1, $4  }
0x17b: {  	[tilespmem:s28], [sflag:$0x1] =	stream.linear.gather [hbm4b:s3+s10], $0x2000, $0x38;
	[tilespmem:$0x1B8C0] =	vst v63  }
0x17c: {  	_ =	swait.ge [sflag:s29], $0x2000  }
0x17d: {  	[sflag:s29] =	ssyncset.done $0x0  }
0x17e: {  	s2 =	sadd.s32 $0x80, s2;
	s3 =	smov.u32 s5;
	[sflag:s29] =	ssyncadd.s32 $0xFFFFE000  }
0x17f: {  	[spmem:s13] =	stream.indirect.scatter.add.f32 [tilespmem:s28], [sflag:$0x1], $0x80, s10, s30, $0xb8;
	[tilespmem:$0x1B8C0] =	vst v63  }
0x180: {  	_ =	swait.ge [sflag:s29], $0x2000  }
0x181: {  	[sflag:s29] =	ssyncset.done $0x0  }
0x182: {  	p0 =	slt.s32 s1, $0x30D3;
	[sflag:s29] =	ssyncadd.s32 $0xFFFFE000  }
0x183: {  	[tilespmem:s10], [sflag:$0x1] =	stream.linear.gather [hbm4b:s2+s10], $0x40, $0x38;
	[tilespmem:$0x1B8C0] =	vst v63  }
0x184: {  	s1 =	simm.s32 @!p0 $0x30D3;
	_ =	swait.ge [sflag:s29], $0x40  }
0x185: {  	s1 =	sshll.u32 s1, $0xA;
	[sflag:s29] =	ssyncset.done $0x0  }
0x186: {  	s1 =	sadd.s32 s15, s1;
	[sflag:s29] =	ssyncadd.s32 $0xFFFFFFC0  }
0x187: {  	[tilespmem:s28], [sflag:$0x1] =	stream.linear.gather [hbm4b:s1+s10], $0x2000, $0x38;
	[tilespmem:$0x1B8C0] =	vst v63  }
0x188: {  	_ =	swait.ge [sflag:s29], $0x2000  }
0x189: {  	[sflag:s29] =	ssyncset.done $0x0  }
0x18a: {  	[sflag:s29] =	ssyncadd.s32 $0xFFFFE000  }
0x18b: {  	[spmem:s13] =	stream.indirect.scatter.add.f32 [tilespmem:s28], [sflag:$0x1], $0x80, s10, s30, $0xb8;
	[tilespmem:$0x1B8C0] =	vst v63  }
0x18c: {  	_ =	swait.ge [sflag:s29], $0x2000  }
0x18d: {  	[sflag:s29] =	ssyncset.done $0x0  }
0x18e: {  	[sflag:s29] =	ssyncadd.s32 $0xFFFFE000  }
0x18f: {  	[bflag:$0x0] =	sbarrier.arrive $0xFFFF  }
0x190: {  	[tilespmem:s28], [sflag:$0x1] =	stream.linear.gather [spmem:s16], $0x2800, $0x38;
	[tilespmem:$0x1B8C0] =	vst v63  }
0x191: {  	_ =	swait.ge [sflag:s29], $0x2800  }
0x192: {  	s5 =	sld [smem:$0x7F4]  }
0x193: {  	[sflag:s29] =	ssyncset.done $0x0  }
0x194: {  	[sflag:s29] =	ssyncadd.s32 $0xFFFFD800  }
0x195: {  	[hbm4b:s5+s10] =	stream.linear.scatter [tilespmem:s28], [sflag:$0x1], $0x2800, $0x38;
	[tilespmem:$0x1B8C0] =	vst v63  }
0x196: {  	_ =	swait.ge [sflag:s29], $0x2800  }
0x197: {  	[sflag:s29] =	ssyncset.done $0x0  }
0x198: {  	[sflag:s29] =	ssyncadd.s32 $0xFFFFD800  }
0x199: {  	[tilespmem:s28], [sflag:$0x1] =	stream.linear.gather [spmem:s18], $0x2800, $0x38;
	[tilespmem:$0x1B8C0] =	vst v63  }
0x19a: {  	_ =	swait.ge [sflag:s29], $0x2800  }
0x19b: {  	s2 =	sld [smem:$0x7F5]  }
0x19c: {  	[sflag:s29] =	ssyncset.done $0x0  }
0x19d: {  	[sflag:s29] =	ssyncadd.s32 $0xFFFFD800  }
0x19e: {  	[hbm4b:s2+s10] =	stream.linear.scatter [tilespmem:s28], [sflag:$0x1], $0x2800, $0x38;
	[tilespmem:$0x1B8C0] =	vst v63  }
0x19f: {  	_ =	swait.ge [sflag:s29], $0x2800  }
0x1a0: {  	[sflag:s29] =	ssyncset.done $0x0  }
0x1a1: {  	[sflag:s29] =	ssyncadd.s32 $0xFFFFD800  }
0x1a2: {  	[tilespmem:s28], [sflag:$0x1] =	stream.linear.gather [spmem:s19], $0x2800, $0x38;
	[tilespmem:$0x1B8C0] =	vst v63  }
0x1a3: {  	_ =	swait.ge [sflag:s29], $0x2800  }
0x1a4: {  	s3 =	sld [smem:$0x7F6]  }
0x1a5: {  	[sflag:s29] =	ssyncset.done $0x0  }
0x1a6: {  	[sflag:s29] =	ssyncadd.s32 $0xFFFFD800  }
0x1a7: {  	[hbm4b:s3+s10] =	stream.linear.scatter [tilespmem:s28], [sflag:$0x1], $0x2800, $0x38;
	[tilespmem:$0x1B8C0] =	vst v63  }
0x1a8: {  	_ =	swait.ge [sflag:s29], $0x2800  }
0x1a9: {  	[sflag:s29] =	ssyncset.done $0x0  }
0x1aa: {  	[sflag:s29] =	ssyncadd.s32 $0xFFFFD800  }
0x1ab: {  	[tilespmem:s28], [sflag:$0x1] =	stream.linear.gather [spmem:s20], $0x2800, $0x38;
	[tilespmem:$0x1B8C0] =	vst v63  }
0x1ac: {  	_ =	swait.ge [sflag:s29], $0x2800  }
0x1ad: {  	s4 =	sld [smem:$0x7F7]  }
0x1ae: {  	[sflag:s29] =	ssyncset.done $0x0  }
0x1af: {  	[sflag:s29] =	ssyncadd.s32 $0xFFFFD800  }
0x1b0: {  	[hbm4b:s4+s10] =	stream.linear.scatter [tilespmem:s28], [sflag:$0x1], $0x2800, $0x38;
	[tilespmem:$0x1B8C0] =	vst v63  }
0x1b1: {  	_ =	swait.ge [sflag:s29], $0x2800  }
0x1b2: {  	[sflag:s29] =	ssyncset.done $0x0  }
0x1b3: {  	[sflag:s29] =	ssyncadd.s32 $0xFFFFD800  }
0x1b4: {  	[tilespmem:s28], [sflag:$0x1] =	stream.linear.gather [spmem:s21], $0x2800, $0x38;
	[tilespmem:$0x1B8C0] =	vst v63  }
0x1b5: {  	_ =	swait.ge [sflag:s29], $0x2800  }
0x1b6: {  	s5 =	sld [smem:$0x7F8]  }
0x1b7: {  	[sflag:s29] =	ssyncset.done $0x0  }
0x1b8: {  	[sflag:s29] =	ssyncadd.s32 $0xFFFFD800  }
0x1b9: {  	[hbm4b:s5+s10] =	stream.linear.scatter [tilespmem:s28], [sflag:$0x1], $0x2800, $0x38;
	[tilespmem:$0x1B8C0] =	vst v63  }
0x1ba: {  	_ =	swait.ge [sflag:s29], $0x2800  }
0x1bb: {  	[sflag:s29] =	ssyncset.done $0x0  }
0x1bc: {  	[sflag:s29] =	ssyncadd.s32 $0xFFFFD800  }
0x1bd: {  	[tilespmem:s28], [sflag:$0x1] =	stream.linear.gather [spmem:s22], $0x2800, $0x38;
	[tilespmem:$0x1B8C0] =	vst v63  }
0x1be: {  	_ =	swait.ge [sflag:s29], $0x2800  }
0x1bf: {  	[sflag:s29] =	ssyncset.done $0x0  }
0x1c0: {  	[sflag:s29] =	ssyncadd.s32 $0xFFFFD800  }
0x1c1: {  	[hbm4b:s6+s10] =	stream.linear.scatter [tilespmem:s28], [sflag:$0x1], $0x2800, $0x38;
	[tilespmem:$0x1B8C0] =	vst v63  }
0x1c2: {  	_ =	swait.ge [sflag:s29], $0x2800  }
0x1c3: {  	[sflag:s29] =	ssyncset.done $0x0  }
0x1c4: {  	[sflag:s29] =	ssyncadd.s32 $0xFFFFD800  }
0x1c5: {  	[tilespmem:s28], [sflag:$0x1] =	stream.linear.gather [spmem:s23], $0x2800, $0x38;
	[tilespmem:$0x1B8C0] =	vst v63  }
0x1c6: {  	_ =	swait.ge [sflag:s29], $0x2800  }
0x1c7: {  	[sflag:s29] =	ssyncset.done $0x0  }
0x1c8: {  	[sflag:s29] =	ssyncadd.s32 $0xFFFFD800  }
0x1c9: {  	[hbm4b:s7+s10] =	stream.linear.scatter [tilespmem:s28], [sflag:$0x1], $0x2800, $0x38;
	[tilespmem:$0x1B8C0] =	vst v63  }
0x1ca: {  	_ =	swait.ge [sflag:s29], $0x2800  }
0x1cb: {  	[sflag:s29] =	ssyncset.done $0x0  }
0x1cc: {  	[sflag:s29] =	ssyncadd.s32 $0xFFFFD800  }
0x1cd: {  	[tilespmem:s28], [sflag:$0x1] =	stream.linear.gather [spmem:s24], $0x2800, $0x38;
	[tilespmem:$0x1B8C0] =	vst v63  }
0x1ce: {  	_ =	swait.ge [sflag:s29], $0x2800  }
0x1cf: {  	[sflag:s29] =	ssyncset.done $0x0  }
0x1d0: {  	[sflag:s29] =	ssyncadd.s32 $0xFFFFD800  }
0x1d1: {  	[hbm4b:s8+s10] =	stream.linear.scatter [tilespmem:s28], [sflag:$0x1], $0x2800, $0x38;
	[tilespmem:$0x1B8C0] =	vst v63  }
0x1d2: {  	_ =	swait.ge [sflag:s29], $0x2800  }
0x1d3: {  	[sflag:s29] =	ssyncset.done $0x0  }
0x1d4: {  	[sflag:s29] =	ssyncadd.s32 $0xFFFFD800  }
0x1d5: {  	[tilespmem:s28], [sflag:$0x1] =	stream.linear.gather [spmem:s25], $0x2800, $0x38;
	[tilespmem:$0x1B8C0] =	vst v63  }
0x1d6: {  	_ =	swait.ge [sflag:s29], $0x2800  }
0x1d7: {  	[sflag:s29] =	ssyncset.done $0x0  }
0x1d8: {  	[sflag:s29] =	ssyncadd.s32 $0xFFFFD800  }
0x1d9: {  	[hbm4b:s9+s10] =	stream.linear.scatter [tilespmem:s28], [sflag:$0x1], $0x2800, $0x38;
	[tilespmem:$0x1B8C0] =	vst v63  }
0x1da: {  	_ =	swait.ge [sflag:s29], $0x2800  }
0x1db: {  	[sflag:s29] =	ssyncset.done $0x0  }
0x1dc: {  	[sflag:s29] =	ssyncadd.s32 $0xFFFFD800  }
0x1dd: {  	[tilespmem:s28], [sflag:$0x1] =	stream.linear.gather [spmem:s26], $0x2800, $0x38;
	[tilespmem:$0x1B8C0] =	vst v63  }
0x1de: {  	_ =	swait.ge [sflag:s29], $0x2800  }
0x1df: {  	s31 =	sadd.s32 $0x1, s31;
	[sflag:s29] =	ssyncset.done $0x0  }
0x1e0: {  	p0 =	sne.s32 s31, s17;
	[sflag:s29] =	ssyncadd.s32 $0xFFFFD800  }
0x1e1: {  	[hbm4b:s11+s10] =	stream.linear.scatter [tilespmem:s28], [sflag:$0x1], $0x2800, $0x38;
	[tilespmem:$0x1B8C0] =	vst v63  }
.Ltmp2:
0x1e2: {  	_ =	swait.ge [sflag:s29], $0x2800;
	(pc) =	sbr.rel @p0 .LBB2_1-.Ltmp2, $3  }
0x1e3: {  	[sflag:s29] =	ssyncset.done $0x0  }
0x1e4: {  	[sflag:s29] =	ssyncadd.s32 $0xFFFFD800  }
0x1e5: {  	[bflag:$0x0] =	sbarrier.arrive $0xFFFF;
	_ =	sdelay $0x1  }
0x1e6: {  	_ =	sfence.sel $0x180000  }
0x1e7: {  	[bflag:$0x0] =	sbarrier.arrive $0xFFFF  }
0x1e8: {  	_ =	strace $0x9000004D  }
0x1e9: {  	[bflag:$0x2] =	sbarrier.arrive $0xFFFF  }
0x1ea: {  	p0 =	sne.s32 s0, $0x0;
	s0 =	rddreg [dreg:$0x2]  }
0x1eb: {  	s0 =	sadd.s32 @!p0 $0x100000, s0  }
0x1ec: {  	[sflag:s0] =	ssyncadd.tile.s32 @!p0 $0x1;
	_ =	shalt  }
.Lfunc_end2:
_tile_overlayer_lowered:
.L_overlay_start_2:
0x1ed: {  	(tag) =	ssettag $0x2  }
0x1ee: {  	s0 =	rddreg [dreg:$0x0];
	s2 =	stileid.u32  }
0x1ef: {  	s1 =	rddreg [dreg:$0x1];
	p0 =	sne.s32 s2, $0x0  }
0x1f0: {  	s3 =	rddreg [dreg:$0x2];
	[bflag:$0x3] =	sbarrier.arrive $0xFFFF;
	s2 =	simm.s32 @!p0 $0x1C01  }
0x1f1: {  	[timem:s3], [sflag:s2] =	dma.local @!p0 [hbm:s0], s1  }
0x1f2: {  	s0 =	simm.s32 @!p0 $0x1  }
0x1f3: {  	_ =	swait.ge @!p0 [sflag:s0], s1  }
0x1f4: {  	s1 =	ssub.s32 @!p0 $0x0, s1;
	[sflag:s0] =	ssyncset.done @!p0 $0x0  }
0x1f5: {  	[sflag:s0] =	ssyncadd.s32 @!p0 s1  }
0x1f6: {  	[bflag:$0x3] =	sbarrier.arrive $0xFFFF  }
0x1f7: {  	_ =	shalt  }

// kernel: kernel.27.cloned.1.call-start
scs
__scs_entry_jumppad:
0x0: {  	(pc) =	sbr.rel $0x88, $3  }
0x1: {  	(tag) =	ssettag $0x0;
	lr =	simm.s32 $0x1  }
0x2: {  	[smem:$0x3F93] =	sst lr;
	_ =	strace $0xD0000000  }
0x3: {  	_ = 	snop  }
0x4: {  	_ = 	snop  }
0x5: {  	_ = 	snop  }
0x6: {  	_ = 	snop  }
0x7: {  	_ = 	snop  }
__scs_overlays_trampoline_lowered:
0x8: {  	[smem:$0x3FA2] =	sst s0  }
0x9: {  	[smem:$0x3FA3] =	sst s1  }
0xa: {  	[smem:$0x3FA4] =	sst s2  }
0xb: {  	[smem:$0x3FA5] =	sst s3  }
0xc: {  	[smem:$0x3FA6] =	sst s4  }
0xd: {  	[smem:$0x3FA7] =	sst s5  }
0xe: {  	[smem:$0x3FA8] =	sst s6  }
0xf: {  	[smem:$0x3FA9] =	sst s7  }
0x10: {  	[smem:$0x3FAA] =	sst s8  }
0x11: {  	[smem:$0x3FAB] =	sst s9;
	s0 =	simm.s32 @!p0 $0x0  }
0x12: {  	s1 =	sld [smem:$0x3F91];
	s0 =	simm.s32 @p0 $0x1  }
0x13: {  	[smem:$0x3FAC] =	sst s0;
	s0 =	simm.s32 @!p1 $0x0  }
0x14: {  	s2 =	sld [smem:$0x3F90];
	s0 =	simm.s32 @p1 $0x1  }
0x15: {  	[smem:$0x3FAD] =	sst s0;
	s0 =	simm.s32 @!p2 $0x0  }
0x16: {  	s3 =	sld [smem:$0x3FDB];
	s0 =	simm.s32 @p2 $0x1  }
0x17: {  	s4 =	simm.s32 $0x1BF5;
	[smem:$0x3FAF] =	sst s0  }
0x18: {  	s0 =	sld [smem:$0x3F92];
	_ =	swait.ge [sflag:s4], $0x0  }
0x19: {  	s7 =	sld [smem:$0x3F93]  }
0x1a: {  	s8 =	sadd.s32 $0xFFFFE003, lr  }
0x1b: {  	s9 =	sadd.s32 $0xFFFFFEF7, lr;
	s5 =	simm.s32 $0xFFFFFFFF;
	p2 =	slt.u32 s8, $0xFFFFF086  }
0x1c: {  	p1 =	slt.u32 s9, $0xF7A;
	s5 =	simm.s32 @!p2 $0x0  }
0x1d: {  	s5 =	simm.s32 @p1 $0x1;
	p0 =	seq.s32 s7, s2  }
0x1e: {  	s7 =	smul.u32 @!p0 $0xF7A, s2;
	p2 =	seq.s32 @!p0 s5, $0x0  }
0x1f: {  	s9 =	smul.u32 $0xF7A, s1;
	s8 =	simm.s32 @!p0 $0x1BF5;
	p2 =	por !p2, p0  }
0x20: {  	[sflag:s8] =	ssyncset.s32 @!p0 $0xFFFFF086;
	s6 =	sadd.s32 @!p0 s3, s7;
	s7 =	simm.s32 @!p0 $0x108  }
0x21: {  	s3 =	sadd.s32 s3, s9;
	s6 =	sadd.s32 @!p0 $0x88, s6;
	s7 =	simm.s32 @p2 $0x1082  }
0x22: {  	[simem:s7], [sflag:s8] =	dma.local @!p0 [hbm:s6], $0xF7A  }
0x23: {  	s9 =	sor.u32 $0xD0000000, s2;
	s6 =	simm.s32 $0x108;
	_ =	swait.ge @!p0 [sflag:s8], $0x0  }
0x24: {  	s3 =	sadd.s32 $0x88, s3;
	s6 =	simm.s32 @!p1 $0x1082;
	[sflag:s4] =	ssyncset.s32 $0xFFFFF086  }
0x25: {  	[simem:s6], [sflag:s4] =	dma.local [hbm:s3], $0xF7A  }
0x26: {  	[smem:$0x3F93] =	sst s1;
	(tag) =	ssettag s2;
	_ =	strace s9  }
0x27: {  	s1 =	sld [smem:$0x3FA3]  }
0x28: {  	s2 =	sld [smem:$0x3FA4]  }
0x29: {  	s4 =	sld [smem:$0x3FA6]  }
0x2a: {  	p0 =	seq.s32 s5, $0x0;
	s5 =	sld [smem:$0x3FA7]  }
0x2b: {  	s6 =	sld [smem:$0x3FA8]  }
0x2c: {  	s7 =	sld [smem:$0x3FA9]  }
0x2d: {  	s3 =	simm.s32 $0x108;
	s8 =	sld [smem:$0x3FAA]  }
0x2e: {  	s3 =	simm.s32 @!p0 $0x1082;
	s9 =	sld [smem:$0x3FAB]  }
0x2f: {  	lr =	sadd.s32 s0, s3;
	s0 =	sld [smem:$0x3FA2]  }
0x30: {  	s3 =	sld [smem:$0x3FA5]  }
0x31: {  	[smem:$0x3FAE] =	sst s10  }
0x32: {  	s10 =	sld [smem:$0x3FAC];
	_ =	sdelay $0x3  }
0x33: {  	p0 =	seq.s32 s10, $0x1;
	s10 =	sld [smem:$0x3FAE];
	_ =	sdelay $0x3  }
0x34: {  	[smem:$0x3FAE] =	sst s10  }
0x35: {  	s10 =	sld [smem:$0x3FAD];
	_ =	sdelay $0x3  }
0x36: {  	p1 =	seq.s32 s10, $0x1;
	s10 =	sld [smem:$0x3FAE];
	_ =	sdelay $0x3  }
0x37: {  	[smem:$0x3FAE] =	sst s10  }
0x38: {  	s10 =	sld [smem:$0x3FAF]  }
0x39: {  	_ = 	snop;
	(pc) =	sbr.ind lr, $3  }
0x3a: {  	_ = 	snop  }
0x3b: {  	_ = 	snop  }
0x3c: {  	p2 =	seq.s32 s10, $0x1;
	s10 =	sld [smem:$0x3FAE]  }
0x3d: {  	_ =	shalt  }
0x3e: {  	_ =	shalt  }
0x3f: {  	_ =	shalt  }
0x40: {  	_ =	shalt  }
0x41: {  	_ =	shalt  }
0x42: {  	_ =	shalt  }
0x43: {  	_ =	shalt  }
0x44: {  	_ =	shalt  }
0x45: {  	_ =	shalt  }
0x46: {  	_ =	shalt  }
0x47: {  	_ =	shalt  }
0x48: {  	_ =	shalt  }
0x49: {  	_ =	shalt  }
0x4a: {  	_ =	shalt  }
0x4b: {  	_ =	shalt  }
0x4c: {  	_ =	shalt  }
0x4d: {  	_ =	shalt  }
0x4e: {  	_ =	shalt  }
0x4f: {  	_ =	shalt  }
0x50: {  	_ =	shalt  }
0x51: {  	_ =	shalt  }
0x52: {  	_ =	shalt  }
0x53: {  	_ =	shalt  }
0x54: {  	_ =	shalt  }
0x55: {  	_ =	shalt  }
0x56: {  	_ =	shalt  }
0x57: {  	_ =	shalt  }
0x58: {  	_ =	shalt  }
0x59: {  	_ =	shalt  }
0x5a: {  	_ =	shalt  }
0x5b: {  	_ =	shalt  }
0x5c: {  	_ =	shalt  }
0x5d: {  	_ =	shalt  }
0x5e: {  	_ =	shalt  }
0x5f: {  	_ =	shalt  }
0x60: {  	_ =	shalt  }
0x61: {  	_ =	shalt  }
0x62: {  	_ =	shalt  }
0x63: {  	_ =	shalt  }
0x64: {  	_ =	shalt  }
0x65: {  	_ =	shalt  }
0x66: {  	_ =	shalt  }
0x67: {  	_ =	shalt  }
0x68: {  	_ =	shalt  }
0x69: {  	_ =	shalt  }
0x6a: {  	_ =	shalt  }
0x6b: {  	_ =	shalt  }
0x6c: {  	_ =	shalt  }
0x6d: {  	_ =	shalt  }
0x6e: {  	_ =	shalt  }
0x6f: {  	_ =	shalt  }
0x70: {  	_ =	shalt  }
0x71: {  	_ =	shalt  }
0x72: {  	_ =	shalt  }
0x73: {  	_ =	shalt  }
0x74: {  	_ =	shalt  }
0x75: {  	_ =	shalt  }
0x76: {  	_ =	shalt  }
0x77: {  	_ =	shalt  }
0x78: {  	_ =	shalt  }
0x79: {  	_ =	shalt  }
0x7a: {  	_ =	shalt  }
0x7b: {  	_ =	shalt  }
0x7c: {  	_ =	shalt  }
0x7d: {  	_ =	shalt  }
0x7e: {  	_ =	shalt  }
0x7f: {  	_ =	shalt  }
0x80: {  	_ =	shalt  }
0x81: {  	_ =	shalt  }
0x82: {  	_ =	shalt  }
0x83: {  	_ =	shalt  }
0x84: {  	_ =	shalt  }
0x85: {  	_ =	shalt  }
0x86: {  	_ =	shalt  }
0x87: {  	_ =	shalt  }
.Lfunc_end0:
.L_simem_size_0:
called_computation.3_lowered:
.L_overlay_start_0:
0x88: {  	s2 =	sld [smem:$0x3FD9]  }
0x89: {  	s3 =	sld [smem:$0x3FFE];
	_ =	sdelay $0x1  }
0x8a: {  	s1 =	srdreg.scid  }
0x8b: {  	s0 =	sand.u32 $0x1, s1  }
0x8c: {  	s16 =	sshll.u32 s0, $0xA;
	s2 =	sadd.s32 s3, s2  }
0x8d: {  	s2 =	sadd.s32 s2, s16  }
0x8e: {  	[smem:$0x3FBA] =	sst s2  }
0x8f: {  	_ = 	snop  }
0x90: {  	(tm) =	ssettm $0x1  }
0x91: {  	s17 =	sld [smem:$0x3FFB];
	_ =	sdelay $0x3  }
0x92: {  	_ =	strace s17  }
0x93: {  	s2 =	sld [smem:$0x3FFC];
	_ =	sdelay $0x3  }
0x94: {  	_ =	strace s2  }
0x95: {  	s2 =	sld [smem:$0x3FFD];
	_ =	sdelay $0x3  }
0x96: {  	_ =	strace s2  }
0x97: {  	_ =	strace $0x8FFFFFFF  }
0x98: {  	s18 =	sld [smem:$0x3FDB];
	_ =	sdelay $0x1  }
0x99: {  	s19 =	simm.s32 $_scs_section_size  }
0x9a: {  	s4 =	simm.s32 $_size__tile_overlayer_lowered;
	s5 =	simm.s32 $_tile_overlayer_lowered  }
0x9b: {  	s22 =	simm.s32 $0x1BFF;
	s21 =	sshll.u32 s5, $0x1;
	s2 =	sadd.s32 s19, s18  }
0x9c: {  	s6 =	simm.s32 $0x0;
	s20 =	sshll.u32 s4, $0x1;
	s4 =	sadd.s32 s21, s2  }
0x9d: {  	[timem:s6], [sflag:s22] =	dma.local [hbm:s4], s20  }
0x9e: {  	_ =	swait.ge [sflag:s22], s20  }
0x9f: {  	s3 =	ssub.s32 $0x0, s20;
	[sflag:s22] =	ssyncset.done $0x0  }
0xa0: {  	[sflag:s22] =	ssyncadd.s32 s3;
	_ =	sdelay $0x1  }
0xa1: {  	s23 =	simm.s32 $0x1B8B  }
0xa2: {  	_ =	swait.ge [sflag:s23], $0x1  }
0xa3: {  	[sflag:s23] =	ssyncset.done $0x0  }
0xa4: {  	s25 =	simm.s32 $0x1B8E;
	s24 =	sld [smem:$0x3FFE];
	[sflag:s23] =	ssyncadd.s32 $0xFFFFFFFF  }
0xa5: {  	s26 =	simm.s32 $execute0_lowered;
	[smem:$0x3FD2] =	sst s25  }
0xa6: {  	s4 =	sshll.u32 s26, $0x1;
	_ =	strace $0x8000004F;
	[dreg:$0x1] =	wrdreg $0xFFFFFFFF  }
0xa7: {  	s28 =	simm.s32 $_size_execute0_lowered;
	s2 =	sadd.s32 s2, s4;
	[dreg:$0x0] =	wrdreg $0x0  }
0xa8: {  	s4 =	sshll.u32 s28, $0x1;
	[dreg:$0x2] =	wrdreg s2  }
0xa9: {  	[dreg:$0x3] =	wrdreg s4  }
0xaa: {  	[dreg:$0x4] =	wrdreg $0xC0  }
0xab: {  	_ =	task [dreg:s6], $0x5FFFF  }
0xac: {  	[dreg:$0x1] =	wrdreg $0xFFFFFFFF  }
0xad: {  	[dreg:$0x0] =	wrdreg $0x60  }
0xae: {  	[dreg:$0x2] =	wrdreg s24  }
0xaf: {  	[dreg:$0x3] =	wrdreg $0x9  }
0xb0: {  	_ =	task.clear_ibuf [dreg:s6], $0x4FFFF;
	_ =	strace $0x9000004F  }
0xb1: {  	s29 =	simm.s32 $0x9;
	_ =	strace $0x80000051  }
0xb2: {  	_ =	swait.ge [sflag:s29], $0x1  }
0xb3: {  	[sflag:s29] =	ssyncadd.s32 $0xFFFFFFFF  }
0xb4: {  	_ =	strace $0x90000051  }
0xb5: {  	_ =	sfence  }
0xb6: {  	s30 =	sld [smem:$0x0];
	_ =	sdelay $0x2  }
0xb7: {  	s31 =	sshll.u32 s1, $0xD;
	s1 =	sshrl.u32 s1, $0x2  }
0xb8: {  	s3 =	sand.u32 $0x4000, s31;
	s1 =	sadd.s32 s1, s30  }
0xb9: {  	s0 =	sor.u32 s3, s0;
	s1 =	sshll.u32 s1, $0x11  }
0xba: {  	s0 =	sor.u32 s1, s0  }
0xbb: {  	s0 =	sadd.s32 $0x8F2B, s0  }
0xbc: {  	[sflag:s0] =	ssyncadd.remote.s32 $0x1  }
0xbd: {  	_ =	sfence.sel $0xFFFF  }
0xbe: {  	[dreg:$0x0] =	wrdreg $0xFFFFFFFF;
	(pc) =	sbr.abs _section_cstart, $3  }
0xbf: {  	[dreg:$0x1] =	wrdreg $0xFFFFFFFF  }
0xc0: {  	_ =	task.clear_ibuf [dreg:s6], $0x2FFFF;
	_ =	strace $0x9FFFFFFF  }
0xc1: {  	(tm) =	ssettm $0x7FFFFFFF  }
tec
execute0_lowered:
.L_overlay_start_1:
0x0: {  	(tag) =	ssettag $0x1  }
0x1: {  	s4 =	rddreg [dreg:$0x0]  }
0x2: {  	s0 =	rddreg [dreg:$0x1]  }
0x3: {  	s3 =	srdreg.scid;
	s1 =	stileid.u32;
	s2 =	simm.s32 $0x0  }
0x4: {  	s14 =	simm.s32 $0x0;
	s5 =	sand.u32 $0x1, s3;
	s9 =	smul.u32 $0xC350, s1  }
0x5: {  	s29 =	sshll.u32 s1, $0x1;
	[smem:$0x7FF] =	sst s2;
	s31 =	smul.u32 $0xC3500, s1  }
0x6: {  	s8 =	sadd.s32 $0xE6C00, s4;
	s3 =	sor.u32 s5, s29;
	s12 =	smul.u32 $0x61A8, s5  }
0x7: {  	s7 =	sadd.s32 $0x1C7400, s4;
	s30 =	ssub.s32 $0x2, s5;
	s6 =	smul.u32 $0x61A8, s3  }
0x8: {  	_ =	strace $0x80000050;
	s13 =	smul.u32 $0x61A80, s5;
	s10 =	sshrl.u32 s30, $0x1  }
0x9: {  	s3 =	sadd.s32 $0x4800, s4;
	s10 =	ssub.s32 s30, s10;
	s6 =	sadd.s32 $0x60A8, s6  }
0xa: {  	s9 =	sadd.s32 s12, s9;
	s12 =	simm.s32 $0x4100;
	s11 =	sshrl.u32 s6, $0x3  }
0xb: {  	s9 =	sshrl.u32 s9, $0x3;
	s6 =	sshll.u32 s6, $0x4;
	s4 =	sadd.s32 s8, s11  }
0xc: {  	s5 =	sadd.s32 s7, s6;
	s7 =	sadd.s32 s31, s7;
	s6 =	smax.u32 s10, $0x1  }
0xd: {  	s8 =	sadd.s32 s9, s8;
	s9 =	simm.s32 $0x2;
	s10 =	simm.s32 $0x80  }
0xe: {  	s11 =	simm.s32 $0x100;
	s7 =	sadd.s32 s13, s7;
	s13 =	simm.s32 $0x1  }
.LBB2_1:
0xf: {  	s15 =	sadd.s32 $0x0, s8  }
0x10: {  	[tilespmem:s2], [sflag:$0x2] =	stream.linear.gather [hbm4b:s15+s2], $0x100, $0x38;
	[tilespmem:$0x8100] =	vst v63  }
0x11: {  	_ =	swait.ge [sflag:s9], $0x100  }
0x12: {  	[sflag:s9] =	ssyncset.done $0x0  }
0x13: {  	[sflag:s9] =	ssyncadd.s32 $0xFFFFFF00  }
0x14: {  	[tilespmem:s11], [sflag:$0x1] =	stream.indirect.gather [hbm4b:s3+s10], $0x80, s2, s10, $0xb8;
	[tilespmem:$0x8100] =	vst v63  }
0x15: {  	_ = 	snop  }
0x16: {  	[tilespmem:s12], [sflag:$0x1] =	stream.indirect.gather [hbm4b:s3+s10], $0x80, s10, s10, $0xb8;
	[tilespmem:$0x8100] =	vst v63  }
0x17: {  	_ =	swait.ge [sflag:s13], $0x4000  }
0x18: {  	[sflag:s13] =	ssyncset.done $0x0  }
0x19: {  	[sflag:s13] =	ssyncadd.s32 $0xFFFFC000  }
0x1a: {  	_ =	swait.ge [sflag:s13], $0x4000  }
0x1b: {  	[sflag:s13] =	ssyncset.done $0x0  }
0x1c: {  	[sflag:s13] =	ssyncadd.s32 $0xFFFFC000  }
0x1d: {  	[hbm4b:s7+s2] =	stream.linear.scatter [tilespmem:s11], [sflag:$0x2], $0x8000, $0x38;
	[tilespmem:$0x8100] =	vst v63  }
0x1e: {  	s16 =	simm.s32 $0x20;
	_ =	swait.ge [sflag:s9], $0x8000  }
0x1f: {  	s17 =	simm.s32 $0x40;
	s15 =	sadd.s32 $0x1000, s7;
	[sflag:s9] =	ssyncset.done $0x0  }
.LBB2_2:
0x20: {  	s18 =	sadd.s32 s16, s8  }
0x21: {  	[sflag:s9] =	ssyncadd.s32 $0xFFFF8000;
	s16 =	smov.u32 s17;
	s19 =	sadd.s32 $0x20, s17  }
0x22: {  	[tilespmem:s2], [sflag:$0x2] =	stream.linear.gather [hbm4b:s18+s2], $0x100, $0x38;
	[tilespmem:$0x8100] =	vst v63  }
0x23: {  	p0 =	sne.s32 s17, $0xC00;
	_ =	swait.ge [sflag:s9], $0x100  }
0x24: {  	[sflag:s9] =	ssyncset.done $0x0  }
0x25: {  	[sflag:s9] =	ssyncadd.s32 $0xFFFFFF00  }
0x26: {  	[tilespmem:s11], [sflag:$0x1] =	stream.indirect.gather [hbm4b:s3+s10], $0x80, s2, s10, $0xb8;
	[tilespmem:$0x8100] =	vst v63  }
0x27: {  	_ = 	snop  }
0x28: {  	[tilespmem:s12], [sflag:$0x1] =	stream.indirect.gather [hbm4b:s3+s10], $0x80, s10, s10, $0xb8;
	[tilespmem:$0x8100] =	vst v63  }
0x29: {  	_ =	swait.ge [sflag:s13], $0x4000  }
0x2a: {  	[sflag:s13] =	ssyncset.done $0x0  }
0x2b: {  	[sflag:s13] =	ssyncadd.s32 $0xFFFFC000  }
0x2c: {  	_ =	swait.ge [sflag:s13], $0x4000  }
.Ltmp0:
0x2d: {  	[sflag:s13] =	ssyncset.done $0x0;
	(pc) =	sbr.rel @p0 .LBB2_2-.Ltmp0, $4  }
0x2e: {  	[sflag:s13] =	ssyncadd.s32 $0xFFFFC000  }
0x2f: {  	[hbm4b:s15+s2] =	stream.linear.scatter [tilespmem:s11], [sflag:$0x2], $0x8000, $0x38;
	[tilespmem:$0x8100] =	vst v63  }
0x30: {  	_ =	swait.ge [sflag:s9], $0x8000  }
0x31: {  	s17 =	smov.u32 s19;
	s15 =	sadd.s32 $0x1000, s15;
	[sflag:s9] =	ssyncset.done $0x0  }
0x32: {  	s16 =	sadd.s32 s16, s8;
	[sflag:s9] =	ssyncadd.s32 $0xFFFF8000  }
0x33: {  	[tilespmem:s2], [sflag:$0x2] =	stream.linear.gather [hbm4b:s16+s2], $0x100, $0x38;
	[tilespmem:$0x8100] =	vst v63  }
0x34: {  	_ =	swait.ge [sflag:s9], $0x100  }
0x35: {  	[sflag:s9] =	ssyncset.done $0x0  }
0x36: {  	[sflag:s9] =	ssyncadd.s32 $0xFFFFFF00  }
0x37: {  	[tilespmem:s11], [sflag:$0x1] =	stream.indirect.gather [hbm4b:s3+s10], $0x80, s2, s10, $0xb8;
	[tilespmem:$0x8100] =	vst v63  }
0x38: {  	_ = 	snop  }
0x39: {  	[tilespmem:s12], [sflag:$0x1] =	stream.indirect.gather [hbm4b:s3+s10], $0x80, s10, s10, $0xb8;
	[tilespmem:$0x8100] =	vst v63  }
0x3a: {  	_ =	swait.ge [sflag:s13], $0x4000  }
0x3b: {  	[sflag:s13] =	ssyncset.done $0x0  }
0x3c: {  	[sflag:s13] =	ssyncadd.s32 $0xFFFFC000  }
0x3d: {  	_ =	swait.ge [sflag:s13], $0x4000  }
0x3e: {  	[sflag:s13] =	ssyncset.done $0x0  }
0x3f: {  	[sflag:s13] =	ssyncadd.s32 $0xFFFFC000  }
0x40: {  	[hbm4b:s15+s2] =	stream.linear.scatter [tilespmem:s11], [sflag:$0x2], $0x8000, $0x38;
	[tilespmem:$0x8100] =	vst v63  }
0x41: {  	_ =	swait.ge [sflag:s9], $0x8000  }
0x42: {  	[sflag:s9] =	ssyncset.done $0x0  }
0x43: {  	[sflag:s9] =	ssyncadd.s32 $0xFFFF8000  }
0x44: {  	[tilespmem:s2], [sflag:$0x2] =	stream.linear.gather [hbm4b:s4+s2], $0x100, $0x38;
	[tilespmem:$0x8100] =	vst v63  }
0x45: {  	_ =	swait.ge [sflag:s9], $0x100  }
0x46: {  	[sflag:s9] =	ssyncset.done $0x0  }
0x47: {  	[sflag:s9] =	ssyncadd.s32 $0xFFFFFF00  }
0x48: {  	[tilespmem:s11], [sflag:$0x1] =	stream.indirect.gather [hbm4b:s3+s10], $0x80, s2, s10, $0xb8;
	[tilespmem:$0x8100] =	vst v63  }
0x49: {  	_ = 	snop  }
0x4a: {  	[tilespmem:s12], [sflag:$0x1] =	stream.indirect.gather [hbm4b:s3+s10], $0x80, s10, s10, $0xb8;
	[tilespmem:$0x8100] =	vst v63  }
0x4b: {  	_ =	swait.ge [sflag:s13], $0x4000  }
0x4c: {  	[sflag:s13] =	ssyncset.done $0x0  }
0x4d: {  	[sflag:s13] =	ssyncadd.s32 $0xFFFFC000  }
0x4e: {  	s14 =	sadd.s32 $0x1, s14;
	_ =	swait.ge [sflag:s13], $0x4000  }
0x4f: {  	p0 =	sne.s32 s14, s6;
	[sflag:s13] =	ssyncset.done $0x0  }
.Ltmp1:
0x50: {  	[sflag:s13] =	ssyncadd.s32 $0xFFFFC000;
	(pc) =	sbr.rel @p0 .LBB2_1-.Ltmp1, $4  }
0x51: {  	[hbm4b:s5+s2] =	stream.linear.scatter [tilespmem:s11], [sflag:$0x2], $0x8000, $0x38;
	[tilespmem:$0x8100] =	vst v63  }
0x52: {  	_ =	swait.ge [sflag:s9], $0x8000  }
0x53: {  	[sflag:s9] =	ssyncset.done $0x0  }
0x54: {  	[sflag:s9] =	ssyncadd.s32 $0xFFFF8000  }
0x55: {  	_ =	sfence.sel $0x180000  }
0x56: {  	[bflag:$0x0] =	sbarrier.arrive $0xFFFF  }
0x57: {  	p0 =	sne.s32 s1, $0x0;
	_ =	strace $0x90000050  }
0x58: {  	s0 =	sadd.s32 @!p0 $0x100000, s0;
	[bflag:$0x2] =	sbarrier.arrive $0xFFFF  }
0x59: {  	[sflag:s0] =	ssyncadd.tile.s32 @!p0 $0x1;
	_ =	shalt  }
.Lfunc_end2:
_tile_overlayer_lowered:
.L_overlay_start_2:
0x5a: {  	(tag) =	ssettag $0x2  }
0x5b: {  	s0 =	rddreg [dreg:$0x0];
	s2 =	stileid.u32  }
0x5c: {  	s1 =	rddreg [dreg:$0x1];
	p0 =	sne.s32 s2, $0x0  }
0x5d: {  	s3 =	rddreg [dreg:$0x2];
	[bflag:$0x3] =	sbarrier.arrive $0xFFFF;
	s2 =	simm.s32 @!p0 $0x1C02  }
0x5e: {  	[timem:s3], [sflag:s2] =	dma.local @!p0 [hbm:s0], s1  }
0x5f: {  	s0 =	simm.s32 @!p0 $0x2  }
0x60: {  	_ =	swait.ge @!p0 [sflag:s0], s1  }
0x61: {  	s1 =	ssub.s32 @!p0 $0x0, s1;
	[sflag:s0] =	ssyncset.done @!p0 $0x0  }
0x62: {  	[sflag:s0] =	ssyncadd.s32 @!p0 s1  }
0x63: {  	[bflag:$0x3] =	sbarrier.arrive $0xFFFF  }
0x64: {  	_ =	shalt  }

// kernel: kernel.30.cloned.1.call-start
scs
__scs_entry_jumppad:
0x0: {  	(pc) =	sbr.rel $0x88, $3  }
0x1: {  	(tag) =	ssettag $0x0;
	lr =	simm.s32 $0x1  }
0x2: {  	[smem:$0x3F93] =	sst lr;
	_ =	strace $0xD0000000  }
0x3: {  	_ = 	snop  }
0x4: {  	_ = 	snop  }
0x5: {  	_ = 	snop  }
0x6: {  	_ = 	snop  }
0x7: {  	_ = 	snop  }
__scs_overlays_trampoline_lowered:
0x8: {  	[smem:$0x3FA2] =	sst s0  }
0x9: {  	[smem:$0x3FA3] =	sst s1  }
0xa: {  	[smem:$0x3FA4] =	sst s2  }
0xb: {  	[smem:$0x3FA5] =	sst s3  }
0xc: {  	[smem:$0x3FA6] =	sst s4  }
0xd: {  	[smem:$0x3FA7] =	sst s5  }
0xe: {  	[smem:$0x3FA8] =	sst s6  }
0xf: {  	[smem:$0x3FA9] =	sst s7  }
0x10: {  	[smem:$0x3FAA] =	sst s8  }
0x11: {  	[smem:$0x3FAB] =	sst s9;
	s0 =	simm.s32 @!p0 $0x0  }
0x12: {  	s1 =	sld [smem:$0x3F91];
	s0 =	simm.s32 @p0 $0x1  }
0x13: {  	[smem:$0x3FAC] =	sst s0;
	s0 =	simm.s32 @!p1 $0x0  }
0x14: {  	s2 =	sld [smem:$0x3F90];
	s0 =	simm.s32 @p1 $0x1  }
0x15: {  	[smem:$0x3FAD] =	sst s0;
	s0 =	simm.s32 @!p2 $0x0  }
0x16: {  	s3 =	sld [smem:$0x3FDB];
	s0 =	simm.s32 @p2 $0x1  }
0x17: {  	s4 =	simm.s32 $0x1BF5;
	[smem:$0x3FAF] =	sst s0  }
0x18: {  	s0 =	sld [smem:$0x3F92];
	_ =	swait.ge [sflag:s4], $0x0  }
0x19: {  	s7 =	sld [smem:$0x3F93]  }
0x1a: {  	s8 =	sadd.s32 $0xFFFFE003, lr  }
0x1b: {  	s9 =	sadd.s32 $0xFFFFFEF7, lr;
	s5 =	simm.s32 $0xFFFFFFFF;
	p2 =	slt.u32 s8, $0xFFFFF086  }
0x1c: {  	p1 =	slt.u32 s9, $0xF7A;
	s5 =	simm.s32 @!p2 $0x0  }
0x1d: {  	s5 =	simm.s32 @p1 $0x1;
	p0 =	seq.s32 s7, s2  }
0x1e: {  	s7 =	smul.u32 @!p0 $0xF7A, s2;
	p2 =	seq.s32 @!p0 s5, $0x0  }
0x1f: {  	s9 =	smul.u32 $0xF7A, s1;
	s8 =	simm.s32 @!p0 $0x1BF5;
	p2 =	por !p2, p0  }
0x20: {  	[sflag:s8] =	ssyncset.s32 @!p0 $0xFFFFF086;
	s6 =	sadd.s32 @!p0 s3, s7;
	s7 =	simm.s32 @!p0 $0x108  }
0x21: {  	s3 =	sadd.s32 s3, s9;
	s6 =	sadd.s32 @!p0 $0x88, s6;
	s7 =	simm.s32 @p2 $0x1082  }
0x22: {  	[simem:s7], [sflag:s8] =	dma.local @!p0 [hbm:s6], $0xF7A  }
0x23: {  	s9 =	sor.u32 $0xD0000000, s2;
	s6 =	simm.s32 $0x108;
	_ =	swait.ge @!p0 [sflag:s8], $0x0  }
0x24: {  	s3 =	sadd.s32 $0x88, s3;
	s6 =	simm.s32 @!p1 $0x1082;
	[sflag:s4] =	ssyncset.s32 $0xFFFFF086  }
0x25: {  	[simem:s6], [sflag:s4] =	dma.local [hbm:s3], $0xF7A  }
0x26: {  	[smem:$0x3F93] =	sst s1;
	(tag) =	ssettag s2;
	_ =	strace s9  }
0x27: {  	s1 =	sld [smem:$0x3FA3]  }
0x28: {  	s2 =	sld [smem:$0x3FA4]  }
0x29: {  	s4 =	sld [smem:$0x3FA6]  }
0x2a: {  	p0 =	seq.s32 s5, $0x0;
	s5 =	sld [smem:$0x3FA7]  }
0x2b: {  	s6 =	sld [smem:$0x3FA8]  }
0x2c: {  	s7 =	sld [smem:$0x3FA9]  }
0x2d: {  	s3 =	simm.s32 $0x108;
	s8 =	sld [smem:$0x3FAA]  }
0x2e: {  	s3 =	simm.s32 @!p0 $0x1082;
	s9 =	sld [smem:$0x3FAB]  }
0x2f: {  	lr =	sadd.s32 s0, s3;
	s0 =	sld [smem:$0x3FA2]  }
0x30: {  	s3 =	sld [smem:$0x3FA5]  }
0x31: {  	[smem:$0x3FAE] =	sst s10  }
0x32: {  	s10 =	sld [smem:$0x3FAC];
	_ =	sdelay $0x3  }
0x33: {  	p0 =	seq.s32 s10, $0x1;
	s10 =	sld [smem:$0x3FAE];
	_ =	sdelay $0x3  }
0x34: {  	[smem:$0x3FAE] =	sst s10  }
0x35: {  	s10 =	sld [smem:$0x3FAD];
	_ =	sdelay $0x3  }
0x36: {  	p1 =	seq.s32 s10, $0x1;
	s10 =	sld [smem:$0x3FAE];
	_ =	sdelay $0x3  }
0x37: {  	[smem:$0x3FAE] =	sst s10  }
0x38: {  	s10 =	sld [smem:$0x3FAF]  }
0x39: {  	_ = 	snop;
	(pc) =	sbr.ind lr, $3  }
0x3a: {  	_ = 	snop  }
0x3b: {  	_ = 	snop  }
0x3c: {  	p2 =	seq.s32 s10, $0x1;
	s10 =	sld [smem:$0x3FAE]  }
0x3d: {  	_ =	shalt  }
0x3e: {  	_ =	shalt  }
0x3f: {  	_ =	shalt  }
0x40: {  	_ =	shalt  }
0x41: {  	_ =	shalt  }
0x42: {  	_ =	shalt  }
0x43: {  	_ =	shalt  }
0x44: {  	_ =	shalt  }
0x45: {  	_ =	shalt  }
0x46: {  	_ =	shalt  }
0x47: {  	_ =	shalt  }
0x48: {  	_ =	shalt  }
0x49: {  	_ =	shalt  }
0x4a: {  	_ =	shalt  }
0x4b: {  	_ =	shalt  }
0x4c: {  	_ =	shalt  }
0x4d: {  	_ =	shalt  }
0x4e: {  	_ =	shalt  }
0x4f: {  	_ =	shalt  }
0x50: {  	_ =	shalt  }
0x51: {  	_ =	shalt  }
0x52: {  	_ =	shalt  }
0x53: {  	_ =	shalt  }
0x54: {  	_ =	shalt  }
0x55: {  	_ =	shalt  }
0x56: {  	_ =	shalt  }
0x57: {  	_ =	shalt  }
0x58: {  	_ =	shalt  }
0x59: {  	_ =	shalt  }
0x5a: {  	_ =	shalt  }
0x5b: {  	_ =	shalt  }
0x5c: {  	_ =	shalt  }
0x5d: {  	_ =	shalt  }
0x5e: {  	_ =	shalt  }
0x5f: {  	_ =	shalt  }
0x60: {  	_ =	shalt  }
0x61: {  	_ =	shalt  }
0x62: {  	_ =	shalt  }
0x63: {  	_ =	shalt  }
0x64: {  	_ =	shalt  }
0x65: {  	_ =	shalt  }
0x66: {  	_ =	shalt  }
0x67: {  	_ =	shalt  }
0x68: {  	_ =	shalt  }
0x69: {  	_ =	shalt  }
0x6a: {  	_ =	shalt  }
0x6b: {  	_ =	shalt  }
0x6c: {  	_ =	shalt  }
0x6d: {  	_ =	shalt  }
0x6e: {  	_ =	shalt  }
0x6f: {  	_ =	shalt  }
0x70: {  	_ =	shalt  }
0x71: {  	_ =	shalt  }
0x72: {  	_ =	shalt  }
0x73: {  	_ =	shalt  }
0x74: {  	_ =	shalt  }
0x75: {  	_ =	shalt  }
0x76: {  	_ =	shalt  }
0x77: {  	_ =	shalt  }
0x78: {  	_ =	shalt  }
0x79: {  	_ =	shalt  }
0x7a: {  	_ =	shalt  }
0x7b: {  	_ =	shalt  }
0x7c: {  	_ =	shalt  }
0x7d: {  	_ =	shalt  }
0x7e: {  	_ =	shalt  }
0x7f: {  	_ =	shalt  }
0x80: {  	_ =	shalt  }
0x81: {  	_ =	shalt  }
0x82: {  	_ =	shalt  }
0x83: {  	_ =	shalt  }
0x84: {  	_ =	shalt  }
0x85: {  	_ =	shalt  }
0x86: {  	_ =	shalt  }
0x87: {  	_ =	shalt  }
.Lfunc_end0:
.L_simem_size_0:
called_computation.4_lowered:
.L_overlay_start_0:
0x88: {  	s2 =	sld [smem:$0x3FD9]  }
0x89: {  	s3 =	sld [smem:$0x3FFE];
	_ =	sdelay $0x1  }
0x8a: {  	s1 =	srdreg.scid  }
0x8b: {  	s0 =	sand.u32 $0x1, s1  }
0x8c: {  	s16 =	sshll.u32 s0, $0xA;
	s2 =	sadd.s32 s3, s2  }
0x8d: {  	s2 =	sadd.s32 s2, s16  }
0x8e: {  	[smem:$0x3FBA] =	sst s2  }
0x8f: {  	_ = 	snop  }
0x90: {  	(tm) =	ssettm $0x1  }
0x91: {  	s17 =	sld [smem:$0x3FFB];
	_ =	sdelay $0x3  }
0x92: {  	_ =	strace s17  }
0x93: {  	s2 =	sld [smem:$0x3FFC];
	_ =	sdelay $0x3  }
0x94: {  	_ =	strace s2  }
0x95: {  	s2 =	sld [smem:$0x3FFD];
	_ =	sdelay $0x3  }
0x96: {  	_ =	strace s2  }
0x97: {  	_ =	strace $0x8FFFFFFF  }
0x98: {  	s18 =	sld [smem:$0x3FDB];
	_ =	sdelay $0x1  }
0x99: {  	s19 =	simm.s32 $_scs_section_size  }
0x9a: {  	s4 =	simm.s32 $_size__tile_overlayer_lowered;
	s5 =	simm.s32 $_tile_overlayer_lowered  }
0x9b: {  	s22 =	simm.s32 $0x1BFF;
	s21 =	sshll.u32 s5, $0x1;
	s2 =	sadd.s32 s19, s18  }
0x9c: {  	s6 =	simm.s32 $0x0;
	s20 =	sshll.u32 s4, $0x1;
	s4 =	sadd.s32 s21, s2  }
0x9d: {  	[timem:s6], [sflag:s22] =	dma.local [hbm:s4], s20  }
0x9e: {  	_ =	swait.ge [sflag:s22], s20  }
0x9f: {  	s3 =	ssub.s32 $0x0, s20;
	[sflag:s22] =	ssyncset.done $0x0  }
0xa0: {  	[sflag:s22] =	ssyncadd.s32 s3;
	_ =	sdelay $0x1  }
0xa1: {  	s23 =	simm.s32 $0x1B8B  }
0xa2: {  	_ =	swait.ge [sflag:s23], $0x1  }
0xa3: {  	[sflag:s23] =	ssyncset.done $0x0  }
0xa4: {  	s25 =	simm.s32 $0x1B8E;
	s24 =	sld [smem:$0x3FFE];
	[sflag:s23] =	ssyncadd.s32 $0xFFFFFFFF  }
0xa5: {  	s26 =	simm.s32 $execute0_lowered;
	[smem:$0x3FD2] =	sst s25  }
0xa6: {  	s4 =	sshll.u32 s26, $0x1;
	_ =	strace $0x80000052;
	[dreg:$0x1] =	wrdreg $0xFFFFFFFF  }
0xa7: {  	s28 =	simm.s32 $_size_execute0_lowered;
	s2 =	sadd.s32 s2, s4;
	[dreg:$0x0] =	wrdreg $0x0  }
0xa8: {  	s4 =	sshll.u32 s28, $0x1;
	[dreg:$0x2] =	wrdreg s2  }
0xa9: {  	[dreg:$0x3] =	wrdreg s4  }
0xaa: {  	[dreg:$0x4] =	wrdreg $0xC0  }
0xab: {  	_ =	task [dreg:s6], $0x5FFFF  }
0xac: {  	[dreg:$0x1] =	wrdreg $0xFFFFFFFF  }
0xad: {  	[dreg:$0x0] =	wrdreg $0x60  }
0xae: {  	[dreg:$0x2] =	wrdreg s24  }
0xaf: {  	[dreg:$0x3] =	wrdreg $0x28800  }
0xb0: {  	[dreg:$0x4] =	wrdreg $0x9  }
0xb1: {  	_ =	task.clear_ibuf [dreg:s6], $0x5FFFF;
	_ =	strace $0x90000052  }
0xb2: {  	s29 =	simm.s32 $0x9;
	_ =	strace $0x80000054  }
0xb3: {  	_ =	swait.ge [sflag:s29], $0x1  }
0xb4: {  	[sflag:s29] =	ssyncadd.s32 $0xFFFFFFFF  }
0xb5: {  	_ =	strace $0x90000054  }
0xb6: {  	_ =	sfence  }
0xb7: {  	s30 =	sld [smem:$0x0];
	_ =	sdelay $0x2  }
0xb8: {  	s31 =	sshll.u32 s1, $0xD;
	s1 =	sshrl.u32 s1, $0x2  }
0xb9: {  	s3 =	sand.u32 $0x4000, s31;
	s1 =	sadd.s32 s1, s30  }
0xba: {  	s0 =	sor.u32 s3, s0;
	s1 =	sshll.u32 s1, $0x11  }
0xbb: {  	s0 =	sor.u32 s1, s0  }
0xbc: {  	s0 =	sadd.s32 $0x8F2B, s0  }
0xbd: {  	[sflag:s0] =	ssyncadd.remote.s32 $0x1  }
0xbe: {  	_ =	sfence.sel $0xFFFF  }
0xbf: {  	[dreg:$0x0] =	wrdreg $0xFFFFFFFF;
	(pc) =	sbr.abs _section_cstart, $3  }
0xc0: {  	[dreg:$0x1] =	wrdreg $0xFFFFFFFF  }
0xc1: {  	_ =	task.clear_ibuf [dreg:s6], $0x2FFFF;
	_ =	strace $0x9FFFFFFF  }
0xc2: {  	(tm) =	ssettm $0x7FFFFFFF  }
0xc3: {  	_ =	shalt  }
tec
execute0_lowered:
.L_overlay_start_1:
0x0: {  	(tag) =	ssettag $0x1  }
0x1: {  	s0 =	srdreg.scid  }
0x2: {  	s2 =	sand.u32 $0x1, s0  }
0x3: {  	s0 =	stileid.u32;
	s3 =	smul.u32 $0x3200, s2  }
0x4: {  	s1 =	sor.u32 $0x2, s2;
	s5 =	smul.u32 $0x50, s0  }
0x5: {  	s16 =	sor.u32 $0x10, s0;
	s4 =	smul.u32 $0x3200, s1  }
0x6: {  	s18 =	sor.u32 $0x20, s0;
	s6 =	smul.u32 $0x50, s16  }
0x7: {  	s20 =	sor.u32 $0x30, s0;
	s7 =	smul.u32 $0x50, s18  }
0x8: {  	s13 =	sor.u32 $0x40, s0;
	s8 =	smul.u32 $0x50, s20  }
0x9: {  	s9 =	ssub.s32 $0x2, s2;
	s14 =	sor.u32 $0x50, s0;
	s10 =	smul.u32 $0x50, s13  }
0xa: {  	s15 =	sor.u32 $0x60, s0;
	[smem:$0x7FA] =	sst s13;
	s13 =	smul.u32 $0x50, s14  }
0xb: {  	s19 =	sor.u32 $0x70, s0;
	s22 =	sor.u32 $0x80, s0;
	s17 =	smul.u32 $0x50, s15  }
0xc: {  	s23 =	sor.u32 $0x90, s0;
	[smem:$0x7FB] =	sst s14;
	s14 =	smul.u32 $0x50, s19  }
0xd: {  	s11 =	sshrl.u32 s9, $0x1;
	[smem:$0x7FC] =	sst s15;
	s24 =	smul.u32 $0x50, s22  }
0xe: {  	[smem:$0x7FD] =	sst s19;
	s28 =	smul.u32 $0x50, s23;
	s9 =	ssub.s32 s9, s11  }
0xf: {  	s12 =	sadd.s32 s3, s5;
	[smem:$0x7F9] =	sst s9;
	s19 =	sadd.s32 s3, s6  }
0x10: {  	s25 =	sadd.s32 s3, s7;
	s26 =	sadd.s32 s3, s8;
	s29 =	sadd.s32 s3, s10  }
0x11: {  	s30 =	sadd.s32 s3, s13;
	s31 =	sadd.s32 s3, s17;
	s1 =	sadd.s32 s3, s14  }
0x12: {  	s21 =	sadd.s32 s3, s24;
	s15 =	sadd.s32 s3, s28;
	s5 =	sadd.s32 s4, s5  }
0x13: {  	s6 =	sadd.s32 s4, s6;
	s7 =	sadd.s32 s4, s7;
	s8 =	sadd.s32 s4, s8  }
0x14: {  	s10 =	sadd.s32 s4, s10;
	s13 =	sadd.s32 s4, s13;
	s9 =	sadd.s32 s4, s17  }
0x15: {  	s14 =	sadd.s32 s4, s14;
	s24 =	sadd.s32 s4, s24;
	s4 =	sadd.s32 s4, s28  }
0x16: {  	s17 =	smul.u32 $0xC3800, s2;
	s28 =	sshll.u32 s19, $0x4;
	s19 =	rddreg [dreg:$0x0]  }
0x17: {  	s12 =	sshll.u32 s12, $0x4;
	s3 =	sshll.u32 s1, $0x4;
	s1 =	sadd.s32 $0xFF400, s19  }
0x18: {  	s11 =	sshll.u32 s21, $0x4;
	s2 =	sadd.s32 $0x4800, s19;
	s21 =	sadd.s32 s1, s12  }
0x19: {  	s12 =	sadd.s32 s2, s12;
	[dreg:$0x3] =	wrdreg s21  }
0x1a: {  	[dreg:$0x4] =	wrdreg s12;
	s21 =	sadd.s32 s1, s28  }
0x1b: {  	s12 =	sadd.s32 s2, s11;
	[dreg:$0x5] =	wrdreg s21  }
0x1c: {  	s25 =	sshll.u32 s25, $0x4;
	s21 =	sadd.s32 s2, s28;
	[dreg:$0x14] =	wrdreg s12  }
0x1d: {  	[dreg:$0x6] =	wrdreg s21;
	s21 =	sadd.s32 s1, s25  }
0x1e: {  	s26 =	sshll.u32 s26, $0x4;
	[dreg:$0x7] =	wrdreg s21;
	s21 =	sadd.s32 s2, s25  }
0x1f: {  	s25 =	sadd.s32 s1, s26;
	[dreg:$0x8] =	wrdreg s21  }
0x20: {  	s29 =	sshll.u32 s29, $0x4;
	[dreg:$0x9] =	wrdreg s25;
	s21 =	sadd.s32 s2, s26  }
0x21: {  	s25 =	sadd.s32 s1, s29;
	[dreg:$0xa] =	wrdreg s21  }
0x22: {  	s30 =	sshll.u32 s30, $0x4;
	s26 =	sadd.s32 s2, s29;
	[dreg:$0xb] =	wrdreg s25  }
0x23: {  	[dreg:$0xc] =	wrdreg s26;
	s21 =	sadd.s32 s1, s30  }
0x24: {  	s31 =	sshll.u32 s31, $0x4;
	s25 =	sadd.s32 s2, s30;
	[dreg:$0xd] =	wrdreg s21  }
0x25: {  	s26 =	sadd.s32 s1, s31;
	[dreg:$0xe] =	wrdreg s25  }
0x26: {  	[dreg:$0xf] =	wrdreg s26;
	s21 =	sadd.s32 s2, s31  }
0x27: {  	s25 =	sadd.s32 s1, s3;
	[dreg:$0x10] =	wrdreg s21  }
0x28: {  	s15 =	sshll.u32 s15, $0x4;
	s3 =	sadd.s32 s2, s3;
	[dreg:$0x11] =	wrdreg s25  }
0x29: {  	s12 =	sshll.u32 s24, $0x4;
	s26 =	sadd.s32 s1, s11;
	[dreg:$0x12] =	wrdreg s3  }
0x2a: {  	s11 =	sshll.u32 s14, $0x4;
	[dreg:$0x13] =	wrdreg s26;
	s21 =	sadd.s32 s1, s15  }
0x2b: {  	s25 =	sadd.s32 s2, s15;
	s3 =	sshll.u32 s5, $0x4;
	[dreg:$0x15] =	wrdreg s21  }
0x2c: {  	s5 =	sshll.u32 s6, $0x4;
	[dreg:$0x16] =	wrdreg s25;
	s26 =	sadd.s32 s1, s3  }
0x2d: {  	s6 =	sshll.u32 s7, $0x4;
	s14 =	sadd.s32 s1, s5;
	[dreg:$0x17] =	wrdreg s26  }
0x2e: {  	s7 =	sshll.u32 s8, $0x4;
	s15 =	sadd.s32 s1, s6;
	[dreg:$0x18] =	wrdreg s14  }
0x2f: {  	s8 =	sshll.u32 s10, $0x4;
	s21 =	sadd.s32 s1, s7;
	[dreg:$0x19] =	wrdreg s15  }
0x30: {  	s10 =	sshll.u32 s13, $0x4;
	s24 =	sadd.s32 s1, s8;
	[dreg:$0x1a] =	wrdreg s21  }
0x31: {  	s25 =	sadd.s32 s1, s10;
	[dreg:$0x1b] =	wrdreg s24  }
0x32: {  	s9 =	sshll.u32 s9, $0x4;
	s13 =	sshll.u32 s4, $0x4;
	[dreg:$0x1c] =	wrdreg s25  }
0x33: {  	s26 =	sadd.s32 s1, s9;
	s14 =	sadd.s32 s1, s11;
	s15 =	sadd.s32 s1, s12  }
0x34: {  	s1 =	sadd.s32 s1, s13;
	s21 =	sadd.s32 s2, s3;
	s3 =	sadd.s32 s2, s8  }
0x35: {  	s8 =	sadd.s32 s2, s11;
	s11 =	sadd.s32 s2, s13;
	s13 =	rddreg [dreg:$0x1]  }
0x36: {  	[dreg:$0x1d] =	wrdreg s26  }
0x37: {  	[dreg:$0x1e] =	wrdreg s14  }
0x38: {  	s18 =	smul.u32 $0xA000, s18;
	[dreg:$0x1f] =	wrdreg s15  }
0x39: {  	s20 =	smul.u32 $0xA000, s20;
	s28 =	simm.s32 $0x80;
	[smem:$0x7F3] =	sst s1  }
0x3a: {  	s29 =	simm.s32 $0x1;
	s24 =	sadd.s32 s2, s5;
	[smem:$0x7F4] =	sst s21  }
0x3b: {  	s30 =	simm.s32 $0x40;
	s25 =	sadd.s32 s2, s6;
	[smem:$0x7F5] =	sst s24  }
0x3c: {  	s31 =	simm.s32 $0x0;
	s4 =	sshll.u32 s0, $0x6;
	[smem:$0x7F6] =	sst s25  }
0x3d: {  	s6 =	sadd.s32 s2, s10;
	s10 =	simm.s32 $0x0;
	[smem:$0x7F8] =	sst s3  }
0x3e: {  	s5 =	smul.u32 $0xA000, s16;
	s26 =	sadd.s32 s2, s7;
	[smem:$0x7FF] =	sst s10  }
0x3f: {  	s7 =	sadd.s32 s2, s9;
	s9 =	sadd.s32 s2, s12;
	[smem:$0x7F7] =	sst s26  }
0x40: {  	s1 =	sor.u32 s4, s17;
	s15 =	sadd.s32 $0x1A31400, s19;
	_ =	strace $0x80000053  }
0x41: {  	s17 =	smul.u32 $0xA000, s0;
	s16 =	sshrl.u32 s1, $0x3;
	s24 =	sld [smem:$0x7F9]  }
0x42: {  	s1 =	sadd.s32 $0x187000, s1;
	s2 =	sshrl.u32 s5, $0x2;
	s25 =	sld [smem:$0x7FA]  }
0x43: {  	s12 =	sadd.s32 s16, s15;
	s1 =	sshrl.u32 s1, $0x3;
	s26 =	sld [smem:$0x7FB]  }
0x44: {  	s21 =	sshrl.u32 s17, $0x2;
	s14 =	sadd.s32 s1, s15;
	s5 =	sld [smem:$0x7FC]  }
0x45: {  	s15 =	sadd.s32 $0xDFC400, s19;
	s16 =	sadd.s32 s21, s13;
	s3 =	smul.u32 $0xA000, s25  }
0x46: {  	s1 =	sshrl.u32 s18, $0x2;
	s17 =	smax.u32 s24, $0x1;
	s24 =	smul.u32 $0xA000, s26  }
0x47: {  	s19 =	sadd.s32 s1, s13;
	s1 =	smul.u32 $0xA000, s5;
	s25 =	sld [smem:$0x7FD]  }
0x48: {  	s18 =	sadd.s32 s2, s13;
	s21 =	sshrl.u32 s20, $0x2;
	s26 =	smul.u32 $0xA000, s22  }
0x49: {  	s20 =	sadd.s32 s21, s13;
	s5 =	smul.u32 $0xA000, s23;
	s3 =	sshrl.u32 s3, $0x2  }
0x4a: {  	s4 =	sshrl.u32 s24, $0x2;
	s1 =	sshrl.u32 s1, $0x2;
	s25 =	smul.u32 $0xA000, s25  }
0x4b: {  	s21 =	sadd.s32 s3, s13;
	s22 =	sadd.s32 s4, s13;
	s23 =	sadd.s32 s1, s13  }
0x4c: {  	s24 =	sshrl.u32 s25, $0x2;
	s25 =	sshrl.u32 s26, $0x2;
	s26 =	sshrl.u32 s5, $0x2  }
0x4d: {  	s24 =	sadd.s32 s24, s13;
	s25 =	sadd.s32 s25, s13;
	s26 =	sadd.s32 s26, s13  }
.LBB2_1:
0x4e: {  	s1 =	rddreg [dreg:$0x3]  }
0x4f: {  	[tilespmem:s28], [sflag:$0x1] =	stream.linear.gather [hbm4b:s1+s10], $0x2800, $0x38;
	[tilespmem:$0x1B8C0] =	vst v63  }
0x50: {  	_ =	swait.ge [sflag:s29], $0x2800  }
0x51: {  	[sflag:s29] =	ssyncset.done $0x0  }
0x52: {  	[sflag:s29] =	ssyncadd.s32 $0xFFFFD800  }
0x53: {  	[spmem:s16] =	stream.linear.scatter [tilespmem:s28], [sflag:$0x1], $0x2800, $0x38;
	[tilespmem:$0x1B8C0] =	vst v63  }
0x54: {  	_ =	swait.ge [sflag:s29], $0x2800  }
0x55: {  	[sflag:s29] =	ssyncset.done $0x0  }
0x56: {  	s5 =	rddreg [dreg:$0x5];
	[sflag:s29] =	ssyncadd.s32 $0xFFFFD800  }
0x57: {  	[tilespmem:s28], [sflag:$0x1] =	stream.linear.gather [hbm4b:s5+s10], $0x2800, $0x38;
	[tilespmem:$0x1B8C0] =	vst v63  }
0x58: {  	_ =	swait.ge [sflag:s29], $0x2800  }
0x59: {  	[sflag:s29] =	ssyncset.done $0x0  }
0x5a: {  	[sflag:s29] =	ssyncadd.s32 $0xFFFFD800  }
0x5b: {  	[spmem:s18] =	stream.linear.scatter [tilespmem:s28], [sflag:$0x1], $0x2800, $0x38;
	[tilespmem:$0x1B8C0] =	vst v63  }
0x5c: {  	_ =	swait.ge [sflag:s29], $0x2800  }
0x5d: {  	[sflag:s29] =	ssyncset.done $0x0  }
0x5e: {  	s2 =	rddreg [dreg:$0x7];
	[sflag:s29] =	ssyncadd.s32 $0xFFFFD800  }
0x5f: {  	[tilespmem:s28], [sflag:$0x1] =	stream.linear.gather [hbm4b:s2+s10], $0x2800, $0x38;
	[tilespmem:$0x1B8C0] =	vst v63  }
0x60: {  	_ =	swait.ge [sflag:s29], $0x2800  }
0x61: {  	[sflag:s29] =	ssyncset.done $0x0  }
0x62: {  	[sflag:s29] =	ssyncadd.s32 $0xFFFFD800  }
0x63: {  	[spmem:s19] =	stream.linear.scatter [tilespmem:s28], [sflag:$0x1], $0x2800, $0x38;
	[tilespmem:$0x1B8C0] =	vst v63  }
0x64: {  	_ =	swait.ge [sflag:s29], $0x2800  }
0x65: {  	[sflag:s29] =	ssyncset.done $0x0  }
0x66: {  	s3 =	rddreg [dreg:$0x9];
	[sflag:s29] =	ssyncadd.s32 $0xFFFFD800  }
0x67: {  	[tilespmem:s28], [sflag:$0x1] =	stream.linear.gather [hbm4b:s3+s10], $0x2800, $0x38;
	[tilespmem:$0x1B8C0] =	vst v63  }
0x68: {  	_ =	swait.ge [sflag:s29], $0x2800  }
0x69: {  	[sflag:s29] =	ssyncset.done $0x0  }
0x6a: {  	[sflag:s29] =	ssyncadd.s32 $0xFFFFD800  }
0x6b: {  	[spmem:s20] =	stream.linear.scatter [tilespmem:s28], [sflag:$0x1], $0x2800, $0x38;
	[tilespmem:$0x1B8C0] =	vst v63  }
0x6c: {  	_ =	swait.ge [sflag:s29], $0x2800  }
0x6d: {  	[sflag:s29] =	ssyncset.done $0x0  }
0x6e: {  	s4 =	rddreg [dreg:$0xb];
	[sflag:s29] =	ssyncadd.s32 $0xFFFFD800  }
0x6f: {  	[tilespmem:s28], [sflag:$0x1] =	stream.linear.gather [hbm4b:s4+s10], $0x2800, $0x38;
	[tilespmem:$0x1B8C0] =	vst v63  }
0x70: {  	_ =	swait.ge [sflag:s29], $0x2800  }
0x71: {  	[sflag:s29] =	ssyncset.done $0x0  }
0x72: {  	[sflag:s29] =	ssyncadd.s32 $0xFFFFD800  }
0x73: {  	[spmem:s21] =	stream.linear.scatter [tilespmem:s28], [sflag:$0x1], $0x2800, $0x38;
	[tilespmem:$0x1B8C0] =	vst v63  }
0x74: {  	_ =	swait.ge [sflag:s29], $0x2800  }
0x75: {  	[sflag:s29] =	ssyncset.done $0x0  }
0x76: {  	s5 =	rddreg [dreg:$0xd];
	[sflag:s29] =	ssyncadd.s32 $0xFFFFD800  }
0x77: {  	[tilespmem:s28], [sflag:$0x1] =	stream.linear.gather [hbm4b:s5+s10], $0x2800, $0x38;
	[tilespmem:$0x1B8C0] =	vst v63  }
0x78: {  	_ =	swait.ge [sflag:s29], $0x2800  }
0x79: {  	[sflag:s29] =	ssyncset.done $0x0  }
0x7a: {  	[sflag:s29] =	ssyncadd.s32 $0xFFFFD800  }
0x7b: {  	[spmem:s22] =	stream.linear.scatter [tilespmem:s28], [sflag:$0x1], $0x2800, $0x38;
	[tilespmem:$0x1B8C0] =	vst v63  }
0x7c: {  	_ =	swait.ge [sflag:s29], $0x2800  }
0x7d: {  	[sflag:s29] =	ssyncset.done $0x0  }
0x7e: {  	s2 =	rddreg [dreg:$0xf];
	[sflag:s29] =	ssyncadd.s32 $0xFFFFD800  }
0x7f: {  	[tilespmem:s28], [sflag:$0x1] =	stream.linear.gather [hbm4b:s2+s10], $0x2800, $0x38;
	[tilespmem:$0x1B8C0] =	vst v63  }
0x80: {  	_ =	swait.ge [sflag:s29], $0x2800  }
0x81: {  	[sflag:s29] =	ssyncset.done $0x0  }
0x82: {  	[sflag:s29] =	ssyncadd.s32 $0xFFFFD800  }
0x83: {  	[spmem:s23] =	stream.linear.scatter [tilespmem:s28], [sflag:$0x1], $0x2800, $0x38;
	[tilespmem:$0x1B8C0] =	vst v63  }
0x84: {  	_ =	swait.ge [sflag:s29], $0x2800  }
0x85: {  	[sflag:s29] =	ssyncset.done $0x0  }
0x86: {  	s3 =	rddreg [dreg:$0x11];
	[sflag:s29] =	ssyncadd.s32 $0xFFFFD800  }
0x87: {  	[tilespmem:s28], [sflag:$0x1] =	stream.linear.gather [hbm4b:s3+s10], $0x2800, $0x38;
	[tilespmem:$0x1B8C0] =	vst v63  }
0x88: {  	_ =	swait.ge [sflag:s29], $0x2800  }
0x89: {  	[sflag:s29] =	ssyncset.done $0x0  }
0x8a: {  	[sflag:s29] =	ssyncadd.s32 $0xFFFFD800  }
0x8b: {  	[spmem:s24] =	stream.linear.scatter [tilespmem:s28], [sflag:$0x1], $0x2800, $0x38;
	[tilespmem:$0x1B8C0] =	vst v63  }
0x8c: {  	_ =	swait.ge [sflag:s29], $0x2800  }
0x8d: {  	[sflag:s29] =	ssyncset.done $0x0  }
0x8e: {  	s4 =	rddreg [dreg:$0x13];
	[sflag:s29] =	ssyncadd.s32 $0xFFFFD800  }
0x8f: {  	[tilespmem:s28], [sflag:$0x1] =	stream.linear.gather [hbm4b:s4+s10], $0x2800, $0x38;
	[tilespmem:$0x1B8C0] =	vst v63  }
0x90: {  	_ =	swait.ge [sflag:s29], $0x2800  }
0x91: {  	[sflag:s29] =	ssyncset.done $0x0  }
0x92: {  	[sflag:s29] =	ssyncadd.s32 $0xFFFFD800  }
0x93: {  	[spmem:s25] =	stream.linear.scatter [tilespmem:s28], [sflag:$0x1], $0x2800, $0x38;
	[tilespmem:$0x1B8C0] =	vst v63  }
0x94: {  	_ =	swait.ge [sflag:s29], $0x2800  }
0x95: {  	[sflag:s29] =	ssyncset.done $0x0  }
0x96: {  	s5 =	rddreg [dreg:$0x15];
	[sflag:s29] =	ssyncadd.s32 $0xFFFFD800  }
0x97: {  	[tilespmem:s28], [sflag:$0x1] =	stream.linear.gather [hbm4b:s5+s10], $0x2800, $0x38;
	[tilespmem:$0x1B8C0] =	vst v63  }
0x98: {  	_ =	swait.ge [sflag:s29], $0x2800  }
0x99: {  	[sflag:s29] =	ssyncset.done $0x0  }
0x9a: {  	[sflag:s29] =	ssyncadd.s32 $0xFFFFD800  }
0x9b: {  	[spmem:s26] =	stream.linear.scatter [tilespmem:s28], [sflag:$0x1], $0x2800, $0x38;
	[tilespmem:$0x1B8C0] =	vst v63  }
0x9c: {  	_ =	swait.ge [sflag:s29], $0x2800  }
0x9d: {  	[sflag:s29] =	ssyncset.done $0x0  }
0x9e: {  	s1 =	sadd.s32 $0x0, s0;
	[sflag:s29] =	ssyncadd.s32 $0xFFFFD800  }
0x9f: {  	p0 =	slt.s32 s1, $0x30D3;
	[bflag:$0x0] =	sbarrier.arrive $0xFFFF  }
0xa0: {  	[tilespmem:s10], [sflag:$0x1] =	stream.linear.gather [hbm4b:s12+s10], $0x40, $0x38;
	[tilespmem:$0x1B8C0] =	vst v63  }
0xa1: {  	s1 =	simm.s32 @!p0 $0x30D3;
	_ =	swait.ge [sflag:s29], $0x40  }
0xa2: {  	s1 =	sshll.u32 s1, $0xA;
	[sflag:s29] =	ssyncset.done $0x0  }
0xa3: {  	s1 =	sadd.s32 s15, s1;
	[sflag:s29] =	ssyncadd.s32 $0xFFFFFFC0  }
0xa4: {  	[tilespmem:s28], [sflag:$0x1] =	stream.linear.gather [hbm4b:s1+s10], $0x2000, $0x38;
	[tilespmem:$0x1B8C0] =	vst v63  }
0xa5: {  	_ =	swait.ge [sflag:s29], $0x2000  }
0xa6: {  	s2 =	sadd.s32 $0x80, s12;
	[sflag:s29] =	ssyncset.done $0x0  }
0xa7: {  	s3 =	simm.s32 $0x20;
	s1 =	sadd.s32 $0x10, s0;
	[sflag:s29] =	ssyncadd.s32 $0xFFFFE000  }
.LBB2_2:
0xa8: {  	[spmem:s13] =	stream.indirect.scatter.add.f32 [tilespmem:s28], [sflag:$0x1], $0x80, s10, s30, $0xb8;
	[tilespmem:$0x1B8C0] =	vst v63  }
0xa9: {  	s4 =	smov.u32 s3  }
0xaa: {  	p0 =	slt.s32 s1, $0x30D3;
	s4 =	sadd.s32 s3, s0;
	_ =	swait.ge [sflag:s29], $0x2000  }
0xab: {  	s5 =	sadd.s32 $0x10, s3;
	s1 =	simm.s32 @!p0 $0x30D3;
	[sflag:s29] =	ssyncset.done $0x0  }
0xac: {  	p0 =	sne.s32 s3, $0x30D0;
	s3 =	sshll.u32 s1, $0xA;
	[sflag:s29] =	ssyncadd.s32 $0xFFFFE000  }
0xad: {  	[tilespmem:s10], [sflag:$0x1] =	stream.linear.gather [hbm4b:s2+s10], $0x40, $0x38;
	[tilespmem:$0x1B8C0] =	vst v63  }
0xae: {  	s1 =	smov.u32 s4;
	_ =	swait.ge [sflag:s29], $0x40  }
0xaf: {  	s3 =	sadd.s32 s15, s3;
	[sflag:s29] =	ssyncset.done $0x0  }
.Ltmp0:
0xb0: {  	[sflag:s29] =	ssyncadd.s32 $0xFFFFFFC0;
	(pc) =	sbr.rel @p0 .LBB2_2-.Ltmp0, $4  }
0xb1: {  	[tilespmem:s28], [sflag:$0x1] =	stream.linear.gather [hbm4b:s3+s10], $0x2000, $0x38;
	[tilespmem:$0x1B8C0] =	vst v63  }
0xb2: {  	_ =	swait.ge [sflag:s29], $0x2000  }
0xb3: {  	[sflag:s29] =	ssyncset.done $0x0  }
0xb4: {  	s2 =	sadd.s32 $0x80, s2;
	s3 =	smov.u32 s5;
	[sflag:s29] =	ssyncadd.s32 $0xFFFFE000  }
0xb5: {  	[spmem:s13] =	stream.indirect.scatter.add.f32 [tilespmem:s28], [sflag:$0x1], $0x80, s10, s30, $0xb8;
	[tilespmem:$0x1B8C0] =	vst v63  }
0xb6: {  	_ =	swait.ge [sflag:s29], $0x2000  }
0xb7: {  	[sflag:s29] =	ssyncset.done $0x0  }
0xb8: {  	p0 =	slt.s32 s1, $0x30D3;
	[sflag:s29] =	ssyncadd.s32 $0xFFFFE000  }
0xb9: {  	[tilespmem:s10], [sflag:$0x1] =	stream.linear.gather [hbm4b:s2+s10], $0x40, $0x38;
	[tilespmem:$0x1B8C0] =	vst v63  }
0xba: {  	s1 =	simm.s32 @!p0 $0x30D3;
	_ =	swait.ge [sflag:s29], $0x40  }
0xbb: {  	s1 =	sshll.u32 s1, $0xA;
	[sflag:s29] =	ssyncset.done $0x0  }
0xbc: {  	s1 =	sadd.s32 s15, s1;
	[sflag:s29] =	ssyncadd.s32 $0xFFFFFFC0  }
0xbd: {  	[tilespmem:s28], [sflag:$0x1] =	stream.linear.gather [hbm4b:s1+s10], $0x2000, $0x38;
	[tilespmem:$0x1B8C0] =	vst v63  }
0xbe: {  	_ =	swait.ge [sflag:s29], $0x2000  }
0xbf: {  	[sflag:s29] =	ssyncset.done $0x0  }
0xc0: {  	[sflag:s29] =	ssyncadd.s32 $0xFFFFE000  }
0xc1: {  	[spmem:s13] =	stream.indirect.scatter.add.f32 [tilespmem:s28], [sflag:$0x1], $0x80, s10, s30, $0xb8;
	[tilespmem:$0x1B8C0] =	vst v63  }
0xc2: {  	_ =	swait.ge [sflag:s29], $0x2000  }
0xc3: {  	[sflag:s29] =	ssyncset.done $0x0  }
0xc4: {  	[sflag:s29] =	ssyncadd.s32 $0xFFFFE000  }
0xc5: {  	[bflag:$0x0] =	sbarrier.arrive $0xFFFF  }
0xc6: {  	[tilespmem:s28], [sflag:$0x1] =	stream.linear.gather [spmem:s16], $0x2800, $0x38;
	[tilespmem:$0x1B8C0] =	vst v63  }
0xc7: {  	_ =	swait.ge [sflag:s29], $0x2800  }
0xc8: {  	[sflag:s29] =	ssyncset.done $0x0  }
0xc9: {  	s1 =	simm.s32 $0x0;
	s4 =	rddreg [dreg:$0x4];
	[sflag:s29] =	ssyncadd.s32 $0xFFFFD800  }
0xca: {  	[hbm4b:s4+s1] =	stream.linear.scatter [tilespmem:s28], [sflag:$0x1], $0x2800, $0x38;
	[tilespmem:$0x1B8C0] =	vst v63  }
0xcb: {  	_ =	swait.ge [sflag:s29], $0x2800  }
0xcc: {  	[sflag:s29] =	ssyncset.done $0x0  }
0xcd: {  	[sflag:s29] =	ssyncadd.s32 $0xFFFFD800  }
0xce: {  	[tilespmem:s28], [sflag:$0x1] =	stream.linear.gather [spmem:s18], $0x2800, $0x38;
	[tilespmem:$0x1B8C0] =	vst v63  }
0xcf: {  	_ =	swait.ge [sflag:s29], $0x2800  }
0xd0: {  	[sflag:s29] =	ssyncset.done $0x0  }
0xd1: {  	s5 =	rddreg [dreg:$0x6];
	[sflag:s29] =	ssyncadd.s32 $0xFFFFD800  }
0xd2: {  	[hbm4b:s5+s1] =	stream.linear.scatter [tilespmem:s28], [sflag:$0x1], $0x2800, $0x38;
	[tilespmem:$0x1B8C0] =	vst v63  }
0xd3: {  	_ =	swait.ge [sflag:s29], $0x2800  }
0xd4: {  	[sflag:s29] =	ssyncset.done $0x0  }
0xd5: {  	[sflag:s29] =	ssyncadd.s32 $0xFFFFD800  }
0xd6: {  	[tilespmem:s28], [sflag:$0x1] =	stream.linear.gather [spmem:s19], $0x2800, $0x38;
	[tilespmem:$0x1B8C0] =	vst v63  }
0xd7: {  	_ =	swait.ge [sflag:s29], $0x2800  }
0xd8: {  	[sflag:s29] =	ssyncset.done $0x0  }
0xd9: {  	s3 =	rddreg [dreg:$0x8];
	[sflag:s29] =	ssyncadd.s32 $0xFFFFD800  }
0xda: {  	[hbm4b:s3+s1] =	stream.linear.scatter [tilespmem:s28], [sflag:$0x1], $0x2800, $0x38;
	[tilespmem:$0x1B8C0] =	vst v63  }
0xdb: {  	_ =	swait.ge [sflag:s29], $0x2800  }
0xdc: {  	[sflag:s29] =	ssyncset.done $0x0  }
0xdd: {  	[sflag:s29] =	ssyncadd.s32 $0xFFFFD800  }
0xde: {  	[tilespmem:s28], [sflag:$0x1] =	stream.linear.gather [spmem:s20], $0x2800, $0x38;
	[tilespmem:$0x1B8C0] =	vst v63  }
0xdf: {  	_ =	swait.ge [sflag:s29], $0x2800  }
0xe0: {  	[sflag:s29] =	ssyncset.done $0x0  }
0xe1: {  	s4 =	rddreg [dreg:$0xa];
	[sflag:s29] =	ssyncadd.s32 $0xFFFFD800  }
0xe2: {  	[hbm4b:s4+s1] =	stream.linear.scatter [tilespmem:s28], [sflag:$0x1], $0x2800, $0x38;
	[tilespmem:$0x1B8C0] =	vst v63  }
0xe3: {  	_ =	swait.ge [sflag:s29], $0x2800  }
0xe4: {  	[sflag:s29] =	ssyncset.done $0x0  }
0xe5: {  	[sflag:s29] =	ssyncadd.s32 $0xFFFFD800  }
0xe6: {  	[tilespmem:s28], [sflag:$0x1] =	stream.linear.gather [spmem:s21], $0x2800, $0x38;
	[tilespmem:$0x1B8C0] =	vst v63  }
0xe7: {  	_ =	swait.ge [sflag:s29], $0x2800  }
0xe8: {  	[sflag:s29] =	ssyncset.done $0x0  }
0xe9: {  	s5 =	rddreg [dreg:$0xc];
	[sflag:s29] =	ssyncadd.s32 $0xFFFFD800  }
0xea: {  	[hbm4b:s5+s1] =	stream.linear.scatter [tilespmem:s28], [sflag:$0x1], $0x2800, $0x38;
	[tilespmem:$0x1B8C0] =	vst v63  }
0xeb: {  	_ =	swait.ge [sflag:s29], $0x2800  }
0xec: {  	[sflag:s29] =	ssyncset.done $0x0  }
0xed: {  	[sflag:s29] =	ssyncadd.s32 $0xFFFFD800  }
0xee: {  	[tilespmem:s28], [sflag:$0x1] =	stream.linear.gather [spmem:s22], $0x2800, $0x38;
	[tilespmem:$0x1B8C0] =	vst v63  }
0xef: {  	_ =	swait.ge [sflag:s29], $0x2800  }
0xf0: {  	[sflag:s29] =	ssyncset.done $0x0  }
0xf1: {  	s3 =	rddreg [dreg:$0xe];
	[sflag:s29] =	ssyncadd.s32 $0xFFFFD800  }
0xf2: {  	[hbm4b:s3+s1] =	stream.linear.scatter [tilespmem:s28], [sflag:$0x1], $0x2800, $0x38;
	[tilespmem:$0x1B8C0] =	vst v63  }
0xf3: {  	_ =	swait.ge [sflag:s29], $0x2800  }
0xf4: {  	[sflag:s29] =	ssyncset.done $0x0  }
0xf5: {  	[sflag:s29] =	ssyncadd.s32 $0xFFFFD800  }
0xf6: {  	[tilespmem:s28], [sflag:$0x1] =	stream.linear.gather [spmem:s23], $0x2800, $0x38;
	[tilespmem:$0x1B8C0] =	vst v63  }
0xf7: {  	_ =	swait.ge [sflag:s29], $0x2800  }
0xf8: {  	[sflag:s29] =	ssyncset.done $0x0  }
0xf9: {  	s4 =	rddreg [dreg:$0x10];
	[sflag:s29] =	ssyncadd.s32 $0xFFFFD800  }
0xfa: {  	[hbm4b:s4+s1] =	stream.linear.scatter [tilespmem:s28], [sflag:$0x1], $0x2800, $0x38;
	[tilespmem:$0x1B8C0] =	vst v63  }
0xfb: {  	_ =	swait.ge [sflag:s29], $0x2800  }
0xfc: {  	[sflag:s29] =	ssyncset.done $0x0  }
0xfd: {  	[sflag:s29] =	ssyncadd.s32 $0xFFFFD800  }
0xfe: {  	[tilespmem:s28], [sflag:$0x1] =	stream.linear.gather [spmem:s24], $0x2800, $0x38;
	[tilespmem:$0x1B8C0] =	vst v63  }
0xff: {  	_ =	swait.ge [sflag:s29], $0x2800  }
0x100: {  	[sflag:s29] =	ssyncset.done $0x0  }
0x101: {  	s5 =	rddreg [dreg:$0x12];
	[sflag:s29] =	ssyncadd.s32 $0xFFFFD800  }
0x102: {  	[hbm4b:s5+s1] =	stream.linear.scatter [tilespmem:s28], [sflag:$0x1], $0x2800, $0x38;
	[tilespmem:$0x1B8C0] =	vst v63  }
0x103: {  	_ =	swait.ge [sflag:s29], $0x2800  }
0x104: {  	[sflag:s29] =	ssyncset.done $0x0  }
0x105: {  	[sflag:s29] =	ssyncadd.s32 $0xFFFFD800  }
0x106: {  	[tilespmem:s28], [sflag:$0x1] =	stream.linear.gather [spmem:s25], $0x2800, $0x38;
	[tilespmem:$0x1B8C0] =	vst v63  }
0x107: {  	_ =	swait.ge [sflag:s29], $0x2800  }
0x108: {  	[sflag:s29] =	ssyncset.done $0x0  }
0x109: {  	s3 =	rddreg [dreg:$0x14];
	[sflag:s29] =	ssyncadd.s32 $0xFFFFD800  }
0x10a: {  	[hbm4b:s3+s1] =	stream.linear.scatter [tilespmem:s28], [sflag:$0x1], $0x2800, $0x38;
	[tilespmem:$0x1B8C0] =	vst v63  }
0x10b: {  	_ =	swait.ge [sflag:s29], $0x2800  }
0x10c: {  	[sflag:s29] =	ssyncset.done $0x0  }
0x10d: {  	[sflag:s29] =	ssyncadd.s32 $0xFFFFD800  }
0x10e: {  	[tilespmem:s28], [sflag:$0x1] =	stream.linear.gather [spmem:s26], $0x2800, $0x38;
	[tilespmem:$0x1B8C0] =	vst v63  }
0x10f: {  	_ =	swait.ge [sflag:s29], $0x2800  }
0x110: {  	[sflag:s29] =	ssyncset.done $0x0  }
0x111: {  	s4 =	rddreg [dreg:$0x16];
	[sflag:s29] =	ssyncadd.s32 $0xFFFFD800  }
0x112: {  	[hbm4b:s4+s1] =	stream.linear.scatter [tilespmem:s28], [sflag:$0x1], $0x2800, $0x38;
	[tilespmem:$0x1B8C0] =	vst v63  }
0x113: {  	_ =	swait.ge [sflag:s29], $0x2800  }
0x114: {  	[sflag:s29] =	ssyncset.done $0x0  }
0x115: {  	[sflag:s29] =	ssyncadd.s32 $0xFFFFD800  }
0x116: {  	[bflag:$0x0] =	sbarrier.arrive $0xFFFF  }
0x117: {  	s5 =	rddreg [dreg:$0x17]  }
0x118: {  	[tilespmem:s28], [sflag:$0x1] =	stream.linear.gather [hbm4b:s5+s1], $0x2800, $0x38;
	[tilespmem:$0x1B8C0] =	vst v63  }
0x119: {  	_ =	swait.ge [sflag:s29], $0x2800  }
0x11a: {  	[sflag:s29] =	ssyncset.done $0x0  }
0x11b: {  	[sflag:s29] =	ssyncadd.s32 $0xFFFFD800  }
0x11c: {  	[spmem:s16] =	stream.linear.scatter [tilespmem:s28], [sflag:$0x1], $0x2800, $0x38;
	[tilespmem:$0x1B8C0] =	vst v63  }
0x11d: {  	_ =	swait.ge [sflag:s29], $0x2800  }
0x11e: {  	[sflag:s29] =	ssyncset.done $0x0  }
0x11f: {  	s3 =	rddreg [dreg:$0x18];
	[sflag:s29] =	ssyncadd.s32 $0xFFFFD800  }
0x120: {  	[tilespmem:s28], [sflag:$0x1] =	stream.linear.gather [hbm4b:s3+s1], $0x2800, $0x38;
	[tilespmem:$0x1B8C0] =	vst v63  }
0x121: {  	_ =	swait.ge [sflag:s29], $0x2800  }
0x122: {  	[sflag:s29] =	ssyncset.done $0x0  }
0x123: {  	[sflag:s29] =	ssyncadd.s32 $0xFFFFD800  }
0x124: {  	[spmem:s18] =	stream.linear.scatter [tilespmem:s28], [sflag:$0x1], $0x2800, $0x38;
	[tilespmem:$0x1B8C0] =	vst v63  }
0x125: {  	_ =	swait.ge [sflag:s29], $0x2800  }
0x126: {  	[sflag:s29] =	ssyncset.done $0x0  }
0x127: {  	s4 =	rddreg [dreg:$0x19];
	[sflag:s29] =	ssyncadd.s32 $0xFFFFD800  }
0x128: {  	[tilespmem:s28], [sflag:$0x1] =	stream.linear.gather [hbm4b:s4+s1], $0x2800, $0x38;
	[tilespmem:$0x1B8C0] =	vst v63  }
0x129: {  	_ =	swait.ge [sflag:s29], $0x2800  }
0x12a: {  	[sflag:s29] =	ssyncset.done $0x0  }
0x12b: {  	[sflag:s29] =	ssyncadd.s32 $0xFFFFD800  }
0x12c: {  	[spmem:s19] =	stream.linear.scatter [tilespmem:s28], [sflag:$0x1], $0x2800, $0x38;
	[tilespmem:$0x1B8C0] =	vst v63  }
0x12d: {  	_ =	swait.ge [sflag:s29], $0x2800  }
0x12e: {  	[sflag:s29] =	ssyncset.done $0x0  }
0x12f: {  	s5 =	rddreg [dreg:$0x1a];
	[sflag:s29] =	ssyncadd.s32 $0xFFFFD800  }
0x130: {  	[tilespmem:s28], [sflag:$0x1] =	stream.linear.gather [hbm4b:s5+s1], $0x2800, $0x38;
	[tilespmem:$0x1B8C0] =	vst v63  }
0x131: {  	_ =	swait.ge [sflag:s29], $0x2800  }
0x132: {  	[sflag:s29] =	ssyncset.done $0x0  }
0x133: {  	[sflag:s29] =	ssyncadd.s32 $0xFFFFD800  }
0x134: {  	[spmem:s20] =	stream.linear.scatter [tilespmem:s28], [sflag:$0x1], $0x2800, $0x38;
	[tilespmem:$0x1B8C0] =	vst v63  }
0x135: {  	_ =	swait.ge [sflag:s29], $0x2800  }
0x136: {  	[sflag:s29] =	ssyncset.done $0x0  }
0x137: {  	s3 =	rddreg [dreg:$0x1b];
	[sflag:s29] =	ssyncadd.s32 $0xFFFFD800  }
0x138: {  	[tilespmem:s28], [sflag:$0x1] =	stream.linear.gather [hbm4b:s3+s1], $0x2800, $0x38;
	[tilespmem:$0x1B8C0] =	vst v63  }
0x139: {  	_ =	swait.ge [sflag:s29], $0x2800  }
0x13a: {  	[sflag:s29] =	ssyncset.done $0x0  }
0x13b: {  	[sflag:s29] =	ssyncadd.s32 $0xFFFFD800  }
0x13c: {  	[spmem:s21] =	stream.linear.scatter [tilespmem:s28], [sflag:$0x1], $0x2800, $0x38;
	[tilespmem:$0x1B8C0] =	vst v63  }
0x13d: {  	_ =	swait.ge [sflag:s29], $0x2800  }
0x13e: {  	[sflag:s29] =	ssyncset.done $0x0  }
0x13f: {  	s4 =	rddreg [dreg:$0x1c];
	[sflag:s29] =	ssyncadd.s32 $0xFFFFD800  }
0x140: {  	[tilespmem:s28], [sflag:$0x1] =	stream.linear.gather [hbm4b:s4+s1], $0x2800, $0x38;
	[tilespmem:$0x1B8C0] =	vst v63  }
0x141: {  	_ =	swait.ge [sflag:s29], $0x2800  }
0x142: {  	[sflag:s29] =	ssyncset.done $0x0  }
0x143: {  	[sflag:s29] =	ssyncadd.s32 $0xFFFFD800  }
0x144: {  	[spmem:s22] =	stream.linear.scatter [tilespmem:s28], [sflag:$0x1], $0x2800, $0x38;
	[tilespmem:$0x1B8C0] =	vst v63  }
0x145: {  	_ =	swait.ge [sflag:s29], $0x2800  }
0x146: {  	[sflag:s29] =	ssyncset.done $0x0  }
0x147: {  	s5 =	rddreg [dreg:$0x1d];
	[sflag:s29] =	ssyncadd.s32 $0xFFFFD800  }
0x148: {  	[tilespmem:s28], [sflag:$0x1] =	stream.linear.gather [hbm4b:s5+s1], $0x2800, $0x38;
	[tilespmem:$0x1B8C0] =	vst v63  }
0x149: {  	_ =	swait.ge [sflag:s29], $0x2800  }
0x14a: {  	[sflag:s29] =	ssyncset.done $0x0  }
0x14b: {  	[sflag:s29] =	ssyncadd.s32 $0xFFFFD800  }
0x14c: {  	[spmem:s23] =	stream.linear.scatter [tilespmem:s28], [sflag:$0x1], $0x2800, $0x38;
	[tilespmem:$0x1B8C0] =	vst v63  }
0x14d: {  	_ =	swait.ge [sflag:s29], $0x2800  }
0x14e: {  	[sflag:s29] =	ssyncset.done $0x0  }
0x14f: {  	s3 =	rddreg [dreg:$0x1e];
	[sflag:s29] =	ssyncadd.s32 $0xFFFFD800  }
0x150: {  	[tilespmem:s28], [sflag:$0x1] =	stream.linear.gather [hbm4b:s3+s1], $0x2800, $0x38;
	[tilespmem:$0x1B8C0] =	vst v63  }
0x151: {  	_ =	swait.ge [sflag:s29], $0x2800  }
0x152: {  	[sflag:s29] =	ssyncset.done $0x0  }
0x153: {  	[sflag:s29] =	ssyncadd.s32 $0xFFFFD800  }
0x154: {  	[spmem:s24] =	stream.linear.scatter [tilespmem:s28], [sflag:$0x1], $0x2800, $0x38;
	[tilespmem:$0x1B8C0] =	vst v63  }
0x155: {  	_ =	swait.ge [sflag:s29], $0x2800  }
0x156: {  	[sflag:s29] =	ssyncset.done $0x0  }
0x157: {  	s4 =	rddreg [dreg:$0x1f];
	[sflag:s29] =	ssyncadd.s32 $0xFFFFD800  }
0x158: {  	[tilespmem:s28], [sflag:$0x1] =	stream.linear.gather [hbm4b:s4+s1], $0x2800, $0x38;
	[tilespmem:$0x1B8C0] =	vst v63  }
0x159: {  	_ =	swait.ge [sflag:s29], $0x2800  }
0x15a: {  	[sflag:s29] =	ssyncset.done $0x0  }
0x15b: {  	[sflag:s29] =	ssyncadd.s32 $0xFFFFD800  }
0x15c: {  	[spmem:s25] =	stream.linear.scatter [tilespmem:s28], [sflag:$0x1], $0x2800, $0x38;
	[tilespmem:$0x1B8C0] =	vst v63  }
0x15d: {  	_ =	swait.ge [sflag:s29], $0x2800  }
0x15e: {  	s5 =	sld [smem:$0x7F3]  }
0x15f: {  	[sflag:s29] =	ssyncset.done $0x0  }
0x160: {  	[sflag:s29] =	ssyncadd.s32 $0xFFFFD800  }
0x161: {  	[tilespmem:s28], [sflag:$0x1] =	stream.linear.gather [hbm4b:s5+s1], $0x2800, $0x38;
	[tilespmem:$0x1B8C0] =	vst v63  }
0x162: {  	_ =	swait.ge [sflag:s29], $0x2800  }
0x163: {  	[sflag:s29] =	ssyncset.done $0x0  }
0x164: {  	[sflag:s29] =	ssyncadd.s32 $0xFFFFD800  }
0x165: {  	[spmem:s26] =	stream.linear.scatter [tilespmem:s28], [sflag:$0x1], $0x2800, $0x38;
	[tilespmem:$0x1B8C0] =	vst v63  }
0x166: {  	_ =	swait.ge [sflag:s29], $0x2800  }
0x167: {  	[sflag:s29] =	ssyncset.done $0x0  }
0x168: {  	s1 =	sadd.s32 $0x0, s0;
	[sflag:s29] =	ssyncadd.s32 $0xFFFFD800  }
0x169: {  	p0 =	slt.s32 s1, $0x30D3;
	[bflag:$0x0] =	sbarrier.arrive $0xFFFF  }
0x16a: {  	[tilespmem:s10], [sflag:$0x1] =	stream.linear.gather [hbm4b:s14+s10], $0x40, $0x38;
	[tilespmem:$0x1B8C0] =	vst v63  }
0x16b: {  	s1 =	simm.s32 @!p0 $0x30D3;
	_ =	swait.ge [sflag:s29], $0x40  }
0x16c: {  	s1 =	sshll.u32 s1, $0xA;
	[sflag:s29] =	ssyncset.done $0x0  }
0x16d: {  	s1 =	sadd.s32 s15, s1;
	[sflag:s29] =	ssyncadd.s32 $0xFFFFFFC0  }
0x16e: {  	[tilespmem:s28], [sflag:$0x1] =	stream.linear.gather [hbm4b:s1+s10], $0x2000, $0x38;
	[tilespmem:$0x1B8C0] =	vst v63  }
0x16f: {  	_ =	swait.ge [sflag:s29], $0x2000  }
0x170: {  	s2 =	sadd.s32 $0x80, s14;
	[sflag:s29] =	ssyncset.done $0x0  }
0x171: {  	s3 =	simm.s32 $0x20;
	s1 =	sadd.s32 $0x10, s0;
	[sflag:s29] =	ssyncadd.s32 $0xFFFFE000  }
.LBB2_4:
0x172: {  	[spmem:s13] =	stream.indirect.scatter.add.f32 [tilespmem:s28], [sflag:$0x1], $0x80, s10, s30, $0xb8;
	[tilespmem:$0x1B8C0] =	vst v63  }
0x173: {  	s4 =	smov.u32 s3  }
0x174: {  	p0 =	slt.s32 s1, $0x30D3;
	s4 =	sadd.s32 s3, s0;
	_ =	swait.ge [sflag:s29], $0x2000  }
0x175: {  	s5 =	sadd.s32 $0x10, s3;
	s1 =	simm.s32 @!p0 $0x30D3;
	[sflag:s29] =	ssyncset.done $0x0  }
0x176: {  	p0 =	sne.s32 s3, $0x30D0;
	s3 =	sshll.u32 s1, $0xA;
	[sflag:s29] =	ssyncadd.s32 $0xFFFFE000  }
0x177: {  	[tilespmem:s10], [sflag:$0x1] =	stream.linear.gather [hbm4b:s2+s10], $0x40, $0x38;
	[tilespmem:$0x1B8C0] =	vst v63  }
0x178: {  	s1 =	smov.u32 s4;
	_ =	swait.ge [sflag:s29], $0x40  }
0x179: {  	s3 =	sadd.s32 s15, s3;
	[sflag:s29] =	ssyncset.done $0x0  }
.Ltmp1:
0x17a: {  	[sflag:s29] =	ssyncadd.s32 $0xFFFFFFC0;
	(pc) =	sbr.rel @p0 .LBB2_4-.Ltmp1, $4  }
0x17b: {  	[tilespmem:s28], [sflag:$0x1] =	stream.linear.gather [hbm4b:s3+s10], $0x2000, $0x38;
	[tilespmem:$0x1B8C0] =	vst v63  }
0x17c: {  	_ =	swait.ge [sflag:s29], $0x2000  }
0x17d: {  	[sflag:s29] =	ssyncset.done $0x0  }
0x17e: {  	s2 =	sadd.s32 $0x80, s2;
	s3 =	smov.u32 s5;
	[sflag:s29] =	ssyncadd.s32 $0xFFFFE000  }
0x17f: {  	[spmem:s13] =	stream.indirect.scatter.add.f32 [tilespmem:s28], [sflag:$0x1], $0x80, s10, s30, $0xb8;
	[tilespmem:$0x1B8C0] =	vst v63  }
0x180: {  	_ =	swait.ge [sflag:s29], $0x2000  }
0x181: {  	[sflag:s29] =	ssyncset.done $0x0  }
0x182: {  	p0 =	slt.s32 s1, $0x30D3;
	[sflag:s29] =	ssyncadd.s32 $0xFFFFE000  }
0x183: {  	[tilespmem:s10], [sflag:$0x1] =	stream.linear.gather [hbm4b:s2+s10], $0x40, $0x38;
	[tilespmem:$0x1B8C0] =	vst v63  }
0x184: {  	s1 =	simm.s32 @!p0 $0x30D3;
	_ =	swait.ge [sflag:s29], $0x40  }
0x185: {  	s1 =	sshll.u32 s1, $0xA;
	[sflag:s29] =	ssyncset.done $0x0  }
0x186: {  	s1 =	sadd.s32 s15, s1;
	[sflag:s29] =	ssyncadd.s32 $0xFFFFFFC0  }
0x187: {  	[tilespmem:s28], [sflag:$0x1] =	stream.linear.gather [hbm4b:s1+s10], $0x2000, $0x38;
	[tilespmem:$0x1B8C0] =	vst v63  }
0x188: {  	_ =	swait.ge [sflag:s29], $0x2000  }
0x189: {  	[sflag:s29] =	ssyncset.done $0x0  }
0x18a: {  	[sflag:s29] =	ssyncadd.s32 $0xFFFFE000  }
0x18b: {  	[spmem:s13] =	stream.indirect.scatter.add.f32 [tilespmem:s28], [sflag:$0x1], $0x80, s10, s30, $0xb8;
	[tilespmem:$0x1B8C0] =	vst v63  }
0x18c: {  	_ =	swait.ge [sflag:s29], $0x2000  }
0x18d: {  	[sflag:s29] =	ssyncset.done $0x0  }
0x18e: {  	[sflag:s29] =	ssyncadd.s32 $0xFFFFE000  }
0x18f: {  	[bflag:$0x0] =	sbarrier.arrive $0xFFFF  }
0x190: {  	[tilespmem:s28], [sflag:$0x1] =	stream.linear.gather [spmem:s16], $0x2800, $0x38;
	[tilespmem:$0x1B8C0] =	vst v63  }
0x191: {  	_ =	swait.ge [sflag:s29], $0x2800  }
0x192: {  	s5 =	sld [smem:$0x7F4]  }
0x193: {  	[sflag:s29] =	ssyncset.done $0x0  }
0x194: {  	[sflag:s29] =	ssyncadd.s32 $0xFFFFD800  }
0x195: {  	[hbm4b:s5+s10] =	stream.linear.scatter [tilespmem:s28], [sflag:$0x1], $0x2800, $0x38;
	[tilespmem:$0x1B8C0] =	vst v63  }
0x196: {  	_ =	swait.ge [sflag:s29], $0x2800  }
0x197: {  	[sflag:s29] =	ssyncset.done $0x0  }
0x198: {  	[sflag:s29] =	ssyncadd.s32 $0xFFFFD800  }
0x199: {  	[tilespmem:s28], [sflag:$0x1] =	stream.linear.gather [spmem:s18], $0x2800, $0x38;
	[tilespmem:$0x1B8C0] =	vst v63  }
0x19a: {  	_ =	swait.ge [sflag:s29], $0x2800  }
0x19b: {  	s2 =	sld [smem:$0x7F5]  }
0x19c: {  	[sflag:s29] =	ssyncset.done $0x0  }
0x19d: {  	[sflag:s29] =	ssyncadd.s32 $0xFFFFD800  }
0x19e: {  	[hbm4b:s2+s10] =	stream.linear.scatter [tilespmem:s28], [sflag:$0x1], $0x2800, $0x38;
	[tilespmem:$0x1B8C0] =	vst v63  }
0x19f: {  	_ =	swait.ge [sflag:s29], $0x2800  }
0x1a0: {  	[sflag:s29] =	ssyncset.done $0x0  }
0x1a1: {  	[sflag:s29] =	ssyncadd.s32 $0xFFFFD800  }
0x1a2: {  	[tilespmem:s28], [sflag:$0x1] =	stream.linear.gather [spmem:s19], $0x2800, $0x38;
	[tilespmem:$0x1B8C0] =	vst v63  }
0x1a3: {  	_ =	swait.ge [sflag:s29], $0x2800  }
0x1a4: {  	s3 =	sld [smem:$0x7F6]  }
0x1a5: {  	[sflag:s29] =	ssyncset.done $0x0  }
0x1a6: {  	[sflag:s29] =	ssyncadd.s32 $0xFFFFD800  }
0x1a7: {  	[hbm4b:s3+s10] =	stream.linear.scatter [tilespmem:s28], [sflag:$0x1], $0x2800, $0x38;
	[tilespmem:$0x1B8C0] =	vst v63  }
0x1a8: {  	_ =	swait.ge [sflag:s29], $0x2800  }
0x1a9: {  	[sflag:s29] =	ssyncset.done $0x0  }
0x1aa: {  	[sflag:s29] =	ssyncadd.s32 $0xFFFFD800  }
0x1ab: {  	[tilespmem:s28], [sflag:$0x1] =	stream.linear.gather [spmem:s20], $0x2800, $0x38;
	[tilespmem:$0x1B8C0] =	vst v63  }
0x1ac: {  	_ =	swait.ge [sflag:s29], $0x2800  }
0x1ad: {  	s4 =	sld [smem:$0x7F7]  }
0x1ae: {  	[sflag:s29] =	ssyncset.done $0x0  }
0x1af: {  	[sflag:s29] =	ssyncadd.s32 $0xFFFFD800  }
0x1b0: {  	[hbm4b:s4+s10] =	stream.linear.scatter [tilespmem:s28], [sflag:$0x1], $0x2800, $0x38;
	[tilespmem:$0x1B8C0] =	vst v63  }
0x1b1: {  	_ =	swait.ge [sflag:s29], $0x2800  }
0x1b2: {  	[sflag:s29] =	ssyncset.done $0x0  }
0x1b3: {  	[sflag:s29] =	ssyncadd.s32 $0xFFFFD800  }
0x1b4: {  	[tilespmem:s28], [sflag:$0x1] =	stream.linear.gather [spmem:s21], $0x2800, $0x38;
	[tilespmem:$0x1B8C0] =	vst v63  }
0x1b5: {  	_ =	swait.ge [sflag:s29], $0x2800  }
0x1b6: {  	s5 =	sld [smem:$0x7F8]  }
0x1b7: {  	[sflag:s29] =	ssyncset.done $0x0  }
0x1b8: {  	[sflag:s29] =	ssyncadd.s32 $0xFFFFD800  }
0x1b9: {  	[hbm4b:s5+s10] =	stream.linear.scatter [tilespmem:s28], [sflag:$0x1], $0x2800, $0x38;
	[tilespmem:$0x1B8C0] =	vst v63  }
0x1ba: {  	_ =	swait.ge [sflag:s29], $0x2800  }
0x1bb: {  	[sflag:s29] =	ssyncset.done $0x0  }
0x1bc: {  	[sflag:s29] =	ssyncadd.s32 $0xFFFFD800  }
0x1bd: {  	[tilespmem:s28], [sflag:$0x1] =	stream.linear.gather [spmem:s22], $0x2800, $0x38;
	[tilespmem:$0x1B8C0] =	vst v63  }
0x1be: {  	_ =	swait.ge [sflag:s29], $0x2800  }
0x1bf: {  	[sflag:s29] =	ssyncset.done $0x0  }
0x1c0: {  	[sflag:s29] =	ssyncadd.s32 $0xFFFFD800  }
0x1c1: {  	[hbm4b:s6+s10] =	stream.linear.scatter [tilespmem:s28], [sflag:$0x1], $0x2800, $0x38;
	[tilespmem:$0x1B8C0] =	vst v63  }
0x1c2: {  	_ =	swait.ge [sflag:s29], $0x2800  }
0x1c3: {  	[sflag:s29] =	ssyncset.done $0x0  }
0x1c4: {  	[sflag:s29] =	ssyncadd.s32 $0xFFFFD800  }
0x1c5: {  	[tilespmem:s28], [sflag:$0x1] =	stream.linear.gather [spmem:s23], $0x2800, $0x38;
	[tilespmem:$0x1B8C0] =	vst v63  }
0x1c6: {  	_ =	swait.ge [sflag:s29], $0x2800  }
0x1c7: {  	[sflag:s29] =	ssyncset.done $0x0  }
0x1c8: {  	[sflag:s29] =	ssyncadd.s32 $0xFFFFD800  }
0x1c9: {  	[hbm4b:s7+s10] =	stream.linear.scatter [tilespmem:s28], [sflag:$0x1], $0x2800, $0x38;
	[tilespmem:$0x1B8C0] =	vst v63  }
0x1ca: {  	_ =	swait.ge [sflag:s29], $0x2800  }
0x1cb: {  	[sflag:s29] =	ssyncset.done $0x0  }
0x1cc: {  	[sflag:s29] =	ssyncadd.s32 $0xFFFFD800  }
0x1cd: {  	[tilespmem:s28], [sflag:$0x1] =	stream.linear.gather [spmem:s24], $0x2800, $0x38;
	[tilespmem:$0x1B8C0] =	vst v63  }
0x1ce: {  	_ =	swait.ge [sflag:s29], $0x2800  }
0x1cf: {  	[sflag:s29] =	ssyncset.done $0x0  }
0x1d0: {  	[sflag:s29] =	ssyncadd.s32 $0xFFFFD800  }
0x1d1: {  	[hbm4b:s8+s10] =	stream.linear.scatter [tilespmem:s28], [sflag:$0x1], $0x2800, $0x38;
	[tilespmem:$0x1B8C0] =	vst v63  }
0x1d2: {  	_ =	swait.ge [sflag:s29], $0x2800  }
0x1d3: {  	[sflag:s29] =	ssyncset.done $0x0  }
0x1d4: {  	[sflag:s29] =	ssyncadd.s32 $0xFFFFD800  }
0x1d5: {  	[tilespmem:s28], [sflag:$0x1] =	stream.linear.gather [spmem:s25], $0x2800, $0x38;
	[tilespmem:$0x1B8C0] =	vst v63  }
0x1d6: {  	_ =	swait.ge [sflag:s29], $0x2800  }
0x1d7: {  	[sflag:s29] =	ssyncset.done $0x0  }
0x1d8: {  	[sflag:s29] =	ssyncadd.s32 $0xFFFFD800  }
0x1d9: {  	[hbm4b:s9+s10] =	stream.linear.scatter [tilespmem:s28], [sflag:$0x1], $0x2800, $0x38;
	[tilespmem:$0x1B8C0] =	vst v63  }
0x1da: {  	_ =	swait.ge [sflag:s29], $0x2800  }
0x1db: {  	[sflag:s29] =	ssyncset.done $0x0  }
0x1dc: {  	[sflag:s29] =	ssyncadd.s32 $0xFFFFD800  }
0x1dd: {  	[tilespmem:s28], [sflag:$0x1] =	stream.linear.gather [spmem:s26], $0x2800, $0x38;
	[tilespmem:$0x1B8C0] =	vst v63  }
0x1de: {  	_ =	swait.ge [sflag:s29], $0x2800  }
0x1df: {  	s31 =	sadd.s32 $0x1, s31;
	[sflag:s29] =	ssyncset.done $0x0  }
0x1e0: {  	p0 =	sne.s32 s31, s17;
	[sflag:s29] =	ssyncadd.s32 $0xFFFFD800  }
0x1e1: {  	[hbm4b:s11+s10] =	stream.linear.scatter [tilespmem:s28], [sflag:$0x1], $0x2800, $0x38;
	[tilespmem:$0x1B8C0] =	vst v63  }
.Ltmp2:
0x1e2: {  	_ =	swait.ge [sflag:s29], $0x2800;
	(pc) =	sbr.rel @p0 .LBB2_1-.Ltmp2, $3  }
0x1e3: {  	[sflag:s29] =	ssyncset.done $0x0  }
0x1e4: {  	[sflag:s29] =	ssyncadd.s32 $0xFFFFD800  }
0x1e5: {  	[bflag:$0x0] =	sbarrier.arrive $0xFFFF;
	_ =	sdelay $0x1  }
0x1e6: {  	_ =	sfence.sel $0x180000  }
0x1e7: {  	[bflag:$0x0] =	sbarrier.arrive $0xFFFF  }
0x1e8: {  	_ =	strace $0x90000053  }
0x1e9: {  	[bflag:$0x2] =	sbarrier.arrive $0xFFFF  }
0x1ea: {  	p0 =	sne.s32 s0, $0x0;
	s0 =	rddreg [dreg:$0x2]  }
0x1eb: {  	s0 =	sadd.s32 @!p0 $0x100000, s0  }
0x1ec: {  	[sflag:s0] =	ssyncadd.tile.s32 @!p0 $0x1;
	_ =	shalt  }
.Lfunc_end2:
_tile_overlayer_lowered:
.L_overlay_start_2:
0x1ed: {  	(tag) =	ssettag $0x2  }
0x1ee: {  	s0 =	rddreg [dreg:$0x0];
	s2 =	stileid.u32  }
0x1ef: {  	s1 =	rddreg [dreg:$0x1];
	p0 =	sne.s32 s2, $0x0  }
0x1f0: {  	s3 =	rddreg [dreg:$0x2];
	[bflag:$0x3] =	sbarrier.arrive $0xFFFF;
	s2 =	simm.s32 @!p0 $0x1C01  }
0x1f1: {  	[timem:s3], [sflag:s2] =	dma.local @!p0 [hbm:s0], s1  }
0x1f2: {  	s0 =	simm.s32 @!p0 $0x1  }
0x1f3: {  	_ =	swait.ge @!p0 [sflag:s0], s1  }
0x1f4: {  	s1 =	ssub.s32 @!p0 $0x0, s1;
	[sflag:s0] =	ssyncset.done @!p0 $0x0  }
0x1f5: {  	[sflag:s0] =	ssyncadd.s32 @!p0 s1  }
0x1f6: {  	[bflag:$0x3] =	sbarrier.arrive $0xFFFF  }
0x1f7: {  	_ =	shalt  }

// kernel: kernel.33.cloned.1.call-start
scs
__scs_entry_jumppad:
0x0: {  	(pc) =	sbr.rel $0x88, $3  }
0x1: {  	(tag) =	ssettag $0x0;
	lr =	simm.s32 $0x1  }
0x2: {  	[smem:$0x3F93] =	sst lr;
	_ =	strace $0xD0000000  }
0x3: {  	_ = 	snop  }
0x4: {  	_ = 	snop  }
0x5: {  	_ = 	snop  }
0x6: {  	_ = 	snop  }
0x7: {  	_ = 	snop  }
__scs_overlays_trampoline_lowered:
0x8: {  	[smem:$0x3FA2] =	sst s0  }
0x9: {  	[smem:$0x3FA3] =	sst s1  }
0xa: {  	[smem:$0x3FA4] =	sst s2  }
0xb: {  	[smem:$0x3FA5] =	sst s3  }
0xc: {  	[smem:$0x3FA6] =	sst s4  }
0xd: {  	[smem:$0x3FA7] =	sst s5  }
0xe: {  	[smem:$0x3FA8] =	sst s6  }
0xf: {  	[smem:$0x3FA9] =	sst s7  }
0x10: {  	[smem:$0x3FAA] =	sst s8  }
0x11: {  	[smem:$0x3FAB] =	sst s9;
	s0 =	simm.s32 @!p0 $0x0  }
0x12: {  	s1 =	sld [smem:$0x3F91];
	s0 =	simm.s32 @p0 $0x1  }
0x13: {  	[smem:$0x3FAC] =	sst s0;
	s0 =	simm.s32 @!p1 $0x0  }
0x14: {  	s2 =	sld [smem:$0x3F90];
	s0 =	simm.s32 @p1 $0x1  }
0x15: {  	[smem:$0x3FAD] =	sst s0;
	s0 =	simm.s32 @!p2 $0x0  }
0x16: {  	s3 =	sld [smem:$0x3FDB];
	s0 =	simm.s32 @p2 $0x1  }
0x17: {  	s4 =	simm.s32 $0x1BF5;
	[smem:$0x3FAF] =	sst s0  }
0x18: {  	s0 =	sld [smem:$0x3F92];
	_ =	swait.ge [sflag:s4], $0x0  }
0x19: {  	s7 =	sld [smem:$0x3F93]  }
0x1a: {  	s8 =	sadd.s32 $0xFFFFE003, lr  }
0x1b: {  	s9 =	sadd.s32 $0xFFFFFEF7, lr;
	s5 =	simm.s32 $0xFFFFFFFF;
	p2 =	slt.u32 s8, $0xFFFFF086  }
0x1c: {  	p1 =	slt.u32 s9, $0xF7A;
	s5 =	simm.s32 @!p2 $0x0  }
0x1d: {  	s5 =	simm.s32 @p1 $0x1;
	p0 =	seq.s32 s7, s2  }
0x1e: {  	s7 =	smul.u32 @!p0 $0xF7A, s2;
	p2 =	seq.s32 @!p0 s5, $0x0  }
0x1f: {  	s9 =	smul.u32 $0xF7A, s1;
	s8 =	simm.s32 @!p0 $0x1BF5;
	p2 =	por !p2, p0  }
0x20: {  	[sflag:s8] =	ssyncset.s32 @!p0 $0xFFFFF086;
	s6 =	sadd.s32 @!p0 s3, s7;
	s7 =	simm.s32 @!p0 $0x108  }
0x21: {  	s3 =	sadd.s32 s3, s9;
	s6 =	sadd.s32 @!p0 $0x88, s6;
	s7 =	simm.s32 @p2 $0x1082  }
0x22: {  	[simem:s7], [sflag:s8] =	dma.local @!p0 [hbm:s6], $0xF7A  }
0x23: {  	s9 =	sor.u32 $0xD0000000, s2;
	s6 =	simm.s32 $0x108;
	_ =	swait.ge @!p0 [sflag:s8], $0x0  }
0x24: {  	s3 =	sadd.s32 $0x88, s3;
	s6 =	simm.s32 @!p1 $0x1082;
	[sflag:s4] =	ssyncset.s32 $0xFFFFF086  }
0x25: {  	[simem:s6], [sflag:s4] =	dma.local [hbm:s3], $0xF7A  }
0x26: {  	[smem:$0x3F93] =	sst s1;
	(tag) =	ssettag s2;
	_ =	strace s9  }
0x27: {  	s1 =	sld [smem:$0x3FA3]  }
0x28: {  	s2 =	sld [smem:$0x3FA4]  }
0x29: {  	s4 =	sld [smem:$0x3FA6]  }
0x2a: {  	p0 =	seq.s32 s5, $0x0;
	s5 =	sld [smem:$0x3FA7]  }
0x2b: {  	s6 =	sld [smem:$0x3FA8]  }
0x2c: {  	s7 =	sld [smem:$0x3FA9]  }
0x2d: {  	s3 =	simm.s32 $0x108;
	s8 =	sld [smem:$0x3FAA]  }
0x2e: {  	s3 =	simm.s32 @!p0 $0x1082;
	s9 =	sld [smem:$0x3FAB]  }
0x2f: {  	lr =	sadd.s32 s0, s3;
	s0 =	sld [smem:$0x3FA2]  }
0x30: {  	s3 =	sld [smem:$0x3FA5]  }
0x31: {  	[smem:$0x3FAE] =	sst s10  }
0x32: {  	s10 =	sld [smem:$0x3FAC];
	_ =	sdelay $0x3  }
0x33: {  	p0 =	seq.s32 s10, $0x1;
	s10 =	sld [smem:$0x3FAE];
	_ =	sdelay $0x3  }
0x34: {  	[smem:$0x3FAE] =	sst s10  }
0x35: {  	s10 =	sld [smem:$0x3FAD];
	_ =	sdelay $0x3  }
0x36: {  	p1 =	seq.s32 s10, $0x1;
	s10 =	sld [smem:$0x3FAE];
	_ =	sdelay $0x3  }
0x37: {  	[smem:$0x3FAE] =	sst s10  }
0x38: {  	s10 =	sld [smem:$0x3FAF]  }
0x39: {  	_ = 	snop;
	(pc) =	sbr.ind lr, $3  }
0x3a: {  	_ = 	snop  }
0x3b: {  	_ = 	snop  }
0x3c: {  	p2 =	seq.s32 s10, $0x1;
	s10 =	sld [smem:$0x3FAE]  }
0x3d: {  	_ =	shalt  }
0x3e: {  	_ =	shalt  }
0x3f: {  	_ =	shalt  }
0x40: {  	_ =	shalt  }
0x41: {  	_ =	shalt  }
0x42: {  	_ =	shalt  }
0x43: {  	_ =	shalt  }
0x44: {  	_ =	shalt  }
0x45: {  	_ =	shalt  }
0x46: {  	_ =	shalt  }
0x47: {  	_ =	shalt  }
0x48: {  	_ =	shalt  }
0x49: {  	_ =	shalt  }
0x4a: {  	_ =	shalt  }
0x4b: {  	_ =	shalt  }
0x4c: {  	_ =	shalt  }
0x4d: {  	_ =	shalt  }
0x4e: {  	_ =	shalt  }
0x4f: {  	_ =	shalt  }
0x50: {  	_ =	shalt  }
0x51: {  	_ =	shalt  }
0x52: {  	_ =	shalt  }
0x53: {  	_ =	shalt  }
0x54: {  	_ =	shalt  }
0x55: {  	_ =	shalt  }
0x56: {  	_ =	shalt  }
0x57: {  	_ =	shalt  }
0x58: {  	_ =	shalt  }
0x59: {  	_ =	shalt  }
0x5a: {  	_ =	shalt  }
0x5b: {  	_ =	shalt  }
0x5c: {  	_ =	shalt  }
0x5d: {  	_ =	shalt  }
0x5e: {  	_ =	shalt  }
0x5f: {  	_ =	shalt  }
0x60: {  	_ =	shalt  }
0x61: {  	_ =	shalt  }
0x62: {  	_ =	shalt  }
0x63: {  	_ =	shalt  }
0x64: {  	_ =	shalt  }
0x65: {  	_ =	shalt  }
0x66: {  	_ =	shalt  }
0x67: {  	_ =	shalt  }
0x68: {  	_ =	shalt  }
0x69: {  	_ =	shalt  }
0x6a: {  	_ =	shalt  }
0x6b: {  	_ =	shalt  }
0x6c: {  	_ =	shalt  }
0x6d: {  	_ =	shalt  }
0x6e: {  	_ =	shalt  }
0x6f: {  	_ =	shalt  }
0x70: {  	_ =	shalt  }
0x71: {  	_ =	shalt  }
0x72: {  	_ =	shalt  }
0x73: {  	_ =	shalt  }
0x74: {  	_ =	shalt  }
0x75: {  	_ =	shalt  }
0x76: {  	_ =	shalt  }
0x77: {  	_ =	shalt  }
0x78: {  	_ =	shalt  }
0x79: {  	_ =	shalt  }
0x7a: {  	_ =	shalt  }
0x7b: {  	_ =	shalt  }
0x7c: {  	_ =	shalt  }
0x7d: {  	_ =	shalt  }
0x7e: {  	_ =	shalt  }
0x7f: {  	_ =	shalt  }
0x80: {  	_ =	shalt  }
0x81: {  	_ =	shalt  }
0x82: {  	_ =	shalt  }
0x83: {  	_ =	shalt  }
0x84: {  	_ =	shalt  }
0x85: {  	_ =	shalt  }
0x86: {  	_ =	shalt  }
0x87: {  	_ =	shalt  }
.Lfunc_end0:
.L_simem_size_0:
called_computation.5_lowered:
.L_overlay_start_0:
0x88: {  	s2 =	sld [smem:$0x3FD9]  }
0x89: {  	s3 =	sld [smem:$0x3FFE];
	_ =	sdelay $0x1  }
0x8a: {  	s1 =	srdreg.scid  }
0x8b: {  	s0 =	sand.u32 $0x1, s1  }
0x8c: {  	s16 =	sshll.u32 s0, $0xA;
	s2 =	sadd.s32 s3, s2  }
0x8d: {  	s2 =	sadd.s32 s2, s16  }
0x8e: {  	[smem:$0x3FBA] =	sst s2  }
0x8f: {  	_ = 	snop  }
0x90: {  	(tm) =	ssettm $0x1  }
0x91: {  	s17 =	sld [smem:$0x3FFB];
	_ =	sdelay $0x3  }
0x92: {  	_ =	strace s17  }
0x93: {  	s2 =	sld [smem:$0x3FFC];
	_ =	sdelay $0x3  }
0x94: {  	_ =	strace s2  }
0x95: {  	s2 =	sld [smem:$0x3FFD];
	_ =	sdelay $0x3  }
0x96: {  	_ =	strace s2  }
0x97: {  	_ =	strace $0x8FFFFFFF  }
0x98: {  	s18 =	sld [smem:$0x3FDB];
	_ =	sdelay $0x1  }
0x99: {  	s19 =	simm.s32 $_scs_section_size  }
0x9a: {  	s4 =	simm.s32 $_size__tile_overlayer_lowered;
	s5 =	simm.s32 $_tile_overlayer_lowered  }
0x9b: {  	s22 =	simm.s32 $0x1BFF;
	s21 =	sshll.u32 s5, $0x1;
	s2 =	sadd.s32 s19, s18  }
0x9c: {  	s6 =	simm.s32 $0x0;
	s20 =	sshll.u32 s4, $0x1;
	s4 =	sadd.s32 s21, s2  }
0x9d: {  	[timem:s6], [sflag:s22] =	dma.local [hbm:s4], s20  }
0x9e: {  	_ =	swait.ge [sflag:s22], s20  }
0x9f: {  	s3 =	ssub.s32 $0x0, s20;
	[sflag:s22] =	ssyncset.done $0x0  }
0xa0: {  	[sflag:s22] =	ssyncadd.s32 s3;
	_ =	sdelay $0x1  }
0xa1: {  	s23 =	simm.s32 $0x1B8B  }
0xa2: {  	_ =	swait.ge [sflag:s23], $0x1  }
0xa3: {  	[sflag:s23] =	ssyncset.done $0x0  }
0xa4: {  	s25 =	simm.s32 $0x1B8E;
	s24 =	sld [smem:$0x3FFE];
	[sflag:s23] =	ssyncadd.s32 $0xFFFFFFFF  }
0xa5: {  	s26 =	simm.s32 $execute0_lowered;
	[smem:$0x3FD2] =	sst s25  }
0xa6: {  	s4 =	sshll.u32 s26, $0x1;
	_ =	strace $0x80000055;
	[dreg:$0x1] =	wrdreg $0xFFFFFFFF  }
0xa7: {  	s28 =	simm.s32 $_size_execute0_lowered;
	s2 =	sadd.s32 s2, s4;
	[dreg:$0x0] =	wrdreg $0x0  }
0xa8: {  	s4 =	sshll.u32 s28, $0x1;
	[dreg:$0x2] =	wrdreg s2  }
0xa9: {  	[dreg:$0x3] =	wrdreg s4  }
0xaa: {  	[dreg:$0x4] =	wrdreg $0xC0  }
0xab: {  	_ =	task [dreg:s6], $0x5FFFF  }
0xac: {  	[dreg:$0x1] =	wrdreg $0xFFFFFFFF  }
0xad: {  	[dreg:$0x0] =	wrdreg $0x60  }
0xae: {  	[dreg:$0x2] =	wrdreg s24  }
0xaf: {  	[dreg:$0x3] =	wrdreg $0x9  }
0xb0: {  	_ =	task.clear_ibuf [dreg:s6], $0x4FFFF;
	_ =	strace $0x90000055  }
0xb1: {  	s29 =	simm.s32 $0x9;
	_ =	strace $0x80000057  }
0xb2: {  	_ =	swait.ge [sflag:s29], $0x1  }
0xb3: {  	[sflag:s29] =	ssyncadd.s32 $0xFFFFFFFF  }
0xb4: {  	_ =	strace $0x90000057  }
0xb5: {  	_ =	sfence  }
0xb6: {  	s30 =	sld [smem:$0x0];
	_ =	sdelay $0x2  }
0xb7: {  	s31 =	sshll.u32 s1, $0xD;
	s1 =	sshrl.u32 s1, $0x2  }
0xb8: {  	s3 =	sand.u32 $0x4000, s31;
	s1 =	sadd.s32 s1, s30  }
0xb9: {  	s0 =	sor.u32 s3, s0;
	s1 =	sshll.u32 s1, $0x11  }
0xba: {  	s0 =	sor.u32 s1, s0  }
0xbb: {  	s0 =	sadd.s32 $0x8F2B, s0  }
0xbc: {  	[sflag:s0] =	ssyncadd.remote.s32 $0x1  }
0xbd: {  	_ =	sfence.sel $0xFFFF  }
0xbe: {  	[dreg:$0x0] =	wrdreg $0xFFFFFFFF;
	(pc) =	sbr.abs _section_cstart, $3  }
0xbf: {  	[dreg:$0x1] =	wrdreg $0xFFFFFFFF  }
0xc0: {  	_ =	task.clear_ibuf [dreg:s6], $0x2FFFF;
	_ =	strace $0x9FFFFFFF  }
0xc1: {  	(tm) =	ssettm $0x7FFFFFFF  }
tec
execute0_lowered:
.L_overlay_start_1:
0x0: {  	(tag) =	ssettag $0x1  }
0x1: {  	s4 =	rddreg [dreg:$0x0]  }
0x2: {  	s0 =	rddreg [dreg:$0x1]  }
0x3: {  	s3 =	srdreg.scid;
	s1 =	stileid.u32;
	s2 =	simm.s32 $0x0  }
0x4: {  	s14 =	simm.s32 $0x0;
	s5 =	sand.u32 $0x1, s3;
	s9 =	smul.u32 $0xC350, s1  }
0x5: {  	s29 =	sshll.u32 s1, $0x1;
	[smem:$0x7FF] =	sst s2;
	s31 =	smul.u32 $0xC3500, s1  }
0x6: {  	s8 =	sadd.s32 $0xE6C00, s4;
	s3 =	sor.u32 s5, s29;
	s12 =	smul.u32 $0x61A8, s5  }
0x7: {  	s7 =	sadd.s32 $0x1C7400, s4;
	s30 =	ssub.s32 $0x2, s5;
	s6 =	smul.u32 $0x61A8, s3  }
0x8: {  	_ =	strace $0x80000056;
	s13 =	smul.u32 $0x61A80, s5;
	s10 =	sshrl.u32 s30, $0x1  }
0x9: {  	s3 =	sadd.s32 $0xFF400, s4;
	s10 =	ssub.s32 s30, s10;
	s6 =	sadd.s32 $0x60A8, s6  }
0xa: {  	s9 =	sadd.s32 s12, s9;
	s12 =	simm.s32 $0x4100;
	s11 =	sshrl.u32 s6, $0x3  }
0xb: {  	s9 =	sshrl.u32 s9, $0x3;
	s6 =	sshll.u32 s6, $0x4;
	s4 =	sadd.s32 s8, s11  }
0xc: {  	s5 =	sadd.s32 s7, s6;
	s7 =	sadd.s32 s31, s7;
	s6 =	smax.u32 s10, $0x1  }
0xd: {  	s8 =	sadd.s32 s9, s8;
	s9 =	simm.s32 $0x2;
	s10 =	simm.s32 $0x80  }
0xe: {  	s11 =	simm.s32 $0x100;
	s7 =	sadd.s32 s13, s7;
	s13 =	simm.s32 $0x1  }
.LBB2_1:
0xf: {  	s15 =	sadd.s32 $0x0, s8  }
0x10: {  	[tilespmem:s2], [sflag:$0x2] =	stream.linear.gather [hbm4b:s15+s2], $0x100, $0x38;
	[tilespmem:$0x8100] =	vst v63  }
0x11: {  	_ =	swait.ge [sflag:s9], $0x100  }
0x12: {  	[sflag:s9] =	ssyncset.done $0x0  }
0x13: {  	[sflag:s9] =	ssyncadd.s32 $0xFFFFFF00  }
0x14: {  	[tilespmem:s11], [sflag:$0x1] =	stream.indirect.gather [hbm4b:s3+s10], $0x80, s2, s10, $0xb8;
	[tilespmem:$0x8100] =	vst v63  }
0x15: {  	_ = 	snop  }
0x16: {  	[tilespmem:s12], [sflag:$0x1] =	stream.indirect.gather [hbm4b:s3+s10], $0x80, s10, s10, $0xb8;
	[tilespmem:$0x8100] =	vst v63  }
0x17: {  	_ =	swait.ge [sflag:s13], $0x4000  }
0x18: {  	[sflag:s13] =	ssyncset.done $0x0  }
0x19: {  	[sflag:s13] =	ssyncadd.s32 $0xFFFFC000  }
0x1a: {  	_ =	swait.ge [sflag:s13], $0x4000  }
0x1b: {  	[sflag:s13] =	ssyncset.done $0x0  }
0x1c: {  	[sflag:s13] =	ssyncadd.s32 $0xFFFFC000  }
0x1d: {  	[hbm4b:s7+s2] =	stream.linear.scatter [tilespmem:s11], [sflag:$0x2], $0x8000, $0x38;
	[tilespmem:$0x8100] =	vst v63  }
0x1e: {  	s16 =	simm.s32 $0x20;
	_ =	swait.ge [sflag:s9], $0x8000  }
0x1f: {  	s17 =	simm.s32 $0x40;
	s15 =	sadd.s32 $0x1000, s7;
	[sflag:s9] =	ssyncset.done $0x0  }
.LBB2_2:
0x20: {  	s18 =	sadd.s32 s16, s8  }
0x21: {  	[sflag:s9] =	ssyncadd.s32 $0xFFFF8000;
	s16 =	smov.u32 s17;
	s19 =	sadd.s32 $0x20, s17  }
0x22: {  	[tilespmem:s2], [sflag:$0x2] =	stream.linear.gather [hbm4b:s18+s2], $0x100, $0x38;
	[tilespmem:$0x8100] =	vst v63  }
0x23: {  	p0 =	sne.s32 s17, $0xC00;
	_ =	swait.ge [sflag:s9], $0x100  }
0x24: {  	[sflag:s9] =	ssyncset.done $0x0  }
0x25: {  	[sflag:s9] =	ssyncadd.s32 $0xFFFFFF00  }
0x26: {  	[tilespmem:s11], [sflag:$0x1] =	stream.indirect.gather [hbm4b:s3+s10], $0x80, s2, s10, $0xb8;
	[tilespmem:$0x8100] =	vst v63  }
0x27: {  	_ = 	snop  }
0x28: {  	[tilespmem:s12], [sflag:$0x1] =	stream.indirect.gather [hbm4b:s3+s10], $0x80, s10, s10, $0xb8;
	[tilespmem:$0x8100] =	vst v63  }
0x29: {  	_ =	swait.ge [sflag:s13], $0x4000  }
0x2a: {  	[sflag:s13] =	ssyncset.done $0x0  }
0x2b: {  	[sflag:s13] =	ssyncadd.s32 $0xFFFFC000  }
0x2c: {  	_ =	swait.ge [sflag:s13], $0x4000  }
.Ltmp0:
0x2d: {  	[sflag:s13] =	ssyncset.done $0x0;
	(pc) =	sbr.rel @p0 .LBB2_2-.Ltmp0, $4  }
0x2e: {  	[sflag:s13] =	ssyncadd.s32 $0xFFFFC000  }
0x2f: {  	[hbm4b:s15+s2] =	stream.linear.scatter [tilespmem:s11], [sflag:$0x2], $0x8000, $0x38;
	[tilespmem:$0x8100] =	vst v63  }
0x30: {  	_ =	swait.ge [sflag:s9], $0x8000  }
0x31: {  	s17 =	smov.u32 s19;
	s15 =	sadd.s32 $0x1000, s15;
	[sflag:s9] =	ssyncset.done $0x0  }
0x32: {  	s16 =	sadd.s32 s16, s8;
	[sflag:s9] =	ssyncadd.s32 $0xFFFF8000  }
0x33: {  	[tilespmem:s2], [sflag:$0x2] =	stream.linear.gather [hbm4b:s16+s2], $0x100, $0x38;
	[tilespmem:$0x8100] =	vst v63  }
0x34: {  	_ =	swait.ge [sflag:s9], $0x100  }
0x35: {  	[sflag:s9] =	ssyncset.done $0x0  }
0x36: {  	[sflag:s9] =	ssyncadd.s32 $0xFFFFFF00  }
0x37: {  	[tilespmem:s11], [sflag:$0x1] =	stream.indirect.gather [hbm4b:s3+s10], $0x80, s2, s10, $0xb8;
	[tilespmem:$0x8100] =	vst v63  }
0x38: {  	_ = 	snop  }
0x39: {  	[tilespmem:s12], [sflag:$0x1] =	stream.indirect.gather [hbm4b:s3+s10], $0x80, s10, s10, $0xb8;
	[tilespmem:$0x8100] =	vst v63  }
0x3a: {  	_ =	swait.ge [sflag:s13], $0x4000  }
0x3b: {  	[sflag:s13] =	ssyncset.done $0x0  }
0x3c: {  	[sflag:s13] =	ssyncadd.s32 $0xFFFFC000  }
0x3d: {  	_ =	swait.ge [sflag:s13], $0x4000  }
0x3e: {  	[sflag:s13] =	ssyncset.done $0x0  }
0x3f: {  	[sflag:s13] =	ssyncadd.s32 $0xFFFFC000  }
0x40: {  	[hbm4b:s15+s2] =	stream.linear.scatter [tilespmem:s11], [sflag:$0x2], $0x8000, $0x38;
	[tilespmem:$0x8100] =	vst v63  }
0x41: {  	_ =	swait.ge [sflag:s9], $0x8000  }
0x42: {  	[sflag:s9] =	ssyncset.done $0x0  }
0x43: {  	[sflag:s9] =	ssyncadd.s32 $0xFFFF8000  }
0x44: {  	[tilespmem:s2], [sflag:$0x2] =	stream.linear.gather [hbm4b:s4+s2], $0x100, $0x38;
	[tilespmem:$0x8100] =	vst v63  }
0x45: {  	_ =	swait.ge [sflag:s9], $0x100  }
0x46: {  	[sflag:s9] =	ssyncset.done $0x0  }
0x47: {  	[sflag:s9] =	ssyncadd.s32 $0xFFFFFF00  }
0x48: {  	[tilespmem:s11], [sflag:$0x1] =	stream.indirect.gather [hbm4b:s3+s10], $0x80, s2, s10, $0xb8;
	[tilespmem:$0x8100] =	vst v63  }
0x49: {  	_ = 	snop  }
0x4a: {  	[tilespmem:s12], [sflag:$0x1] =	stream.indirect.gather [hbm4b:s3+s10], $0x80, s10, s10, $0xb8;
	[tilespmem:$0x8100] =	vst v63  }
0x4b: {  	_ =	swait.ge [sflag:s13], $0x4000  }
0x4c: {  	[sflag:s13] =	ssyncset.done $0x0  }
0x4d: {  	[sflag:s13] =	ssyncadd.s32 $0xFFFFC000  }
0x4e: {  	s14 =	sadd.s32 $0x1, s14;
	_ =	swait.ge [sflag:s13], $0x4000  }
0x4f: {  	p0 =	sne.s32 s14, s6;
	[sflag:s13] =	ssyncset.done $0x0  }
.Ltmp1:
0x50: {  	[sflag:s13] =	ssyncadd.s32 $0xFFFFC000;
	(pc) =	sbr.rel @p0 .LBB2_1-.Ltmp1, $4  }
0x51: {  	[hbm4b:s5+s2] =	stream.linear.scatter [tilespmem:s11], [sflag:$0x2], $0x8000, $0x38;
	[tilespmem:$0x8100] =	vst v63  }
0x52: {  	_ =	swait.ge [sflag:s9], $0x8000  }
0x53: {  	[sflag:s9] =	ssyncset.done $0x0  }
0x54: {  	[sflag:s9] =	ssyncadd.s32 $0xFFFF8000  }
0x55: {  	_ =	sfence.sel $0x180000  }
0x56: {  	[bflag:$0x0] =	sbarrier.arrive $0xFFFF  }
0x57: {  	p0 =	sne.s32 s1, $0x0;
	_ =	strace $0x90000056  }
0x58: {  	s0 =	sadd.s32 @!p0 $0x100000, s0;
	[bflag:$0x2] =	sbarrier.arrive $0xFFFF  }
0x59: {  	[sflag:s0] =	ssyncadd.tile.s32 @!p0 $0x1;
	_ =	shalt  }
.Lfunc_end2:
_tile_overlayer_lowered:
.L_overlay_start_2:
0x5a: {  	(tag) =	ssettag $0x2  }
0x5b: {  	s0 =	rddreg [dreg:$0x0];
	s2 =	stileid.u32  }
0x5c: {  	s1 =	rddreg [dreg:$0x1];
	p0 =	sne.s32 s2, $0x0  }
0x5d: {  	s3 =	rddreg [dreg:$0x2];
	[bflag:$0x3] =	sbarrier.arrive $0xFFFF;
	s2 =	simm.s32 @!p0 $0x1C02  }
0x5e: {  	[timem:s3], [sflag:s2] =	dma.local @!p0 [hbm:s0], s1  }
0x5f: {  	s0 =	simm.s32 @!p0 $0x2  }
0x60: {  	_ =	swait.ge @!p0 [sflag:s0], s1  }
0x61: {  	s1 =	ssub.s32 @!p0 $0x0, s1;
	[sflag:s0] =	ssyncset.done @!p0 $0x0  }
0x62: {  	[sflag:s0] =	ssyncadd.s32 @!p0 s1  }
0x63: {  	[bflag:$0x3] =	sbarrier.arrive $0xFFFF  }
0x64: {  	_ =	shalt  }

// kernel: kernel.36.cloned.1.call-start
scs
__scs_entry_jumppad:
0x0: {  	(pc) =	sbr.rel $0x88, $3  }
0x1: {  	(tag) =	ssettag $0x0;
	lr =	simm.s32 $0x1  }
0x2: {  	[smem:$0x3F93] =	sst lr;
	_ =	strace $0xD0000000  }
0x3: {  	_ = 	snop  }
0x4: {  	_ = 	snop  }
0x5: {  	_ = 	snop  }
0x6: {  	_ = 	snop  }
0x7: {  	_ = 	snop  }
__scs_overlays_trampoline_lowered:
0x8: {  	[smem:$0x3FA2] =	sst s0  }
0x9: {  	[smem:$0x3FA3] =	sst s1  }
0xa: {  	[smem:$0x3FA4] =	sst s2  }
0xb: {  	[smem:$0x3FA5] =	sst s3  }
0xc: {  	[smem:$0x3FA6] =	sst s4  }
0xd: {  	[smem:$0x3FA7] =	sst s5  }
0xe: {  	[smem:$0x3FA8] =	sst s6  }
0xf: {  	[smem:$0x3FA9] =	sst s7  }
0x10: {  	[smem:$0x3FAA] =	sst s8  }
0x11: {  	[smem:$0x3FAB] =	sst s9;
	s0 =	simm.s32 @!p0 $0x0  }
0x12: {  	s1 =	sld [smem:$0x3F91];
	s0 =	simm.s32 @p0 $0x1  }
0x13: {  	[smem:$0x3FAC] =	sst s0;
	s0 =	simm.s32 @!p1 $0x0  }
0x14: {  	s2 =	sld [smem:$0x3F90];
	s0 =	simm.s32 @p1 $0x1  }
0x15: {  	[smem:$0x3FAD] =	sst s0;
	s0 =	simm.s32 @!p2 $0x0  }
0x16: {  	s3 =	sld [smem:$0x3FDB];
	s0 =	simm.s32 @p2 $0x1  }
0x17: {  	s4 =	simm.s32 $0x1BF5;
	[smem:$0x3FAF] =	sst s0  }
0x18: {  	s0 =	sld [smem:$0x3F92];
	_ =	swait.ge [sflag:s4], $0x0  }
0x19: {  	s7 =	sld [smem:$0x3F93]  }
0x1a: {  	s8 =	sadd.s32 $0xFFFFE003, lr  }
0x1b: {  	s9 =	sadd.s32 $0xFFFFFEF7, lr;
	s5 =	simm.s32 $0xFFFFFFFF;
	p2 =	slt.u32 s8, $0xFFFFF086  }
0x1c: {  	p1 =	slt.u32 s9, $0xF7A;
	s5 =	simm.s32 @!p2 $0x0  }
0x1d: {  	s5 =	simm.s32 @p1 $0x1;
	p0 =	seq.s32 s7, s2  }
0x1e: {  	s7 =	smul.u32 @!p0 $0xF7A, s2;
	p2 =	seq.s32 @!p0 s5, $0x0  }
0x1f: {  	s9 =	smul.u32 $0xF7A, s1;
	s8 =	simm.s32 @!p0 $0x1BF5;
	p2 =	por !p2, p0  }
0x20: {  	[sflag:s8] =	ssyncset.s32 @!p0 $0xFFFFF086;
	s6 =	sadd.s32 @!p0 s3, s7;
	s7 =	simm.s32 @!p0 $0x108  }
0x21: {  	s3 =	sadd.s32 s3, s9;
	s6 =	sadd.s32 @!p0 $0x88, s6;
	s7 =	simm.s32 @p2 $0x1082  }
0x22: {  	[simem:s7], [sflag:s8] =	dma.local @!p0 [hbm:s6], $0xF7A  }
0x23: {  	s9 =	sor.u32 $0xD0000000, s2;
	s6 =	simm.s32 $0x108;
	_ =	swait.ge @!p0 [sflag:s8], $0x0  }
0x24: {  	s3 =	sadd.s32 $0x88, s3;
	s6 =	simm.s32 @!p1 $0x1082;
	[sflag:s4] =	ssyncset.s32 $0xFFFFF086  }
0x25: {  	[simem:s6], [sflag:s4] =	dma.local [hbm:s3], $0xF7A  }
0x26: {  	[smem:$0x3F93] =	sst s1;
	(tag) =	ssettag s2;
	_ =	strace s9  }
0x27: {  	s1 =	sld [smem:$0x3FA3]  }
0x28: {  	s2 =	sld [smem:$0x3FA4]  }
0x29: {  	s4 =	sld [smem:$0x3FA6]  }
0x2a: {  	p0 =	seq.s32 s5, $0x0;
	s5 =	sld [smem:$0x3FA7]  }
0x2b: {  	s6 =	sld [smem:$0x3FA8]  }
0x2c: {  	s7 =	sld [smem:$0x3FA9]  }
0x2d: {  	s3 =	simm.s32 $0x108;
	s8 =	sld [smem:$0x3FAA]  }
0x2e: {  	s3 =	simm.s32 @!p0 $0x1082;
	s9 =	sld [smem:$0x3FAB]  }
0x2f: {  	lr =	sadd.s32 s0, s3;
	s0 =	sld [smem:$0x3FA2]  }
0x30: {  	s3 =	sld [smem:$0x3FA5]  }
0x31: {  	[smem:$0x3FAE] =	sst s10  }
0x32: {  	s10 =	sld [smem:$0x3FAC];
	_ =	sdelay $0x3  }
0x33: {  	p0 =	seq.s32 s10, $0x1;
	s10 =	sld [smem:$0x3FAE];
	_ =	sdelay $0x3  }
0x34: {  	[smem:$0x3FAE] =	sst s10  }
0x35: {  	s10 =	sld [smem:$0x3FAD];
	_ =	sdelay $0x3  }
0x36: {  	p1 =	seq.s32 s10, $0x1;
	s10 =	sld [smem:$0x3FAE];
	_ =	sdelay $0x3  }
0x37: {  	[smem:$0x3FAE] =	sst s10  }
0x38: {  	s10 =	sld [smem:$0x3FAF]  }
0x39: {  	_ = 	snop;
	(pc) =	sbr.ind lr, $3  }
0x3a: {  	_ = 	snop  }
0x3b: {  	_ = 	snop  }
0x3c: {  	p2 =	seq.s32 s10, $0x1;
	s10 =	sld [smem:$0x3FAE]  }
0x3d: {  	_ =	shalt  }
0x3e: {  	_ =	shalt  }
0x3f: {  	_ =	shalt  }
0x40: {  	_ =	shalt  }
0x41: {  	_ =	shalt  }
0x42: {  	_ =	shalt  }
0x43: {  	_ =	shalt  }
0x44: {  	_ =	shalt  }
0x45: {  	_ =	shalt  }
0x46: {  	_ =	shalt  }
0x47: {  	_ =	shalt  }
0x48: {  	_ =	shalt  }
0x49: {  	_ =	shalt  }
0x4a: {  	_ =	shalt  }
0x4b: {  	_ =	shalt  }
0x4c: {  	_ =	shalt  }
0x4d: {  	_ =	shalt  }
0x4e: {  	_ =	shalt  }
0x4f: {  	_ =	shalt  }
0x50: {  	_ =	shalt  }
0x51: {  	_ =	shalt  }
0x52: {  	_ =	shalt  }
0x53: {  	_ =	shalt  }
0x54: {  	_ =	shalt  }
0x55: {  	_ =	shalt  }
0x56: {  	_ =	shalt  }
0x57: {  	_ =	shalt  }
0x58: {  	_ =	shalt  }
0x59: {  	_ =	shalt  }
0x5a: {  	_ =	shalt  }
0x5b: {  	_ =	shalt  }
0x5c: {  	_ =	shalt  }
0x5d: {  	_ =	shalt  }
0x5e: {  	_ =	shalt  }
0x5f: {  	_ =	shalt  }
0x60: {  	_ =	shalt  }
0x61: {  	_ =	shalt  }
0x62: {  	_ =	shalt  }
0x63: {  	_ =	shalt  }
0x64: {  	_ =	shalt  }
0x65: {  	_ =	shalt  }
0x66: {  	_ =	shalt  }
0x67: {  	_ =	shalt  }
0x68: {  	_ =	shalt  }
0x69: {  	_ =	shalt  }
0x6a: {  	_ =	shalt  }
0x6b: {  	_ =	shalt  }
0x6c: {  	_ =	shalt  }
0x6d: {  	_ =	shalt  }
0x6e: {  	_ =	shalt  }
0x6f: {  	_ =	shalt  }
0x70: {  	_ =	shalt  }
0x71: {  	_ =	shalt  }
0x72: {  	_ =	shalt  }
0x73: {  	_ =	shalt  }
0x74: {  	_ =	shalt  }
0x75: {  	_ =	shalt  }
0x76: {  	_ =	shalt  }
0x77: {  	_ =	shalt  }
0x78: {  	_ =	shalt  }
0x79: {  	_ =	shalt  }
0x7a: {  	_ =	shalt  }
0x7b: {  	_ =	shalt  }
0x7c: {  	_ =	shalt  }
0x7d: {  	_ =	shalt  }
0x7e: {  	_ =	shalt  }
0x7f: {  	_ =	shalt  }
0x80: {  	_ =	shalt  }
0x81: {  	_ =	shalt  }
0x82: {  	_ =	shalt  }
0x83: {  	_ =	shalt  }
0x84: {  	_ =	shalt  }
0x85: {  	_ =	shalt  }
0x86: {  	_ =	shalt  }
0x87: {  	_ =	shalt  }
.Lfunc_end0:
.L_simem_size_0:
called_computation.6_lowered:
.L_overlay_start_0:
0x88: {  	s2 =	sld [smem:$0x3FD9]  }
0x89: {  	s3 =	sld [smem:$0x3FFE];
	_ =	sdelay $0x1  }
0x8a: {  	s1 =	srdreg.scid  }
0x8b: {  	s0 =	sand.u32 $0x1, s1  }
0x8c: {  	s16 =	sshll.u32 s0, $0xA;
	s2 =	sadd.s32 s3, s2  }
0x8d: {  	s2 =	sadd.s32 s2, s16  }
0x8e: {  	[smem:$0x3FBA] =	sst s2  }
0x8f: {  	_ = 	snop  }
0x90: {  	(tm) =	ssettm $0x1  }
0x91: {  	s17 =	sld [smem:$0x3FFB];
	_ =	sdelay $0x3  }
0x92: {  	_ =	strace s17  }
0x93: {  	s2 =	sld [smem:$0x3FFC];
	_ =	sdelay $0x3  }
0x94: {  	_ =	strace s2  }
0x95: {  	s2 =	sld [smem:$0x3FFD];
	_ =	sdelay $0x3  }
0x96: {  	_ =	strace s2  }
0x97: {  	_ =	strace $0x8FFFFFFF  }
0x98: {  	s18 =	sld [smem:$0x3FDB];
	_ =	sdelay $0x1  }
0x99: {  	s19 =	simm.s32 $_scs_section_size  }
0x9a: {  	s4 =	simm.s32 $_size__tile_overlayer_lowered;
	s5 =	simm.s32 $_tile_overlayer_lowered  }
0x9b: {  	s22 =	simm.s32 $0x1BFF;
	s21 =	sshll.u32 s5, $0x1;
	s2 =	sadd.s32 s19, s18  }
0x9c: {  	s6 =	simm.s32 $0x0;
	s20 =	sshll.u32 s4, $0x1;
	s4 =	sadd.s32 s21, s2  }
0x9d: {  	[timem:s6], [sflag:s22] =	dma.local [hbm:s4], s20  }
0x9e: {  	_ =	swait.ge [sflag:s22], s20  }
0x9f: {  	s3 =	ssub.s32 $0x0, s20;
	[sflag:s22] =	ssyncset.done $0x0  }
0xa0: {  	[sflag:s22] =	ssyncadd.s32 s3;
	_ =	sdelay $0x1  }
0xa1: {  	s23 =	simm.s32 $0x1B8B  }
0xa2: {  	_ =	swait.ge [sflag:s23], $0x1  }
0xa3: {  	[sflag:s23] =	ssyncset.done $0x0  }
0xa4: {  	s25 =	simm.s32 $0x1B8E;
	s24 =	sld [smem:$0x3FFE];
	[sflag:s23] =	ssyncadd.s32 $0xFFFFFFFF  }
0xa5: {  	s26 =	simm.s32 $execute0_lowered;
	[smem:$0x3FD2] =	sst s25  }
0xa6: {  	s4 =	sshll.u32 s26, $0x1;
	_ =	strace $0x80000058;
	[dreg:$0x1] =	wrdreg $0xFFFFFFFF  }
0xa7: {  	s28 =	simm.s32 $_size_execute0_lowered;
	s2 =	sadd.s32 s2, s4;
	[dreg:$0x0] =	wrdreg $0x0  }
0xa8: {  	s4 =	sshll.u32 s28, $0x1;
	[dreg:$0x2] =	wrdreg s2  }
0xa9: {  	[dreg:$0x3] =	wrdreg s4  }
0xaa: {  	[dreg:$0x4] =	wrdreg $0xC0  }
0xab: {  	_ =	task [dreg:s6], $0x5FFFF  }
0xac: {  	[dreg:$0x1] =	wrdreg $0xFFFFFFFF  }
0xad: {  	[dreg:$0x0] =	wrdreg $0x60  }
0xae: {  	[dreg:$0x2] =	wrdreg s24  }
0xaf: {  	[dreg:$0x3] =	wrdreg $0x28800  }
0xb0: {  	[dreg:$0x4] =	wrdreg $0x9  }
0xb1: {  	_ =	task.clear_ibuf [dreg:s6], $0x5FFFF;
	_ =	strace $0x90000058  }
0xb2: {  	s29 =	simm.s32 $0x9;
	_ =	strace $0x8000005A  }
0xb3: {  	_ =	swait.ge [sflag:s29], $0x1  }
0xb4: {  	[sflag:s29] =	ssyncadd.s32 $0xFFFFFFFF  }
0xb5: {  	_ =	strace $0x9000005A  }
0xb6: {  	_ =	sfence  }
0xb7: {  	s30 =	sld [smem:$0x0];
	_ =	sdelay $0x2  }
0xb8: {  	s31 =	sshll.u32 s1, $0xD;
	s1 =	sshrl.u32 s1, $0x2  }
0xb9: {  	s3 =	sand.u32 $0x4000, s31;
	s1 =	sadd.s32 s1, s30  }
0xba: {  	s0 =	sor.u32 s3, s0;
	s1 =	sshll.u32 s1, $0x11  }
0xbb: {  	s0 =	sor.u32 s1, s0  }
0xbc: {  	s0 =	sadd.s32 $0x8F2B, s0  }
0xbd: {  	[sflag:s0] =	ssyncadd.remote.s32 $0x1  }
0xbe: {  	_ =	sfence.sel $0xFFFF  }
0xbf: {  	[dreg:$0x0] =	wrdreg $0xFFFFFFFF;
	(pc) =	sbr.abs _section_cstart, $3  }
0xc0: {  	[dreg:$0x1] =	wrdreg $0xFFFFFFFF  }
0xc1: {  	_ =	task.clear_ibuf [dreg:s6], $0x2FFFF;
	_ =	strace $0x9FFFFFFF  }
0xc2: {  	(tm) =	ssettm $0x7FFFFFFF  }
0xc3: {  	_ =	shalt  }
tec
execute0_lowered:
.L_overlay_start_1:
0x0: {  	(tag) =	ssettag $0x1  }
0x1: {  	s0 =	srdreg.scid  }
0x2: {  	s2 =	sand.u32 $0x1, s0  }
0x3: {  	s0 =	stileid.u32;
	s3 =	smul.u32 $0x3200, s2  }
0x4: {  	s1 =	sor.u32 $0x2, s2;
	s5 =	smul.u32 $0x50, s0  }
0x5: {  	s16 =	sor.u32 $0x10, s0;
	s4 =	smul.u32 $0x3200, s1  }
0x6: {  	s18 =	sor.u32 $0x20, s0;
	s6 =	smul.u32 $0x50, s16  }
0x7: {  	s20 =	sor.u32 $0x30, s0;
	s7 =	smul.u32 $0x50, s18  }
0x8: {  	s13 =	sor.u32 $0x40, s0;
	s8 =	smul.u32 $0x50, s20  }
0x9: {  	s9 =	ssub.s32 $0x2, s2;
	s14 =	sor.u32 $0x50, s0;
	s10 =	smul.u32 $0x50, s13  }
0xa: {  	s15 =	sor.u32 $0x60, s0;
	[smem:$0x7FA] =	sst s13;
	s13 =	smul.u32 $0x50, s14  }
0xb: {  	s19 =	sor.u32 $0x70, s0;
	s22 =	sor.u32 $0x80, s0;
	s17 =	smul.u32 $0x50, s15  }
0xc: {  	s23 =	sor.u32 $0x90, s0;
	[smem:$0x7FB] =	sst s14;
	s14 =	smul.u32 $0x50, s19  }
0xd: {  	s11 =	sshrl.u32 s9, $0x1;
	[smem:$0x7FC] =	sst s15;
	s24 =	smul.u32 $0x50, s22  }
0xe: {  	[smem:$0x7FD] =	sst s19;
	s28 =	smul.u32 $0x50, s23;
	s9 =	ssub.s32 s9, s11  }
0xf: {  	s12 =	sadd.s32 s3, s5;
	[smem:$0x7F9] =	sst s9;
	s19 =	sadd.s32 s3, s6  }
0x10: {  	s25 =	sadd.s32 s3, s7;
	s26 =	sadd.s32 s3, s8;
	s29 =	sadd.s32 s3, s10  }
0x11: {  	s30 =	sadd.s32 s3, s13;
	s31 =	sadd.s32 s3, s17;
	s1 =	sadd.s32 s3, s14  }
0x12: {  	s21 =	sadd.s32 s3, s24;
	s15 =	sadd.s32 s3, s28;
	s5 =	sadd.s32 s4, s5  }
0x13: {  	s6 =	sadd.s32 s4, s6;
	s7 =	sadd.s32 s4, s7;
	s8 =	sadd.s32 s4, s8  }
0x14: {  	s10 =	sadd.s32 s4, s10;
	s13 =	sadd.s32 s4, s13;
	s9 =	sadd.s32 s4, s17  }
0x15: {  	s14 =	sadd.s32 s4, s14;
	s24 =	sadd.s32 s4, s24;
	s4 =	sadd.s32 s4, s28  }
0x16: {  	s17 =	smul.u32 $0xC3800, s2;
	s28 =	sshll.u32 s19, $0x4;
	s19 =	rddreg [dreg:$0x0]  }
0x17: {  	s12 =	sshll.u32 s12, $0x4;
	s3 =	sshll.u32 s1, $0x4;
	s1 =	sadd.s32 $0x4800, s19  }
0x18: {  	s11 =	sshll.u32 s21, $0x4;
	s2 =	sadd.s32 $0xCC800, s19;
	s21 =	sadd.s32 s1, s12  }
0x19: {  	s12 =	sadd.s32 s2, s12;
	[dreg:$0x3] =	wrdreg s21  }
0x1a: {  	[dreg:$0x4] =	wrdreg s12;
	s21 =	sadd.s32 s1, s28  }
0x1b: {  	s12 =	sadd.s32 s2, s11;
	[dreg:$0x5] =	wrdreg s21  }
0x1c: {  	s25 =	sshll.u32 s25, $0x4;
	s21 =	sadd.s32 s2, s28;
	[dreg:$0x14] =	wrdreg s12  }
0x1d: {  	[dreg:$0x6] =	wrdreg s21;
	s21 =	sadd.s32 s1, s25  }
0x1e: {  	s26 =	sshll.u32 s26, $0x4;
	[dreg:$0x7] =	wrdreg s21;
	s21 =	sadd.s32 s2, s25  }
0x1f: {  	s25 =	sadd.s32 s1, s26;
	[dreg:$0x8] =	wrdreg s21  }
0x20: {  	s29 =	sshll.u32 s29, $0x4;
	[dreg:$0x9] =	wrdreg s25;
	s21 =	sadd.s32 s2, s26  }
0x21: {  	s25 =	sadd.s32 s1, s29;
	[dreg:$0xa] =	wrdreg s21  }
0x22: {  	s30 =	sshll.u32 s30, $0x4;
	s26 =	sadd.s32 s2, s29;
	[dreg:$0xb] =	wrdreg s25  }
0x23: {  	[dreg:$0xc] =	wrdreg s26;
	s21 =	sadd.s32 s1, s30  }
0x24: {  	s31 =	sshll.u32 s31, $0x4;
	s25 =	sadd.s32 s2, s30;
	[dreg:$0xd] =	wrdreg s21  }
0x25: {  	s26 =	sadd.s32 s1, s31;
	[dreg:$0xe] =	wrdreg s25  }
0x26: {  	[dreg:$0xf] =	wrdreg s26;
	s21 =	sadd.s32 s2, s31  }
0x27: {  	s25 =	sadd.s32 s1, s3;
	[dreg:$0x10] =	wrdreg s21  }
0x28: {  	s15 =	sshll.u32 s15, $0x4;
	s3 =	sadd.s32 s2, s3;
	[dreg:$0x11] =	wrdreg s25  }
0x29: {  	s12 =	sshll.u32 s24, $0x4;
	s26 =	sadd.s32 s1, s11;
	[dreg:$0x12] =	wrdreg s3  }
0x2a: {  	s11 =	sshll.u32 s14, $0x4;
	[dreg:$0x13] =	wrdreg s26;
	s21 =	sadd.s32 s1, s15  }
0x2b: {  	s25 =	sadd.s32 s2, s15;
	s3 =	sshll.u32 s5, $0x4;
	[dreg:$0x15] =	wrdreg s21  }
0x2c: {  	s5 =	sshll.u32 s6, $0x4;
	[dreg:$0x16] =	wrdreg s25;
	s26 =	sadd.s32 s1, s3  }
0x2d: {  	s6 =	sshll.u32 s7, $0x4;
	s14 =	sadd.s32 s1, s5;
	[dreg:$0x17] =	wrdreg s26  }
0x2e: {  	s7 =	sshll.u32 s8, $0x4;
	s15 =	sadd.s32 s1, s6;
	[dreg:$0x18] =	wrdreg s14  }
0x2f: {  	s8 =	sshll.u32 s10, $0x4;
	s21 =	sadd.s32 s1, s7;
	[dreg:$0x19] =	wrdreg s15  }
0x30: {  	s10 =	sshll.u32 s13, $0x4;
	s24 =	sadd.s32 s1, s8;
	[dreg:$0x1a] =	wrdreg s21  }
0x31: {  	s25 =	sadd.s32 s1, s10;
	[dreg:$0x1b] =	wrdreg s24  }
0x32: {  	s9 =	sshll.u32 s9, $0x4;
	s13 =	sshll.u32 s4, $0x4;
	[dreg:$0x1c] =	wrdreg s25  }
0x33: {  	s26 =	sadd.s32 s1, s9;
	s14 =	sadd.s32 s1, s11;
	s15 =	sadd.s32 s1, s12  }
0x34: {  	s1 =	sadd.s32 s1, s13;
	s21 =	sadd.s32 s2, s3;
	s3 =	sadd.s32 s2, s8  }
0x35: {  	s8 =	sadd.s32 s2, s11;
	s11 =	sadd.s32 s2, s13;
	s13 =	rddreg [dreg:$0x1]  }
0x36: {  	[dreg:$0x1d] =	wrdreg s26  }
0x37: {  	[dreg:$0x1e] =	wrdreg s14  }
0x38: {  	s18 =	smul.u32 $0xA000, s18;
	[dreg:$0x1f] =	wrdreg s15  }
0x39: {  	s20 =	smul.u32 $0xA000, s20;
	s28 =	simm.s32 $0x80;
	[smem:$0x7F3] =	sst s1  }
0x3a: {  	s29 =	simm.s32 $0x1;
	s24 =	sadd.s32 s2, s5;
	[smem:$0x7F4] =	sst s21  }
0x3b: {  	s30 =	simm.s32 $0x40;
	s25 =	sadd.s32 s2, s6;
	[smem:$0x7F5] =	sst s24  }
0x3c: {  	s31 =	simm.s32 $0x0;
	s4 =	sshll.u32 s0, $0x6;
	[smem:$0x7F6] =	sst s25  }
0x3d: {  	s6 =	sadd.s32 s2, s10;
	s10 =	simm.s32 $0x0;
	[smem:$0x7F8] =	sst s3  }
0x3e: {  	s5 =	smul.u32 $0xA000, s16;
	s26 =	sadd.s32 s2, s7;
	[smem:$0x7FF] =	sst s10  }
0x3f: {  	s7 =	sadd.s32 s2, s9;
	s9 =	sadd.s32 s2, s12;
	[smem:$0x7F7] =	sst s26  }
0x40: {  	s1 =	sor.u32 s4, s17;
	s15 =	sadd.s32 $0x1A31400, s19;
	_ =	strace $0x80000059  }
0x41: {  	s17 =	smul.u32 $0xA000, s0;
	s16 =	sshrl.u32 s1, $0x3;
	s24 =	sld [smem:$0x7F9]  }
0x42: {  	s1 =	sadd.s32 $0x187000, s1;
	s2 =	sshrl.u32 s5, $0x2;
	s25 =	sld [smem:$0x7FA]  }
0x43: {  	s12 =	sadd.s32 s16, s15;
	s1 =	sshrl.u32 s1, $0x3;
	s26 =	sld [smem:$0x7FB]  }
0x44: {  	s21 =	sshrl.u32 s17, $0x2;
	s14 =	sadd.s32 s1, s15;
	s5 =	sld [smem:$0x7FC]  }
0x45: {  	s15 =	sadd.s32 $0xDFC400, s19;
	s16 =	sadd.s32 s21, s13;
	s3 =	smul.u32 $0xA000, s25  }
0x46: {  	s1 =	sshrl.u32 s18, $0x2;
	s17 =	smax.u32 s24, $0x1;
	s24 =	smul.u32 $0xA000, s26  }
0x47: {  	s19 =	sadd.s32 s1, s13;
	s1 =	smul.u32 $0xA000, s5;
	s25 =	sld [smem:$0x7FD]  }
0x48: {  	s18 =	sadd.s32 s2, s13;
	s21 =	sshrl.u32 s20, $0x2;
	s26 =	smul.u32 $0xA000, s22  }
0x49: {  	s20 =	sadd.s32 s21, s13;
	s5 =	smul.u32 $0xA000, s23;
	s3 =	sshrl.u32 s3, $0x2  }
0x4a: {  	s4 =	sshrl.u32 s24, $0x2;
	s1 =	sshrl.u32 s1, $0x2;
	s25 =	smul.u32 $0xA000, s25  }
0x4b: {  	s21 =	sadd.s32 s3, s13;
	s22 =	sadd.s32 s4, s13;
	s23 =	sadd.s32 s1, s13  }
0x4c: {  	s24 =	sshrl.u32 s25, $0x2;
	s25 =	sshrl.u32 s26, $0x2;
	s26 =	sshrl.u32 s5, $0x2  }
0x4d: {  	s24 =	sadd.s32 s24, s13;
	s25 =	sadd.s32 s25, s13;
	s26 =	sadd.s32 s26, s13  }
.LBB2_1:
0x4e: {  	s1 =	rddreg [dreg:$0x3]  }
0x4f: {  	[tilespmem:s28], [sflag:$0x1] =	stream.linear.gather [hbm4b:s1+s10], $0x2800, $0x38;
	[tilespmem:$0x1B8C0] =	vst v63  }
0x50: {  	_ =	swait.ge [sflag:s29], $0x2800  }
0x51: {  	[sflag:s29] =	ssyncset.done $0x0  }
0x52: {  	[sflag:s29] =	ssyncadd.s32 $0xFFFFD800  }
0x53: {  	[spmem:s16] =	stream.linear.scatter [tilespmem:s28], [sflag:$0x1], $0x2800, $0x38;
	[tilespmem:$0x1B8C0] =	vst v63  }
0x54: {  	_ =	swait.ge [sflag:s29], $0x2800  }
0x55: {  	[sflag:s29] =	ssyncset.done $0x0  }
0x56: {  	s5 =	rddreg [dreg:$0x5];
	[sflag:s29] =	ssyncadd.s32 $0xFFFFD800  }
0x57: {  	[tilespmem:s28], [sflag:$0x1] =	stream.linear.gather [hbm4b:s5+s10], $0x2800, $0x38;
	[tilespmem:$0x1B8C0] =	vst v63  }
0x58: {  	_ =	swait.ge [sflag:s29], $0x2800  }
0x59: {  	[sflag:s29] =	ssyncset.done $0x0  }
0x5a: {  	[sflag:s29] =	ssyncadd.s32 $0xFFFFD800  }
0x5b: {  	[spmem:s18] =	stream.linear.scatter [tilespmem:s28], [sflag:$0x1], $0x2800, $0x38;
	[tilespmem:$0x1B8C0] =	vst v63  }
0x5c: {  	_ =	swait.ge [sflag:s29], $0x2800  }
0x5d: {  	[sflag:s29] =	ssyncset.done $0x0  }
0x5e: {  	s2 =	rddreg [dreg:$0x7];
	[sflag:s29] =	ssyncadd.s32 $0xFFFFD800  }
0x5f: {  	[tilespmem:s28], [sflag:$0x1] =	stream.linear.gather [hbm4b:s2+s10], $0x2800, $0x38;
	[tilespmem:$0x1B8C0] =	vst v63  }
0x60: {  	_ =	swait.ge [sflag:s29], $0x2800  }
0x61: {  	[sflag:s29] =	ssyncset.done $0x0  }
0x62: {  	[sflag:s29] =	ssyncadd.s32 $0xFFFFD800  }
0x63: {  	[spmem:s19] =	stream.linear.scatter [tilespmem:s28], [sflag:$0x1], $0x2800, $0x38;
	[tilespmem:$0x1B8C0] =	vst v63  }
0x64: {  	_ =	swait.ge [sflag:s29], $0x2800  }
0x65: {  	[sflag:s29] =	ssyncset.done $0x0  }
0x66: {  	s3 =	rddreg [dreg:$0x9];
	[sflag:s29] =	ssyncadd.s32 $0xFFFFD800  }
0x67: {  	[tilespmem:s28], [sflag:$0x1] =	stream.linear.gather [hbm4b:s3+s10], $0x2800, $0x38;
	[tilespmem:$0x1B8C0] =	vst v63  }
0x68: {  	_ =	swait.ge [sflag:s29], $0x2800  }
0x69: {  	[sflag:s29] =	ssyncset.done $0x0  }
0x6a: {  	[sflag:s29] =	ssyncadd.s32 $0xFFFFD800  }
0x6b: {  	[spmem:s20] =	stream.linear.scatter [tilespmem:s28], [sflag:$0x1], $0x2800, $0x38;
	[tilespmem:$0x1B8C0] =	vst v63  }
0x6c: {  	_ =	swait.ge [sflag:s29], $0x2800  }
0x6d: {  	[sflag:s29] =	ssyncset.done $0x0  }
0x6e: {  	s4 =	rddreg [dreg:$0xb];
	[sflag:s29] =	ssyncadd.s32 $0xFFFFD800  }
0x6f: {  	[tilespmem:s28], [sflag:$0x1] =	stream.linear.gather [hbm4b:s4+s10], $0x2800, $0x38;
	[tilespmem:$0x1B8C0] =	vst v63  }
0x70: {  	_ =	swait.ge [sflag:s29], $0x2800  }
0x71: {  	[sflag:s29] =	ssyncset.done $0x0  }
0x72: {  	[sflag:s29] =	ssyncadd.s32 $0xFFFFD800  }
0x73: {  	[spmem:s21] =	stream.linear.scatter [tilespmem:s28], [sflag:$0x1], $0x2800, $0x38;
	[tilespmem:$0x1B8C0] =	vst v63  }
0x74: {  	_ =	swait.ge [sflag:s29], $0x2800  }
0x75: {  	[sflag:s29] =	ssyncset.done $0x0  }
0x76: {  	s5 =	rddreg [dreg:$0xd];
	[sflag:s29] =	ssyncadd.s32 $0xFFFFD800  }
0x77: {  	[tilespmem:s28], [sflag:$0x1] =	stream.linear.gather [hbm4b:s5+s10], $0x2800, $0x38;
	[tilespmem:$0x1B8C0] =	vst v63  }
0x78: {  	_ =	swait.ge [sflag:s29], $0x2800  }
0x79: {  	[sflag:s29] =	ssyncset.done $0x0  }
0x7a: {  	[sflag:s29] =	ssyncadd.s32 $0xFFFFD800  }
0x7b: {  	[spmem:s22] =	stream.linear.scatter [tilespmem:s28], [sflag:$0x1], $0x2800, $0x38;
	[tilespmem:$0x1B8C0] =	vst v63  }
0x7c: {  	_ =	swait.ge [sflag:s29], $0x2800  }
0x7d: {  	[sflag:s29] =	ssyncset.done $0x0  }
0x7e: {  	s2 =	rddreg [dreg:$0xf];
	[sflag:s29] =	ssyncadd.s32 $0xFFFFD800  }
0x7f: {  	[tilespmem:s28], [sflag:$0x1] =	stream.linear.gather [hbm4b:s2+s10], $0x2800, $0x38;
	[tilespmem:$0x1B8C0] =	vst v63  }
0x80: {  	_ =	swait.ge [sflag:s29], $0x2800  }
0x81: {  	[sflag:s29] =	ssyncset.done $0x0  }
0x82: {  	[sflag:s29] =	ssyncadd.s32 $0xFFFFD800  }
0x83: {  	[spmem:s23] =	stream.linear.scatter [tilespmem:s28], [sflag:$0x1], $0x2800, $0x38;
	[tilespmem:$0x1B8C0] =	vst v63  }
0x84: {  	_ =	swait.ge [sflag:s29], $0x2800  }
0x85: {  	[sflag:s29] =	ssyncset.done $0x0  }
0x86: {  	s3 =	rddreg [dreg:$0x11];
	[sflag:s29] =	ssyncadd.s32 $0xFFFFD800  }
0x87: {  	[tilespmem:s28], [sflag:$0x1] =	stream.linear.gather [hbm4b:s3+s10], $0x2800, $0x38;
	[tilespmem:$0x1B8C0] =	vst v63  }
0x88: {  	_ =	swait.ge [sflag:s29], $0x2800  }
0x89: {  	[sflag:s29] =	ssyncset.done $0x0  }
0x8a: {  	[sflag:s29] =	ssyncadd.s32 $0xFFFFD800  }
0x8b: {  	[spmem:s24] =	stream.linear.scatter [tilespmem:s28], [sflag:$0x1], $0x2800, $0x38;
	[tilespmem:$0x1B8C0] =	vst v63  }
0x8c: {  	_ =	swait.ge [sflag:s29], $0x2800  }
0x8d: {  	[sflag:s29] =	ssyncset.done $0x0  }
0x8e: {  	s4 =	rddreg [dreg:$0x13];
	[sflag:s29] =	ssyncadd.s32 $0xFFFFD800  }
0x8f: {  	[tilespmem:s28], [sflag:$0x1] =	stream.linear.gather [hbm4b:s4+s10], $0x2800, $0x38;
	[tilespmem:$0x1B8C0] =	vst v63  }
0x90: {  	_ =	swait.ge [sflag:s29], $0x2800  }
0x91: {  	[sflag:s29] =	ssyncset.done $0x0  }
0x92: {  	[sflag:s29] =	ssyncadd.s32 $0xFFFFD800  }
0x93: {  	[spmem:s25] =	stream.linear.scatter [tilespmem:s28], [sflag:$0x1], $0x2800, $0x38;
	[tilespmem:$0x1B8C0] =	vst v63  }
0x94: {  	_ =	swait.ge [sflag:s29], $0x2800  }
0x95: {  	[sflag:s29] =	ssyncset.done $0x0  }
0x96: {  	s5 =	rddreg [dreg:$0x15];
	[sflag:s29] =	ssyncadd.s32 $0xFFFFD800  }
0x97: {  	[tilespmem:s28], [sflag:$0x1] =	stream.linear.gather [hbm4b:s5+s10], $0x2800, $0x38;
	[tilespmem:$0x1B8C0] =	vst v63  }
0x98: {  	_ =	swait.ge [sflag:s29], $0x2800  }
0x99: {  	[sflag:s29] =	ssyncset.done $0x0  }
0x9a: {  	[sflag:s29] =	ssyncadd.s32 $0xFFFFD800  }
0x9b: {  	[spmem:s26] =	stream.linear.scatter [tilespmem:s28], [sflag:$0x1], $0x2800, $0x38;
	[tilespmem:$0x1B8C0] =	vst v63  }
0x9c: {  	_ =	swait.ge [sflag:s29], $0x2800  }
0x9d: {  	[sflag:s29] =	ssyncset.done $0x0  }
0x9e: {  	s1 =	sadd.s32 $0x0, s0;
	[sflag:s29] =	ssyncadd.s32 $0xFFFFD800  }
0x9f: {  	p0 =	slt.s32 s1, $0x30D3;
	[bflag:$0x0] =	sbarrier.arrive $0xFFFF  }
0xa0: {  	[tilespmem:s10], [sflag:$0x1] =	stream.linear.gather [hbm4b:s12+s10], $0x40, $0x38;
	[tilespmem:$0x1B8C0] =	vst v63  }
0xa1: {  	s1 =	simm.s32 @!p0 $0x30D3;
	_ =	swait.ge [sflag:s29], $0x40  }
0xa2: {  	s1 =	sshll.u32 s1, $0xA;
	[sflag:s29] =	ssyncset.done $0x0  }
0xa3: {  	s1 =	sadd.s32 s15, s1;
	[sflag:s29] =	ssyncadd.s32 $0xFFFFFFC0  }
0xa4: {  	[tilespmem:s28], [sflag:$0x1] =	stream.linear.gather [hbm4b:s1+s10], $0x2000, $0x38;
	[tilespmem:$0x1B8C0] =	vst v63  }
0xa5: {  	_ =	swait.ge [sflag:s29], $0x2000  }
0xa6: {  	s2 =	sadd.s32 $0x80, s12;
	[sflag:s29] =	ssyncset.done $0x0  }
0xa7: {  	s3 =	simm.s32 $0x20;
	s1 =	sadd.s32 $0x10, s0;
	[sflag:s29] =	ssyncadd.s32 $0xFFFFE000  }
.LBB2_2:
0xa8: {  	[spmem:s13] =	stream.indirect.scatter.add.f32 [tilespmem:s28], [sflag:$0x1], $0x80, s10, s30, $0xb8;
	[tilespmem:$0x1B8C0] =	vst v63  }
0xa9: {  	s4 =	smov.u32 s3  }
0xaa: {  	p0 =	slt.s32 s1, $0x30D3;
	s4 =	sadd.s32 s3, s0;
	_ =	swait.ge [sflag:s29], $0x2000  }
0xab: {  	s5 =	sadd.s32 $0x10, s3;
	s1 =	simm.s32 @!p0 $0x30D3;
	[sflag:s29] =	ssyncset.done $0x0  }
0xac: {  	p0 =	sne.s32 s3, $0x30D0;
	s3 =	sshll.u32 s1, $0xA;
	[sflag:s29] =	ssyncadd.s32 $0xFFFFE000  }
0xad: {  	[tilespmem:s10], [sflag:$0x1] =	stream.linear.gather [hbm4b:s2+s10], $0x40, $0x38;
	[tilespmem:$0x1B8C0] =	vst v63  }
0xae: {  	s1 =	smov.u32 s4;
	_ =	swait.ge [sflag:s29], $0x40  }
0xaf: {  	s3 =	sadd.s32 s15, s3;
	[sflag:s29] =	ssyncset.done $0x0  }
.Ltmp0:
0xb0: {  	[sflag:s29] =	ssyncadd.s32 $0xFFFFFFC0;
	(pc) =	sbr.rel @p0 .LBB2_2-.Ltmp0, $4  }
0xb1: {  	[tilespmem:s28], [sflag:$0x1] =	stream.linear.gather [hbm4b:s3+s10], $0x2000, $0x38;
	[tilespmem:$0x1B8C0] =	vst v63  }
0xb2: {  	_ =	swait.ge [sflag:s29], $0x2000  }
0xb3: {  	[sflag:s29] =	ssyncset.done $0x0  }
0xb4: {  	s2 =	sadd.s32 $0x80, s2;
	s3 =	smov.u32 s5;
	[sflag:s29] =	ssyncadd.s32 $0xFFFFE000  }
0xb5: {  	[spmem:s13] =	stream.indirect.scatter.add.f32 [tilespmem:s28], [sflag:$0x1], $0x80, s10, s30, $0xb8;
	[tilespmem:$0x1B8C0] =	vst v63  }
0xb6: {  	_ =	swait.ge [sflag:s29], $0x2000  }
0xb7: {  	[sflag:s29] =	ssyncset.done $0x0  }
0xb8: {  	p0 =	slt.s32 s1, $0x30D3;
	[sflag:s29] =	ssyncadd.s32 $0xFFFFE000  }
0xb9: {  	[tilespmem:s10], [sflag:$0x1] =	stream.linear.gather [hbm4b:s2+s10], $0x40, $0x38;
	[tilespmem:$0x1B8C0] =	vst v63  }
0xba: {  	s1 =	simm.s32 @!p0 $0x30D3;
	_ =	swait.ge [sflag:s29], $0x40  }
0xbb: {  	s1 =	sshll.u32 s1, $0xA;
	[sflag:s29] =	ssyncset.done $0x0  }
0xbc: {  	s1 =	sadd.s32 s15, s1;
	[sflag:s29] =	ssyncadd.s32 $0xFFFFFFC0  }
0xbd: {  	[tilespmem:s28], [sflag:$0x1] =	stream.linear.gather [hbm4b:s1+s10], $0x2000, $0x38;
	[tilespmem:$0x1B8C0] =	vst v63  }
0xbe: {  	_ =	swait.ge [sflag:s29], $0x2000  }
0xbf: {  	[sflag:s29] =	ssyncset.done $0x0  }
0xc0: {  	[sflag:s29] =	ssyncadd.s32 $0xFFFFE000  }
0xc1: {  	[spmem:s13] =	stream.indirect.scatter.add.f32 [tilespmem:s28], [sflag:$0x1], $0x80, s10, s30, $0xb8;
	[tilespmem:$0x1B8C0] =	vst v63  }
0xc2: {  	_ =	swait.ge [sflag:s29], $0x2000  }
0xc3: {  	[sflag:s29] =	ssyncset.done $0x0  }
0xc4: {  	[sflag:s29] =	ssyncadd.s32 $0xFFFFE000  }
0xc5: {  	[bflag:$0x0] =	sbarrier.arrive $0xFFFF  }
0xc6: {  	[tilespmem:s28], [sflag:$0x1] =	stream.linear.gather [spmem:s16], $0x2800, $0x38;
	[tilespmem:$0x1B8C0] =	vst v63  }
0xc7: {  	_ =	swait.ge [sflag:s29], $0x2800  }
0xc8: {  	[sflag:s29] =	ssyncset.done $0x0  }
0xc9: {  	s1 =	simm.s32 $0x0;
	s4 =	rddreg [dreg:$0x4];
	[sflag:s29] =	ssyncadd.s32 $0xFFFFD800  }
0xca: {  	[hbm4b:s4+s1] =	stream.linear.scatter [tilespmem:s28], [sflag:$0x1], $0x2800, $0x38;
	[tilespmem:$0x1B8C0] =	vst v63  }
0xcb: {  	_ =	swait.ge [sflag:s29], $0x2800  }
0xcc: {  	[sflag:s29] =	ssyncset.done $0x0  }
0xcd: {  	[sflag:s29] =	ssyncadd.s32 $0xFFFFD800  }
0xce: {  	[tilespmem:s28], [sflag:$0x1] =	stream.linear.gather [spmem:s18], $0x2800, $0x38;
	[tilespmem:$0x1B8C0] =	vst v63  }
0xcf: {  	_ =	swait.ge [sflag:s29], $0x2800  }
0xd0: {  	[sflag:s29] =	ssyncset.done $0x0  }
0xd1: {  	s5 =	rddreg [dreg:$0x6];
	[sflag:s29] =	ssyncadd.s32 $0xFFFFD800  }
0xd2: {  	[hbm4b:s5+s1] =	stream.linear.scatter [tilespmem:s28], [sflag:$0x1], $0x2800, $0x38;
	[tilespmem:$0x1B8C0] =	vst v63  }
0xd3: {  	_ =	swait.ge [sflag:s29], $0x2800  }
0xd4: {  	[sflag:s29] =	ssyncset.done $0x0  }
0xd5: {  	[sflag:s29] =	ssyncadd.s32 $0xFFFFD800  }
0xd6: {  	[tilespmem:s28], [sflag:$0x1] =	stream.linear.gather [spmem:s19], $0x2800, $0x38;
	[tilespmem:$0x1B8C0] =	vst v63  }
0xd7: {  	_ =	swait.ge [sflag:s29], $0x2800  }
0xd8: {  	[sflag:s29] =	ssyncset.done $0x0  }
0xd9: {  	s3 =	rddreg [dreg:$0x8];
	[sflag:s29] =	ssyncadd.s32 $0xFFFFD800  }
0xda: {  	[hbm4b:s3+s1] =	stream.linear.scatter [tilespmem:s28], [sflag:$0x1], $0x2800, $0x38;
	[tilespmem:$0x1B8C0] =	vst v63  }
0xdb: {  	_ =	swait.ge [sflag:s29], $0x2800  }
0xdc: {  	[sflag:s29] =	ssyncset.done $0x0  }
0xdd: {  	[sflag:s29] =	ssyncadd.s32 $0xFFFFD800  }
0xde: {  	[tilespmem:s28], [sflag:$0x1] =	stream.linear.gather [spmem:s20], $0x2800, $0x38;
	[tilespmem:$0x1B8C0] =	vst v63  }
0xdf: {  	_ =	swait.ge [sflag:s29], $0x2800  }
0xe0: {  	[sflag:s29] =	ssyncset.done $0x0  }
0xe1: {  	s4 =	rddreg [dreg:$0xa];
	[sflag:s29] =	ssyncadd.s32 $0xFFFFD800  }
0xe2: {  	[hbm4b:s4+s1] =	stream.linear.scatter [tilespmem:s28], [sflag:$0x1], $0x2800, $0x38;
	[tilespmem:$0x1B8C0] =	vst v63  }
0xe3: {  	_ =	swait.ge [sflag:s29], $0x2800  }
0xe4: {  	[sflag:s29] =	ssyncset.done $0x0  }
0xe5: {  	[sflag:s29] =	ssyncadd.s32 $0xFFFFD800  }
0xe6: {  	[tilespmem:s28], [sflag:$0x1] =	stream.linear.gather [spmem:s21], $0x2800, $0x38;
	[tilespmem:$0x1B8C0] =	vst v63  }
0xe7: {  	_ =	swait.ge [sflag:s29], $0x2800  }
0xe8: {  	[sflag:s29] =	ssyncset.done $0x0  }
0xe9: {  	s5 =	rddreg [dreg:$0xc];
	[sflag:s29] =	ssyncadd.s32 $0xFFFFD800  }
0xea: {  	[hbm4b:s5+s1] =	stream.linear.scatter [tilespmem:s28], [sflag:$0x1], $0x2800, $0x38;
	[tilespmem:$0x1B8C0] =	vst v63  }
0xeb: {  	_ =	swait.ge [sflag:s29], $0x2800  }
0xec: {  	[sflag:s29] =	ssyncset.done $0x0  }
0xed: {  	[sflag:s29] =	ssyncadd.s32 $0xFFFFD800  }
0xee: {  	[tilespmem:s28], [sflag:$0x1] =	stream.linear.gather [spmem:s22], $0x2800, $0x38;
	[tilespmem:$0x1B8C0] =	vst v63  }
0xef: {  	_ =	swait.ge [sflag:s29], $0x2800  }
0xf0: {  	[sflag:s29] =	ssyncset.done $0x0  }
0xf1: {  	s3 =	rddreg [dreg:$0xe];
	[sflag:s29] =	ssyncadd.s32 $0xFFFFD800  }
0xf2: {  	[hbm4b:s3+s1] =	stream.linear.scatter [tilespmem:s28], [sflag:$0x1], $0x2800, $0x38;
	[tilespmem:$0x1B8C0] =	vst v63  }
0xf3: {  	_ =	swait.ge [sflag:s29], $0x2800  }
0xf4: {  	[sflag:s29] =	ssyncset.done $0x0  }
0xf5: {  	[sflag:s29] =	ssyncadd.s32 $0xFFFFD800  }
0xf6: {  	[tilespmem:s28], [sflag:$0x1] =	stream.linear.gather [spmem:s23], $0x2800, $0x38;
	[tilespmem:$0x1B8C0] =	vst v63  }
0xf7: {  	_ =	swait.ge [sflag:s29], $0x2800  }
0xf8: {  	[sflag:s29] =	ssyncset.done $0x0  }
0xf9: {  	s4 =	rddreg [dreg:$0x10];
	[sflag:s29] =	ssyncadd.s32 $0xFFFFD800  }
0xfa: {  	[hbm4b:s4+s1] =	stream.linear.scatter [tilespmem:s28], [sflag:$0x1], $0x2800, $0x38;
	[tilespmem:$0x1B8C0] =	vst v63  }
0xfb: {  	_ =	swait.ge [sflag:s29], $0x2800  }
0xfc: {  	[sflag:s29] =	ssyncset.done $0x0  }
0xfd: {  	[sflag:s29] =	ssyncadd.s32 $0xFFFFD800  }
0xfe: {  	[tilespmem:s28], [sflag:$0x1] =	stream.linear.gather [spmem:s24], $0x2800, $0x38;
	[tilespmem:$0x1B8C0] =	vst v63  }
0xff: {  	_ =	swait.ge [sflag:s29], $0x2800  }
0x100: {  	[sflag:s29] =	ssyncset.done $0x0  }
0x101: {  	s5 =	rddreg [dreg:$0x12];
	[sflag:s29] =	ssyncadd.s32 $0xFFFFD800  }
0x102: {  	[hbm4b:s5+s1] =	stream.linear.scatter [tilespmem:s28], [sflag:$0x1], $0x2800, $0x38;
	[tilespmem:$0x1B8C0] =	vst v63  }
0x103: {  	_ =	swait.ge [sflag:s29], $0x2800  }
0x104: {  	[sflag:s29] =	ssyncset.done $0x0  }
0x105: {  	[sflag:s29] =	ssyncadd.s32 $0xFFFFD800  }
0x106: {  	[tilespmem:s28], [sflag:$0x1] =	stream.linear.gather [spmem:s25], $0x2800, $0x38;
	[tilespmem:$0x1B8C0] =	vst v63  }
0x107: {  	_ =	swait.ge [sflag:s29], $0x2800  }
0x108: {  	[sflag:s29] =	ssyncset.done $0x0  }
0x109: {  	s3 =	rddreg [dreg:$0x14];
	[sflag:s29] =	ssyncadd.s32 $0xFFFFD800  }
0x10a: {  	[hbm4b:s3+s1] =	stream.linear.scatter [tilespmem:s28], [sflag:$0x1], $0x2800, $0x38;
	[tilespmem:$0x1B8C0] =	vst v63  }
0x10b: {  	_ =	swait.ge [sflag:s29], $0x2800  }
0x10c: {  	[sflag:s29] =	ssyncset.done $0x0  }
0x10d: {  	[sflag:s29] =	ssyncadd.s32 $0xFFFFD800  }
0x10e: {  	[tilespmem:s28], [sflag:$0x1] =	stream.linear.gather [spmem:s26], $0x2800, $0x38;
	[tilespmem:$0x1B8C0] =	vst v63  }
0x10f: {  	_ =	swait.ge [sflag:s29], $0x2800  }
0x110: {  	[sflag:s29] =	ssyncset.done $0x0  }
0x111: {  	s4 =	rddreg [dreg:$0x16];
	[sflag:s29] =	ssyncadd.s32 $0xFFFFD800  }
0x112: {  	[hbm4b:s4+s1] =	stream.linear.scatter [tilespmem:s28], [sflag:$0x1], $0x2800, $0x38;
	[tilespmem:$0x1B8C0] =	vst v63  }
0x113: {  	_ =	swait.ge [sflag:s29], $0x2800  }
0x114: {  	[sflag:s29] =	ssyncset.done $0x0  }
0x115: {  	[sflag:s29] =	ssyncadd.s32 $0xFFFFD800  }
0x116: {  	[bflag:$0x0] =	sbarrier.arrive $0xFFFF  }
0x117: {  	s5 =	rddreg [dreg:$0x17]  }
0x118: {  	[tilespmem:s28], [sflag:$0x1] =	stream.linear.gather [hbm4b:s5+s1], $0x2800, $0x38;
	[tilespmem:$0x1B8C0] =	vst v63  }
0x119: {  	_ =	swait.ge [sflag:s29], $0x2800  }
0x11a: {  	[sflag:s29] =	ssyncset.done $0x0  }
0x11b: {  	[sflag:s29] =	ssyncadd.s32 $0xFFFFD800  }
0x11c: {  	[spmem:s16] =	stream.linear.scatter [tilespmem:s28], [sflag:$0x1], $0x2800, $0x38;
	[tilespmem:$0x1B8C0] =	vst v63  }
0x11d: {  	_ =	swait.ge [sflag:s29], $0x2800  }
0x11e: {  	[sflag:s29] =	ssyncset.done $0x0  }
0x11f: {  	s3 =	rddreg [dreg:$0x18];
	[sflag:s29] =	ssyncadd.s32 $0xFFFFD800  }
0x120: {  	[tilespmem:s28], [sflag:$0x1] =	stream.linear.gather [hbm4b:s3+s1], $0x2800, $0x38;
	[tilespmem:$0x1B8C0] =	vst v63  }
0x121: {  	_ =	swait.ge [sflag:s29], $0x2800  }
0x122: {  	[sflag:s29] =	ssyncset.done $0x0  }
0x123: {  	[sflag:s29] =	ssyncadd.s32 $0xFFFFD800  }
0x124: {  	[spmem:s18] =	stream.linear.scatter [tilespmem:s28], [sflag:$0x1], $0x2800, $0x38;
	[tilespmem:$0x1B8C0] =	vst v63  }
0x125: {  	_ =	swait.ge [sflag:s29], $0x2800  }
0x126: {  	[sflag:s29] =	ssyncset.done $0x0  }
0x127: {  	s4 =	rddreg [dreg:$0x19];
	[sflag:s29] =	ssyncadd.s32 $0xFFFFD800  }
0x128: {  	[tilespmem:s28], [sflag:$0x1] =	stream.linear.gather [hbm4b:s4+s1], $0x2800, $0x38;
	[tilespmem:$0x1B8C0] =	vst v63  }
0x129: {  	_ =	swait.ge [sflag:s29], $0x2800  }
0x12a: {  	[sflag:s29] =	ssyncset.done $0x0  }
0x12b: {  	[sflag:s29] =	ssyncadd.s32 $0xFFFFD800  }
0x12c: {  	[spmem:s19] =	stream.linear.scatter [tilespmem:s28], [sflag:$0x1], $0x2800, $0x38;
	[tilespmem:$0x1B8C0] =	vst v63  }
0x12d: {  	_ =	swait.ge [sflag:s29], $0x2800  }
0x12e: {  	[sflag:s29] =	ssyncset.done $0x0  }
0x12f: {  	s5 =	rddreg [dreg:$0x1a];
	[sflag:s29] =	ssyncadd.s32 $0xFFFFD800  }
0x130: {  	[tilespmem:s28], [sflag:$0x1] =	stream.linear.gather [hbm4b:s5+s1], $0x2800, $0x38;
	[tilespmem:$0x1B8C0] =	vst v63  }
0x131: {  	_ =	swait.ge [sflag:s29], $0x2800  }
0x132: {  	[sflag:s29] =	ssyncset.done $0x0  }
0x133: {  	[sflag:s29] =	ssyncadd.s32 $0xFFFFD800  }
0x134: {  	[spmem:s20] =	stream.linear.scatter [tilespmem:s28], [sflag:$0x1], $0x2800, $0x38;
	[tilespmem:$0x1B8C0] =	vst v63  }
0x135: {  	_ =	swait.ge [sflag:s29], $0x2800  }
0x136: {  	[sflag:s29] =	ssyncset.done $0x0  }
0x137: {  	s3 =	rddreg [dreg:$0x1b];
	[sflag:s29] =	ssyncadd.s32 $0xFFFFD800  }
0x138: {  	[tilespmem:s28], [sflag:$0x1] =	stream.linear.gather [hbm4b:s3+s1], $0x2800, $0x38;
	[tilespmem:$0x1B8C0] =	vst v63  }
0x139: {  	_ =	swait.ge [sflag:s29], $0x2800  }
0x13a: {  	[sflag:s29] =	ssyncset.done $0x0  }
0x13b: {  	[sflag:s29] =	ssyncadd.s32 $0xFFFFD800  }
0x13c: {  	[spmem:s21] =	stream.linear.scatter [tilespmem:s28], [sflag:$0x1], $0x2800, $0x38;
	[tilespmem:$0x1B8C0] =	vst v63  }
0x13d: {  	_ =	swait.ge [sflag:s29], $0x2800  }
0x13e: {  	[sflag:s29] =	ssyncset.done $0x0  }
0x13f: {  	s4 =	rddreg [dreg:$0x1c];
	[sflag:s29] =	ssyncadd.s32 $0xFFFFD800  }
0x140: {  	[tilespmem:s28], [sflag:$0x1] =	stream.linear.gather [hbm4b:s4+s1], $0x2800, $0x38;
	[tilespmem:$0x1B8C0] =	vst v63  }
0x141: {  	_ =	swait.ge [sflag:s29], $0x2800  }
0x142: {  	[sflag:s29] =	ssyncset.done $0x0  }
0x143: {  	[sflag:s29] =	ssyncadd.s32 $0xFFFFD800  }
0x144: {  	[spmem:s22] =	stream.linear.scatter [tilespmem:s28], [sflag:$0x1], $0x2800, $0x38;
	[tilespmem:$0x1B8C0] =	vst v63  }
0x145: {  	_ =	swait.ge [sflag:s29], $0x2800  }
0x146: {  	[sflag:s29] =	ssyncset.done $0x0  }
0x147: {  	s5 =	rddreg [dreg:$0x1d];
	[sflag:s29] =	ssyncadd.s32 $0xFFFFD800  }
0x148: {  	[tilespmem:s28], [sflag:$0x1] =	stream.linear.gather [hbm4b:s5+s1], $0x2800, $0x38;
	[tilespmem:$0x1B8C0] =	vst v63  }
0x149: {  	_ =	swait.ge [sflag:s29], $0x2800  }
0x14a: {  	[sflag:s29] =	ssyncset.done $0x0  }
0x14b: {  	[sflag:s29] =	ssyncadd.s32 $0xFFFFD800  }
0x14c: {  	[spmem:s23] =	stream.linear.scatter [tilespmem:s28], [sflag:$0x1], $0x2800, $0x38;
	[tilespmem:$0x1B8C0] =	vst v63  }
0x14d: {  	_ =	swait.ge [sflag:s29], $0x2800  }
0x14e: {  	[sflag:s29] =	ssyncset.done $0x0  }
0x14f: {  	s3 =	rddreg [dreg:$0x1e];
	[sflag:s29] =	ssyncadd.s32 $0xFFFFD800  }
0x150: {  	[tilespmem:s28], [sflag:$0x1] =	stream.linear.gather [hbm4b:s3+s1], $0x2800, $0x38;
	[tilespmem:$0x1B8C0] =	vst v63  }
0x151: {  	_ =	swait.ge [sflag:s29], $0x2800  }
0x152: {  	[sflag:s29] =	ssyncset.done $0x0  }
0x153: {  	[sflag:s29] =	ssyncadd.s32 $0xFFFFD800  }
0x154: {  	[spmem:s24] =	stream.linear.scatter [tilespmem:s28], [sflag:$0x1], $0x2800, $0x38;
	[tilespmem:$0x1B8C0] =	vst v63  }
0x155: {  	_ =	swait.ge [sflag:s29], $0x2800  }
0x156: {  	[sflag:s29] =	ssyncset.done $0x0  }
0x157: {  	s4 =	rddreg [dreg:$0x1f];
	[sflag:s29] =	ssyncadd.s32 $0xFFFFD800  }
0x158: {  	[tilespmem:s28], [sflag:$0x1] =	stream.linear.gather [hbm4b:s4+s1], $0x2800, $0x38;
	[tilespmem:$0x1B8C0] =	vst v63  }
0x159: {  	_ =	swait.ge [sflag:s29], $0x2800  }
0x15a: {  	[sflag:s29] =	ssyncset.done $0x0  }
0x15b: {  	[sflag:s29] =	ssyncadd.s32 $0xFFFFD800  }
0x15c: {  	[spmem:s25] =	stream.linear.scatter [tilespmem:s28], [sflag:$0x1], $0x2800, $0x38;
	[tilespmem:$0x1B8C0] =	vst v63  }
0x15d: {  	_ =	swait.ge [sflag:s29], $0x2800  }
0x15e: {  	s5 =	sld [smem:$0x7F3]  }
0x15f: {  	[sflag:s29] =	ssyncset.done $0x0  }
0x160: {  	[sflag:s29] =	ssyncadd.s32 $0xFFFFD800  }
0x161: {  	[tilespmem:s28], [sflag:$0x1] =	stream.linear.gather [hbm4b:s5+s1], $0x2800, $0x38;
	[tilespmem:$0x1B8C0] =	vst v63  }
0x162: {  	_ =	swait.ge [sflag:s29], $0x2800  }
0x163: {  	[sflag:s29] =	ssyncset.done $0x0  }
0x164: {  	[sflag:s29] =	ssyncadd.s32 $0xFFFFD800  }
0x165: {  	[spmem:s26] =	stream.linear.scatter [tilespmem:s28], [sflag:$0x1], $0x2800, $0x38;
	[tilespmem:$0x1B8C0] =	vst v63  }
0x166: {  	_ =	swait.ge [sflag:s29], $0x2800  }
0x167: {  	[sflag:s29] =	ssyncset.done $0x0  }
0x168: {  	s1 =	sadd.s32 $0x0, s0;
	[sflag:s29] =	ssyncadd.s32 $0xFFFFD800  }
0x169: {  	p0 =	slt.s32 s1, $0x30D3;
	[bflag:$0x0] =	sbarrier.arrive $0xFFFF  }
0x16a: {  	[tilespmem:s10], [sflag:$0x1] =	stream.linear.gather [hbm4b:s14+s10], $0x40, $0x38;
	[tilespmem:$0x1B8C0] =	vst v63  }
0x16b: {  	s1 =	simm.s32 @!p0 $0x30D3;
	_ =	swait.ge [sflag:s29], $0x40  }
0x16c: {  	s1 =	sshll.u32 s1, $0xA;
	[sflag:s29] =	ssyncset.done $0x0  }
0x16d: {  	s1 =	sadd.s32 s15, s1;
	[sflag:s29] =	ssyncadd.s32 $0xFFFFFFC0  }
0x16e: {  	[tilespmem:s28], [sflag:$0x1] =	stream.linear.gather [hbm4b:s1+s10], $0x2000, $0x38;
	[tilespmem:$0x1B8C0] =	vst v63  }
0x16f: {  	_ =	swait.ge [sflag:s29], $0x2000  }
0x170: {  	s2 =	sadd.s32 $0x80, s14;
	[sflag:s29] =	ssyncset.done $0x0  }
0x171: {  	s3 =	simm.s32 $0x20;
	s1 =	sadd.s32 $0x10, s0;
	[sflag:s29] =	ssyncadd.s32 $0xFFFFE000  }
.LBB2_4:
0x172: {  	[spmem:s13] =	stream.indirect.scatter.add.f32 [tilespmem:s28], [sflag:$0x1], $0x80, s10, s30, $0xb8;
	[tilespmem:$0x1B8C0] =	vst v63  }
0x173: {  	s4 =	smov.u32 s3  }
0x174: {  	p0 =	slt.s32 s1, $0x30D3;
	s4 =	sadd.s32 s3, s0;
	_ =	swait.ge [sflag:s29], $0x2000  }
0x175: {  	s5 =	sadd.s32 $0x10, s3;
	s1 =	simm.s32 @!p0 $0x30D3;
	[sflag:s29] =	ssyncset.done $0x0  }
0x176: {  	p0 =	sne.s32 s3, $0x30D0;
	s3 =	sshll.u32 s1, $0xA;
	[sflag:s29] =	ssyncadd.s32 $0xFFFFE000  }
0x177: {  	[tilespmem:s10], [sflag:$0x1] =	stream.linear.gather [hbm4b:s2+s10], $0x40, $0x38;
	[tilespmem:$0x1B8C0] =	vst v63  }
0x178: {  	s1 =	smov.u32 s4;
	_ =	swait.ge [sflag:s29], $0x40  }
0x179: {  	s3 =	sadd.s32 s15, s3;
	[sflag:s29] =	ssyncset.done $0x0  }
.Ltmp1:
0x17a: {  	[sflag:s29] =	ssyncadd.s32 $0xFFFFFFC0;
	(pc) =	sbr.rel @p0 .LBB2_4-.Ltmp1, $4  }
0x17b: {  	[tilespmem:s28], [sflag:$0x1] =	stream.linear.gather [hbm4b:s3+s10], $0x2000, $0x38;
	[tilespmem:$0x1B8C0] =	vst v63  }
0x17c: {  	_ =	swait.ge [sflag:s29], $0x2000  }
0x17d: {  	[sflag:s29] =	ssyncset.done $0x0  }
0x17e: {  	s2 =	sadd.s32 $0x80, s2;
	s3 =	smov.u32 s5;
	[sflag:s29] =	ssyncadd.s32 $0xFFFFE000  }
0x17f: {  	[spmem:s13] =	stream.indirect.scatter.add.f32 [tilespmem:s28], [sflag:$0x1], $0x80, s10, s30, $0xb8;
	[tilespmem:$0x1B8C0] =	vst v63  }
0x180: {  	_ =	swait.ge [sflag:s29], $0x2000  }
0x181: {  	[sflag:s29] =	ssyncset.done $0x0  }
0x182: {  	p0 =	slt.s32 s1, $0x30D3;
	[sflag:s29] =	ssyncadd.s32 $0xFFFFE000  }
0x183: {  	[tilespmem:s10], [sflag:$0x1] =	stream.linear.gather [hbm4b:s2+s10], $0x40, $0x38;
	[tilespmem:$0x1B8C0] =	vst v63  }
0x184: {  	s1 =	simm.s32 @!p0 $0x30D3;
	_ =	swait.ge [sflag:s29], $0x40  }
0x185: {  	s1 =	sshll.u32 s1, $0xA;
	[sflag:s29] =	ssyncset.done $0x0  }
0x186: {  	s1 =	sadd.s32 s15, s1;
	[sflag:s29] =	ssyncadd.s32 $0xFFFFFFC0  }
0x187: {  	[tilespmem:s28], [sflag:$0x1] =	stream.linear.gather [hbm4b:s1+s10], $0x2000, $0x38;
	[tilespmem:$0x1B8C0] =	vst v63  }
0x188: {  	_ =	swait.ge [sflag:s29], $0x2000  }
0x189: {  	[sflag:s29] =	ssyncset.done $0x0  }
0x18a: {  	[sflag:s29] =	ssyncadd.s32 $0xFFFFE000  }
0x18b: {  	[spmem:s13] =	stream.indirect.scatter.add.f32 [tilespmem:s28], [sflag:$0x1], $0x80, s10, s30, $0xb8;
	[tilespmem:$0x1B8C0] =	vst v63  }
0x18c: {  	_ =	swait.ge [sflag:s29], $0x2000  }
0x18d: {  	[sflag:s29] =	ssyncset.done $0x0  }
0x18e: {  	[sflag:s29] =	ssyncadd.s32 $0xFFFFE000  }
0x18f: {  	[bflag:$0x0] =	sbarrier.arrive $0xFFFF  }
0x190: {  	[tilespmem:s28], [sflag:$0x1] =	stream.linear.gather [spmem:s16], $0x2800, $0x38;
	[tilespmem:$0x1B8C0] =	vst v63  }
0x191: {  	_ =	swait.ge [sflag:s29], $0x2800  }
0x192: {  	s5 =	sld [smem:$0x7F4]  }
0x193: {  	[sflag:s29] =	ssyncset.done $0x0  }
0x194: {  	[sflag:s29] =	ssyncadd.s32 $0xFFFFD800  }
0x195: {  	[hbm4b:s5+s10] =	stream.linear.scatter [tilespmem:s28], [sflag:$0x1], $0x2800, $0x38;
	[tilespmem:$0x1B8C0] =	vst v63  }
0x196: {  	_ =	swait.ge [sflag:s29], $0x2800  }
0x197: {  	[sflag:s29] =	ssyncset.done $0x0  }
0x198: {  	[sflag:s29] =	ssyncadd.s32 $0xFFFFD800  }
0x199: {  	[tilespmem:s28], [sflag:$0x1] =	stream.linear.gather [spmem:s18], $0x2800, $0x38;
	[tilespmem:$0x1B8C0] =	vst v63  }
0x19a: {  	_ =	swait.ge [sflag:s29], $0x2800  }
0x19b: {  	s2 =	sld [smem:$0x7F5]  }
0x19c: {  	[sflag:s29] =	ssyncset.done $0x0  }
0x19d: {  	[sflag:s29] =	ssyncadd.s32 $0xFFFFD800  }
0x19e: {  	[hbm4b:s2+s10] =	stream.linear.scatter [tilespmem:s28], [sflag:$0x1], $0x2800, $0x38;
	[tilespmem:$0x1B8C0] =	vst v63  }
0x19f: {  	_ =	swait.ge [sflag:s29], $0x2800  }
0x1a0: {  	[sflag:s29] =	ssyncset.done $0x0  }
0x1a1: {  	[sflag:s29] =	ssyncadd.s32 $0xFFFFD800  }
0x1a2: {  	[tilespmem:s28], [sflag:$0x1] =	stream.linear.gather [spmem:s19], $0x2800, $0x38;
	[tilespmem:$0x1B8C0] =	vst v63  }
0x1a3: {  	_ =	swait.ge [sflag:s29], $0x2800  }
0x1a4: {  	s3 =	sld [smem:$0x7F6]  }
0x1a5: {  	[sflag:s29] =	ssyncset.done $0x0  }
0x1a6: {  	[sflag:s29] =	ssyncadd.s32 $0xFFFFD800  }
0x1a7: {  	[hbm4b:s3+s10] =	stream.linear.scatter [tilespmem:s28], [sflag:$0x1], $0x2800, $0x38;
	[tilespmem:$0x1B8C0] =	vst v63  }
0x1a8: {  	_ =	swait.ge [sflag:s29], $0x2800  }
0x1a9: {  	[sflag:s29] =	ssyncset.done $0x0  }
0x1aa: {  	[sflag:s29] =	ssyncadd.s32 $0xFFFFD800  }
0x1ab: {  	[tilespmem:s28], [sflag:$0x1] =	stream.linear.gather [spmem:s20], $0x2800, $0x38;
	[tilespmem:$0x1B8C0] =	vst v63  }
0x1ac: {  	_ =	swait.ge [sflag:s29], $0x2800  }
0x1ad: {  	s4 =	sld [smem:$0x7F7]  }
0x1ae: {  	[sflag:s29] =	ssyncset.done $0x0  }
0x1af: {  	[sflag:s29] =	ssyncadd.s32 $0xFFFFD800  }
0x1b0: {  	[hbm4b:s4+s10] =	stream.linear.scatter [tilespmem:s28], [sflag:$0x1], $0x2800, $0x38;
	[tilespmem:$0x1B8C0] =	vst v63  }
0x1b1: {  	_ =	swait.ge [sflag:s29], $0x2800  }
0x1b2: {  	[sflag:s29] =	ssyncset.done $0x0  }
0x1b3: {  	[sflag:s29] =	ssyncadd.s32 $0xFFFFD800  }
0x1b4: {  	[tilespmem:s28], [sflag:$0x1] =	stream.linear.gather [spmem:s21], $0x2800, $0x38;
	[tilespmem:$0x1B8C0] =	vst v63  }
0x1b5: {  	_ =	swait.ge [sflag:s29], $0x2800  }
0x1b6: {  	s5 =	sld [smem:$0x7F8]  }
0x1b7: {  	[sflag:s29] =	ssyncset.done $0x0  }
0x1b8: {  	[sflag:s29] =	ssyncadd.s32 $0xFFFFD800  }
0x1b9: {  	[hbm4b:s5+s10] =	stream.linear.scatter [tilespmem:s28], [sflag:$0x1], $0x2800, $0x38;
	[tilespmem:$0x1B8C0] =	vst v63  }
0x1ba: {  	_ =	swait.ge [sflag:s29], $0x2800  }
0x1bb: {  	[sflag:s29] =	ssyncset.done $0x0  }
0x1bc: {  	[sflag:s29] =	ssyncadd.s32 $0xFFFFD800  }
0x1bd: {  	[tilespmem:s28], [sflag:$0x1] =	stream.linear.gather [spmem:s22], $0x2800, $0x38;
	[tilespmem:$0x1B8C0] =	vst v63  }
0x1be: {  	_ =	swait.ge [sflag:s29], $0x2800  }
0x1bf: {  	[sflag:s29] =	ssyncset.done $0x0  }
0x1c0: {  	[sflag:s29] =	ssyncadd.s32 $0xFFFFD800  }
0x1c1: {  	[hbm4b:s6+s10] =	stream.linear.scatter [tilespmem:s28], [sflag:$0x1], $0x2800, $0x38;
	[tilespmem:$0x1B8C0] =	vst v63  }
0x1c2: {  	_ =	swait.ge [sflag:s29], $0x2800  }
0x1c3: {  	[sflag:s29] =	ssyncset.done $0x0  }
0x1c4: {  	[sflag:s29] =	ssyncadd.s32 $0xFFFFD800  }
0x1c5: {  	[tilespmem:s28], [sflag:$0x1] =	stream.linear.gather [spmem:s23], $0x2800, $0x38;
	[tilespmem:$0x1B8C0] =	vst v63  }
0x1c6: {  	_ =	swait.ge [sflag:s29], $0x2800  }
0x1c7: {  	[sflag:s29] =	ssyncset.done $0x0  }
0x1c8: {  	[sflag:s29] =	ssyncadd.s32 $0xFFFFD800  }
0x1c9: {  	[hbm4b:s7+s10] =	stream.linear.scatter [tilespmem:s28], [sflag:$0x1], $0x2800, $0x38;
	[tilespmem:$0x1B8C0] =	vst v63  }
0x1ca: {  	_ =	swait.ge [sflag:s29], $0x2800  }
0x1cb: {  	[sflag:s29] =	ssyncset.done $0x0  }
0x1cc: {  	[sflag:s29] =	ssyncadd.s32 $0xFFFFD800  }
0x1cd: {  	[tilespmem:s28], [sflag:$0x1] =	stream.linear.gather [spmem:s24], $0x2800, $0x38;
	[tilespmem:$0x1B8C0] =	vst v63  }
0x1ce: {  	_ =	swait.ge [sflag:s29], $0x2800  }
0x1cf: {  	[sflag:s29] =	ssyncset.done $0x0  }
0x1d0: {  	[sflag:s29] =	ssyncadd.s32 $0xFFFFD800  }
0x1d1: {  	[hbm4b:s8+s10] =	stream.linear.scatter [tilespmem:s28], [sflag:$0x1], $0x2800, $0x38;
	[tilespmem:$0x1B8C0] =	vst v63  }
0x1d2: {  	_ =	swait.ge [sflag:s29], $0x2800  }
0x1d3: {  	[sflag:s29] =	ssyncset.done $0x0  }
0x1d4: {  	[sflag:s29] =	ssyncadd.s32 $0xFFFFD800  }
0x1d5: {  	[tilespmem:s28], [sflag:$0x1] =	stream.linear.gather [spmem:s25], $0x2800, $0x38;
	[tilespmem:$0x1B8C0] =	vst v63  }
0x1d6: {  	_ =	swait.ge [sflag:s29], $0x2800  }
0x1d7: {  	[sflag:s29] =	ssyncset.done $0x0  }
0x1d8: {  	[sflag:s29] =	ssyncadd.s32 $0xFFFFD800  }
0x1d9: {  	[hbm4b:s9+s10] =	stream.linear.scatter [tilespmem:s28], [sflag:$0x1], $0x2800, $0x38;
	[tilespmem:$0x1B8C0] =	vst v63  }
0x1da: {  	_ =	swait.ge [sflag:s29], $0x2800  }
0x1db: {  	[sflag:s29] =	ssyncset.done $0x0  }
0x1dc: {  	[sflag:s29] =	ssyncadd.s32 $0xFFFFD800  }
0x1dd: {  	[tilespmem:s28], [sflag:$0x1] =	stream.linear.gather [spmem:s26], $0x2800, $0x38;
	[tilespmem:$0x1B8C0] =	vst v63  }
0x1de: {  	_ =	swait.ge [sflag:s29], $0x2800  }
0x1df: {  	s31 =	sadd.s32 $0x1, s31;
	[sflag:s29] =	ssyncset.done $0x0  }
0x1e0: {  	p0 =	sne.s32 s31, s17;
	[sflag:s29] =	ssyncadd.s32 $0xFFFFD800  }
0x1e1: {  	[hbm4b:s11+s10] =	stream.linear.scatter [tilespmem:s28], [sflag:$0x1], $0x2800, $0x38;
	[tilespmem:$0x1B8C0] =	vst v63  }
.Ltmp2:
0x1e2: {  	_ =	swait.ge [sflag:s29], $0x2800;
	(pc) =	sbr.rel @p0 .LBB2_1-.Ltmp2, $3  }
0x1e3: {  	[sflag:s29] =	ssyncset.done $0x0  }
0x1e4: {  	[sflag:s29] =	ssyncadd.s32 $0xFFFFD800  }
0x1e5: {  	[bflag:$0x0] =	sbarrier.arrive $0xFFFF;
	_ =	sdelay $0x1  }
0x1e6: {  	_ =	sfence.sel $0x180000  }
0x1e7: {  	[bflag:$0x0] =	sbarrier.arrive $0xFFFF  }
0x1e8: {  	_ =	strace $0x90000059  }
0x1e9: {  	[bflag:$0x2] =	sbarrier.arrive $0xFFFF  }
0x1ea: {  	p0 =	sne.s32 s0, $0x0;
	s0 =	rddreg [dreg:$0x2]  }
0x1eb: {  	s0 =	sadd.s32 @!p0 $0x100000, s0  }
0x1ec: {  	[sflag:s0] =	ssyncadd.tile.s32 @!p0 $0x1;
	_ =	shalt  }
.Lfunc_end2:
_tile_overlayer_lowered:
.L_overlay_start_2:
0x1ed: {  	(tag) =	ssettag $0x2  }
0x1ee: {  	s0 =	rddreg [dreg:$0x0];
	s2 =	stileid.u32  }
0x1ef: {  	s1 =	rddreg [dreg:$0x1];
	p0 =	sne.s32 s2, $0x0  }
0x1f0: {  	s3 =	rddreg [dreg:$0x2];
	[bflag:$0x3] =	sbarrier.arrive $0xFFFF;
	s2 =	simm.s32 @!p0 $0x1C01  }
0x1f1: {  	[timem:s3], [sflag:s2] =	dma.local @!p0 [hbm:s0], s1  }
0x1f2: {  	s0 =	simm.s32 @!p0 $0x1  }
0x1f3: {  	_ =	swait.ge @!p0 [sflag:s0], s1  }
0x1f4: {  	s1 =	ssub.s32 @!p0 $0x0, s1;
	[sflag:s0] =	ssyncset.done @!p0 $0x0  }
0x1f5: {  	[sflag:s0] =	ssyncadd.s32 @!p0 s1  }
0x1f6: {  	[bflag:$0x3] =	sbarrier.arrive $0xFFFF  }
0x1f7: {  	_ =	shalt  }

</sc_bundles>
